<compile_context>
chip_gen: v7x
topology: tpu7x:2x2x1
jax: 0.10.2.dev20260603
libtpu: 0.0.44.dev20260713+nightly
codegen_flags: <defaults>
</compile_context>

<pallas_src>
import functools

import jax
import jax.numpy as jnp
from jax import lax
from jax.experimental import pallas as pl
from jax.experimental.pallas import tpu as pltpu
from jax.experimental.pallas import tpu_sc as plsc

_DIM = 128
_HID = 384
_N = 10000
_E = 320000
_EPS = 1e-05
_HALF = 64
_NC = 2
_NS = 16
_K = 128
_NCHUNK = 2560
_EPAD = _NCHUNK * _K
_EPT = _EPAD // _NS
_SUP = 16
_NSUP = _EPT // (_SUP * _K)
_PH = 5120
_PHA = 5128
_ZPT = _PH // _NS
_ZST = 64
_S1 = 304
_CAP = 20608
_CAPT = _CAP
_BN = 1000


def _dot_t(x, w):
    return lax.dot_general(x, w, (((1,), (1,)), ((), ())),
                           preferred_element_type=jnp.float32)


def _ffn1_body(v_ref, n1_ref, w1_ref, w2_ref, w3_ref, tbl_ref):
    x = v_ref[...]
    xn = x * lax.rsqrt(jnp.mean(x * x, axis=-1, keepdims=True) + _EPS) * n1_ref[...]
    a = _dot_t(xn, w1_ref[...])
    b = _dot_t(xn, w3_ref[...])
    h = a * jax.nn.sigmoid(a) * b
    va = jnp.tanh(_dot_t(h, w2_ref[...]) + x)
    lg = jnp.log(jnp.abs(va))
    ng = (va < 0).astype(jnp.float32)
    tbl_ref[0] = jnp.concatenate([lg[:, :_HALF], ng[:, :_HALF]], axis=-1)
    tbl_ref[1] = jnp.concatenate([lg[:, _HALF:], ng[:, _HALF:]], axis=-1)


def _ffn1_call(v, n1, w1, w2, w3):
    full = lambda shape: pl.BlockSpec(shape, lambda i: (0,) * len(shape))
    return pl.pallas_call(
        _ffn1_body,
        grid=(_N // _BN,),
        in_specs=[
            pl.BlockSpec((_BN, _DIM), lambda i: (i, 0)),
            full((1, _DIM)),
            full((_HID, _DIM)),
            full((_DIM, _HID)),
            full((_HID, _DIM)),
        ],
        out_specs=pl.BlockSpec((2, _BN, _DIM), lambda i: (0, i, 0)),
        out_shape=jax.ShapeDtypeStruct((2, _N, _DIM), jnp.float32),
    )(v, n1, w1, w2, w3)


def _sc_body(tbl, i0f, i1f, out, idx0_v, idx1_v, idx0_w, idx1_w, idx0_x,
             idx1_x, row_v, row_w, row_x, stage_v, cil, cnb, ld0, ld1, acc_sh,
             sem, sem2, sem3):
    c = lax.axis_index("c")
    s = lax.axis_index("s")
    coff = c * _N
    cpt = _NCHUNK // _NS

    def _z(i, carry):
        for j in range(_DIM // 16):
            stage_v[i, pl.ds(j * 16, 16)] = jnp.zeros((16,), jnp.float32)
        return carry
    lax.fori_loop(0, _ZST, _z, 0)

    for r in range(2):
        base = r * _PH
        for t in range(_ZPT // _ZST):
            pltpu.sync_copy(stage_v,
                            acc_sh.at[pl.ds(s * _ZPT + t * _ZST, _ZST)])
        plsc.subcore_barrier()

        def _super(g, n):
            off = s * _EPT + g * (_SUP * _K)
            pltpu.sync_copy(i0f.at[pl.ds(off, _SUP * _K)], ld0)
            pltpu.sync_copy(i1f.at[pl.ds(off, _SUP * _K)], ld1)

            def _sub(u, nn):
                for j in range(_K // 16):
                    sl = pl.ds(u * _K + j * 16, 16)
                    a0 = ld0[sl] + coff
                    rel = ld1[sl] - base
                    ok = (rel >= 0) & (rel < _PH)
                    relc = jnp.where(ok, rel, _PH)
                    packed = a0 * 8192 + relc
                    _, sp = plsc.sort_key_val(ok.astype(jnp.int32), packed,
                                              descending=True)
                    cil[pl.ds(nn, 16)] = sp
                    nn = nn + plsc.all_reduce_population_count(ok)[0]
                return nn
            return lax.fori_loop(0, _SUP, _sub, n)
        cnt = lax.fori_loop(0, _NSUP, _super, jnp.int32(0))

        jp = coff * 8192 + _PH
        for j in range(_K // 16):
            cil[pl.ds(cnt + j * 16, 16)] = jnp.zeros((16,), jnp.int32) + jp

        bufs = ((idx0_v, idx1_v, row_v, sem), (idx0_w, idx1_w, row_w, sem2),
                (idx0_x, idx1_x, row_x, sem3))

        def _unpack_issue(k, b):
            i0b, i1b, rowb, semb = bufs[b]
            for j in range(_K // 16):
                sj = pl.ds(j * 16, 16)
                v = cil[pl.ds(k * _K + j * 16, 16)]
                i0b[sj] = lax.shift_right_logical(v, 13)
                i1b[sj] = lax.bitwise_and(v, 8191)
            pltpu.async_copy(tbl.at[i0b], rowb, semb)

        def _drain_scatter(b):
            i0b, i1b, rowb, semb = bufs[b]
            pltpu.make_async_copy(tbl.at[i0b], rowb, semb).wait()
            pltpu.sync_copy(rowb, acc_sh.at[i1b], add=True)

        @pl.when(0 < cnt)
        def _():
            _unpack_issue(0, 0)

        @pl.when(_K < cnt)
        def _():
            _unpack_issue(1, 1)

        def _fire3(k3, carry):
            for b in range(3):
                k = k3 * 3 + b

                @pl.when(k * _K < cnt)
                def _():
                    @pl.when((k + 2) * _K < cnt)
                    def _():
                        _unpack_issue(k + 2, (b + 2) % 3)
                    _drain_scatter(b)
            return carry
        lax.fori_loop(0, (cpt + 5) // 3, _fire3, 0)
        plsc.subcore_barrier()

        if r == 0:
            pltpu.sync_copy(acc_sh.at[pl.ds(s * _ZPT, _ZPT)],
                            out.at[c, pl.ds(s * _ZPT, _ZPT)])
        else:
            @pl.when(s < _NS - 1)
            def _():
                pltpu.sync_copy(acc_sh.at[pl.ds(s * _S1, _S1)],
                                out.at[c, pl.ds(_PH + s * _S1, _S1)])

            @pl.when(s == _NS - 1)
            def _():
                pltpu.sync_copy(acc_sh.at[pl.ds((_NS - 1) * _S1, _ZPT)],
                                out.at[c, pl.ds(_PH + (_NS - 1) * _S1, _ZPT)])
        plsc.subcore_barrier()


def _sc_scatter(tbl, i0r, i1r):
    mesh = plsc.VectorSubcoreMesh(core_axis_name="c", subcore_axis_name="s")
    kern = functools.partial(
        pl.kernel,
        out_type=jax.ShapeDtypeStruct((_NC, _N, _DIM), jnp.float32),
        mesh=mesh,
        compiler_params=pltpu.CompilerParams(needs_layout_passes=False),
        scratch_types=[
            pltpu.VMEM((_K,), jnp.int32),
            pltpu.VMEM((_K,), jnp.int32),
            pltpu.VMEM((_K,), jnp.int32),
            pltpu.VMEM((_K,), jnp.int32),
            pltpu.VMEM((_K,), jnp.int32),
            pltpu.VMEM((_K,), jnp.int32),
            pltpu.VMEM((_K, _DIM), jnp.float32),
            pltpu.VMEM((_K, _DIM), jnp.float32),
            pltpu.VMEM((_K, _DIM), jnp.float32),
            pltpu.VMEM((_ZST, _DIM), jnp.float32),
            pltpu.VMEM((_CAPT,), jnp.int32),
            pltpu.VMEM((16,), jnp.int32),
            pltpu.VMEM((_SUP * _K,), jnp.int32),
            pltpu.VMEM((_SUP * _K,), jnp.int32),
            pltpu.VMEM_SHARED((_PHA, _DIM), jnp.float32),
            pltpu.SemaphoreType.DMA,
            pltpu.SemaphoreType.DMA,
            pltpu.SemaphoreType.DMA,
        ],
    )(_sc_body)
    return kern(tbl, i0r, i1r)


def _ffn2_body(acc_ref, n2_ref, w1_ref, w2_ref, w3_ref, ow_ref, ob_ref, out_ref):
    acc = acc_ref[...]
    accl = jnp.concatenate([acc[0, :, :_HALF], acc[1, :, :_HALF]], axis=-1)
    accn = jnp.concatenate([acc[0, :, _HALF:], acc[1, :, _HALF:]], axis=-1)
    sgn = 1.0 - 2.0 * (accn - 2.0 * jnp.floor(accn * 0.5))
    l = sgn * jnp.exp(accl)
    ln = l * lax.rsqrt(jnp.mean(l * l, axis=-1, keepdims=True) + _EPS) * n2_ref[...]
    a = _dot_t(ln, w1_ref[...])
    b = _dot_t(ln, w3_ref[...])
    h = a * jax.nn.sigmoid(a) * b
    l2 = _dot_t(h, w2_ref[...]) + l
    out_ref[...] = jnp.sum(l2 * ow_ref[...], axis=-1, keepdims=True) + ob_ref[...]


def _ffn2_call(acc, n2, w1, w2, w3, ow, ob):
    full = lambda shape: pl.BlockSpec(shape, lambda i: (0,) * len(shape))
    return pl.pallas_call(
        _ffn2_body,
        grid=(_N // _BN,),
        in_specs=[
            pl.BlockSpec((2, _BN, _DIM), lambda i: (0, i, 0)),
            full((1, _DIM)),
            full((_HID, _DIM)),
            full((_DIM, _HID)),
            full((_HID, _DIM)),
            full((1, _DIM)),
            full((1, 1)),
        ],
        out_specs=pl.BlockSpec((_BN, 1), lambda i: (i, 0)),
        out_shape=jax.ShapeDtypeStruct((_N, 1), jnp.float32),
    )(acc, n2, w1, w2, w3, ow, ob)


def kernel(v, data_to_logical, norm1_w, w1_a, w2_a, w3_a,
           norm2_w, w1_b, w2_b, w3_b, out_w, out_b):
    tbl = _ffn1_call(v, norm1_w.reshape(1, _DIM), w1_a, w2_a, w3_a)
    i0 = data_to_logical[0]
    i1 = data_to_logical[1]
    i0f = jnp.concatenate([i0, jnp.zeros((_EPAD - _E,), jnp.int32)])
    i1f = jnp.concatenate([i1, jnp.full((_EPAD - _E,), _N, jnp.int32)])
    acc = _sc_scatter(tbl.reshape(2 * _N, _DIM), i0f, i1f)
    out2 = _ffn2_call(acc, norm2_w.reshape(1, _DIM),
                      w1_b, w2_b, w3_b, out_w, out_b.reshape(1, 1))
    return out2.reshape(_N)

# --- scband reference (transcript-rebuilt; emitter-appended) ---
"""Pipeline reference for scband-scatter-data-readout-56195352101149 (READ-ONLY COPY).

The authoritative reference and input builder live on the scoring server;
editing this copy changes nothing except your own understanding.
"""

import jax, jax.numpy as jnp
import numpy as np

DIM = 128
HID = 384  # int(32 * ((128*3 + 31)//32))
N = 10000
E = 320000
EPS = 1e-05


def rmsnorm(x, w):
    return x * jax.lax.rsqrt(jnp.mean(x * x, axis=-1, keepdims=True) + EPS) * w


def swiglu(x, w1, w2, w3):
    return (jax.nn.silu(x @ w1.T) * (x @ w3.T)) @ w2.T


def setup_inputs(seed: int = 0) -> dict:
    key = jax.random.key(seed)
    ks = jax.random.split(key, 12)
    s_in = 1.0 / np.sqrt(DIM)
    s_hid = 1.0 / np.sqrt(HID)
    return {
        "v": jax.random.normal(ks[0], (N, DIM), dtype=jnp.float32),
        "data_to_logical": jax.random.randint(ks[1], (2, E), 0, N, dtype=jnp.int32),
        "norm1_w": jnp.ones((DIM,), dtype=jnp.float32),
        "w1_a": jax.random.normal(ks[2], (HID, DIM), dtype=jnp.float32) * s_in,
        "w2_a": jax.random.normal(ks[3], (DIM, HID), dtype=jnp.float32) * s_hid,
        "w3_a": jax.random.normal(ks[4], (HID, DIM), dtype=jnp.float32) * s_in,
        "norm2_w": jnp.ones((DIM,), dtype=jnp.float32),
        "w1_b": jax.random.normal(ks[5], (HID, DIM), dtype=jnp.float32) * s_in,
        "w2_b": jax.random.normal(ks[6], (DIM, HID), dtype=jnp.float32) * s_hid,
        "w3_b": jax.random.normal(ks[7], (HID, DIM), dtype=jnp.float32) * s_in,
        "out_w": jax.random.normal(ks[8], (1, DIM), dtype=jnp.float32) * s_in,
        "out_b": jnp.zeros((1,), dtype=jnp.float32),
    }


def reference(v, data_to_logical, norm1_w, w1_a, w2_a, w3_a, norm2_w, w1_b, w2_b, w3_b, out_w, out_b):
    # data_update + residual, then tanh scatter activation
    v_act = jnp.tanh(swiglu(rmsnorm(v, norm1_w), w1_a, w2_a, w3_a) + v)
    # index_select along dim -2 (rows)
    src = jnp.take(v_act, data_to_logical[0], axis=0)
    # scatter-mul into logical slots; torch_scatter reduce='mul' initializes output with ones
    l = jnp.ones((N, DIM), dtype=jnp.float32).at[data_to_logical[1]].multiply(src)
    # logical_update + residual
    l = swiglu(rmsnorm(l, norm2_w), w1_b, w2_b, w3_b) + l
    # out_proj -> [N, 1] -> squeeze(-1)
    return (l @ out_w.T + out_b).squeeze(-1)

if __name__ == "__main__":
    import jax
    _d = setup_inputs()
    print(jax.jit(kernel)(*tuple(_d.values())))

</pallas_src>

<mosaic_0001>
#map = affine_map<(d0, d1) -> (0, 0)>
#map1 = affine_map<(d0, d1) -> (0)>
#map2 = affine_map<(d0, d1) -> (0, 0, 0)>
module attributes {stable_mosaic.version = 14 : i64} {
  func.func @_sc_body(%arg0: i32, %arg1: i32, %arg2: memref<20000x128xf32, #tpu.memory_space<hbm>>, %arg3: memref<327680xi32, #tpu.memory_space<hbm>>, %arg4: memref<327680xi32, #tpu.memory_space<hbm>>, %arg5: memref<2x10000x128xf32, #tpu.memory_space<hbm>>, %arg6: memref<128xi32, #tpu.memory_space<vmem>>, %arg7: memref<128xi32, #tpu.memory_space<vmem>>, %arg8: memref<128xi32, #tpu.memory_space<vmem>>, %arg9: memref<128xi32, #tpu.memory_space<vmem>>, %arg10: memref<128xi32, #tpu.memory_space<vmem>>, %arg11: memref<128xi32, #tpu.memory_space<vmem>>, %arg12: memref<128x128xf32, #tpu.memory_space<vmem>>, %arg13: memref<128x128xf32, #tpu.memory_space<vmem>>, %arg14: memref<128x128xf32, #tpu.memory_space<vmem>>, %arg15: memref<64x128xf32, #tpu.memory_space<vmem>>, %arg16: memref<20608xi32, #tpu.memory_space<vmem>>, %arg17: memref<16xi32, #tpu.memory_space<vmem>>, %arg18: memref<2048xi32, #tpu.memory_space<vmem>>, %arg19: memref<2048xi32, #tpu.memory_space<vmem>>, %arg20: memref<5128x128xf32, #tpu.memory_space<vmem_shared>>, %arg21: memref<!tpu.dma_semaphore, #tpu.memory_space<semaphore_mem>>, %arg22: memref<!tpu.dma_semaphore, #tpu.memory_space<semaphore_mem>>, %arg23: memref<!tpu.dma_semaphore, #tpu.memory_space<semaphore_mem>>) attributes {dimension_semantics = [#tpu.dimension_semantics<core_parallel>, #tpu.dimension_semantics<subcore_parallel>], iteration_bounds = array<i64: 2, 16>, scalar_prefetch = 0 : i64, scratch_operands = 18 : i64, tpu.core_type = #tpu.core_type<sc_vector_subcore>, window_params = [{transform_indices = #map}, {transform_indices = #map1}, {transform_indices = #map1}, {transform_indices = #map2}]} {
    %mul3A = arith.constant 10000 : i32
    %mul3A_0 = arith.muli %arg0, %mul3A : i32
    %scan3A = arith.constant 0 : i32
    %scan3A_1 = arith.constant 0 : i32
    %scan3A_2 = arith.constant 64 : i32
    %scan3A_3 = arith.addi %scan3A_1, %scan3A_2 : i32
    %scan3A_4 = arith.constant 1 : i32
    scf.for %scan3A_239 = %scan3A_1 to %scan3A_3 step %scan3A_4  : i32 {
      %broadcast_in_dim3A_240 = arith.constant 0.000000e+00 : f32
      %broadcast_in_dim3A_241 = vector.broadcast %broadcast_in_dim3A_240 : f32 to vector<16xf32>
      %swap3A_242 = arith.index_cast %scan3A_239 : i32 to index
      %swap3A_243 = arith.constant 0 : index
      %swap3A_244 = tpu.vector_load %arg15[%swap3A_242, %swap3A_243] {strides = array<i32>} : memref<64x128xf32, #tpu.memory_space<vmem>>, vector<16xf32>,
      tpu.vector_store %arg15[%swap3A_242, %swap3A_243], %broadcast_in_dim3A_241 {strides = array<i32>} : memref<64x128xf32, #tpu.memory_space<vmem>>, vector<16xf32>,
      %broadcast_in_dim3A_245 = arith.constant 0.000000e+00 : f32
      %broadcast_in_dim3A_246 = vector.broadcast %broadcast_in_dim3A_245 : f32 to vector<16xf32>
      %swap3A_247 = arith.index_cast %scan3A_239 : i32 to index
      %swap3A_248 = arith.constant 16 : index
      %swap3A_249 = tpu.vector_load %arg15[%swap3A_247, %swap3A_248] {strides = array<i32>} : memref<64x128xf32, #tpu.memory_space<vmem>>, vector<16xf32>,
      tpu.vector_store %arg15[%swap3A_247, %swap3A_248], %broadcast_in_dim3A_246 {strides = array<i32>} : memref<64x128xf32, #tpu.memory_space<vmem>>, vector<16xf32>,
      %broadcast_in_dim3A_250 = arith.constant 0.000000e+00 : f32
      %broadcast_in_dim3A_251 = vector.broadcast %broadcast_in_dim3A_250 : f32 to vector<16xf32>
      %swap3A_252 = arith.index_cast %scan3A_239 : i32 to index
      %swap3A_253 = arith.constant 32 : index
      %swap3A_254 = tpu.vector_load %arg15[%swap3A_252, %swap3A_253] {strides = array<i32>} : memref<64x128xf32, #tpu.memory_space<vmem>>, vector<16xf32>,
      tpu.vector_store %arg15[%swap3A_252, %swap3A_253], %broadcast_in_dim3A_251 {strides = array<i32>} : memref<64x128xf32, #tpu.memory_space<vmem>>, vector<16xf32>,
      %broadcast_in_dim3A_255 = arith.constant 0.000000e+00 : f32
      %broadcast_in_dim3A_256 = vector.broadcast %broadcast_in_dim3A_255 : f32 to vector<16xf32>
      %swap3A_257 = arith.index_cast %scan3A_239 : i32 to index
      %swap3A_258 = arith.constant 48 : index
      %swap3A_259 = tpu.vector_load %arg15[%swap3A_257, %swap3A_258] {strides = array<i32>} : memref<64x128xf32, #tpu.memory_space<vmem>>, vector<16xf32>,
      tpu.vector_store %arg15[%swap3A_257, %swap3A_258], %broadcast_in_dim3A_256 {strides = array<i32>} : memref<64x128xf32, #tpu.memory_space<vmem>>, vector<16xf32>,
      %broadcast_in_dim3A_260 = arith.constant 0.000000e+00 : f32
      %broadcast_in_dim3A_261 = vector.broadcast %broadcast_in_dim3A_260 : f32 to vector<16xf32>
      %swap3A_262 = arith.index_cast %scan3A_239 : i32 to index
      %swap3A_263 = arith.constant 64 : index
      %swap3A_264 = tpu.vector_load %arg15[%swap3A_262, %swap3A_263] {strides = array<i32>} : memref<64x128xf32, #tpu.memory_space<vmem>>, vector<16xf32>,
      tpu.vector_store %arg15[%swap3A_262, %swap3A_263], %broadcast_in_dim3A_261 {strides = array<i32>} : memref<64x128xf32, #tpu.memory_space<vmem>>, vector<16xf32>,
      %broadcast_in_dim3A_265 = arith.constant 0.000000e+00 : f32
      %broadcast_in_dim3A_266 = vector.broadcast %broadcast_in_dim3A_265 : f32 to vector<16xf32>
      %swap3A_267 = arith.index_cast %scan3A_239 : i32 to index
      %swap3A_268 = arith.constant 80 : index
      %swap3A_269 = tpu.vector_load %arg15[%swap3A_267, %swap3A_268] {strides = array<i32>} : memref<64x128xf32, #tpu.memory_space<vmem>>, vector<16xf32>,
      tpu.vector_store %arg15[%swap3A_267, %swap3A_268], %broadcast_in_dim3A_266 {strides = array<i32>} : memref<64x128xf32, #tpu.memory_space<vmem>>, vector<16xf32>,
      %broadcast_in_dim3A_270 = arith.constant 0.000000e+00 : f32
      %broadcast_in_dim3A_271 = vector.broadcast %broadcast_in_dim3A_270 : f32 to vector<16xf32>
      %swap3A_272 = arith.index_cast %scan3A_239 : i32 to index
      %swap3A_273 = arith.constant 96 : index
      %swap3A_274 = tpu.vector_load %arg15[%swap3A_272, %swap3A_273] {strides = array<i32>} : memref<64x128xf32, #tpu.memory_space<vmem>>, vector<16xf32>,
      tpu.vector_store %arg15[%swap3A_272, %swap3A_273], %broadcast_in_dim3A_271 {strides = array<i32>} : memref<64x128xf32, #tpu.memory_space<vmem>>, vector<16xf32>,
      %broadcast_in_dim3A_275 = arith.constant 0.000000e+00 : f32
      %broadcast_in_dim3A_276 = vector.broadcast %broadcast_in_dim3A_275 : f32 to vector<16xf32>
      %swap3A_277 = arith.index_cast %scan3A_239 : i32 to index
      %swap3A_278 = arith.constant 112 : index
      %swap3A_279 = tpu.vector_load %arg15[%swap3A_277, %swap3A_278] {strides = array<i32>} : memref<64x128xf32, #tpu.memory_space<vmem>>, vector<16xf32>,
      tpu.vector_store %arg15[%swap3A_277, %swap3A_278], %broadcast_in_dim3A_276 {strides = array<i32>} : memref<64x128xf32, #tpu.memory_space<vmem>>, vector<16xf32>,
    }
    %scan3A_5 = arith.constant 64 : i32
    %mul3A_6 = arith.constant 320 : i32
    %mul3A_7 = arith.muli %arg1, %mul3A_6 : i32
    %add3A = arith.constant 0 : i32
    %add3A_8 = arith.addi %mul3A_7, %add3A : i32
    "tpu.region"() ({
      %run_scoped3A = tpu.sem_alloc : memref<!tpu.dma_semaphore, #tpu.memory_space<semaphore_mem>>
      %dma_start3A = arith.constant 0 : i32
      %dma_start3A_239 = tpu.memref_slice %arg20[%add3A_8, %dma_start3A] : memref<5128x128xf32, #tpu.memory_space<vmem_shared>> -> memref<64x128xf32, #tpu.memory_space<vmem_shared>>
      %dma_start3A_240 = arith.constant 0 : i32
      %dma_start3A_241 = tpu.memref_slice %arg20[%add3A_8, %dma_start3A_240] : memref<5128x128xf32, #tpu.memory_space<vmem_shared>> -> memref<64x128xf32, #tpu.memory_space<vmem_shared>>
      tpu.enqueue_dma source(%arg15 : memref<64x128xf32, #tpu.memory_space<vmem>>) target(%dma_start3A_241 : memref<64x128xf32, #tpu.memory_space<vmem_shared>>) target_semaphore(%run_scoped3A : memref<!tpu.dma_semaphore, #tpu.memory_space<semaphore_mem>>)
      %dma_wait3A = arith.constant 0 : i32
      %dma_wait3A_242 = tpu.memref_slice %arg20[%add3A_8, %dma_wait3A] : memref<5128x128xf32, #tpu.memory_space<vmem_shared>> -> memref<64x128xf32, #tpu.memory_space<vmem_shared>>
      %dma_wait3A_243 = arith.constant 0 : i32
      %dma_wait3A_244 = tpu.memref_slice %arg20[%add3A_8, %dma_wait3A_243] : memref<5128x128xf32, #tpu.memory_space<vmem_shared>> -> memref<64x128xf32, #tpu.memory_space<vmem_shared>>
      tpu.wait_dma2 semaphore(%run_scoped3A : memref<!tpu.dma_semaphore, #tpu.memory_space<semaphore_mem>>) src(%arg15 : memref<64x128xf32, #tpu.memory_space<vmem>>) dst(%dma_wait3A_244 : memref<64x128xf32, #tpu.memory_space<vmem_shared>>)
      tpu.yield
    }) : () -> ()
    %mul3A_9 = arith.constant 320 : i32
    %mul3A_10 = arith.muli %arg1, %mul3A_9 : i32
    %add3A_11 = arith.constant 64 : i32
    %add3A_12 = arith.addi %mul3A_10, %add3A_11 : i32
    "tpu.region"() ({
      %run_scoped3A = tpu.sem_alloc : memref<!tpu.dma_semaphore, #tpu.memory_space<semaphore_mem>>
      %dma_start3A = arith.constant 0 : i32
      %dma_start3A_239 = tpu.memref_slice %arg20[%add3A_12, %dma_start3A] : memref<5128x128xf32, #tpu.memory_space<vmem_shared>> -> memref<64x128xf32, #tpu.memory_space<vmem_shared>>
      %dma_start3A_240 = arith.constant 0 : i32
      %dma_start3A_241 = tpu.memref_slice %arg20[%add3A_12, %dma_start3A_240] : memref<5128x128xf32, #tpu.memory_space<vmem_shared>> -> memref<64x128xf32, #tpu.memory_space<vmem_shared>>
      tpu.enqueue_dma source(%arg15 : memref<64x128xf32, #tpu.memory_space<vmem>>) target(%dma_start3A_241 : memref<64x128xf32, #tpu.memory_space<vmem_shared>>) target_semaphore(%run_scoped3A : memref<!tpu.dma_semaphore, #tpu.memory_space<semaphore_mem>>)
      %dma_wait3A = arith.constant 0 : i32
      %dma_wait3A_242 = tpu.memref_slice %arg20[%add3A_12, %dma_wait3A] : memref<5128x128xf32, #tpu.memory_space<vmem_shared>> -> memref<64x128xf32, #tpu.memory_space<vmem_shared>>
      %dma_wait3A_243 = arith.constant 0 : i32
      %dma_wait3A_244 = tpu.memref_slice %arg20[%add3A_12, %dma_wait3A_243] : memref<5128x128xf32, #tpu.memory_space<vmem_shared>> -> memref<64x128xf32, #tpu.memory_space<vmem_shared>>
      tpu.wait_dma2 semaphore(%run_scoped3A : memref<!tpu.dma_semaphore, #tpu.memory_space<semaphore_mem>>) src(%arg15 : memref<64x128xf32, #tpu.memory_space<vmem>>) dst(%dma_wait3A_244 : memref<64x128xf32, #tpu.memory_space<vmem_shared>>)
      tpu.yield
    }) : () -> ()
    %mul3A_13 = arith.constant 320 : i32
    %mul3A_14 = arith.muli %arg1, %mul3A_13 : i32
    %add3A_15 = arith.constant 128 : i32
    %add3A_16 = arith.addi %mul3A_14, %add3A_15 : i32
    "tpu.region"() ({
      %run_scoped3A = tpu.sem_alloc : memref<!tpu.dma_semaphore, #tpu.memory_space<semaphore_mem>>
      %dma_start3A = arith.constant 0 : i32
      %dma_start3A_239 = tpu.memref_slice %arg20[%add3A_16, %dma_start3A] : memref<5128x128xf32, #tpu.memory_space<vmem_shared>> -> memref<64x128xf32, #tpu.memory_space<vmem_shared>>
      %dma_start3A_240 = arith.constant 0 : i32
      %dma_start3A_241 = tpu.memref_slice %arg20[%add3A_16, %dma_start3A_240] : memref<5128x128xf32, #tpu.memory_space<vmem_shared>> -> memref<64x128xf32, #tpu.memory_space<vmem_shared>>
      tpu.enqueue_dma source(%arg15 : memref<64x128xf32, #tpu.memory_space<vmem>>) target(%dma_start3A_241 : memref<64x128xf32, #tpu.memory_space<vmem_shared>>) target_semaphore(%run_scoped3A : memref<!tpu.dma_semaphore, #tpu.memory_space<semaphore_mem>>)
      %dma_wait3A = arith.constant 0 : i32
      %dma_wait3A_242 = tpu.memref_slice %arg20[%add3A_16, %dma_wait3A] : memref<5128x128xf32, #tpu.memory_space<vmem_shared>> -> memref<64x128xf32, #tpu.memory_space<vmem_shared>>
      %dma_wait3A_243 = arith.constant 0 : i32
      %dma_wait3A_244 = tpu.memref_slice %arg20[%add3A_16, %dma_wait3A_243] : memref<5128x128xf32, #tpu.memory_space<vmem_shared>> -> memref<64x128xf32, #tpu.memory_space<vmem_shared>>
      tpu.wait_dma2 semaphore(%run_scoped3A : memref<!tpu.dma_semaphore, #tpu.memory_space<semaphore_mem>>) src(%arg15 : memref<64x128xf32, #tpu.memory_space<vmem>>) dst(%dma_wait3A_244 : memref<64x128xf32, #tpu.memory_space<vmem_shared>>)
      tpu.yield
    }) : () -> ()
    %mul3A_17 = arith.constant 320 : i32
    %mul3A_18 = arith.muli %arg1, %mul3A_17 : i32
    %add3A_19 = arith.constant 192 : i32
    %add3A_20 = arith.addi %mul3A_18, %add3A_19 : i32
    "tpu.region"() ({
      %run_scoped3A = tpu.sem_alloc : memref<!tpu.dma_semaphore, #tpu.memory_space<semaphore_mem>>
      %dma_start3A = arith.constant 0 : i32
      %dma_start3A_239 = tpu.memref_slice %arg20[%add3A_20, %dma_start3A] : memref<5128x128xf32, #tpu.memory_space<vmem_shared>> -> memref<64x128xf32, #tpu.memory_space<vmem_shared>>
      %dma_start3A_240 = arith.constant 0 : i32
      %dma_start3A_241 = tpu.memref_slice %arg20[%add3A_20, %dma_start3A_240] : memref<5128x128xf32, #tpu.memory_space<vmem_shared>> -> memref<64x128xf32, #tpu.memory_space<vmem_shared>>
      tpu.enqueue_dma source(%arg15 : memref<64x128xf32, #tpu.memory_space<vmem>>) target(%dma_start3A_241 : memref<64x128xf32, #tpu.memory_space<vmem_shared>>) target_semaphore(%run_scoped3A : memref<!tpu.dma_semaphore, #tpu.memory_space<semaphore_mem>>)
      %dma_wait3A = arith.constant 0 : i32
      %dma_wait3A_242 = tpu.memref_slice %arg20[%add3A_20, %dma_wait3A] : memref<5128x128xf32, #tpu.memory_space<vmem_shared>> -> memref<64x128xf32, #tpu.memory_space<vmem_shared>>
      %dma_wait3A_243 = arith.constant 0 : i32
      %dma_wait3A_244 = tpu.memref_slice %arg20[%add3A_20, %dma_wait3A_243] : memref<5128x128xf32, #tpu.memory_space<vmem_shared>> -> memref<64x128xf32, #tpu.memory_space<vmem_shared>>
      tpu.wait_dma2 semaphore(%run_scoped3A : memref<!tpu.dma_semaphore, #tpu.memory_space<semaphore_mem>>) src(%arg15 : memref<64x128xf32, #tpu.memory_space<vmem>>) dst(%dma_wait3A_244 : memref<64x128xf32, #tpu.memory_space<vmem_shared>>)
      tpu.yield
    }) : () -> ()
    %mul3A_21 = arith.constant 320 : i32
    %mul3A_22 = arith.muli %arg1, %mul3A_21 : i32
    %add3A_23 = arith.constant 256 : i32
    %add3A_24 = arith.addi %mul3A_22, %add3A_23 : i32
    "tpu.region"() ({
      %run_scoped3A = tpu.sem_alloc : memref<!tpu.dma_semaphore, #tpu.memory_space<semaphore_mem>>
      %dma_start3A = arith.constant 0 : i32
      %dma_start3A_239 = tpu.memref_slice %arg20[%add3A_24, %dma_start3A] : memref<5128x128xf32, #tpu.memory_space<vmem_shared>> -> memref<64x128xf32, #tpu.memory_space<vmem_shared>>
      %dma_start3A_240 = arith.constant 0 : i32
      %dma_start3A_241 = tpu.memref_slice %arg20[%add3A_24, %dma_start3A_240] : memref<5128x128xf32, #tpu.memory_space<vmem_shared>> -> memref<64x128xf32, #tpu.memory_space<vmem_shared>>
      tpu.enqueue_dma source(%arg15 : memref<64x128xf32, #tpu.memory_space<vmem>>) target(%dma_start3A_241 : memref<64x128xf32, #tpu.memory_space<vmem_shared>>) target_semaphore(%run_scoped3A : memref<!tpu.dma_semaphore, #tpu.memory_space<semaphore_mem>>)
      %dma_wait3A = arith.constant 0 : i32
      %dma_wait3A_242 = tpu.memref_slice %arg20[%add3A_24, %dma_wait3A] : memref<5128x128xf32, #tpu.memory_space<vmem_shared>> -> memref<64x128xf32, #tpu.memory_space<vmem_shared>>
      %dma_wait3A_243 = arith.constant 0 : i32
      %dma_wait3A_244 = tpu.memref_slice %arg20[%add3A_24, %dma_wait3A_243] : memref<5128x128xf32, #tpu.memory_space<vmem_shared>> -> memref<64x128xf32, #tpu.memory_space<vmem_shared>>
      tpu.wait_dma2 semaphore(%run_scoped3A : memref<!tpu.dma_semaphore, #tpu.memory_space<semaphore_mem>>) src(%arg15 : memref<64x128xf32, #tpu.memory_space<vmem>>) dst(%dma_wait3A_244 : memref<64x128xf32, #tpu.memory_space<vmem_shared>>)
      tpu.yield
    }) : () -> ()
    %barrier3A = arith.constant 0 : index
    tpu.barrier barrier_id(%barrier3A)
    %scan3A_25 = arith.constant 0 : i32
    %scan3A_26 = arith.constant 0 : i32
    %scan3A_27 = arith.constant 10 : i32
    %scan3A_28 = arith.addi %scan3A_26, %scan3A_27 : i32
    %scan3A_29 = arith.constant 1 : i32
    %scan3A_30 = scf.for %scan3A_239 = %scan3A_26 to %scan3A_28 step %scan3A_29 iter_args(%scan3A_240 = %scan3A_25) -> (i32)  : i32 {
      %mul3A_241 = arith.constant 20480 : i32
      %mul3A_242 = arith.muli %arg1, %mul3A_241 : i32
      %mul3A_243 = arith.constant 2048 : i32
      %mul3A_244 = arith.muli %scan3A_239, %mul3A_243 : i32
      %add3A_245 = arith.addi %mul3A_242, %mul3A_244 : i32
      "tpu.region"() ({
        %run_scoped3A = tpu.sem_alloc : memref<!tpu.dma_semaphore, #tpu.memory_space<semaphore_mem>>
        %dma_start3A = tpu.memref_slice %arg3[%add3A_245] : memref<327680xi32, #tpu.memory_space<hbm>> -> memref<2048xi32, #tpu.memory_space<hbm>>
        %dma_start3A_252 = tpu.memref_slice %arg3[%add3A_245] : memref<327680xi32, #tpu.memory_space<hbm>> -> memref<2048xi32, #tpu.memory_space<hbm>>
        tpu.enqueue_dma source(%dma_start3A_252 : memref<2048xi32, #tpu.memory_space<hbm>>) target(%arg18 : memref<2048xi32, #tpu.memory_space<vmem>>) target_semaphore(%run_scoped3A : memref<!tpu.dma_semaphore, #tpu.memory_space<semaphore_mem>>)
        %dma_wait3A = tpu.memref_slice %arg3[%add3A_245] : memref<327680xi32, #tpu.memory_space<hbm>> -> memref<2048xi32, #tpu.memory_space<hbm>>
        %dma_wait3A_253 = tpu.memref_slice %arg3[%add3A_245] : memref<327680xi32, #tpu.memory_space<hbm>> -> memref<2048xi32, #tpu.memory_space<hbm>>
        tpu.wait_dma2 semaphore(%run_scoped3A : memref<!tpu.dma_semaphore, #tpu.memory_space<semaphore_mem>>) src(%dma_wait3A_253 : memref<2048xi32, #tpu.memory_space<hbm>>) dst(%arg18 : memref<2048xi32, #tpu.memory_space<vmem>>)
        tpu.yield
      }) : () -> ()
      "tpu.region"() ({
        %run_scoped3A = tpu.sem_alloc : memref<!tpu.dma_semaphore, #tpu.memory_space<semaphore_mem>>
        %dma_start3A = tpu.memref_slice %arg4[%add3A_245] : memref<327680xi32, #tpu.memory_space<hbm>> -> memref<2048xi32, #tpu.memory_space<hbm>>
        %dma_start3A_252 = tpu.memref_slice %arg4[%add3A_245] : memref<327680xi32, #tpu.memory_space<hbm>> -> memref<2048xi32, #tpu.memory_space<hbm>>
        tpu.enqueue_dma source(%dma_start3A_252 : memref<2048xi32, #tpu.memory_space<hbm>>) target(%arg19 : memref<2048xi32, #tpu.memory_space<vmem>>) target_semaphore(%run_scoped3A : memref<!tpu.dma_semaphore, #tpu.memory_space<semaphore_mem>>)
        %dma_wait3A = tpu.memref_slice %arg4[%add3A_245] : memref<327680xi32, #tpu.memory_space<hbm>> -> memref<2048xi32, #tpu.memory_space<hbm>>
        %dma_wait3A_253 = tpu.memref_slice %arg4[%add3A_245] : memref<327680xi32, #tpu.memory_space<hbm>> -> memref<2048xi32, #tpu.memory_space<hbm>>
        tpu.wait_dma2 semaphore(%run_scoped3A : memref<!tpu.dma_semaphore, #tpu.memory_space<semaphore_mem>>) src(%dma_wait3A_253 : memref<2048xi32, #tpu.memory_space<hbm>>) dst(%arg19 : memref<2048xi32, #tpu.memory_space<vmem>>)
        tpu.yield
      }) : () -> ()
      %scan3A_246 = arith.constant 0 : i32
      %scan3A_247 = arith.constant 16 : i32
      %scan3A_248 = arith.addi %scan3A_246, %scan3A_247 : i32
      %scan3A_249 = arith.constant 1 : i32
      %scan3A_250 = scf.for %scan3A_252 = %scan3A_246 to %scan3A_248 step %scan3A_249 iter_args(%scan3A_253 = %scan3A_240) -> (i32)  : i32 {
        %mul3A_254 = arith.constant 128 : i32
        %mul3A_255 = arith.muli %scan3A_252, %mul3A_254 : i32
        %add3A_256 = arith.constant 0 : i32
        %add3A_257 = arith.addi %mul3A_255, %add3A_256 : i32
        %get3A = arith.index_cast %add3A_257 : i32 to index
        %get3A_258 = tpu.vector_load %arg18[%get3A] {strides = array<i32>} : memref<2048xi32, #tpu.memory_space<vmem>>, vector<16xi32>,
        %add3A_259 = vector.broadcast %mul3A_0 : i32 to vector<16xi32>
        %add3A_260 = arith.addi %get3A_258, %add3A_259 : vector<16xi32>
        %get3A_261 = arith.index_cast %add3A_257 : i32 to index
        %get3A_262 = tpu.vector_load %arg19[%get3A_261] {strides = array<i32>} : memref<2048xi32, #tpu.memory_space<vmem>>, vector<16xi32>,
        %sub3A = arith.constant 0 : i32
        %sub3A_263 = vector.broadcast %sub3A : i32 to vector<16xi32>
        %sub3A_264 = arith.subi %get3A_262, %sub3A_263 : vector<16xi32>
        %ge3A = arith.constant 0 : i32
        %ge3A_265 = vector.broadcast %ge3A : i32 to vector<16xi32>
        %ge3A_266 = arith.cmpi sge, %sub3A_264, %ge3A_265 : vector<16xi32>
        %lt3A_267 = arith.constant 5120 : i32
        %lt3A_268 = vector.broadcast %lt3A_267 : i32 to vector<16xi32>
        %lt3A_269 = arith.cmpi slt, %sub3A_264, %lt3A_268 : vector<16xi32>
        %and3A = arith.andi %ge3A_266, %lt3A_269 : vector<16xi1>
        %jit3A = arith.constant 5120 : i32
        %broadcast_in_dim3A_270 = vector.broadcast %jit3A : i32 to vector<16xi32>
        %select_n3A = arith.select %and3A, %sub3A_264, %broadcast_in_dim3A_270 : vector<16xi1>, vector<16xi32>
        %mul3A_271 = arith.constant 8192 : i32
        %mul3A_272 = vector.broadcast %mul3A_271 : i32 to vector<16xi32>
        %mul3A_273 = arith.muli %add3A_260, %mul3A_272 : vector<16xi32>
        %add3A_274 = arith.addi %mul3A_273, %select_n3A : vector<16xi32>
        %convert_element_type3A_275 = arith.extui %and3A : vector<16xi1> to vector<16xi32>
        %masked_sort3A = arith.constant dense<true> : vector<16xi1>
        %masked_sort3A_276 = arith.constant -2147483648 : i32
        %masked_sort3A_277 = vector.broadcast %masked_sort3A_276 : i32 to vector<16xi32>
        %masked_sort3A_278 = arith.xori %convert_element_type3A_275, %masked_sort3A_277 : vector<16xi32>
        %masked_sort3A_279, %masked_sort3A_280, %masked_sort3A_281 = tpu.sort %masked_sort3A_278, %add3A_274 masked %masked_sort3A {descending = true} : (vector<16xi32>, vector<16xi32>, vector<16xi1>) -> (vector<16xi1>, vector<16xi32>, vector<16xi32>)
        %masked_sort3A_282 = arith.xori %masked_sort3A_280, %masked_sort3A_277 : vector<16xi32>
        %swap3A_283 = arith.index_cast %scan3A_253 : i32 to index
        %swap3A_284 = tpu.vector_load %arg16[%swap3A_283] {strides = array<i32>} : memref<20608xi32, #tpu.memory_space<vmem>>, vector<16xi32>,
        tpu.vector_store %arg16[%swap3A_283], %masked_sort3A_281 {strides = array<i32>} : memref<20608xi32, #tpu.memory_space<vmem>>, vector<16xi32>,
        %all_reduce_population_count3A = tpu.all_reduce %and3A {dim = 0 : i64, kind = #tpu.reduction_kind<sum>} : vector<16xi1> -> vector<16xi32>
        %slice3A = vector.extract_strided_slice %all_reduce_population_count3A {offsets = [0], sizes = [1], strides = [1]} : vector<16xi32> to vector<1xi32>
        %squeeze3A = vector.extract %slice3A[0] : i32 from vector<1xi32>
        %add3A_285 = arith.addi %scan3A_253, %squeeze3A : i32
        %mul3A_286 = arith.constant 128 : i32
        %mul3A_287 = arith.muli %scan3A_252, %mul3A_286 : i32
        %add3A_288 = arith.constant 16 : i32
        %add3A_289 = arith.addi %mul3A_287, %add3A_288 : i32
        %get3A_290 = arith.index_cast %add3A_289 : i32 to index
        %get3A_291 = tpu.vector_load %arg18[%get3A_290] {strides = array<i32>} : memref<2048xi32, #tpu.memory_space<vmem>>, vector<16xi32>,
        %add3A_292 = vector.broadcast %mul3A_0 : i32 to vector<16xi32>
        %add3A_293 = arith.addi %get3A_291, %add3A_292 : vector<16xi32>
        %get3A_294 = arith.index_cast %add3A_289 : i32 to index
        %get3A_295 = tpu.vector_load %arg19[%get3A_294] {strides = array<i32>} : memref<2048xi32, #tpu.memory_space<vmem>>, vector<16xi32>,
        %sub3A_296 = arith.constant 0 : i32
        %sub3A_297 = vector.broadcast %sub3A_296 : i32 to vector<16xi32>
        %sub3A_298 = arith.subi %get3A_295, %sub3A_297 : vector<16xi32>
        %ge3A_299 = arith.constant 0 : i32
        %ge3A_300 = vector.broadcast %ge3A_299 : i32 to vector<16xi32>
        %ge3A_301 = arith.cmpi sge, %sub3A_298, %ge3A_300 : vector<16xi32>
        %lt3A_302 = arith.constant 5120 : i32
        %lt3A_303 = vector.broadcast %lt3A_302 : i32 to vector<16xi32>
        %lt3A_304 = arith.cmpi slt, %sub3A_298, %lt3A_303 : vector<16xi32>
        %and3A_305 = arith.andi %ge3A_301, %lt3A_304 : vector<16xi1>
        %jit3A_306 = arith.constant 5120 : i32
        %broadcast_in_dim3A_307 = vector.broadcast %jit3A_306 : i32 to vector<16xi32>
        %select_n3A_308 = arith.select %and3A_305, %sub3A_298, %broadcast_in_dim3A_307 : vector<16xi1>, vector<16xi32>
        %mul3A_309 = arith.constant 8192 : i32
        %mul3A_310 = vector.broadcast %mul3A_309 : i32 to vector<16xi32>
        %mul3A_311 = arith.muli %add3A_293, %mul3A_310 : vector<16xi32>
        %add3A_312 = arith.addi %mul3A_311, %select_n3A_308 : vector<16xi32>
        %convert_element_type3A_313 = arith.extui %and3A_305 : vector<16xi1> to vector<16xi32>
        %masked_sort3A_314 = arith.constant dense<true> : vector<16xi1>
        %masked_sort3A_315 = arith.constant -2147483648 : i32
        %masked_sort3A_316 = vector.broadcast %masked_sort3A_315 : i32 to vector<16xi32>
        %masked_sort3A_317 = arith.xori %convert_element_type3A_313, %masked_sort3A_316 : vector<16xi32>
        %masked_sort3A_318, %masked_sort3A_319, %masked_sort3A_320 = tpu.sort %masked_sort3A_317, %add3A_312 masked %masked_sort3A_314 {descending = true} : (vector<16xi32>, vector<16xi32>, vector<16xi1>) -> (vector<16xi1>, vector<16xi32>, vector<16xi32>)
        %masked_sort3A_321 = arith.xori %masked_sort3A_319, %masked_sort3A_316 : vector<16xi32>
        %swap3A_322 = arith.index_cast %add3A_285 : i32 to index
        %swap3A_323 = tpu.vector_load %arg16[%swap3A_322] {strides = array<i32>} : memref<20608xi32, #tpu.memory_space<vmem>>, vector<16xi32>,
        tpu.vector_store %arg16[%swap3A_322], %masked_sort3A_320 {strides = array<i32>} : memref<20608xi32, #tpu.memory_space<vmem>>, vector<16xi32>,
        %all_reduce_population_count3A_324 = tpu.all_reduce %and3A_305 {dim = 0 : i64, kind = #tpu.reduction_kind<sum>} : vector<16xi1> -> vector<16xi32>
        %slice3A_325 = vector.extract_strided_slice %all_reduce_population_count3A_324 {offsets = [0], sizes = [1], strides = [1]} : vector<16xi32> to vector<1xi32>
        %squeeze3A_326 = vector.extract %slice3A_325[0] : i32 from vector<1xi32>
        %add3A_327 = arith.addi %add3A_285, %squeeze3A_326 : i32
        %mul3A_328 = arith.constant 128 : i32
        %mul3A_329 = arith.muli %scan3A_252, %mul3A_328 : i32
        %add3A_330 = arith.constant 32 : i32
        %add3A_331 = arith.addi %mul3A_329, %add3A_330 : i32
        %get3A_332 = arith.index_cast %add3A_331 : i32 to index
        %get3A_333 = tpu.vector_load %arg18[%get3A_332] {strides = array<i32>} : memref<2048xi32, #tpu.memory_space<vmem>>, vector<16xi32>,
        %add3A_334 = vector.broadcast %mul3A_0 : i32 to vector<16xi32>
        %add3A_335 = arith.addi %get3A_333, %add3A_334 : vector<16xi32>
        %get3A_336 = arith.index_cast %add3A_331 : i32 to index
        %get3A_337 = tpu.vector_load %arg19[%get3A_336] {strides = array<i32>} : memref<2048xi32, #tpu.memory_space<vmem>>, vector<16xi32>,
        %sub3A_338 = arith.constant 0 : i32
        %sub3A_339 = vector.broadcast %sub3A_338 : i32 to vector<16xi32>
        %sub3A_340 = arith.subi %get3A_337, %sub3A_339 : vector<16xi32>
        %ge3A_341 = arith.constant 0 : i32
        %ge3A_342 = vector.broadcast %ge3A_341 : i32 to vector<16xi32>
        %ge3A_343 = arith.cmpi sge, %sub3A_340, %ge3A_342 : vector<16xi32>
        %lt3A_344 = arith.constant 5120 : i32
        %lt3A_345 = vector.broadcast %lt3A_344 : i32 to vector<16xi32>
        %lt3A_346 = arith.cmpi slt, %sub3A_340, %lt3A_345 : vector<16xi32>
        %and3A_347 = arith.andi %ge3A_343, %lt3A_346 : vector<16xi1>
        %jit3A_348 = arith.constant 5120 : i32
        %broadcast_in_dim3A_349 = vector.broadcast %jit3A_348 : i32 to vector<16xi32>
        %select_n3A_350 = arith.select %and3A_347, %sub3A_340, %broadcast_in_dim3A_349 : vector<16xi1>, vector<16xi32>
        %mul3A_351 = arith.constant 8192 : i32
        %mul3A_352 = vector.broadcast %mul3A_351 : i32 to vector<16xi32>
        %mul3A_353 = arith.muli %add3A_335, %mul3A_352 : vector<16xi32>
        %add3A_354 = arith.addi %mul3A_353, %select_n3A_350 : vector<16xi32>
        %convert_element_type3A_355 = arith.extui %and3A_347 : vector<16xi1> to vector<16xi32>
        %masked_sort3A_356 = arith.constant dense<true> : vector<16xi1>
        %masked_sort3A_357 = arith.constant -2147483648 : i32
        %masked_sort3A_358 = vector.broadcast %masked_sort3A_357 : i32 to vector<16xi32>
        %masked_sort3A_359 = arith.xori %convert_element_type3A_355, %masked_sort3A_358 : vector<16xi32>
        %masked_sort3A_360, %masked_sort3A_361, %masked_sort3A_362 = tpu.sort %masked_sort3A_359, %add3A_354 masked %masked_sort3A_356 {descending = true} : (vector<16xi32>, vector<16xi32>, vector<16xi1>) -> (vector<16xi1>, vector<16xi32>, vector<16xi32>)
        %masked_sort3A_363 = arith.xori %masked_sort3A_361, %masked_sort3A_358 : vector<16xi32>
        %swap3A_364 = arith.index_cast %add3A_327 : i32 to index
        %swap3A_365 = tpu.vector_load %arg16[%swap3A_364] {strides = array<i32>} : memref<20608xi32, #tpu.memory_space<vmem>>, vector<16xi32>,
        tpu.vector_store %arg16[%swap3A_364], %masked_sort3A_362 {strides = array<i32>} : memref<20608xi32, #tpu.memory_space<vmem>>, vector<16xi32>,
        %all_reduce_population_count3A_366 = tpu.all_reduce %and3A_347 {dim = 0 : i64, kind = #tpu.reduction_kind<sum>} : vector<16xi1> -> vector<16xi32>
        %slice3A_367 = vector.extract_strided_slice %all_reduce_population_count3A_366 {offsets = [0], sizes = [1], strides = [1]} : vector<16xi32> to vector<1xi32>
        %squeeze3A_368 = vector.extract %slice3A_367[0] : i32 from vector<1xi32>
        %add3A_369 = arith.addi %add3A_327, %squeeze3A_368 : i32
        %mul3A_370 = arith.constant 128 : i32
        %mul3A_371 = arith.muli %scan3A_252, %mul3A_370 : i32
        %add3A_372 = arith.constant 48 : i32
        %add3A_373 = arith.addi %mul3A_371, %add3A_372 : i32
        %get3A_374 = arith.index_cast %add3A_373 : i32 to index
        %get3A_375 = tpu.vector_load %arg18[%get3A_374] {strides = array<i32>} : memref<2048xi32, #tpu.memory_space<vmem>>, vector<16xi32>,
        %add3A_376 = vector.broadcast %mul3A_0 : i32 to vector<16xi32>
        %add3A_377 = arith.addi %get3A_375, %add3A_376 : vector<16xi32>
        %get3A_378 = arith.index_cast %add3A_373 : i32 to index
        %get3A_379 = tpu.vector_load %arg19[%get3A_378] {strides = array<i32>} : memref<2048xi32, #tpu.memory_space<vmem>>, vector<16xi32>,
        %sub3A_380 = arith.constant 0 : i32
        %sub3A_381 = vector.broadcast %sub3A_380 : i32 to vector<16xi32>
        %sub3A_382 = arith.subi %get3A_379, %sub3A_381 : vector<16xi32>
        %ge3A_383 = arith.constant 0 : i32
        %ge3A_384 = vector.broadcast %ge3A_383 : i32 to vector<16xi32>
        %ge3A_385 = arith.cmpi sge, %sub3A_382, %ge3A_384 : vector<16xi32>
        %lt3A_386 = arith.constant 5120 : i32
        %lt3A_387 = vector.broadcast %lt3A_386 : i32 to vector<16xi32>
        %lt3A_388 = arith.cmpi slt, %sub3A_382, %lt3A_387 : vector<16xi32>
        %and3A_389 = arith.andi %ge3A_385, %lt3A_388 : vector<16xi1>
        %jit3A_390 = arith.constant 5120 : i32
        %broadcast_in_dim3A_391 = vector.broadcast %jit3A_390 : i32 to vector<16xi32>
        %select_n3A_392 = arith.select %and3A_389, %sub3A_382, %broadcast_in_dim3A_391 : vector<16xi1>, vector<16xi32>
        %mul3A_393 = arith.constant 8192 : i32
        %mul3A_394 = vector.broadcast %mul3A_393 : i32 to vector<16xi32>
        %mul3A_395 = arith.muli %add3A_377, %mul3A_394 : vector<16xi32>
        %add3A_396 = arith.addi %mul3A_395, %select_n3A_392 : vector<16xi32>
        %convert_element_type3A_397 = arith.extui %and3A_389 : vector<16xi1> to vector<16xi32>
        %masked_sort3A_398 = arith.constant dense<true> : vector<16xi1>
        %masked_sort3A_399 = arith.constant -2147483648 : i32
        %masked_sort3A_400 = vector.broadcast %masked_sort3A_399 : i32 to vector<16xi32>
        %masked_sort3A_401 = arith.xori %convert_element_type3A_397, %masked_sort3A_400 : vector<16xi32>
        %masked_sort3A_402, %masked_sort3A_403, %masked_sort3A_404 = tpu.sort %masked_sort3A_401, %add3A_396 masked %masked_sort3A_398 {descending = true} : (vector<16xi32>, vector<16xi32>, vector<16xi1>) -> (vector<16xi1>, vector<16xi32>, vector<16xi32>)
        %masked_sort3A_405 = arith.xori %masked_sort3A_403, %masked_sort3A_400 : vector<16xi32>
        %swap3A_406 = arith.index_cast %add3A_369 : i32 to index
        %swap3A_407 = tpu.vector_load %arg16[%swap3A_406] {strides = array<i32>} : memref<20608xi32, #tpu.memory_space<vmem>>, vector<16xi32>,
        tpu.vector_store %arg16[%swap3A_406], %masked_sort3A_404 {strides = array<i32>} : memref<20608xi32, #tpu.memory_space<vmem>>, vector<16xi32>,
        %all_reduce_population_count3A_408 = tpu.all_reduce %and3A_389 {dim = 0 : i64, kind = #tpu.reduction_kind<sum>} : vector<16xi1> -> vector<16xi32>
        %slice3A_409 = vector.extract_strided_slice %all_reduce_population_count3A_408 {offsets = [0], sizes = [1], strides = [1]} : vector<16xi32> to vector<1xi32>
        %squeeze3A_410 = vector.extract %slice3A_409[0] : i32 from vector<1xi32>
        %add3A_411 = arith.addi %add3A_369, %squeeze3A_410 : i32
        %mul3A_412 = arith.constant 128 : i32
        %mul3A_413 = arith.muli %scan3A_252, %mul3A_412 : i32
        %add3A_414 = arith.constant 64 : i32
        %add3A_415 = arith.addi %mul3A_413, %add3A_414 : i32
        %get3A_416 = arith.index_cast %add3A_415 : i32 to index
        %get3A_417 = tpu.vector_load %arg18[%get3A_416] {strides = array<i32>} : memref<2048xi32, #tpu.memory_space<vmem>>, vector<16xi32>,
        %add3A_418 = vector.broadcast %mul3A_0 : i32 to vector<16xi32>
        %add3A_419 = arith.addi %get3A_417, %add3A_418 : vector<16xi32>
        %get3A_420 = arith.index_cast %add3A_415 : i32 to index
        %get3A_421 = tpu.vector_load %arg19[%get3A_420] {strides = array<i32>} : memref<2048xi32, #tpu.memory_space<vmem>>, vector<16xi32>,
        %sub3A_422 = arith.constant 0 : i32
        %sub3A_423 = vector.broadcast %sub3A_422 : i32 to vector<16xi32>
        %sub3A_424 = arith.subi %get3A_421, %sub3A_423 : vector<16xi32>
        %ge3A_425 = arith.constant 0 : i32
        %ge3A_426 = vector.broadcast %ge3A_425 : i32 to vector<16xi32>
        %ge3A_427 = arith.cmpi sge, %sub3A_424, %ge3A_426 : vector<16xi32>
        %lt3A_428 = arith.constant 5120 : i32
        %lt3A_429 = vector.broadcast %lt3A_428 : i32 to vector<16xi32>
        %lt3A_430 = arith.cmpi slt, %sub3A_424, %lt3A_429 : vector<16xi32>
        %and3A_431 = arith.andi %ge3A_427, %lt3A_430 : vector<16xi1>
        %jit3A_432 = arith.constant 5120 : i32
        %broadcast_in_dim3A_433 = vector.broadcast %jit3A_432 : i32 to vector<16xi32>
        %select_n3A_434 = arith.select %and3A_431, %sub3A_424, %broadcast_in_dim3A_433 : vector<16xi1>, vector<16xi32>
        %mul3A_435 = arith.constant 8192 : i32
        %mul3A_436 = vector.broadcast %mul3A_435 : i32 to vector<16xi32>
        %mul3A_437 = arith.muli %add3A_419, %mul3A_436 : vector<16xi32>
        %add3A_438 = arith.addi %mul3A_437, %select_n3A_434 : vector<16xi32>
        %convert_element_type3A_439 = arith.extui %and3A_431 : vector<16xi1> to vector<16xi32>
        %masked_sort3A_440 = arith.constant dense<true> : vector<16xi1>
        %masked_sort3A_441 = arith.constant -2147483648 : i32
        %masked_sort3A_442 = vector.broadcast %masked_sort3A_441 : i32 to vector<16xi32>
        %masked_sort3A_443 = arith.xori %convert_element_type3A_439, %masked_sort3A_442 : vector<16xi32>
        %masked_sort3A_444, %masked_sort3A_445, %masked_sort3A_446 = tpu.sort %masked_sort3A_443, %add3A_438 masked %masked_sort3A_440 {descending = true} : (vector<16xi32>, vector<16xi32>, vector<16xi1>) -> (vector<16xi1>, vector<16xi32>, vector<16xi32>)
        %masked_sort3A_447 = arith.xori %masked_sort3A_445, %masked_sort3A_442 : vector<16xi32>
        %swap3A_448 = arith.index_cast %add3A_411 : i32 to index
        %swap3A_449 = tpu.vector_load %arg16[%swap3A_448] {strides = array<i32>} : memref<20608xi32, #tpu.memory_space<vmem>>, vector<16xi32>,
        tpu.vector_store %arg16[%swap3A_448], %masked_sort3A_446 {strides = array<i32>} : memref<20608xi32, #tpu.memory_space<vmem>>, vector<16xi32>,
        %all_reduce_population_count3A_450 = tpu.all_reduce %and3A_431 {dim = 0 : i64, kind = #tpu.reduction_kind<sum>} : vector<16xi1> -> vector<16xi32>
        %slice3A_451 = vector.extract_strided_slice %all_reduce_population_count3A_450 {offsets = [0], sizes = [1], strides = [1]} : vector<16xi32> to vector<1xi32>
        %squeeze3A_452 = vector.extract %slice3A_451[0] : i32 from vector<1xi32>
        %add3A_453 = arith.addi %add3A_411, %squeeze3A_452 : i32
        %mul3A_454 = arith.constant 128 : i32
        %mul3A_455 = arith.muli %scan3A_252, %mul3A_454 : i32
        %add3A_456 = arith.constant 80 : i32
        %add3A_457 = arith.addi %mul3A_455, %add3A_456 : i32
        %get3A_458 = arith.index_cast %add3A_457 : i32 to index
        %get3A_459 = tpu.vector_load %arg18[%get3A_458] {strides = array<i32>} : memref<2048xi32, #tpu.memory_space<vmem>>, vector<16xi32>,
        %add3A_460 = vector.broadcast %mul3A_0 : i32 to vector<16xi32>
        %add3A_461 = arith.addi %get3A_459, %add3A_460 : vector<16xi32>
        %get3A_462 = arith.index_cast %add3A_457 : i32 to index
        %get3A_463 = tpu.vector_load %arg19[%get3A_462] {strides = array<i32>} : memref<2048xi32, #tpu.memory_space<vmem>>, vector<16xi32>,
        %sub3A_464 = arith.constant 0 : i32
        %sub3A_465 = vector.broadcast %sub3A_464 : i32 to vector<16xi32>
        %sub3A_466 = arith.subi %get3A_463, %sub3A_465 : vector<16xi32>
        %ge3A_467 = arith.constant 0 : i32
        %ge3A_468 = vector.broadcast %ge3A_467 : i32 to vector<16xi32>
        %ge3A_469 = arith.cmpi sge, %sub3A_466, %ge3A_468 : vector<16xi32>
        %lt3A_470 = arith.constant 5120 : i32
        %lt3A_471 = vector.broadcast %lt3A_470 : i32 to vector<16xi32>
        %lt3A_472 = arith.cmpi slt, %sub3A_466, %lt3A_471 : vector<16xi32>
        %and3A_473 = arith.andi %ge3A_469, %lt3A_472 : vector<16xi1>
        %jit3A_474 = arith.constant 5120 : i32
        %broadcast_in_dim3A_475 = vector.broadcast %jit3A_474 : i32 to vector<16xi32>
        %select_n3A_476 = arith.select %and3A_473, %sub3A_466, %broadcast_in_dim3A_475 : vector<16xi1>, vector<16xi32>
        %mul3A_477 = arith.constant 8192 : i32
        %mul3A_478 = vector.broadcast %mul3A_477 : i32 to vector<16xi32>
        %mul3A_479 = arith.muli %add3A_461, %mul3A_478 : vector<16xi32>
        %add3A_480 = arith.addi %mul3A_479, %select_n3A_476 : vector<16xi32>
        %convert_element_type3A_481 = arith.extui %and3A_473 : vector<16xi1> to vector<16xi32>
        %masked_sort3A_482 = arith.constant dense<true> : vector<16xi1>
        %masked_sort3A_483 = arith.constant -2147483648 : i32
        %masked_sort3A_484 = vector.broadcast %masked_sort3A_483 : i32 to vector<16xi32>
        %masked_sort3A_485 = arith.xori %convert_element_type3A_481, %masked_sort3A_484 : vector<16xi32>
        %masked_sort3A_486, %masked_sort3A_487, %masked_sort3A_488 = tpu.sort %masked_sort3A_485, %add3A_480 masked %masked_sort3A_482 {descending = true} : (vector<16xi32>, vector<16xi32>, vector<16xi1>) -> (vector<16xi1>, vector<16xi32>, vector<16xi32>)
        %masked_sort3A_489 = arith.xori %masked_sort3A_487, %masked_sort3A_484 : vector<16xi32>
        %swap3A_490 = arith.index_cast %add3A_453 : i32 to index
        %swap3A_491 = tpu.vector_load %arg16[%swap3A_490] {strides = array<i32>} : memref<20608xi32, #tpu.memory_space<vmem>>, vector<16xi32>,
        tpu.vector_store %arg16[%swap3A_490], %masked_sort3A_488 {strides = array<i32>} : memref<20608xi32, #tpu.memory_space<vmem>>, vector<16xi32>,
        %all_reduce_population_count3A_492 = tpu.all_reduce %and3A_473 {dim = 0 : i64, kind = #tpu.reduction_kind<sum>} : vector<16xi1> -> vector<16xi32>
        %slice3A_493 = vector.extract_strided_slice %all_reduce_population_count3A_492 {offsets = [0], sizes = [1], strides = [1]} : vector<16xi32> to vector<1xi32>
        %squeeze3A_494 = vector.extract %slice3A_493[0] : i32 from vector<1xi32>
        %add3A_495 = arith.addi %add3A_453, %squeeze3A_494 : i32
        %mul3A_496 = arith.constant 128 : i32
        %mul3A_497 = arith.muli %scan3A_252, %mul3A_496 : i32
        %add3A_498 = arith.constant 96 : i32
        %add3A_499 = arith.addi %mul3A_497, %add3A_498 : i32
        %get3A_500 = arith.index_cast %add3A_499 : i32 to index
        %get3A_501 = tpu.vector_load %arg18[%get3A_500] {strides = array<i32>} : memref<2048xi32, #tpu.memory_space<vmem>>, vector<16xi32>,
        %add3A_502 = vector.broadcast %mul3A_0 : i32 to vector<16xi32>
        %add3A_503 = arith.addi %get3A_501, %add3A_502 : vector<16xi32>
        %get3A_504 = arith.index_cast %add3A_499 : i32 to index
        %get3A_505 = tpu.vector_load %arg19[%get3A_504] {strides = array<i32>} : memref<2048xi32, #tpu.memory_space<vmem>>, vector<16xi32>,
        %sub3A_506 = arith.constant 0 : i32
        %sub3A_507 = vector.broadcast %sub3A_506 : i32 to vector<16xi32>
        %sub3A_508 = arith.subi %get3A_505, %sub3A_507 : vector<16xi32>
        %ge3A_509 = arith.constant 0 : i32
        %ge3A_510 = vector.broadcast %ge3A_509 : i32 to vector<16xi32>
        %ge3A_511 = arith.cmpi sge, %sub3A_508, %ge3A_510 : vector<16xi32>
        %lt3A_512 = arith.constant 5120 : i32
        %lt3A_513 = vector.broadcast %lt3A_512 : i32 to vector<16xi32>
        %lt3A_514 = arith.cmpi slt, %sub3A_508, %lt3A_513 : vector<16xi32>
        %and3A_515 = arith.andi %ge3A_511, %lt3A_514 : vector<16xi1>
        %jit3A_516 = arith.constant 5120 : i32
        %broadcast_in_dim3A_517 = vector.broadcast %jit3A_516 : i32 to vector<16xi32>
        %select_n3A_518 = arith.select %and3A_515, %sub3A_508, %broadcast_in_dim3A_517 : vector<16xi1>, vector<16xi32>
        %mul3A_519 = arith.constant 8192 : i32
        %mul3A_520 = vector.broadcast %mul3A_519 : i32 to vector<16xi32>
        %mul3A_521 = arith.muli %add3A_503, %mul3A_520 : vector<16xi32>
        %add3A_522 = arith.addi %mul3A_521, %select_n3A_518 : vector<16xi32>
        %convert_element_type3A_523 = arith.extui %and3A_515 : vector<16xi1> to vector<16xi32>
        %masked_sort3A_524 = arith.constant dense<true> : vector<16xi1>
        %masked_sort3A_525 = arith.constant -2147483648 : i32
        %masked_sort3A_526 = vector.broadcast %masked_sort3A_525 : i32 to vector<16xi32>
        %masked_sort3A_527 = arith.xori %convert_element_type3A_523, %masked_sort3A_526 : vector<16xi32>
        %masked_sort3A_528, %masked_sort3A_529, %masked_sort3A_530 = tpu.sort %masked_sort3A_527, %add3A_522 masked %masked_sort3A_524 {descending = true} : (vector<16xi32>, vector<16xi32>, vector<16xi1>) -> (vector<16xi1>, vector<16xi32>, vector<16xi32>)
        %masked_sort3A_531 = arith.xori %masked_sort3A_529, %masked_sort3A_526 : vector<16xi32>
        %swap3A_532 = arith.index_cast %add3A_495 : i32 to index
        %swap3A_533 = tpu.vector_load %arg16[%swap3A_532] {strides = array<i32>} : memref<20608xi32, #tpu.memory_space<vmem>>, vector<16xi32>,
        tpu.vector_store %arg16[%swap3A_532], %masked_sort3A_530 {strides = array<i32>} : memref<20608xi32, #tpu.memory_space<vmem>>, vector<16xi32>,
        %all_reduce_population_count3A_534 = tpu.all_reduce %and3A_515 {dim = 0 : i64, kind = #tpu.reduction_kind<sum>} : vector<16xi1> -> vector<16xi32>
        %slice3A_535 = vector.extract_strided_slice %all_reduce_population_count3A_534 {offsets = [0], sizes = [1], strides = [1]} : vector<16xi32> to vector<1xi32>
        %squeeze3A_536 = vector.extract %slice3A_535[0] : i32 from vector<1xi32>
        %add3A_537 = arith.addi %add3A_495, %squeeze3A_536 : i32
        %mul3A_538 = arith.constant 128 : i32
        %mul3A_539 = arith.muli %scan3A_252, %mul3A_538 : i32
        %add3A_540 = arith.constant 112 : i32
        %add3A_541 = arith.addi %mul3A_539, %add3A_540 : i32
        %get3A_542 = arith.index_cast %add3A_541 : i32 to index
        %get3A_543 = tpu.vector_load %arg18[%get3A_542] {strides = array<i32>} : memref<2048xi32, #tpu.memory_space<vmem>>, vector<16xi32>,
        %add3A_544 = vector.broadcast %mul3A_0 : i32 to vector<16xi32>
        %add3A_545 = arith.addi %get3A_543, %add3A_544 : vector<16xi32>
        %get3A_546 = arith.index_cast %add3A_541 : i32 to index
        %get3A_547 = tpu.vector_load %arg19[%get3A_546] {strides = array<i32>} : memref<2048xi32, #tpu.memory_space<vmem>>, vector<16xi32>,
        %sub3A_548 = arith.constant 0 : i32
        %sub3A_549 = vector.broadcast %sub3A_548 : i32 to vector<16xi32>
        %sub3A_550 = arith.subi %get3A_547, %sub3A_549 : vector<16xi32>
        %ge3A_551 = arith.constant 0 : i32
        %ge3A_552 = vector.broadcast %ge3A_551 : i32 to vector<16xi32>
        %ge3A_553 = arith.cmpi sge, %sub3A_550, %ge3A_552 : vector<16xi32>
        %lt3A_554 = arith.constant 5120 : i32
        %lt3A_555 = vector.broadcast %lt3A_554 : i32 to vector<16xi32>
        %lt3A_556 = arith.cmpi slt, %sub3A_550, %lt3A_555 : vector<16xi32>
        %and3A_557 = arith.andi %ge3A_553, %lt3A_556 : vector<16xi1>
        %jit3A_558 = arith.constant 5120 : i32
        %broadcast_in_dim3A_559 = vector.broadcast %jit3A_558 : i32 to vector<16xi32>
        %select_n3A_560 = arith.select %and3A_557, %sub3A_550, %broadcast_in_dim3A_559 : vector<16xi1>, vector<16xi32>
        %mul3A_561 = arith.constant 8192 : i32
        %mul3A_562 = vector.broadcast %mul3A_561 : i32 to vector<16xi32>
        %mul3A_563 = arith.muli %add3A_545, %mul3A_562 : vector<16xi32>
        %add3A_564 = arith.addi %mul3A_563, %select_n3A_560 : vector<16xi32>
        %convert_element_type3A_565 = arith.extui %and3A_557 : vector<16xi1> to vector<16xi32>
        %masked_sort3A_566 = arith.constant dense<true> : vector<16xi1>
        %masked_sort3A_567 = arith.constant -2147483648 : i32
        %masked_sort3A_568 = vector.broadcast %masked_sort3A_567 : i32 to vector<16xi32>
        %masked_sort3A_569 = arith.xori %convert_element_type3A_565, %masked_sort3A_568 : vector<16xi32>
        %masked_sort3A_570, %masked_sort3A_571, %masked_sort3A_572 = tpu.sort %masked_sort3A_569, %add3A_564 masked %masked_sort3A_566 {descending = true} : (vector<16xi32>, vector<16xi32>, vector<16xi1>) -> (vector<16xi1>, vector<16xi32>, vector<16xi32>)
        %masked_sort3A_573 = arith.xori %masked_sort3A_571, %masked_sort3A_568 : vector<16xi32>
        %swap3A_574 = arith.index_cast %add3A_537 : i32 to index
        %swap3A_575 = tpu.vector_load %arg16[%swap3A_574] {strides = array<i32>} : memref<20608xi32, #tpu.memory_space<vmem>>, vector<16xi32>,
        tpu.vector_store %arg16[%swap3A_574], %masked_sort3A_572 {strides = array<i32>} : memref<20608xi32, #tpu.memory_space<vmem>>, vector<16xi32>,
        %all_reduce_population_count3A_576 = tpu.all_reduce %and3A_557 {dim = 0 : i64, kind = #tpu.reduction_kind<sum>} : vector<16xi1> -> vector<16xi32>
        %slice3A_577 = vector.extract_strided_slice %all_reduce_population_count3A_576 {offsets = [0], sizes = [1], strides = [1]} : vector<16xi32> to vector<1xi32>
        %squeeze3A_578 = vector.extract %slice3A_577[0] : i32 from vector<1xi32>
        %add3A_579 = arith.addi %add3A_537, %squeeze3A_578 : i32
        scf.yield %add3A_579 : i32
      }
      %scan3A_251 = arith.constant 16 : i32
      scf.yield %scan3A_250 : i32
    }
    %scan3A_31 = arith.constant 10 : i32
    %mul3A_32 = arith.constant 8192 : i32
    %mul3A_33 = arith.muli %mul3A_0, %mul3A_32 : i32
    %add3A_34 = arith.constant 5120 : i32
    %add3A_35 = arith.addi %mul3A_33, %add3A_34 : i32
    %broadcast_in_dim3A = arith.constant 0 : i32
    %broadcast_in_dim3A_36 = vector.broadcast %broadcast_in_dim3A : i32 to vector<16xi32>
    %add3A_37 = vector.broadcast %add3A_35 : i32 to vector<16xi32>
    %add3A_38 = arith.addi %broadcast_in_dim3A_36, %add3A_37 : vector<16xi32>
    %add3A_39 = arith.constant 0 : i32
    %add3A_40 = arith.addi %scan3A_30, %add3A_39 : i32
    %swap3A = arith.index_cast %add3A_40 : i32 to index
    %swap3A_41 = tpu.vector_load %arg16[%swap3A] {strides = array<i32>} : memref<20608xi32, #tpu.memory_space<vmem>>, vector<16xi32>,
    tpu.vector_store %arg16[%swap3A], %add3A_38 {strides = array<i32>} : memref<20608xi32, #tpu.memory_space<vmem>>, vector<16xi32>,
    %broadcast_in_dim3A_42 = arith.constant 0 : i32
    %broadcast_in_dim3A_43 = vector.broadcast %broadcast_in_dim3A_42 : i32 to vector<16xi32>
    %add3A_44 = vector.broadcast %add3A_35 : i32 to vector<16xi32>
    %add3A_45 = arith.addi %broadcast_in_dim3A_43, %add3A_44 : vector<16xi32>
    %add3A_46 = arith.constant 16 : i32
    %add3A_47 = arith.addi %scan3A_30, %add3A_46 : i32
    %swap3A_48 = arith.index_cast %add3A_47 : i32 to index
    %swap3A_49 = tpu.vector_load %arg16[%swap3A_48] {strides = array<i32>} : memref<20608xi32, #tpu.memory_space<vmem>>, vector<16xi32>,
    tpu.vector_store %arg16[%swap3A_48], %add3A_45 {strides = array<i32>} : memref<20608xi32, #tpu.memory_space<vmem>>, vector<16xi32>,
    %broadcast_in_dim3A_50 = arith.constant 0 : i32
    %broadcast_in_dim3A_51 = vector.broadcast %broadcast_in_dim3A_50 : i32 to vector<16xi32>
    %add3A_52 = vector.broadcast %add3A_35 : i32 to vector<16xi32>
    %add3A_53 = arith.addi %broadcast_in_dim3A_51, %add3A_52 : vector<16xi32>
    %add3A_54 = arith.constant 32 : i32
    %add3A_55 = arith.addi %scan3A_30, %add3A_54 : i32
    %swap3A_56 = arith.index_cast %add3A_55 : i32 to index
    %swap3A_57 = tpu.vector_load %arg16[%swap3A_56] {strides = array<i32>} : memref<20608xi32, #tpu.memory_space<vmem>>, vector<16xi32>,
    tpu.vector_store %arg16[%swap3A_56], %add3A_53 {strides = array<i32>} : memref<20608xi32, #tpu.memory_space<vmem>>, vector<16xi32>,
    %broadcast_in_dim3A_58 = arith.constant 0 : i32
    %broadcast_in_dim3A_59 = vector.broadcast %broadcast_in_dim3A_58 : i32 to vector<16xi32>
    %add3A_60 = vector.broadcast %add3A_35 : i32 to vector<16xi32>
    %add3A_61 = arith.addi %broadcast_in_dim3A_59, %add3A_60 : vector<16xi32>
    %add3A_62 = arith.constant 48 : i32
    %add3A_63 = arith.addi %scan3A_30, %add3A_62 : i32
    %swap3A_64 = arith.index_cast %add3A_63 : i32 to index
    %swap3A_65 = tpu.vector_load %arg16[%swap3A_64] {strides = array<i32>} : memref<20608xi32, #tpu.memory_space<vmem>>, vector<16xi32>,
    tpu.vector_store %arg16[%swap3A_64], %add3A_61 {strides = array<i32>} : memref<20608xi32, #tpu.memory_space<vmem>>, vector<16xi32>,
    %broadcast_in_dim3A_66 = arith.constant 0 : i32
    %broadcast_in_dim3A_67 = vector.broadcast %broadcast_in_dim3A_66 : i32 to vector<16xi32>
    %add3A_68 = vector.broadcast %add3A_35 : i32 to vector<16xi32>
    %add3A_69 = arith.addi %broadcast_in_dim3A_67, %add3A_68 : vector<16xi32>
    %add3A_70 = arith.constant 64 : i32
    %add3A_71 = arith.addi %scan3A_30, %add3A_70 : i32
    %swap3A_72 = arith.index_cast %add3A_71 : i32 to index
    %swap3A_73 = tpu.vector_load %arg16[%swap3A_72] {strides = array<i32>} : memref<20608xi32, #tpu.memory_space<vmem>>, vector<16xi32>,
    tpu.vector_store %arg16[%swap3A_72], %add3A_69 {strides = array<i32>} : memref<20608xi32, #tpu.memory_space<vmem>>, vector<16xi32>,
    %broadcast_in_dim3A_74 = arith.constant 0 : i32
    %broadcast_in_dim3A_75 = vector.broadcast %broadcast_in_dim3A_74 : i32 to vector<16xi32>
    %add3A_76 = vector.broadcast %add3A_35 : i32 to vector<16xi32>
    %add3A_77 = arith.addi %broadcast_in_dim3A_75, %add3A_76 : vector<16xi32>
    %add3A_78 = arith.constant 80 : i32
    %add3A_79 = arith.addi %scan3A_30, %add3A_78 : i32
    %swap3A_80 = arith.index_cast %add3A_79 : i32 to index
    %swap3A_81 = tpu.vector_load %arg16[%swap3A_80] {strides = array<i32>} : memref<20608xi32, #tpu.memory_space<vmem>>, vector<16xi32>,
    tpu.vector_store %arg16[%swap3A_80], %add3A_77 {strides = array<i32>} : memref<20608xi32, #tpu.memory_space<vmem>>, vector<16xi32>,
    %broadcast_in_dim3A_82 = arith.constant 0 : i32
    %broadcast_in_dim3A_83 = vector.broadcast %broadcast_in_dim3A_82 : i32 to vector<16xi32>
    %add3A_84 = vector.broadcast %add3A_35 : i32 to vector<16xi32>
    %add3A_85 = arith.addi %broadcast_in_dim3A_83, %add3A_84 : vector<16xi32>
    %add3A_86 = arith.constant 96 : i32
    %add3A_87 = arith.addi %scan3A_30, %add3A_86 : i32
    %swap3A_88 = arith.index_cast %add3A_87 : i32 to index
    %swap3A_89 = tpu.vector_load %arg16[%swap3A_88] {strides = array<i32>} : memref<20608xi32, #tpu.memory_space<vmem>>, vector<16xi32>,
    tpu.vector_store %arg16[%swap3A_88], %add3A_85 {strides = array<i32>} : memref<20608xi32, #tpu.memory_space<vmem>>, vector<16xi32>,
    %broadcast_in_dim3A_90 = arith.constant 0 : i32
    %broadcast_in_dim3A_91 = vector.broadcast %broadcast_in_dim3A_90 : i32 to vector<16xi32>
    %add3A_92 = vector.broadcast %add3A_35 : i32 to vector<16xi32>
    %add3A_93 = arith.addi %broadcast_in_dim3A_91, %add3A_92 : vector<16xi32>
    %add3A_94 = arith.constant 112 : i32
    %add3A_95 = arith.addi %scan3A_30, %add3A_94 : i32
    %swap3A_96 = arith.index_cast %add3A_95 : i32 to index
    %swap3A_97 = tpu.vector_load %arg16[%swap3A_96] {strides = array<i32>} : memref<20608xi32, #tpu.memory_space<vmem>>, vector<16xi32>,
    tpu.vector_store %arg16[%swap3A_96], %add3A_93 {strides = array<i32>} : memref<20608xi32, #tpu.memory_space<vmem>>, vector<16xi32>,
    %gt3A = arith.constant 0 : i32
    %gt3A_98 = arith.cmpi sgt, %scan3A_30, %gt3A : i32
    %convert_element_type3A = arith.extui %gt3A_98 : i1 to i32
    %cond3A = arith.constant 0 : i32
    %cond3A_99 = arith.cmpi ne, %convert_element_type3A, %cond3A : i32
    scf.if %cond3A_99 {
      %get3A = arith.constant 0 : index
      %get3A_239 = tpu.vector_load %arg16[%get3A] {strides = array<i32>} : memref<20608xi32, #tpu.memory_space<vmem>>, vector<16xi32>,
      %shift_right_logical3A = arith.constant 13 : i32
      %shift_right_logical3A_240 = vector.broadcast %shift_right_logical3A : i32 to vector<16xi32>
      %shift_right_logical3A_241 = arith.shrui %get3A_239, %shift_right_logical3A_240 : vector<16xi32>
      %swap3A_242 = arith.constant 0 : index
      %swap3A_243 = tpu.vector_load %arg6[%swap3A_242] {strides = array<i32>} : memref<128xi32, #tpu.memory_space<vmem>>, vector<16xi32>,
      tpu.vector_store %arg6[%swap3A_242], %shift_right_logical3A_241 {strides = array<i32>} : memref<128xi32, #tpu.memory_space<vmem>>, vector<16xi32>,
      %and3A = arith.constant 8191 : i32
      %and3A_244 = vector.broadcast %and3A : i32 to vector<16xi32>
      %and3A_245 = arith.andi %get3A_239, %and3A_244 : vector<16xi32>
      %swap3A_246 = arith.constant 0 : index
      %swap3A_247 = tpu.vector_load %arg7[%swap3A_246] {strides = array<i32>} : memref<128xi32, #tpu.memory_space<vmem>>, vector<16xi32>,
      tpu.vector_store %arg7[%swap3A_246], %and3A_245 {strides = array<i32>} : memref<128xi32, #tpu.memory_space<vmem>>, vector<16xi32>,
      %get3A_248 = arith.constant 16 : index
      %get3A_249 = tpu.vector_load %arg16[%get3A_248] {strides = array<i32>} : memref<20608xi32, #tpu.memory_space<vmem>>, vector<16xi32>,
      %shift_right_logical3A_250 = arith.constant 13 : i32
      %shift_right_logical3A_251 = vector.broadcast %shift_right_logical3A_250 : i32 to vector<16xi32>
      %shift_right_logical3A_252 = arith.shrui %get3A_249, %shift_right_logical3A_251 : vector<16xi32>
      %swap3A_253 = arith.constant 16 : index
      %swap3A_254 = tpu.vector_load %arg6[%swap3A_253] {strides = array<i32>} : memref<128xi32, #tpu.memory_space<vmem>>, vector<16xi32>,
      tpu.vector_store %arg6[%swap3A_253], %shift_right_logical3A_252 {strides = array<i32>} : memref<128xi32, #tpu.memory_space<vmem>>, vector<16xi32>,
      %and3A_255 = arith.constant 8191 : i32
      %and3A_256 = vector.broadcast %and3A_255 : i32 to vector<16xi32>
      %and3A_257 = arith.andi %get3A_249, %and3A_256 : vector<16xi32>
      %swap3A_258 = arith.constant 16 : index
      %swap3A_259 = tpu.vector_load %arg7[%swap3A_258] {strides = array<i32>} : memref<128xi32, #tpu.memory_space<vmem>>, vector<16xi32>,
      tpu.vector_store %arg7[%swap3A_258], %and3A_257 {strides = array<i32>} : memref<128xi32, #tpu.memory_space<vmem>>, vector<16xi32>,
      %get3A_260 = arith.constant 32 : index
      %get3A_261 = tpu.vector_load %arg16[%get3A_260] {strides = array<i32>} : memref<20608xi32, #tpu.memory_space<vmem>>, vector<16xi32>,
      %shift_right_logical3A_262 = arith.constant 13 : i32
      %shift_right_logical3A_263 = vector.broadcast %shift_right_logical3A_262 : i32 to vector<16xi32>
      %shift_right_logical3A_264 = arith.shrui %get3A_261, %shift_right_logical3A_263 : vector<16xi32>
      %swap3A_265 = arith.constant 32 : index
      %swap3A_266 = tpu.vector_load %arg6[%swap3A_265] {strides = array<i32>} : memref<128xi32, #tpu.memory_space<vmem>>, vector<16xi32>,
      tpu.vector_store %arg6[%swap3A_265], %shift_right_logical3A_264 {strides = array<i32>} : memref<128xi32, #tpu.memory_space<vmem>>, vector<16xi32>,
      %and3A_267 = arith.constant 8191 : i32
      %and3A_268 = vector.broadcast %and3A_267 : i32 to vector<16xi32>
      %and3A_269 = arith.andi %get3A_261, %and3A_268 : vector<16xi32>
      %swap3A_270 = arith.constant 32 : index
      %swap3A_271 = tpu.vector_load %arg7[%swap3A_270] {strides = array<i32>} : memref<128xi32, #tpu.memory_space<vmem>>, vector<16xi32>,
      tpu.vector_store %arg7[%swap3A_270], %and3A_269 {strides = array<i32>} : memref<128xi32, #tpu.memory_space<vmem>>, vector<16xi32>,
      %get3A_272 = arith.constant 48 : index
      %get3A_273 = tpu.vector_load %arg16[%get3A_272] {strides = array<i32>} : memref<20608xi32, #tpu.memory_space<vmem>>, vector<16xi32>,
      %shift_right_logical3A_274 = arith.constant 13 : i32
      %shift_right_logical3A_275 = vector.broadcast %shift_right_logical3A_274 : i32 to vector<16xi32>
      %shift_right_logical3A_276 = arith.shrui %get3A_273, %shift_right_logical3A_275 : vector<16xi32>
      %swap3A_277 = arith.constant 48 : index
      %swap3A_278 = tpu.vector_load %arg6[%swap3A_277] {strides = array<i32>} : memref<128xi32, #tpu.memory_space<vmem>>, vector<16xi32>,
      tpu.vector_store %arg6[%swap3A_277], %shift_right_logical3A_276 {strides = array<i32>} : memref<128xi32, #tpu.memory_space<vmem>>, vector<16xi32>,
      %and3A_279 = arith.constant 8191 : i32
      %and3A_280 = vector.broadcast %and3A_279 : i32 to vector<16xi32>
      %and3A_281 = arith.andi %get3A_273, %and3A_280 : vector<16xi32>
      %swap3A_282 = arith.constant 48 : index
      %swap3A_283 = tpu.vector_load %arg7[%swap3A_282] {strides = array<i32>} : memref<128xi32, #tpu.memory_space<vmem>>, vector<16xi32>,
      tpu.vector_store %arg7[%swap3A_282], %and3A_281 {strides = array<i32>} : memref<128xi32, #tpu.memory_space<vmem>>, vector<16xi32>,
      %get3A_284 = arith.constant 64 : index
      %get3A_285 = tpu.vector_load %arg16[%get3A_284] {strides = array<i32>} : memref<20608xi32, #tpu.memory_space<vmem>>, vector<16xi32>,
      %shift_right_logical3A_286 = arith.constant 13 : i32
      %shift_right_logical3A_287 = vector.broadcast %shift_right_logical3A_286 : i32 to vector<16xi32>
      %shift_right_logical3A_288 = arith.shrui %get3A_285, %shift_right_logical3A_287 : vector<16xi32>
      %swap3A_289 = arith.constant 64 : index
      %swap3A_290 = tpu.vector_load %arg6[%swap3A_289] {strides = array<i32>} : memref<128xi32, #tpu.memory_space<vmem>>, vector<16xi32>,
      tpu.vector_store %arg6[%swap3A_289], %shift_right_logical3A_288 {strides = array<i32>} : memref<128xi32, #tpu.memory_space<vmem>>, vector<16xi32>,
      %and3A_291 = arith.constant 8191 : i32
      %and3A_292 = vector.broadcast %and3A_291 : i32 to vector<16xi32>
      %and3A_293 = arith.andi %get3A_285, %and3A_292 : vector<16xi32>
      %swap3A_294 = arith.constant 64 : index
      %swap3A_295 = tpu.vector_load %arg7[%swap3A_294] {strides = array<i32>} : memref<128xi32, #tpu.memory_space<vmem>>, vector<16xi32>,
      tpu.vector_store %arg7[%swap3A_294], %and3A_293 {strides = array<i32>} : memref<128xi32, #tpu.memory_space<vmem>>, vector<16xi32>,
      %get3A_296 = arith.constant 80 : index
      %get3A_297 = tpu.vector_load %arg16[%get3A_296] {strides = array<i32>} : memref<20608xi32, #tpu.memory_space<vmem>>, vector<16xi32>,
      %shift_right_logical3A_298 = arith.constant 13 : i32
      %shift_right_logical3A_299 = vector.broadcast %shift_right_logical3A_298 : i32 to vector<16xi32>
      %shift_right_logical3A_300 = arith.shrui %get3A_297, %shift_right_logical3A_299 : vector<16xi32>
      %swap3A_301 = arith.constant 80 : index
      %swap3A_302 = tpu.vector_load %arg6[%swap3A_301] {strides = array<i32>} : memref<128xi32, #tpu.memory_space<vmem>>, vector<16xi32>,
      tpu.vector_store %arg6[%swap3A_301], %shift_right_logical3A_300 {strides = array<i32>} : memref<128xi32, #tpu.memory_space<vmem>>, vector<16xi32>,
      %and3A_303 = arith.constant 8191 : i32
      %and3A_304 = vector.broadcast %and3A_303 : i32 to vector<16xi32>
      %and3A_305 = arith.andi %get3A_297, %and3A_304 : vector<16xi32>
      %swap3A_306 = arith.constant 80 : index
      %swap3A_307 = tpu.vector_load %arg7[%swap3A_306] {strides = array<i32>} : memref<128xi32, #tpu.memory_space<vmem>>, vector<16xi32>,
      tpu.vector_store %arg7[%swap3A_306], %and3A_305 {strides = array<i32>} : memref<128xi32, #tpu.memory_space<vmem>>, vector<16xi32>,
      %get3A_308 = arith.constant 96 : index
      %get3A_309 = tpu.vector_load %arg16[%get3A_308] {strides = array<i32>} : memref<20608xi32, #tpu.memory_space<vmem>>, vector<16xi32>,
      %shift_right_logical3A_310 = arith.constant 13 : i32
      %shift_right_logical3A_311 = vector.broadcast %shift_right_logical3A_310 : i32 to vector<16xi32>
      %shift_right_logical3A_312 = arith.shrui %get3A_309, %shift_right_logical3A_311 : vector<16xi32>
      %swap3A_313 = arith.constant 96 : index
      %swap3A_314 = tpu.vector_load %arg6[%swap3A_313] {strides = array<i32>} : memref<128xi32, #tpu.memory_space<vmem>>, vector<16xi32>,
      tpu.vector_store %arg6[%swap3A_313], %shift_right_logical3A_312 {strides = array<i32>} : memref<128xi32, #tpu.memory_space<vmem>>, vector<16xi32>,
      %and3A_315 = arith.constant 8191 : i32
      %and3A_316 = vector.broadcast %and3A_315 : i32 to vector<16xi32>
      %and3A_317 = arith.andi %get3A_309, %and3A_316 : vector<16xi32>
      %swap3A_318 = arith.constant 96 : index
      %swap3A_319 = tpu.vector_load %arg7[%swap3A_318] {strides = array<i32>} : memref<128xi32, #tpu.memory_space<vmem>>, vector<16xi32>,
      tpu.vector_store %arg7[%swap3A_318], %and3A_317 {strides = array<i32>} : memref<128xi32, #tpu.memory_space<vmem>>, vector<16xi32>,
      %get3A_320 = arith.constant 112 : index
      %get3A_321 = tpu.vector_load %arg16[%get3A_320] {strides = array<i32>} : memref<20608xi32, #tpu.memory_space<vmem>>, vector<16xi32>,
      %shift_right_logical3A_322 = arith.constant 13 : i32
      %shift_right_logical3A_323 = vector.broadcast %shift_right_logical3A_322 : i32 to vector<16xi32>
      %shift_right_logical3A_324 = arith.shrui %get3A_321, %shift_right_logical3A_323 : vector<16xi32>
      %swap3A_325 = arith.constant 112 : index
      %swap3A_326 = tpu.vector_load %arg6[%swap3A_325] {strides = array<i32>} : memref<128xi32, #tpu.memory_space<vmem>>, vector<16xi32>,
      tpu.vector_store %arg6[%swap3A_325], %shift_right_logical3A_324 {strides = array<i32>} : memref<128xi32, #tpu.memory_space<vmem>>, vector<16xi32>,
      %and3A_327 = arith.constant 8191 : i32
      %and3A_328 = vector.broadcast %and3A_327 : i32 to vector<16xi32>
      %and3A_329 = arith.andi %get3A_321, %and3A_328 : vector<16xi32>
      %swap3A_330 = arith.constant 112 : index
      %swap3A_331 = tpu.vector_load %arg7[%swap3A_330] {strides = array<i32>} : memref<128xi32, #tpu.memory_space<vmem>>, vector<16xi32>,
      tpu.vector_store %arg7[%swap3A_330], %and3A_329 {strides = array<i32>} : memref<128xi32, #tpu.memory_space<vmem>>, vector<16xi32>,
      %dma_start3A = arith.constant 0 : i32
      %dma_start3A_332 = arith.constant 0 : i32
      %dma_start3A_333 = tpu.memref_slice %arg2[%dma_start3A, %dma_start3A_332] : memref<20000x128xf32, #tpu.memory_space<hbm>> -> memref<20000x128xf32, #tpu.memory_space<hbm>>
      tpu.enqueue_indirect_dma source(%dma_start3A_333 : memref<20000x128xf32, #tpu.memory_space<hbm>>) target(%arg12 : memref<128x128xf32, #tpu.memory_space<vmem>>) offsets(%arg6 : memref<128xi32, #tpu.memory_space<vmem>>) semaphore(%arg21 : memref<!tpu.dma_semaphore, #tpu.memory_space<semaphore_mem>>)
    } else {
    }
    %gt3A_100 = arith.constant 128 : i32
    %gt3A_101 = arith.cmpi sgt, %scan3A_30, %gt3A_100 : i32
    %convert_element_type3A_102 = arith.extui %gt3A_101 : i1 to i32
    %cond3A_103 = arith.constant 0 : i32
    %cond3A_104 = arith.cmpi ne, %convert_element_type3A_102, %cond3A_103 : i32
    scf.if %cond3A_104 {
      %get3A = arith.constant 128 : index
      %get3A_239 = tpu.vector_load %arg16[%get3A] {strides = array<i32>} : memref<20608xi32, #tpu.memory_space<vmem>>, vector<16xi32>,
      %shift_right_logical3A = arith.constant 13 : i32
      %shift_right_logical3A_240 = vector.broadcast %shift_right_logical3A : i32 to vector<16xi32>
      %shift_right_logical3A_241 = arith.shrui %get3A_239, %shift_right_logical3A_240 : vector<16xi32>
      %swap3A_242 = arith.constant 0 : index
      %swap3A_243 = tpu.vector_load %arg8[%swap3A_242] {strides = array<i32>} : memref<128xi32, #tpu.memory_space<vmem>>, vector<16xi32>,
      tpu.vector_store %arg8[%swap3A_242], %shift_right_logical3A_241 {strides = array<i32>} : memref<128xi32, #tpu.memory_space<vmem>>, vector<16xi32>,
      %and3A = arith.constant 8191 : i32
      %and3A_244 = vector.broadcast %and3A : i32 to vector<16xi32>
      %and3A_245 = arith.andi %get3A_239, %and3A_244 : vector<16xi32>
      %swap3A_246 = arith.constant 0 : index
      %swap3A_247 = tpu.vector_load %arg9[%swap3A_246] {strides = array<i32>} : memref<128xi32, #tpu.memory_space<vmem>>, vector<16xi32>,
      tpu.vector_store %arg9[%swap3A_246], %and3A_245 {strides = array<i32>} : memref<128xi32, #tpu.memory_space<vmem>>, vector<16xi32>,
      %get3A_248 = arith.constant 144 : index
      %get3A_249 = tpu.vector_load %arg16[%get3A_248] {strides = array<i32>} : memref<20608xi32, #tpu.memory_space<vmem>>, vector<16xi32>,
      %shift_right_logical3A_250 = arith.constant 13 : i32
      %shift_right_logical3A_251 = vector.broadcast %shift_right_logical3A_250 : i32 to vector<16xi32>
      %shift_right_logical3A_252 = arith.shrui %get3A_249, %shift_right_logical3A_251 : vector<16xi32>
      %swap3A_253 = arith.constant 16 : index
      %swap3A_254 = tpu.vector_load %arg8[%swap3A_253] {strides = array<i32>} : memref<128xi32, #tpu.memory_space<vmem>>, vector<16xi32>,
      tpu.vector_store %arg8[%swap3A_253], %shift_right_logical3A_252 {strides = array<i32>} : memref<128xi32, #tpu.memory_space<vmem>>, vector<16xi32>,
      %and3A_255 = arith.constant 8191 : i32
      %and3A_256 = vector.broadcast %and3A_255 : i32 to vector<16xi32>
      %and3A_257 = arith.andi %get3A_249, %and3A_256 : vector<16xi32>
      %swap3A_258 = arith.constant 16 : index
      %swap3A_259 = tpu.vector_load %arg9[%swap3A_258] {strides = array<i32>} : memref<128xi32, #tpu.memory_space<vmem>>, vector<16xi32>,
      tpu.vector_store %arg9[%swap3A_258], %and3A_257 {strides = array<i32>} : memref<128xi32, #tpu.memory_space<vmem>>, vector<16xi32>,
      %get3A_260 = arith.constant 160 : index
      %get3A_261 = tpu.vector_load %arg16[%get3A_260] {strides = array<i32>} : memref<20608xi32, #tpu.memory_space<vmem>>, vector<16xi32>,
      %shift_right_logical3A_262 = arith.constant 13 : i32
      %shift_right_logical3A_263 = vector.broadcast %shift_right_logical3A_262 : i32 to vector<16xi32>
      %shift_right_logical3A_264 = arith.shrui %get3A_261, %shift_right_logical3A_263 : vector<16xi32>
      %swap3A_265 = arith.constant 32 : index
      %swap3A_266 = tpu.vector_load %arg8[%swap3A_265] {strides = array<i32>} : memref<128xi32, #tpu.memory_space<vmem>>, vector<16xi32>,
      tpu.vector_store %arg8[%swap3A_265], %shift_right_logical3A_264 {strides = array<i32>} : memref<128xi32, #tpu.memory_space<vmem>>, vector<16xi32>,
      %and3A_267 = arith.constant 8191 : i32
      %and3A_268 = vector.broadcast %and3A_267 : i32 to vector<16xi32>
      %and3A_269 = arith.andi %get3A_261, %and3A_268 : vector<16xi32>
      %swap3A_270 = arith.constant 32 : index
      %swap3A_271 = tpu.vector_load %arg9[%swap3A_270] {strides = array<i32>} : memref<128xi32, #tpu.memory_space<vmem>>, vector<16xi32>,
      tpu.vector_store %arg9[%swap3A_270], %and3A_269 {strides = array<i32>} : memref<128xi32, #tpu.memory_space<vmem>>, vector<16xi32>,
      %get3A_272 = arith.constant 176 : index
      %get3A_273 = tpu.vector_load %arg16[%get3A_272] {strides = array<i32>} : memref<20608xi32, #tpu.memory_space<vmem>>, vector<16xi32>,
      %shift_right_logical3A_274 = arith.constant 13 : i32
      %shift_right_logical3A_275 = vector.broadcast %shift_right_logical3A_274 : i32 to vector<16xi32>
      %shift_right_logical3A_276 = arith.shrui %get3A_273, %shift_right_logical3A_275 : vector<16xi32>
      %swap3A_277 = arith.constant 48 : index
      %swap3A_278 = tpu.vector_load %arg8[%swap3A_277] {strides = array<i32>} : memref<128xi32, #tpu.memory_space<vmem>>, vector<16xi32>,
      tpu.vector_store %arg8[%swap3A_277], %shift_right_logical3A_276 {strides = array<i32>} : memref<128xi32, #tpu.memory_space<vmem>>, vector<16xi32>,
      %and3A_279 = arith.constant 8191 : i32
      %and3A_280 = vector.broadcast %and3A_279 : i32 to vector<16xi32>
      %and3A_281 = arith.andi %get3A_273, %and3A_280 : vector<16xi32>
      %swap3A_282 = arith.constant 48 : index
      %swap3A_283 = tpu.vector_load %arg9[%swap3A_282] {strides = array<i32>} : memref<128xi32, #tpu.memory_space<vmem>>, vector<16xi32>,
      tpu.vector_store %arg9[%swap3A_282], %and3A_281 {strides = array<i32>} : memref<128xi32, #tpu.memory_space<vmem>>, vector<16xi32>,
      %get3A_284 = arith.constant 192 : index
      %get3A_285 = tpu.vector_load %arg16[%get3A_284] {strides = array<i32>} : memref<20608xi32, #tpu.memory_space<vmem>>, vector<16xi32>,
      %shift_right_logical3A_286 = arith.constant 13 : i32
      %shift_right_logical3A_287 = vector.broadcast %shift_right_logical3A_286 : i32 to vector<16xi32>
      %shift_right_logical3A_288 = arith.shrui %get3A_285, %shift_right_logical3A_287 : vector<16xi32>
      %swap3A_289 = arith.constant 64 : index
      %swap3A_290 = tpu.vector_load %arg8[%swap3A_289] {strides = array<i32>} : memref<128xi32, #tpu.memory_space<vmem>>, vector<16xi32>,
      tpu.vector_store %arg8[%swap3A_289], %shift_right_logical3A_288 {strides = array<i32>} : memref<128xi32, #tpu.memory_space<vmem>>, vector<16xi32>,
      %and3A_291 = arith.constant 8191 : i32
      %and3A_292 = vector.broadcast %and3A_291 : i32 to vector<16xi32>
      %and3A_293 = arith.andi %get3A_285, %and3A_292 : vector<16xi32>
      %swap3A_294 = arith.constant 64 : index
      %swap3A_295 = tpu.vector_load %arg9[%swap3A_294] {strides = array<i32>} : memref<128xi32, #tpu.memory_space<vmem>>, vector<16xi32>,
      tpu.vector_store %arg9[%swap3A_294], %and3A_293 {strides = array<i32>} : memref<128xi32, #tpu.memory_space<vmem>>, vector<16xi32>,
      %get3A_296 = arith.constant 208 : index
      %get3A_297 = tpu.vector_load %arg16[%get3A_296] {strides = array<i32>} : memref<20608xi32, #tpu.memory_space<vmem>>, vector<16xi32>,
      %shift_right_logical3A_298 = arith.constant 13 : i32
      %shift_right_logical3A_299 = vector.broadcast %shift_right_logical3A_298 : i32 to vector<16xi32>
      %shift_right_logical3A_300 = arith.shrui %get3A_297, %shift_right_logical3A_299 : vector<16xi32>
      %swap3A_301 = arith.constant 80 : index
      %swap3A_302 = tpu.vector_load %arg8[%swap3A_301] {strides = array<i32>} : memref<128xi32, #tpu.memory_space<vmem>>, vector<16xi32>,
      tpu.vector_store %arg8[%swap3A_301], %shift_right_logical3A_300 {strides = array<i32>} : memref<128xi32, #tpu.memory_space<vmem>>, vector<16xi32>,
      %and3A_303 = arith.constant 8191 : i32
      %and3A_304 = vector.broadcast %and3A_303 : i32 to vector<16xi32>
      %and3A_305 = arith.andi %get3A_297, %and3A_304 : vector<16xi32>
      %swap3A_306 = arith.constant 80 : index
      %swap3A_307 = tpu.vector_load %arg9[%swap3A_306] {strides = array<i32>} : memref<128xi32, #tpu.memory_space<vmem>>, vector<16xi32>,
      tpu.vector_store %arg9[%swap3A_306], %and3A_305 {strides = array<i32>} : memref<128xi32, #tpu.memory_space<vmem>>, vector<16xi32>,
      %get3A_308 = arith.constant 224 : index
      %get3A_309 = tpu.vector_load %arg16[%get3A_308] {strides = array<i32>} : memref<20608xi32, #tpu.memory_space<vmem>>, vector<16xi32>,
      %shift_right_logical3A_310 = arith.constant 13 : i32
      %shift_right_logical3A_311 = vector.broadcast %shift_right_logical3A_310 : i32 to vector<16xi32>
      %shift_right_logical3A_312 = arith.shrui %get3A_309, %shift_right_logical3A_311 : vector<16xi32>
      %swap3A_313 = arith.constant 96 : index
      %swap3A_314 = tpu.vector_load %arg8[%swap3A_313] {strides = array<i32>} : memref<128xi32, #tpu.memory_space<vmem>>, vector<16xi32>,
      tpu.vector_store %arg8[%swap3A_313], %shift_right_logical3A_312 {strides = array<i32>} : memref<128xi32, #tpu.memory_space<vmem>>, vector<16xi32>,
      %and3A_315 = arith.constant 8191 : i32
      %and3A_316 = vector.broadcast %and3A_315 : i32 to vector<16xi32>
      %and3A_317 = arith.andi %get3A_309, %and3A_316 : vector<16xi32>
      %swap3A_318 = arith.constant 96 : index
      %swap3A_319 = tpu.vector_load %arg9[%swap3A_318] {strides = array<i32>} : memref<128xi32, #tpu.memory_space<vmem>>, vector<16xi32>,
      tpu.vector_store %arg9[%swap3A_318], %and3A_317 {strides = array<i32>} : memref<128xi32, #tpu.memory_space<vmem>>, vector<16xi32>,
      %get3A_320 = arith.constant 240 : index
      %get3A_321 = tpu.vector_load %arg16[%get3A_320] {strides = array<i32>} : memref<20608xi32, #tpu.memory_space<vmem>>, vector<16xi32>,
      %shift_right_logical3A_322 = arith.constant 13 : i32
      %shift_right_logical3A_323 = vector.broadcast %shift_right_logical3A_322 : i32 to vector<16xi32>
      %shift_right_logical3A_324 = arith.shrui %get3A_321, %shift_right_logical3A_323 : vector<16xi32>
      %swap3A_325 = arith.constant 112 : index
      %swap3A_326 = tpu.vector_load %arg8[%swap3A_325] {strides = array<i32>} : memref<128xi32, #tpu.memory_space<vmem>>, vector<16xi32>,
      tpu.vector_store %arg8[%swap3A_325], %shift_right_logical3A_324 {strides = array<i32>} : memref<128xi32, #tpu.memory_space<vmem>>, vector<16xi32>,
      %and3A_327 = arith.constant 8191 : i32
      %and3A_328 = vector.broadcast %and3A_327 : i32 to vector<16xi32>
      %and3A_329 = arith.andi %get3A_321, %and3A_328 : vector<16xi32>
      %swap3A_330 = arith.constant 112 : index
      %swap3A_331 = tpu.vector_load %arg9[%swap3A_330] {strides = array<i32>} : memref<128xi32, #tpu.memory_space<vmem>>, vector<16xi32>,
      tpu.vector_store %arg9[%swap3A_330], %and3A_329 {strides = array<i32>} : memref<128xi32, #tpu.memory_space<vmem>>, vector<16xi32>,
      %dma_start3A = arith.constant 0 : i32
      %dma_start3A_332 = arith.constant 0 : i32
      %dma_start3A_333 = tpu.memref_slice %arg2[%dma_start3A, %dma_start3A_332] : memref<20000x128xf32, #tpu.memory_space<hbm>> -> memref<20000x128xf32, #tpu.memory_space<hbm>>
      tpu.enqueue_indirect_dma source(%dma_start3A_333 : memref<20000x128xf32, #tpu.memory_space<hbm>>) target(%arg13 : memref<128x128xf32, #tpu.memory_space<vmem>>) offsets(%arg8 : memref<128xi32, #tpu.memory_space<vmem>>) semaphore(%arg22 : memref<!tpu.dma_semaphore, #tpu.memory_space<semaphore_mem>>)
    } else {
    }
    %scan3A_105 = arith.constant 0 : i32
    %scan3A_106 = arith.constant 0 : i32
    %scan3A_107 = arith.constant 55 : i32
    %scan3A_108 = arith.addi %scan3A_106, %scan3A_107 : i32
    %scan3A_109 = arith.constant 1 : i32
    scf.for %scan3A_239 = %scan3A_106 to %scan3A_108 step %scan3A_109  : i32 {
      %mul3A_240 = arith.constant 3 : i32
      %mul3A_241 = arith.muli %scan3A_239, %mul3A_240 : i32
      %add3A_242 = arith.constant 0 : i32
      %add3A_243 = arith.addi %mul3A_241, %add3A_242 : i32
      %mul3A_244 = arith.constant 128 : i32
      %mul3A_245 = arith.muli %add3A_243, %mul3A_244 : i32
      %lt3A_246 = arith.cmpi slt, %mul3A_245, %scan3A_30 : i32
      %convert_element_type3A_247 = arith.extui %lt3A_246 : i1 to i32
      %cond3A_248 = arith.constant 0 : i32
      %cond3A_249 = arith.cmpi ne, %convert_element_type3A_247, %cond3A_248 : i32
      scf.if %cond3A_249 {
        %add3A_270 = arith.constant 2 : i32
        %add3A_271 = arith.addi %add3A_243, %add3A_270 : i32
        %mul3A_272 = arith.constant 128 : i32
        %mul3A_273 = arith.muli %add3A_271, %mul3A_272 : i32
        %lt3A_274 = arith.cmpi slt, %mul3A_273, %scan3A_30 : i32
        %convert_element_type3A_275 = arith.extui %lt3A_274 : i1 to i32
        %cond3A_276 = arith.constant 0 : i32
        %cond3A_277 = arith.cmpi ne, %convert_element_type3A_275, %cond3A_276 : i32
        scf.if %cond3A_277 {
          %add3A_280 = arith.constant 2 : i32
          %add3A_281 = arith.addi %add3A_243, %add3A_280 : i32
          %mul3A_282 = arith.constant 128 : i32
          %mul3A_283 = arith.muli %add3A_281, %mul3A_282 : i32
          %add3A_284 = arith.constant 0 : i32
          %add3A_285 = arith.addi %mul3A_283, %add3A_284 : i32
          %get3A = arith.index_cast %add3A_285 : i32 to index
          %get3A_286 = tpu.vector_load %arg16[%get3A] {strides = array<i32>} : memref<20608xi32, #tpu.memory_space<vmem>>, vector<16xi32>,
          %shift_right_logical3A = arith.constant 13 : i32
          %shift_right_logical3A_287 = vector.broadcast %shift_right_logical3A : i32 to vector<16xi32>
          %shift_right_logical3A_288 = arith.shrui %get3A_286, %shift_right_logical3A_287 : vector<16xi32>
          %swap3A_289 = arith.constant 0 : index
          %swap3A_290 = tpu.vector_load %arg10[%swap3A_289] {strides = array<i32>} : memref<128xi32, #tpu.memory_space<vmem>>, vector<16xi32>,
          tpu.vector_store %arg10[%swap3A_289], %shift_right_logical3A_288 {strides = array<i32>} : memref<128xi32, #tpu.memory_space<vmem>>, vector<16xi32>,
          %and3A = arith.constant 8191 : i32
          %and3A_291 = vector.broadcast %and3A : i32 to vector<16xi32>
          %and3A_292 = arith.andi %get3A_286, %and3A_291 : vector<16xi32>
          %swap3A_293 = arith.constant 0 : index
          %swap3A_294 = tpu.vector_load %arg11[%swap3A_293] {strides = array<i32>} : memref<128xi32, #tpu.memory_space<vmem>>, vector<16xi32>,
          tpu.vector_store %arg11[%swap3A_293], %and3A_292 {strides = array<i32>} : memref<128xi32, #tpu.memory_space<vmem>>, vector<16xi32>,
          %mul3A_295 = arith.constant 128 : i32
          %mul3A_296 = arith.muli %add3A_281, %mul3A_295 : i32
          %add3A_297 = arith.constant 16 : i32
          %add3A_298 = arith.addi %mul3A_296, %add3A_297 : i32
          %get3A_299 = arith.index_cast %add3A_298 : i32 to index
          %get3A_300 = tpu.vector_load %arg16[%get3A_299] {strides = array<i32>} : memref<20608xi32, #tpu.memory_space<vmem>>, vector<16xi32>,
          %shift_right_logical3A_301 = arith.constant 13 : i32
          %shift_right_logical3A_302 = vector.broadcast %shift_right_logical3A_301 : i32 to vector<16xi32>
          %shift_right_logical3A_303 = arith.shrui %get3A_300, %shift_right_logical3A_302 : vector<16xi32>
          %swap3A_304 = arith.constant 16 : index
          %swap3A_305 = tpu.vector_load %arg10[%swap3A_304] {strides = array<i32>} : memref<128xi32, #tpu.memory_space<vmem>>, vector<16xi32>,
          tpu.vector_store %arg10[%swap3A_304], %shift_right_logical3A_303 {strides = array<i32>} : memref<128xi32, #tpu.memory_space<vmem>>, vector<16xi32>,
          %and3A_306 = arith.constant 8191 : i32
          %and3A_307 = vector.broadcast %and3A_306 : i32 to vector<16xi32>
          %and3A_308 = arith.andi %get3A_300, %and3A_307 : vector<16xi32>
          %swap3A_309 = arith.constant 16 : index
          %swap3A_310 = tpu.vector_load %arg11[%swap3A_309] {strides = array<i32>} : memref<128xi32, #tpu.memory_space<vmem>>, vector<16xi32>,
          tpu.vector_store %arg11[%swap3A_309], %and3A_308 {strides = array<i32>} : memref<128xi32, #tpu.memory_space<vmem>>, vector<16xi32>,
          %mul3A_311 = arith.constant 128 : i32
          %mul3A_312 = arith.muli %add3A_281, %mul3A_311 : i32
          %add3A_313 = arith.constant 32 : i32
          %add3A_314 = arith.addi %mul3A_312, %add3A_313 : i32
          %get3A_315 = arith.index_cast %add3A_314 : i32 to index
          %get3A_316 = tpu.vector_load %arg16[%get3A_315] {strides = array<i32>} : memref<20608xi32, #tpu.memory_space<vmem>>, vector<16xi32>,
          %shift_right_logical3A_317 = arith.constant 13 : i32
          %shift_right_logical3A_318 = vector.broadcast %shift_right_logical3A_317 : i32 to vector<16xi32>
          %shift_right_logical3A_319 = arith.shrui %get3A_316, %shift_right_logical3A_318 : vector<16xi32>
          %swap3A_320 = arith.constant 32 : index
          %swap3A_321 = tpu.vector_load %arg10[%swap3A_320] {strides = array<i32>} : memref<128xi32, #tpu.memory_space<vmem>>, vector<16xi32>,
          tpu.vector_store %arg10[%swap3A_320], %shift_right_logical3A_319 {strides = array<i32>} : memref<128xi32, #tpu.memory_space<vmem>>, vector<16xi32>,
          %and3A_322 = arith.constant 8191 : i32
          %and3A_323 = vector.broadcast %and3A_322 : i32 to vector<16xi32>
          %and3A_324 = arith.andi %get3A_316, %and3A_323 : vector<16xi32>
          %swap3A_325 = arith.constant 32 : index
          %swap3A_326 = tpu.vector_load %arg11[%swap3A_325] {strides = array<i32>} : memref<128xi32, #tpu.memory_space<vmem>>, vector<16xi32>,
          tpu.vector_store %arg11[%swap3A_325], %and3A_324 {strides = array<i32>} : memref<128xi32, #tpu.memory_space<vmem>>, vector<16xi32>,
          %mul3A_327 = arith.constant 128 : i32
          %mul3A_328 = arith.muli %add3A_281, %mul3A_327 : i32
          %add3A_329 = arith.constant 48 : i32
          %add3A_330 = arith.addi %mul3A_328, %add3A_329 : i32
          %get3A_331 = arith.index_cast %add3A_330 : i32 to index
          %get3A_332 = tpu.vector_load %arg16[%get3A_331] {strides = array<i32>} : memref<20608xi32, #tpu.memory_space<vmem>>, vector<16xi32>,
          %shift_right_logical3A_333 = arith.constant 13 : i32
          %shift_right_logical3A_334 = vector.broadcast %shift_right_logical3A_333 : i32 to vector<16xi32>
          %shift_right_logical3A_335 = arith.shrui %get3A_332, %shift_right_logical3A_334 : vector<16xi32>
          %swap3A_336 = arith.constant 48 : index
          %swap3A_337 = tpu.vector_load %arg10[%swap3A_336] {strides = array<i32>} : memref<128xi32, #tpu.memory_space<vmem>>, vector<16xi32>,
          tpu.vector_store %arg10[%swap3A_336], %shift_right_logical3A_335 {strides = array<i32>} : memref<128xi32, #tpu.memory_space<vmem>>, vector<16xi32>,
          %and3A_338 = arith.constant 8191 : i32
          %and3A_339 = vector.broadcast %and3A_338 : i32 to vector<16xi32>
          %and3A_340 = arith.andi %get3A_332, %and3A_339 : vector<16xi32>
          %swap3A_341 = arith.constant 48 : index
          %swap3A_342 = tpu.vector_load %arg11[%swap3A_341] {strides = array<i32>} : memref<128xi32, #tpu.memory_space<vmem>>, vector<16xi32>,
          tpu.vector_store %arg11[%swap3A_341], %and3A_340 {strides = array<i32>} : memref<128xi32, #tpu.memory_space<vmem>>, vector<16xi32>,
          %mul3A_343 = arith.constant 128 : i32
          %mul3A_344 = arith.muli %add3A_281, %mul3A_343 : i32
          %add3A_345 = arith.constant 64 : i32
          %add3A_346 = arith.addi %mul3A_344, %add3A_345 : i32
          %get3A_347 = arith.index_cast %add3A_346 : i32 to index
          %get3A_348 = tpu.vector_load %arg16[%get3A_347] {strides = array<i32>} : memref<20608xi32, #tpu.memory_space<vmem>>, vector<16xi32>,
          %shift_right_logical3A_349 = arith.constant 13 : i32
          %shift_right_logical3A_350 = vector.broadcast %shift_right_logical3A_349 : i32 to vector<16xi32>
          %shift_right_logical3A_351 = arith.shrui %get3A_348, %shift_right_logical3A_350 : vector<16xi32>
          %swap3A_352 = arith.constant 64 : index
          %swap3A_353 = tpu.vector_load %arg10[%swap3A_352] {strides = array<i32>} : memref<128xi32, #tpu.memory_space<vmem>>, vector<16xi32>,
          tpu.vector_store %arg10[%swap3A_352], %shift_right_logical3A_351 {strides = array<i32>} : memref<128xi32, #tpu.memory_space<vmem>>, vector<16xi32>,
          %and3A_354 = arith.constant 8191 : i32
          %and3A_355 = vector.broadcast %and3A_354 : i32 to vector<16xi32>
          %and3A_356 = arith.andi %get3A_348, %and3A_355 : vector<16xi32>
          %swap3A_357 = arith.constant 64 : index
          %swap3A_358 = tpu.vector_load %arg11[%swap3A_357] {strides = array<i32>} : memref<128xi32, #tpu.memory_space<vmem>>, vector<16xi32>,
          tpu.vector_store %arg11[%swap3A_357], %and3A_356 {strides = array<i32>} : memref<128xi32, #tpu.memory_space<vmem>>, vector<16xi32>,
          %mul3A_359 = arith.constant 128 : i32
          %mul3A_360 = arith.muli %add3A_281, %mul3A_359 : i32
          %add3A_361 = arith.constant 80 : i32
          %add3A_362 = arith.addi %mul3A_360, %add3A_361 : i32
          %get3A_363 = arith.index_cast %add3A_362 : i32 to index
          %get3A_364 = tpu.vector_load %arg16[%get3A_363] {strides = array<i32>} : memref<20608xi32, #tpu.memory_space<vmem>>, vector<16xi32>,
          %shift_right_logical3A_365 = arith.constant 13 : i32
          %shift_right_logical3A_366 = vector.broadcast %shift_right_logical3A_365 : i32 to vector<16xi32>
          %shift_right_logical3A_367 = arith.shrui %get3A_364, %shift_right_logical3A_366 : vector<16xi32>
          %swap3A_368 = arith.constant 80 : index
          %swap3A_369 = tpu.vector_load %arg10[%swap3A_368] {strides = array<i32>} : memref<128xi32, #tpu.memory_space<vmem>>, vector<16xi32>,
          tpu.vector_store %arg10[%swap3A_368], %shift_right_logical3A_367 {strides = array<i32>} : memref<128xi32, #tpu.memory_space<vmem>>, vector<16xi32>,
          %and3A_370 = arith.constant 8191 : i32
          %and3A_371 = vector.broadcast %and3A_370 : i32 to vector<16xi32>
          %and3A_372 = arith.andi %get3A_364, %and3A_371 : vector<16xi32>
          %swap3A_373 = arith.constant 80 : index
          %swap3A_374 = tpu.vector_load %arg11[%swap3A_373] {strides = array<i32>} : memref<128xi32, #tpu.memory_space<vmem>>, vector<16xi32>,
          tpu.vector_store %arg11[%swap3A_373], %and3A_372 {strides = array<i32>} : memref<128xi32, #tpu.memory_space<vmem>>, vector<16xi32>,
          %mul3A_375 = arith.constant 128 : i32
          %mul3A_376 = arith.muli %add3A_281, %mul3A_375 : i32
          %add3A_377 = arith.constant 96 : i32
          %add3A_378 = arith.addi %mul3A_376, %add3A_377 : i32
          %get3A_379 = arith.index_cast %add3A_378 : i32 to index
          %get3A_380 = tpu.vector_load %arg16[%get3A_379] {strides = array<i32>} : memref<20608xi32, #tpu.memory_space<vmem>>, vector<16xi32>,
          %shift_right_logical3A_381 = arith.constant 13 : i32
          %shift_right_logical3A_382 = vector.broadcast %shift_right_logical3A_381 : i32 to vector<16xi32>
          %shift_right_logical3A_383 = arith.shrui %get3A_380, %shift_right_logical3A_382 : vector<16xi32>
          %swap3A_384 = arith.constant 96 : index
          %swap3A_385 = tpu.vector_load %arg10[%swap3A_384] {strides = array<i32>} : memref<128xi32, #tpu.memory_space<vmem>>, vector<16xi32>,
          tpu.vector_store %arg10[%swap3A_384], %shift_right_logical3A_383 {strides = array<i32>} : memref<128xi32, #tpu.memory_space<vmem>>, vector<16xi32>,
          %and3A_386 = arith.constant 8191 : i32
          %and3A_387 = vector.broadcast %and3A_386 : i32 to vector<16xi32>
          %and3A_388 = arith.andi %get3A_380, %and3A_387 : vector<16xi32>
          %swap3A_389 = arith.constant 96 : index
          %swap3A_390 = tpu.vector_load %arg11[%swap3A_389] {strides = array<i32>} : memref<128xi32, #tpu.memory_space<vmem>>, vector<16xi32>,
          tpu.vector_store %arg11[%swap3A_389], %and3A_388 {strides = array<i32>} : memref<128xi32, #tpu.memory_space<vmem>>, vector<16xi32>,
          %mul3A_391 = arith.constant 128 : i32
          %mul3A_392 = arith.muli %add3A_281, %mul3A_391 : i32
          %add3A_393 = arith.constant 112 : i32
          %add3A_394 = arith.addi %mul3A_392, %add3A_393 : i32
          %get3A_395 = arith.index_cast %add3A_394 : i32 to index
          %get3A_396 = tpu.vector_load %arg16[%get3A_395] {strides = array<i32>} : memref<20608xi32, #tpu.memory_space<vmem>>, vector<16xi32>,
          %shift_right_logical3A_397 = arith.constant 13 : i32
          %shift_right_logical3A_398 = vector.broadcast %shift_right_logical3A_397 : i32 to vector<16xi32>
          %shift_right_logical3A_399 = arith.shrui %get3A_396, %shift_right_logical3A_398 : vector<16xi32>
          %swap3A_400 = arith.constant 112 : index
          %swap3A_401 = tpu.vector_load %arg10[%swap3A_400] {strides = array<i32>} : memref<128xi32, #tpu.memory_space<vmem>>, vector<16xi32>,
          tpu.vector_store %arg10[%swap3A_400], %shift_right_logical3A_399 {strides = array<i32>} : memref<128xi32, #tpu.memory_space<vmem>>, vector<16xi32>,
          %and3A_402 = arith.constant 8191 : i32
          %and3A_403 = vector.broadcast %and3A_402 : i32 to vector<16xi32>
          %and3A_404 = arith.andi %get3A_396, %and3A_403 : vector<16xi32>
          %swap3A_405 = arith.constant 112 : index
          %swap3A_406 = tpu.vector_load %arg11[%swap3A_405] {strides = array<i32>} : memref<128xi32, #tpu.memory_space<vmem>>, vector<16xi32>,
          tpu.vector_store %arg11[%swap3A_405], %and3A_404 {strides = array<i32>} : memref<128xi32, #tpu.memory_space<vmem>>, vector<16xi32>,
          %dma_start3A = arith.constant 0 : i32
          %dma_start3A_407 = arith.constant 0 : i32
          %dma_start3A_408 = tpu.memref_slice %arg2[%dma_start3A, %dma_start3A_407] : memref<20000x128xf32, #tpu.memory_space<hbm>> -> memref<20000x128xf32, #tpu.memory_space<hbm>>
          tpu.enqueue_indirect_dma source(%dma_start3A_408 : memref<20000x128xf32, #tpu.memory_space<hbm>>) target(%arg14 : memref<128x128xf32, #tpu.memory_space<vmem>>) offsets(%arg10 : memref<128xi32, #tpu.memory_space<vmem>>) semaphore(%arg23 : memref<!tpu.dma_semaphore, #tpu.memory_space<semaphore_mem>>)
        } else {
        }
        %dma_wait3A = arith.constant 0 : i32
        %dma_wait3A_278 = arith.constant 0 : i32
        %dma_wait3A_279 = tpu.memref_slice %arg2[%dma_wait3A, %dma_wait3A_278] : memref<20000x128xf32, #tpu.memory_space<hbm>> -> memref<20000x128xf32, #tpu.memory_space<hbm>>
        tpu.wait_indirect_dma semaphore(%arg21 : memref<!tpu.dma_semaphore, #tpu.memory_space<semaphore_mem>>) src(%dma_wait3A_279 : memref<20000x128xf32, #tpu.memory_space<hbm>>) dst(%arg12 : memref<128x128xf32, #tpu.memory_space<vmem>>)
        "tpu.region"() ({
          %run_scoped3A = tpu.sem_alloc : memref<!tpu.dma_semaphore, #tpu.memory_space<semaphore_mem>>
          %dma_start3A = arith.constant 0 : i32
          %dma_start3A_280 = arith.constant 0 : i32
          %dma_start3A_281 = tpu.memref_slice %arg20[%dma_start3A, %dma_start3A_280] : memref<5128x128xf32, #tpu.memory_space<vmem_shared>> -> memref<5128x128xf32, #tpu.memory_space<vmem_shared>>
          tpu.enqueue_indirect_dma source(%arg12 : memref<128x128xf32, #tpu.memory_space<vmem>>) target(%dma_start3A_281 : memref<5128x128xf32, #tpu.memory_space<vmem_shared>>) offsets(%arg7 : memref<128xi32, #tpu.memory_space<vmem>>) semaphore(%run_scoped3A : memref<!tpu.dma_semaphore, #tpu.memory_space<semaphore_mem>>) {add = true}
          %dma_wait3A_282 = arith.constant 0 : i32
          %dma_wait3A_283 = arith.constant 0 : i32
          %dma_wait3A_284 = tpu.memref_slice %arg20[%dma_wait3A_282, %dma_wait3A_283] : memref<5128x128xf32, #tpu.memory_space<vmem_shared>> -> memref<5128x128xf32, #tpu.memory_space<vmem_shared>>
          tpu.wait_indirect_dma semaphore(%run_scoped3A : memref<!tpu.dma_semaphore, #tpu.memory_space<semaphore_mem>>) src(%arg12 : memref<128x128xf32, #tpu.memory_space<vmem>>) dst(%dma_wait3A_284 : memref<5128x128xf32, #tpu.memory_space<vmem_shared>>)
          tpu.yield
        }) : () -> ()
      } else {
      }
      %mul3A_250 = arith.constant 3 : i32
      %mul3A_251 = arith.muli %scan3A_239, %mul3A_250 : i32
      %add3A_252 = arith.constant 1 : i32
      %add3A_253 = arith.addi %mul3A_251, %add3A_252 : i32
      %mul3A_254 = arith.constant 128 : i32
      %mul3A_255 = arith.muli %add3A_253, %mul3A_254 : i32
      %lt3A_256 = arith.cmpi slt, %mul3A_255, %scan3A_30 : i32
      %convert_element_type3A_257 = arith.extui %lt3A_256 : i1 to i32
      %cond3A_258 = arith.constant 0 : i32
      %cond3A_259 = arith.cmpi ne, %convert_element_type3A_257, %cond3A_258 : i32
      scf.if %cond3A_259 {
        %add3A_270 = arith.constant 2 : i32
        %add3A_271 = arith.addi %add3A_253, %add3A_270 : i32
        %mul3A_272 = arith.constant 128 : i32
        %mul3A_273 = arith.muli %add3A_271, %mul3A_272 : i32
        %lt3A_274 = arith.cmpi slt, %mul3A_273, %scan3A_30 : i32
        %convert_element_type3A_275 = arith.extui %lt3A_274 : i1 to i32
        %cond3A_276 = arith.constant 0 : i32
        %cond3A_277 = arith.cmpi ne, %convert_element_type3A_275, %cond3A_276 : i32
        scf.if %cond3A_277 {
          %add3A_280 = arith.constant 2 : i32
          %add3A_281 = arith.addi %add3A_253, %add3A_280 : i32
          %mul3A_282 = arith.constant 128 : i32
          %mul3A_283 = arith.muli %add3A_281, %mul3A_282 : i32
          %add3A_284 = arith.constant 0 : i32
          %add3A_285 = arith.addi %mul3A_283, %add3A_284 : i32
          %get3A = arith.index_cast %add3A_285 : i32 to index
          %get3A_286 = tpu.vector_load %arg16[%get3A] {strides = array<i32>} : memref<20608xi32, #tpu.memory_space<vmem>>, vector<16xi32>,
          %shift_right_logical3A = arith.constant 13 : i32
          %shift_right_logical3A_287 = vector.broadcast %shift_right_logical3A : i32 to vector<16xi32>
          %shift_right_logical3A_288 = arith.shrui %get3A_286, %shift_right_logical3A_287 : vector<16xi32>
          %swap3A_289 = arith.constant 0 : index
          %swap3A_290 = tpu.vector_load %arg6[%swap3A_289] {strides = array<i32>} : memref<128xi32, #tpu.memory_space<vmem>>, vector<16xi32>,
          tpu.vector_store %arg6[%swap3A_289], %shift_right_logical3A_288 {strides = array<i32>} : memref<128xi32, #tpu.memory_space<vmem>>, vector<16xi32>,
          %and3A = arith.constant 8191 : i32
          %and3A_291 = vector.broadcast %and3A : i32 to vector<16xi32>
          %and3A_292 = arith.andi %get3A_286, %and3A_291 : vector<16xi32>
          %swap3A_293 = arith.constant 0 : index
          %swap3A_294 = tpu.vector_load %arg7[%swap3A_293] {strides = array<i32>} : memref<128xi32, #tpu.memory_space<vmem>>, vector<16xi32>,
          tpu.vector_store %arg7[%swap3A_293], %and3A_292 {strides = array<i32>} : memref<128xi32, #tpu.memory_space<vmem>>, vector<16xi32>,
          %mul3A_295 = arith.constant 128 : i32
          %mul3A_296 = arith.muli %add3A_281, %mul3A_295 : i32
          %add3A_297 = arith.constant 16 : i32
          %add3A_298 = arith.addi %mul3A_296, %add3A_297 : i32
          %get3A_299 = arith.index_cast %add3A_298 : i32 to index
          %get3A_300 = tpu.vector_load %arg16[%get3A_299] {strides = array<i32>} : memref<20608xi32, #tpu.memory_space<vmem>>, vector<16xi32>,
          %shift_right_logical3A_301 = arith.constant 13 : i32
          %shift_right_logical3A_302 = vector.broadcast %shift_right_logical3A_301 : i32 to vector<16xi32>
          %shift_right_logical3A_303 = arith.shrui %get3A_300, %shift_right_logical3A_302 : vector<16xi32>
          %swap3A_304 = arith.constant 16 : index
          %swap3A_305 = tpu.vector_load %arg6[%swap3A_304] {strides = array<i32>} : memref<128xi32, #tpu.memory_space<vmem>>, vector<16xi32>,
          tpu.vector_store %arg6[%swap3A_304], %shift_right_logical3A_303 {strides = array<i32>} : memref<128xi32, #tpu.memory_space<vmem>>, vector<16xi32>,
          %and3A_306 = arith.constant 8191 : i32
          %and3A_307 = vector.broadcast %and3A_306 : i32 to vector<16xi32>
          %and3A_308 = arith.andi %get3A_300, %and3A_307 : vector<16xi32>
          %swap3A_309 = arith.constant 16 : index
          %swap3A_310 = tpu.vector_load %arg7[%swap3A_309] {strides = array<i32>} : memref<128xi32, #tpu.memory_space<vmem>>, vector<16xi32>,
          tpu.vector_store %arg7[%swap3A_309], %and3A_308 {strides = array<i32>} : memref<128xi32, #tpu.memory_space<vmem>>, vector<16xi32>,
          %mul3A_311 = arith.constant 128 : i32
          %mul3A_312 = arith.muli %add3A_281, %mul3A_311 : i32
          %add3A_313 = arith.constant 32 : i32
          %add3A_314 = arith.addi %mul3A_312, %add3A_313 : i32
          %get3A_315 = arith.index_cast %add3A_314 : i32 to index
          %get3A_316 = tpu.vector_load %arg16[%get3A_315] {strides = array<i32>} : memref<20608xi32, #tpu.memory_space<vmem>>, vector<16xi32>,
          %shift_right_logical3A_317 = arith.constant 13 : i32
          %shift_right_logical3A_318 = vector.broadcast %shift_right_logical3A_317 : i32 to vector<16xi32>
          %shift_right_logical3A_319 = arith.shrui %get3A_316, %shift_right_logical3A_318 : vector<16xi32>
          %swap3A_320 = arith.constant 32 : index
          %swap3A_321 = tpu.vector_load %arg6[%swap3A_320] {strides = array<i32>} : memref<128xi32, #tpu.memory_space<vmem>>, vector<16xi32>,
          tpu.vector_store %arg6[%swap3A_320], %shift_right_logical3A_319 {strides = array<i32>} : memref<128xi32, #tpu.memory_space<vmem>>, vector<16xi32>,
          %and3A_322 = arith.constant 8191 : i32
          %and3A_323 = vector.broadcast %and3A_322 : i32 to vector<16xi32>
          %and3A_324 = arith.andi %get3A_316, %and3A_323 : vector<16xi32>
          %swap3A_325 = arith.constant 32 : index
          %swap3A_326 = tpu.vector_load %arg7[%swap3A_325] {strides = array<i32>} : memref<128xi32, #tpu.memory_space<vmem>>, vector<16xi32>,
          tpu.vector_store %arg7[%swap3A_325], %and3A_324 {strides = array<i32>} : memref<128xi32, #tpu.memory_space<vmem>>, vector<16xi32>,
          %mul3A_327 = arith.constant 128 : i32
          %mul3A_328 = arith.muli %add3A_281, %mul3A_327 : i32
          %add3A_329 = arith.constant 48 : i32
          %add3A_330 = arith.addi %mul3A_328, %add3A_329 : i32
          %get3A_331 = arith.index_cast %add3A_330 : i32 to index
          %get3A_332 = tpu.vector_load %arg16[%get3A_331] {strides = array<i32>} : memref<20608xi32, #tpu.memory_space<vmem>>, vector<16xi32>,
          %shift_right_logical3A_333 = arith.constant 13 : i32
          %shift_right_logical3A_334 = vector.broadcast %shift_right_logical3A_333 : i32 to vector<16xi32>
          %shift_right_logical3A_335 = arith.shrui %get3A_332, %shift_right_logical3A_334 : vector<16xi32>
          %swap3A_336 = arith.constant 48 : index
          %swap3A_337 = tpu.vector_load %arg6[%swap3A_336] {strides = array<i32>} : memref<128xi32, #tpu.memory_space<vmem>>, vector<16xi32>,
          tpu.vector_store %arg6[%swap3A_336], %shift_right_logical3A_335 {strides = array<i32>} : memref<128xi32, #tpu.memory_space<vmem>>, vector<16xi32>,
          %and3A_338 = arith.constant 8191 : i32
          %and3A_339 = vector.broadcast %and3A_338 : i32 to vector<16xi32>
          %and3A_340 = arith.andi %get3A_332, %and3A_339 : vector<16xi32>
          %swap3A_341 = arith.constant 48 : index
          %swap3A_342 = tpu.vector_load %arg7[%swap3A_341] {strides = array<i32>} : memref<128xi32, #tpu.memory_space<vmem>>, vector<16xi32>,
          tpu.vector_store %arg7[%swap3A_341], %and3A_340 {strides = array<i32>} : memref<128xi32, #tpu.memory_space<vmem>>, vector<16xi32>,
          %mul3A_343 = arith.constant 128 : i32
          %mul3A_344 = arith.muli %add3A_281, %mul3A_343 : i32
          %add3A_345 = arith.constant 64 : i32
          %add3A_346 = arith.addi %mul3A_344, %add3A_345 : i32
          %get3A_347 = arith.index_cast %add3A_346 : i32 to index
          %get3A_348 = tpu.vector_load %arg16[%get3A_347] {strides = array<i32>} : memref<20608xi32, #tpu.memory_space<vmem>>, vector<16xi32>,
          %shift_right_logical3A_349 = arith.constant 13 : i32
          %shift_right_logical3A_350 = vector.broadcast %shift_right_logical3A_349 : i32 to vector<16xi32>
          %shift_right_logical3A_351 = arith.shrui %get3A_348, %shift_right_logical3A_350 : vector<16xi32>
          %swap3A_352 = arith.constant 64 : index
          %swap3A_353 = tpu.vector_load %arg6[%swap3A_352] {strides = array<i32>} : memref<128xi32, #tpu.memory_space<vmem>>, vector<16xi32>,
          tpu.vector_store %arg6[%swap3A_352], %shift_right_logical3A_351 {strides = array<i32>} : memref<128xi32, #tpu.memory_space<vmem>>, vector<16xi32>,
          %and3A_354 = arith.constant 8191 : i32
          %and3A_355 = vector.broadcast %and3A_354 : i32 to vector<16xi32>
          %and3A_356 = arith.andi %get3A_348, %and3A_355 : vector<16xi32>
          %swap3A_357 = arith.constant 64 : index
          %swap3A_358 = tpu.vector_load %arg7[%swap3A_357] {strides = array<i32>} : memref<128xi32, #tpu.memory_space<vmem>>, vector<16xi32>,
          tpu.vector_store %arg7[%swap3A_357], %and3A_356 {strides = array<i32>} : memref<128xi32, #tpu.memory_space<vmem>>, vector<16xi32>,
          %mul3A_359 = arith.constant 128 : i32
          %mul3A_360 = arith.muli %add3A_281, %mul3A_359 : i32
          %add3A_361 = arith.constant 80 : i32
          %add3A_362 = arith.addi %mul3A_360, %add3A_361 : i32
          %get3A_363 = arith.index_cast %add3A_362 : i32 to index
          %get3A_364 = tpu.vector_load %arg16[%get3A_363] {strides = array<i32>} : memref<20608xi32, #tpu.memory_space<vmem>>, vector<16xi32>,
          %shift_right_logical3A_365 = arith.constant 13 : i32
          %shift_right_logical3A_366 = vector.broadcast %shift_right_logical3A_365 : i32 to vector<16xi32>
          %shift_right_logical3A_367 = arith.shrui %get3A_364, %shift_right_logical3A_366 : vector<16xi32>
          %swap3A_368 = arith.constant 80 : index
          %swap3A_369 = tpu.vector_load %arg6[%swap3A_368] {strides = array<i32>} : memref<128xi32, #tpu.memory_space<vmem>>, vector<16xi32>,
          tpu.vector_store %arg6[%swap3A_368], %shift_right_logical3A_367 {strides = array<i32>} : memref<128xi32, #tpu.memory_space<vmem>>, vector<16xi32>,
          %and3A_370 = arith.constant 8191 : i32
          %and3A_371 = vector.broadcast %and3A_370 : i32 to vector<16xi32>
          %and3A_372 = arith.andi %get3A_364, %and3A_371 : vector<16xi32>
          %swap3A_373 = arith.constant 80 : index
          %swap3A_374 = tpu.vector_load %arg7[%swap3A_373] {strides = array<i32>} : memref<128xi32, #tpu.memory_space<vmem>>, vector<16xi32>,
          tpu.vector_store %arg7[%swap3A_373], %and3A_372 {strides = array<i32>} : memref<128xi32, #tpu.memory_space<vmem>>, vector<16xi32>,
          %mul3A_375 = arith.constant 128 : i32
          %mul3A_376 = arith.muli %add3A_281, %mul3A_375 : i32
          %add3A_377 = arith.constant 96 : i32
          %add3A_378 = arith.addi %mul3A_376, %add3A_377 : i32
          %get3A_379 = arith.index_cast %add3A_378 : i32 to index
          %get3A_380 = tpu.vector_load %arg16[%get3A_379] {strides = array<i32>} : memref<20608xi32, #tpu.memory_space<vmem>>, vector<16xi32>,
          %shift_right_logical3A_381 = arith.constant 13 : i32
          %shift_right_logical3A_382 = vector.broadcast %shift_right_logical3A_381 : i32 to vector<16xi32>
          %shift_right_logical3A_383 = arith.shrui %get3A_380, %shift_right_logical3A_382 : vector<16xi32>
          %swap3A_384 = arith.constant 96 : index
          %swap3A_385 = tpu.vector_load %arg6[%swap3A_384] {strides = array<i32>} : memref<128xi32, #tpu.memory_space<vmem>>, vector<16xi32>,
          tpu.vector_store %arg6[%swap3A_384], %shift_right_logical3A_383 {strides = array<i32>} : memref<128xi32, #tpu.memory_space<vmem>>, vector<16xi32>,
          %and3A_386 = arith.constant 8191 : i32
          %and3A_387 = vector.broadcast %and3A_386 : i32 to vector<16xi32>
          %and3A_388 = arith.andi %get3A_380, %and3A_387 : vector<16xi32>
          %swap3A_389 = arith.constant 96 : index
          %swap3A_390 = tpu.vector_load %arg7[%swap3A_389] {strides = array<i32>} : memref<128xi32, #tpu.memory_space<vmem>>, vector<16xi32>,
          tpu.vector_store %arg7[%swap3A_389], %and3A_388 {strides = array<i32>} : memref<128xi32, #tpu.memory_space<vmem>>, vector<16xi32>,
          %mul3A_391 = arith.constant 128 : i32
          %mul3A_392 = arith.muli %add3A_281, %mul3A_391 : i32
          %add3A_393 = arith.constant 112 : i32
          %add3A_394 = arith.addi %mul3A_392, %add3A_393 : i32
          %get3A_395 = arith.index_cast %add3A_394 : i32 to index
          %get3A_396 = tpu.vector_load %arg16[%get3A_395] {strides = array<i32>} : memref<20608xi32, #tpu.memory_space<vmem>>, vector<16xi32>,
          %shift_right_logical3A_397 = arith.constant 13 : i32
          %shift_right_logical3A_398 = vector.broadcast %shift_right_logical3A_397 : i32 to vector<16xi32>
          %shift_right_logical3A_399 = arith.shrui %get3A_396, %shift_right_logical3A_398 : vector<16xi32>
          %swap3A_400 = arith.constant 112 : index
          %swap3A_401 = tpu.vector_load %arg6[%swap3A_400] {strides = array<i32>} : memref<128xi32, #tpu.memory_space<vmem>>, vector<16xi32>,
          tpu.vector_store %arg6[%swap3A_400], %shift_right_logical3A_399 {strides = array<i32>} : memref<128xi32, #tpu.memory_space<vmem>>, vector<16xi32>,
          %and3A_402 = arith.constant 8191 : i32
          %and3A_403 = vector.broadcast %and3A_402 : i32 to vector<16xi32>
          %and3A_404 = arith.andi %get3A_396, %and3A_403 : vector<16xi32>
          %swap3A_405 = arith.constant 112 : index
          %swap3A_406 = tpu.vector_load %arg7[%swap3A_405] {strides = array<i32>} : memref<128xi32, #tpu.memory_space<vmem>>, vector<16xi32>,
          tpu.vector_store %arg7[%swap3A_405], %and3A_404 {strides = array<i32>} : memref<128xi32, #tpu.memory_space<vmem>>, vector<16xi32>,
          %dma_start3A = arith.constant 0 : i32
          %dma_start3A_407 = arith.constant 0 : i32
          %dma_start3A_408 = tpu.memref_slice %arg2[%dma_start3A, %dma_start3A_407] : memref<20000x128xf32, #tpu.memory_space<hbm>> -> memref<20000x128xf32, #tpu.memory_space<hbm>>
          tpu.enqueue_indirect_dma source(%dma_start3A_408 : memref<20000x128xf32, #tpu.memory_space<hbm>>) target(%arg12 : memref<128x128xf32, #tpu.memory_space<vmem>>) offsets(%arg6 : memref<128xi32, #tpu.memory_space<vmem>>) semaphore(%arg21 : memref<!tpu.dma_semaphore, #tpu.memory_space<semaphore_mem>>)
        } else {
        }
        %dma_wait3A = arith.constant 0 : i32
        %dma_wait3A_278 = arith.constant 0 : i32
        %dma_wait3A_279 = tpu.memref_slice %arg2[%dma_wait3A, %dma_wait3A_278] : memref<20000x128xf32, #tpu.memory_space<hbm>> -> memref<20000x128xf32, #tpu.memory_space<hbm>>
        tpu.wait_indirect_dma semaphore(%arg22 : memref<!tpu.dma_semaphore, #tpu.memory_space<semaphore_mem>>) src(%dma_wait3A_279 : memref<20000x128xf32, #tpu.memory_space<hbm>>) dst(%arg13 : memref<128x128xf32, #tpu.memory_space<vmem>>)
        "tpu.region"() ({
          %run_scoped3A = tpu.sem_alloc : memref<!tpu.dma_semaphore, #tpu.memory_space<semaphore_mem>>
          %dma_start3A = arith.constant 0 : i32
          %dma_start3A_280 = arith.constant 0 : i32
          %dma_start3A_281 = tpu.memref_slice %arg20[%dma_start3A, %dma_start3A_280] : memref<5128x128xf32, #tpu.memory_space<vmem_shared>> -> memref<5128x128xf32, #tpu.memory_space<vmem_shared>>
          tpu.enqueue_indirect_dma source(%arg13 : memref<128x128xf32, #tpu.memory_space<vmem>>) target(%dma_start3A_281 : memref<5128x128xf32, #tpu.memory_space<vmem_shared>>) offsets(%arg9 : memref<128xi32, #tpu.memory_space<vmem>>) semaphore(%run_scoped3A : memref<!tpu.dma_semaphore, #tpu.memory_space<semaphore_mem>>) {add = true}
          %dma_wait3A_282 = arith.constant 0 : i32
          %dma_wait3A_283 = arith.constant 0 : i32
          %dma_wait3A_284 = tpu.memref_slice %arg20[%dma_wait3A_282, %dma_wait3A_283] : memref<5128x128xf32, #tpu.memory_space<vmem_shared>> -> memref<5128x128xf32, #tpu.memory_space<vmem_shared>>
          tpu.wait_indirect_dma semaphore(%run_scoped3A : memref<!tpu.dma_semaphore, #tpu.memory_space<semaphore_mem>>) src(%arg13 : memref<128x128xf32, #tpu.memory_space<vmem>>) dst(%dma_wait3A_284 : memref<5128x128xf32, #tpu.memory_space<vmem_shared>>)
          tpu.yield
        }) : () -> ()
      } else {
      }
      %mul3A_260 = arith.constant 3 : i32
      %mul3A_261 = arith.muli %scan3A_239, %mul3A_260 : i32
      %add3A_262 = arith.constant 2 : i32
      %add3A_263 = arith.addi %mul3A_261, %add3A_262 : i32
      %mul3A_264 = arith.constant 128 : i32
      %mul3A_265 = arith.muli %add3A_263, %mul3A_264 : i32
      %lt3A_266 = arith.cmpi slt, %mul3A_265, %scan3A_30 : i32
      %convert_element_type3A_267 = arith.extui %lt3A_266 : i1 to i32
      %cond3A_268 = arith.constant 0 : i32
      %cond3A_269 = arith.cmpi ne, %convert_element_type3A_267, %cond3A_268 : i32
      scf.if %cond3A_269 {
        %add3A_270 = arith.constant 2 : i32
        %add3A_271 = arith.addi %add3A_263, %add3A_270 : i32
        %mul3A_272 = arith.constant 128 : i32
        %mul3A_273 = arith.muli %add3A_271, %mul3A_272 : i32
        %lt3A_274 = arith.cmpi slt, %mul3A_273, %scan3A_30 : i32
        %convert_element_type3A_275 = arith.extui %lt3A_274 : i1 to i32
        %cond3A_276 = arith.constant 0 : i32
        %cond3A_277 = arith.cmpi ne, %convert_element_type3A_275, %cond3A_276 : i32
        scf.if %cond3A_277 {
          %add3A_280 = arith.constant 2 : i32
          %add3A_281 = arith.addi %add3A_263, %add3A_280 : i32
          %mul3A_282 = arith.constant 128 : i32
          %mul3A_283 = arith.muli %add3A_281, %mul3A_282 : i32
          %add3A_284 = arith.constant 0 : i32
          %add3A_285 = arith.addi %mul3A_283, %add3A_284 : i32
          %get3A = arith.index_cast %add3A_285 : i32 to index
          %get3A_286 = tpu.vector_load %arg16[%get3A] {strides = array<i32>} : memref<20608xi32, #tpu.memory_space<vmem>>, vector<16xi32>,
          %shift_right_logical3A = arith.constant 13 : i32
          %shift_right_logical3A_287 = vector.broadcast %shift_right_logical3A : i32 to vector<16xi32>
          %shift_right_logical3A_288 = arith.shrui %get3A_286, %shift_right_logical3A_287 : vector<16xi32>
          %swap3A_289 = arith.constant 0 : index
          %swap3A_290 = tpu.vector_load %arg8[%swap3A_289] {strides = array<i32>} : memref<128xi32, #tpu.memory_space<vmem>>, vector<16xi32>,
          tpu.vector_store %arg8[%swap3A_289], %shift_right_logical3A_288 {strides = array<i32>} : memref<128xi32, #tpu.memory_space<vmem>>, vector<16xi32>,
          %and3A = arith.constant 8191 : i32
          %and3A_291 = vector.broadcast %and3A : i32 to vector<16xi32>
          %and3A_292 = arith.andi %get3A_286, %and3A_291 : vector<16xi32>
          %swap3A_293 = arith.constant 0 : index
          %swap3A_294 = tpu.vector_load %arg9[%swap3A_293] {strides = array<i32>} : memref<128xi32, #tpu.memory_space<vmem>>, vector<16xi32>,
          tpu.vector_store %arg9[%swap3A_293], %and3A_292 {strides = array<i32>} : memref<128xi32, #tpu.memory_space<vmem>>, vector<16xi32>,
          %mul3A_295 = arith.constant 128 : i32
          %mul3A_296 = arith.muli %add3A_281, %mul3A_295 : i32
          %add3A_297 = arith.constant 16 : i32
          %add3A_298 = arith.addi %mul3A_296, %add3A_297 : i32
          %get3A_299 = arith.index_cast %add3A_298 : i32 to index
          %get3A_300 = tpu.vector_load %arg16[%get3A_299] {strides = array<i32>} : memref<20608xi32, #tpu.memory_space<vmem>>, vector<16xi32>,
          %shift_right_logical3A_301 = arith.constant 13 : i32
          %shift_right_logical3A_302 = vector.broadcast %shift_right_logical3A_301 : i32 to vector<16xi32>
          %shift_right_logical3A_303 = arith.shrui %get3A_300, %shift_right_logical3A_302 : vector<16xi32>
          %swap3A_304 = arith.constant 16 : index
          %swap3A_305 = tpu.vector_load %arg8[%swap3A_304] {strides = array<i32>} : memref<128xi32, #tpu.memory_space<vmem>>, vector<16xi32>,
          tpu.vector_store %arg8[%swap3A_304], %shift_right_logical3A_303 {strides = array<i32>} : memref<128xi32, #tpu.memory_space<vmem>>, vector<16xi32>,
          %and3A_306 = arith.constant 8191 : i32
          %and3A_307 = vector.broadcast %and3A_306 : i32 to vector<16xi32>
          %and3A_308 = arith.andi %get3A_300, %and3A_307 : vector<16xi32>
          %swap3A_309 = arith.constant 16 : index
          %swap3A_310 = tpu.vector_load %arg9[%swap3A_309] {strides = array<i32>} : memref<128xi32, #tpu.memory_space<vmem>>, vector<16xi32>,
          tpu.vector_store %arg9[%swap3A_309], %and3A_308 {strides = array<i32>} : memref<128xi32, #tpu.memory_space<vmem>>, vector<16xi32>,
          %mul3A_311 = arith.constant 128 : i32
          %mul3A_312 = arith.muli %add3A_281, %mul3A_311 : i32
          %add3A_313 = arith.constant 32 : i32
          %add3A_314 = arith.addi %mul3A_312, %add3A_313 : i32
          %get3A_315 = arith.index_cast %add3A_314 : i32 to index
          %get3A_316 = tpu.vector_load %arg16[%get3A_315] {strides = array<i32>} : memref<20608xi32, #tpu.memory_space<vmem>>, vector<16xi32>,
          %shift_right_logical3A_317 = arith.constant 13 : i32
          %shift_right_logical3A_318 = vector.broadcast %shift_right_logical3A_317 : i32 to vector<16xi32>
          %shift_right_logical3A_319 = arith.shrui %get3A_316, %shift_right_logical3A_318 : vector<16xi32>
          %swap3A_320 = arith.constant 32 : index
          %swap3A_321 = tpu.vector_load %arg8[%swap3A_320] {strides = array<i32>} : memref<128xi32, #tpu.memory_space<vmem>>, vector<16xi32>,
          tpu.vector_store %arg8[%swap3A_320], %shift_right_logical3A_319 {strides = array<i32>} : memref<128xi32, #tpu.memory_space<vmem>>, vector<16xi32>,
          %and3A_322 = arith.constant 8191 : i32
          %and3A_323 = vector.broadcast %and3A_322 : i32 to vector<16xi32>
          %and3A_324 = arith.andi %get3A_316, %and3A_323 : vector<16xi32>
          %swap3A_325 = arith.constant 32 : index
          %swap3A_326 = tpu.vector_load %arg9[%swap3A_325] {strides = array<i32>} : memref<128xi32, #tpu.memory_space<vmem>>, vector<16xi32>,
          tpu.vector_store %arg9[%swap3A_325], %and3A_324 {strides = array<i32>} : memref<128xi32, #tpu.memory_space<vmem>>, vector<16xi32>,
          %mul3A_327 = arith.constant 128 : i32
          %mul3A_328 = arith.muli %add3A_281, %mul3A_327 : i32
          %add3A_329 = arith.constant 48 : i32
          %add3A_330 = arith.addi %mul3A_328, %add3A_329 : i32
          %get3A_331 = arith.index_cast %add3A_330 : i32 to index
          %get3A_332 = tpu.vector_load %arg16[%get3A_331] {strides = array<i32>} : memref<20608xi32, #tpu.memory_space<vmem>>, vector<16xi32>,
          %shift_right_logical3A_333 = arith.constant 13 : i32
          %shift_right_logical3A_334 = vector.broadcast %shift_right_logical3A_333 : i32 to vector<16xi32>
          %shift_right_logical3A_335 = arith.shrui %get3A_332, %shift_right_logical3A_334 : vector<16xi32>
          %swap3A_336 = arith.constant 48 : index
          %swap3A_337 = tpu.vector_load %arg8[%swap3A_336] {strides = array<i32>} : memref<128xi32, #tpu.memory_space<vmem>>, vector<16xi32>,
          tpu.vector_store %arg8[%swap3A_336], %shift_right_logical3A_335 {strides = array<i32>} : memref<128xi32, #tpu.memory_space<vmem>>, vector<16xi32>,
          %and3A_338 = arith.constant 8191 : i32
          %and3A_339 = vector.broadcast %and3A_338 : i32 to vector<16xi32>
          %and3A_340 = arith.andi %get3A_332, %and3A_339 : vector<16xi32>
          %swap3A_341 = arith.constant 48 : index
          %swap3A_342 = tpu.vector_load %arg9[%swap3A_341] {strides = array<i32>} : memref<128xi32, #tpu.memory_space<vmem>>, vector<16xi32>,
          tpu.vector_store %arg9[%swap3A_341], %and3A_340 {strides = array<i32>} : memref<128xi32, #tpu.memory_space<vmem>>, vector<16xi32>,
          %mul3A_343 = arith.constant 128 : i32
          %mul3A_344 = arith.muli %add3A_281, %mul3A_343 : i32
          %add3A_345 = arith.constant 64 : i32
          %add3A_346 = arith.addi %mul3A_344, %add3A_345 : i32
          %get3A_347 = arith.index_cast %add3A_346 : i32 to index
          %get3A_348 = tpu.vector_load %arg16[%get3A_347] {strides = array<i32>} : memref<20608xi32, #tpu.memory_space<vmem>>, vector<16xi32>,
          %shift_right_logical3A_349 = arith.constant 13 : i32
          %shift_right_logical3A_350 = vector.broadcast %shift_right_logical3A_349 : i32 to vector<16xi32>
          %shift_right_logical3A_351 = arith.shrui %get3A_348, %shift_right_logical3A_350 : vector<16xi32>
          %swap3A_352 = arith.constant 64 : index
          %swap3A_353 = tpu.vector_load %arg8[%swap3A_352] {strides = array<i32>} : memref<128xi32, #tpu.memory_space<vmem>>, vector<16xi32>,
          tpu.vector_store %arg8[%swap3A_352], %shift_right_logical3A_351 {strides = array<i32>} : memref<128xi32, #tpu.memory_space<vmem>>, vector<16xi32>,
          %and3A_354 = arith.constant 8191 : i32
          %and3A_355 = vector.broadcast %and3A_354 : i32 to vector<16xi32>
          %and3A_356 = arith.andi %get3A_348, %and3A_355 : vector<16xi32>
          %swap3A_357 = arith.constant 64 : index
          %swap3A_358 = tpu.vector_load %arg9[%swap3A_357] {strides = array<i32>} : memref<128xi32, #tpu.memory_space<vmem>>, vector<16xi32>,
          tpu.vector_store %arg9[%swap3A_357], %and3A_356 {strides = array<i32>} : memref<128xi32, #tpu.memory_space<vmem>>, vector<16xi32>,
          %mul3A_359 = arith.constant 128 : i32
          %mul3A_360 = arith.muli %add3A_281, %mul3A_359 : i32
          %add3A_361 = arith.constant 80 : i32
          %add3A_362 = arith.addi %mul3A_360, %add3A_361 : i32
          %get3A_363 = arith.index_cast %add3A_362 : i32 to index
          %get3A_364 = tpu.vector_load %arg16[%get3A_363] {strides = array<i32>} : memref<20608xi32, #tpu.memory_space<vmem>>, vector<16xi32>,
          %shift_right_logical3A_365 = arith.constant 13 : i32
          %shift_right_logical3A_366 = vector.broadcast %shift_right_logical3A_365 : i32 to vector<16xi32>
          %shift_right_logical3A_367 = arith.shrui %get3A_364, %shift_right_logical3A_366 : vector<16xi32>
          %swap3A_368 = arith.constant 80 : index
          %swap3A_369 = tpu.vector_load %arg8[%swap3A_368] {strides = array<i32>} : memref<128xi32, #tpu.memory_space<vmem>>, vector<16xi32>,
          tpu.vector_store %arg8[%swap3A_368], %shift_right_logical3A_367 {strides = array<i32>} : memref<128xi32, #tpu.memory_space<vmem>>, vector<16xi32>,
          %and3A_370 = arith.constant 8191 : i32
          %and3A_371 = vector.broadcast %and3A_370 : i32 to vector<16xi32>
          %and3A_372 = arith.andi %get3A_364, %and3A_371 : vector<16xi32>
          %swap3A_373 = arith.constant 80 : index
          %swap3A_374 = tpu.vector_load %arg9[%swap3A_373] {strides = array<i32>} : memref<128xi32, #tpu.memory_space<vmem>>, vector<16xi32>,
          tpu.vector_store %arg9[%swap3A_373], %and3A_372 {strides = array<i32>} : memref<128xi32, #tpu.memory_space<vmem>>, vector<16xi32>,
          %mul3A_375 = arith.constant 128 : i32
          %mul3A_376 = arith.muli %add3A_281, %mul3A_375 : i32
          %add3A_377 = arith.constant 96 : i32
          %add3A_378 = arith.addi %mul3A_376, %add3A_377 : i32
          %get3A_379 = arith.index_cast %add3A_378 : i32 to index
          %get3A_380 = tpu.vector_load %arg16[%get3A_379] {strides = array<i32>} : memref<20608xi32, #tpu.memory_space<vmem>>, vector<16xi32>,
          %shift_right_logical3A_381 = arith.constant 13 : i32
          %shift_right_logical3A_382 = vector.broadcast %shift_right_logical3A_381 : i32 to vector<16xi32>
          %shift_right_logical3A_383 = arith.shrui %get3A_380, %shift_right_logical3A_382 : vector<16xi32>
          %swap3A_384 = arith.constant 96 : index
          %swap3A_385 = tpu.vector_load %arg8[%swap3A_384] {strides = array<i32>} : memref<128xi32, #tpu.memory_space<vmem>>, vector<16xi32>,
          tpu.vector_store %arg8[%swap3A_384], %shift_right_logical3A_383 {strides = array<i32>} : memref<128xi32, #tpu.memory_space<vmem>>, vector<16xi32>,
          %and3A_386 = arith.constant 8191 : i32
          %and3A_387 = vector.broadcast %and3A_386 : i32 to vector<16xi32>
          %and3A_388 = arith.andi %get3A_380, %and3A_387 : vector<16xi32>
          %swap3A_389 = arith.constant 96 : index
          %swap3A_390 = tpu.vector_load %arg9[%swap3A_389] {strides = array<i32>} : memref<128xi32, #tpu.memory_space<vmem>>, vector<16xi32>,
          tpu.vector_store %arg9[%swap3A_389], %and3A_388 {strides = array<i32>} : memref<128xi32, #tpu.memory_space<vmem>>, vector<16xi32>,
          %mul3A_391 = arith.constant 128 : i32
          %mul3A_392 = arith.muli %add3A_281, %mul3A_391 : i32
          %add3A_393 = arith.constant 112 : i32
          %add3A_394 = arith.addi %mul3A_392, %add3A_393 : i32
          %get3A_395 = arith.index_cast %add3A_394 : i32 to index
          %get3A_396 = tpu.vector_load %arg16[%get3A_395] {strides = array<i32>} : memref<20608xi32, #tpu.memory_space<vmem>>, vector<16xi32>,
          %shift_right_logical3A_397 = arith.constant 13 : i32
          %shift_right_logical3A_398 = vector.broadcast %shift_right_logical3A_397 : i32 to vector<16xi32>
          %shift_right_logical3A_399 = arith.shrui %get3A_396, %shift_right_logical3A_398 : vector<16xi32>
          %swap3A_400 = arith.constant 112 : index
          %swap3A_401 = tpu.vector_load %arg8[%swap3A_400] {strides = array<i32>} : memref<128xi32, #tpu.memory_space<vmem>>, vector<16xi32>,
          tpu.vector_store %arg8[%swap3A_400], %shift_right_logical3A_399 {strides = array<i32>} : memref<128xi32, #tpu.memory_space<vmem>>, vector<16xi32>,
          %and3A_402 = arith.constant 8191 : i32
          %and3A_403 = vector.broadcast %and3A_402 : i32 to vector<16xi32>
          %and3A_404 = arith.andi %get3A_396, %and3A_403 : vector<16xi32>
          %swap3A_405 = arith.constant 112 : index
          %swap3A_406 = tpu.vector_load %arg9[%swap3A_405] {strides = array<i32>} : memref<128xi32, #tpu.memory_space<vmem>>, vector<16xi32>,
          tpu.vector_store %arg9[%swap3A_405], %and3A_404 {strides = array<i32>} : memref<128xi32, #tpu.memory_space<vmem>>, vector<16xi32>,
          %dma_start3A = arith.constant 0 : i32
          %dma_start3A_407 = arith.constant 0 : i32
          %dma_start3A_408 = tpu.memref_slice %arg2[%dma_start3A, %dma_start3A_407] : memref<20000x128xf32, #tpu.memory_space<hbm>> -> memref<20000x128xf32, #tpu.memory_space<hbm>>
          tpu.enqueue_indirect_dma source(%dma_start3A_408 : memref<20000x128xf32, #tpu.memory_space<hbm>>) target(%arg13 : memref<128x128xf32, #tpu.memory_space<vmem>>) offsets(%arg8 : memref<128xi32, #tpu.memory_space<vmem>>) semaphore(%arg22 : memref<!tpu.dma_semaphore, #tpu.memory_space<semaphore_mem>>)
        } else {
        }
        %dma_wait3A = arith.constant 0 : i32
        %dma_wait3A_278 = arith.constant 0 : i32
        %dma_wait3A_279 = tpu.memref_slice %arg2[%dma_wait3A, %dma_wait3A_278] : memref<20000x128xf32, #tpu.memory_space<hbm>> -> memref<20000x128xf32, #tpu.memory_space<hbm>>
        tpu.wait_indirect_dma semaphore(%arg23 : memref<!tpu.dma_semaphore, #tpu.memory_space<semaphore_mem>>) src(%dma_wait3A_279 : memref<20000x128xf32, #tpu.memory_space<hbm>>) dst(%arg14 : memref<128x128xf32, #tpu.memory_space<vmem>>)
        "tpu.region"() ({
          %run_scoped3A = tpu.sem_alloc : memref<!tpu.dma_semaphore, #tpu.memory_space<semaphore_mem>>
          %dma_start3A = arith.constant 0 : i32
          %dma_start3A_280 = arith.constant 0 : i32
          %dma_start3A_281 = tpu.memref_slice %arg20[%dma_start3A, %dma_start3A_280] : memref<5128x128xf32, #tpu.memory_space<vmem_shared>> -> memref<5128x128xf32, #tpu.memory_space<vmem_shared>>
          tpu.enqueue_indirect_dma source(%arg14 : memref<128x128xf32, #tpu.memory_space<vmem>>) target(%dma_start3A_281 : memref<5128x128xf32, #tpu.memory_space<vmem_shared>>) offsets(%arg11 : memref<128xi32, #tpu.memory_space<vmem>>) semaphore(%run_scoped3A : memref<!tpu.dma_semaphore, #tpu.memory_space<semaphore_mem>>) {add = true}
          %dma_wait3A_282 = arith.constant 0 : i32
          %dma_wait3A_283 = arith.constant 0 : i32
          %dma_wait3A_284 = tpu.memref_slice %arg20[%dma_wait3A_282, %dma_wait3A_283] : memref<5128x128xf32, #tpu.memory_space<vmem_shared>> -> memref<5128x128xf32, #tpu.memory_space<vmem_shared>>
          tpu.wait_indirect_dma semaphore(%run_scoped3A : memref<!tpu.dma_semaphore, #tpu.memory_space<semaphore_mem>>) src(%arg14 : memref<128x128xf32, #tpu.memory_space<vmem>>) dst(%dma_wait3A_284 : memref<5128x128xf32, #tpu.memory_space<vmem_shared>>)
          tpu.yield
        }) : () -> ()
      } else {
      }
    }
    %scan3A_110 = arith.constant 55 : i32
    %barrier3A_111 = arith.constant 0 : index
    tpu.barrier barrier_id(%barrier3A_111)
    %mul3A_112 = arith.constant 320 : i32
    %mul3A_113 = arith.muli %arg1, %mul3A_112 : i32
    %mul3A_114 = arith.constant 320 : i32
    %mul3A_115 = arith.muli %arg1, %mul3A_114 : i32
    "tpu.region"() ({
      %run_scoped3A = tpu.sem_alloc : memref<!tpu.dma_semaphore, #tpu.memory_space<semaphore_mem>>
      %dma_start3A = arith.constant 0 : i32
      %dma_start3A_239 = tpu.memref_slice %arg5[%arg0, %mul3A_115, %dma_start3A] : memref<2x10000x128xf32, #tpu.memory_space<hbm>> -> memref<1x320x128xf32, #tpu.memory_space<hbm>>
      %dma_start3A_240 = tpu.memref_squeeze %dma_start3A_239 : memref<1x320x128xf32, #tpu.memory_space<hbm>> -> memref<320x128xf32, #tpu.memory_space<hbm>>
      %dma_start3A_241 = arith.constant 0 : i32
      %dma_start3A_242 = tpu.memref_slice %arg20[%mul3A_113, %dma_start3A_241] : memref<5128x128xf32, #tpu.memory_space<vmem_shared>> -> memref<320x128xf32, #tpu.memory_space<vmem_shared>>
      tpu.enqueue_dma source(%dma_start3A_242 : memref<320x128xf32, #tpu.memory_space<vmem_shared>>) target(%dma_start3A_240 : memref<320x128xf32, #tpu.memory_space<hbm>>) target_semaphore(%run_scoped3A : memref<!tpu.dma_semaphore, #tpu.memory_space<semaphore_mem>>)
      %dma_wait3A = arith.constant 0 : i32
      %dma_wait3A_243 = tpu.memref_slice %arg5[%arg0, %mul3A_115, %dma_wait3A] : memref<2x10000x128xf32, #tpu.memory_space<hbm>> -> memref<1x320x128xf32, #tpu.memory_space<hbm>>
      %dma_wait3A_244 = tpu.memref_squeeze %dma_wait3A_243 : memref<1x320x128xf32, #tpu.memory_space<hbm>> -> memref<320x128xf32, #tpu.memory_space<hbm>>
      %dma_wait3A_245 = arith.constant 0 : i32
      %dma_wait3A_246 = tpu.memref_slice %arg20[%mul3A_113, %dma_wait3A_245] : memref<5128x128xf32, #tpu.memory_space<vmem_shared>> -> memref<320x128xf32, #tpu.memory_space<vmem_shared>>
      tpu.wait_dma2 semaphore(%run_scoped3A : memref<!tpu.dma_semaphore, #tpu.memory_space<semaphore_mem>>) src(%dma_wait3A_246 : memref<320x128xf32, #tpu.memory_space<vmem_shared>>) dst(%dma_wait3A_244 : memref<320x128xf32, #tpu.memory_space<hbm>>)
      tpu.yield
    }) : () -> ()
    %barrier3A_116 = arith.constant 0 : index
    tpu.barrier barrier_id(%barrier3A_116)
    %mul3A_117 = arith.constant 320 : i32
    %mul3A_118 = arith.muli %arg1, %mul3A_117 : i32
    %add3A_119 = arith.constant 0 : i32
    %add3A_120 = arith.addi %mul3A_118, %add3A_119 : i32
    "tpu.region"() ({
      %run_scoped3A = tpu.sem_alloc : memref<!tpu.dma_semaphore, #tpu.memory_space<semaphore_mem>>
      %dma_start3A = arith.constant 0 : i32
      %dma_start3A_239 = tpu.memref_slice %arg20[%add3A_120, %dma_start3A] : memref<5128x128xf32, #tpu.memory_space<vmem_shared>> -> memref<64x128xf32, #tpu.memory_space<vmem_shared>>
      %dma_start3A_240 = arith.constant 0 : i32
      %dma_start3A_241 = tpu.memref_slice %arg20[%add3A_120, %dma_start3A_240] : memref<5128x128xf32, #tpu.memory_space<vmem_shared>> -> memref<64x128xf32, #tpu.memory_space<vmem_shared>>
      tpu.enqueue_dma source(%arg15 : memref<64x128xf32, #tpu.memory_space<vmem>>) target(%dma_start3A_241 : memref<64x128xf32, #tpu.memory_space<vmem_shared>>) target_semaphore(%run_scoped3A : memref<!tpu.dma_semaphore, #tpu.memory_space<semaphore_mem>>)
      %dma_wait3A = arith.constant 0 : i32
      %dma_wait3A_242 = tpu.memref_slice %arg20[%add3A_120, %dma_wait3A] : memref<5128x128xf32, #tpu.memory_space<vmem_shared>> -> memref<64x128xf32, #tpu.memory_space<vmem_shared>>
      %dma_wait3A_243 = arith.constant 0 : i32
      %dma_wait3A_244 = tpu.memref_slice %arg20[%add3A_120, %dma_wait3A_243] : memref<5128x128xf32, #tpu.memory_space<vmem_shared>> -> memref<64x128xf32, #tpu.memory_space<vmem_shared>>
      tpu.wait_dma2 semaphore(%run_scoped3A : memref<!tpu.dma_semaphore, #tpu.memory_space<semaphore_mem>>) src(%arg15 : memref<64x128xf32, #tpu.memory_space<vmem>>) dst(%dma_wait3A_244 : memref<64x128xf32, #tpu.memory_space<vmem_shared>>)
      tpu.yield
    }) : () -> ()
    %mul3A_121 = arith.constant 320 : i32
    %mul3A_122 = arith.muli %arg1, %mul3A_121 : i32
    %add3A_123 = arith.constant 64 : i32
    %add3A_124 = arith.addi %mul3A_122, %add3A_123 : i32
    "tpu.region"() ({
      %run_scoped3A = tpu.sem_alloc : memref<!tpu.dma_semaphore, #tpu.memory_space<semaphore_mem>>
      %dma_start3A = arith.constant 0 : i32
      %dma_start3A_239 = tpu.memref_slice %arg20[%add3A_124, %dma_start3A] : memref<5128x128xf32, #tpu.memory_space<vmem_shared>> -> memref<64x128xf32, #tpu.memory_space<vmem_shared>>
      %dma_start3A_240 = arith.constant 0 : i32
      %dma_start3A_241 = tpu.memref_slice %arg20[%add3A_124, %dma_start3A_240] : memref<5128x128xf32, #tpu.memory_space<vmem_shared>> -> memref<64x128xf32, #tpu.memory_space<vmem_shared>>
      tpu.enqueue_dma source(%arg15 : memref<64x128xf32, #tpu.memory_space<vmem>>) target(%dma_start3A_241 : memref<64x128xf32, #tpu.memory_space<vmem_shared>>) target_semaphore(%run_scoped3A : memref<!tpu.dma_semaphore, #tpu.memory_space<semaphore_mem>>)
      %dma_wait3A = arith.constant 0 : i32
      %dma_wait3A_242 = tpu.memref_slice %arg20[%add3A_124, %dma_wait3A] : memref<5128x128xf32, #tpu.memory_space<vmem_shared>> -> memref<64x128xf32, #tpu.memory_space<vmem_shared>>
      %dma_wait3A_243 = arith.constant 0 : i32
      %dma_wait3A_244 = tpu.memref_slice %arg20[%add3A_124, %dma_wait3A_243] : memref<5128x128xf32, #tpu.memory_space<vmem_shared>> -> memref<64x128xf32, #tpu.memory_space<vmem_shared>>
      tpu.wait_dma2 semaphore(%run_scoped3A : memref<!tpu.dma_semaphore, #tpu.memory_space<semaphore_mem>>) src(%arg15 : memref<64x128xf32, #tpu.memory_space<vmem>>) dst(%dma_wait3A_244 : memref<64x128xf32, #tpu.memory_space<vmem_shared>>)
      tpu.yield
    }) : () -> ()
    %mul3A_125 = arith.constant 320 : i32
    %mul3A_126 = arith.muli %arg1, %mul3A_125 : i32
    %add3A_127 = arith.constant 128 : i32
    %add3A_128 = arith.addi %mul3A_126, %add3A_127 : i32
    "tpu.region"() ({
      %run_scoped3A = tpu.sem_alloc : memref<!tpu.dma_semaphore, #tpu.memory_space<semaphore_mem>>
      %dma_start3A = arith.constant 0 : i32
      %dma_start3A_239 = tpu.memref_slice %arg20[%add3A_128, %dma_start3A] : memref<5128x128xf32, #tpu.memory_space<vmem_shared>> -> memref<64x128xf32, #tpu.memory_space<vmem_shared>>
      %dma_start3A_240 = arith.constant 0 : i32
      %dma_start3A_241 = tpu.memref_slice %arg20[%add3A_128, %dma_start3A_240] : memref<5128x128xf32, #tpu.memory_space<vmem_shared>> -> memref<64x128xf32, #tpu.memory_space<vmem_shared>>
      tpu.enqueue_dma source(%arg15 : memref<64x128xf32, #tpu.memory_space<vmem>>) target(%dma_start3A_241 : memref<64x128xf32, #tpu.memory_space<vmem_shared>>) target_semaphore(%run_scoped3A : memref<!tpu.dma_semaphore, #tpu.memory_space<semaphore_mem>>)
      %dma_wait3A = arith.constant 0 : i32
      %dma_wait3A_242 = tpu.memref_slice %arg20[%add3A_128, %dma_wait3A] : memref<5128x128xf32, #tpu.memory_space<vmem_shared>> -> memref<64x128xf32, #tpu.memory_space<vmem_shared>>
      %dma_wait3A_243 = arith.constant 0 : i32
      %dma_wait3A_244 = tpu.memref_slice %arg20[%add3A_128, %dma_wait3A_243] : memref<5128x128xf32, #tpu.memory_space<vmem_shared>> -> memref<64x128xf32, #tpu.memory_space<vmem_shared>>
      tpu.wait_dma2 semaphore(%run_scoped3A : memref<!tpu.dma_semaphore, #tpu.memory_space<semaphore_mem>>) src(%arg15 : memref<64x128xf32, #tpu.memory_space<vmem>>) dst(%dma_wait3A_244 : memref<64x128xf32, #tpu.memory_space<vmem_shared>>)
      tpu.yield
    }) : () -> ()
    %mul3A_129 = arith.constant 320 : i32
    %mul3A_130 = arith.muli %arg1, %mul3A_129 : i32
    %add3A_131 = arith.constant 192 : i32
    %add3A_132 = arith.addi %mul3A_130, %add3A_131 : i32
    "tpu.region"() ({
      %run_scoped3A = tpu.sem_alloc : memref<!tpu.dma_semaphore, #tpu.memory_space<semaphore_mem>>
      %dma_start3A = arith.constant 0 : i32
      %dma_start3A_239 = tpu.memref_slice %arg20[%add3A_132, %dma_start3A] : memref<5128x128xf32, #tpu.memory_space<vmem_shared>> -> memref<64x128xf32, #tpu.memory_space<vmem_shared>>
      %dma_start3A_240 = arith.constant 0 : i32
      %dma_start3A_241 = tpu.memref_slice %arg20[%add3A_132, %dma_start3A_240] : memref<5128x128xf32, #tpu.memory_space<vmem_shared>> -> memref<64x128xf32, #tpu.memory_space<vmem_shared>>
      tpu.enqueue_dma source(%arg15 : memref<64x128xf32, #tpu.memory_space<vmem>>) target(%dma_start3A_241 : memref<64x128xf32, #tpu.memory_space<vmem_shared>>) target_semaphore(%run_scoped3A : memref<!tpu.dma_semaphore, #tpu.memory_space<semaphore_mem>>)
      %dma_wait3A = arith.constant 0 : i32
      %dma_wait3A_242 = tpu.memref_slice %arg20[%add3A_132, %dma_wait3A] : memref<5128x128xf32, #tpu.memory_space<vmem_shared>> -> memref<64x128xf32, #tpu.memory_space<vmem_shared>>
      %dma_wait3A_243 = arith.constant 0 : i32
      %dma_wait3A_244 = tpu.memref_slice %arg20[%add3A_132, %dma_wait3A_243] : memref<5128x128xf32, #tpu.memory_space<vmem_shared>> -> memref<64x128xf32, #tpu.memory_space<vmem_shared>>
      tpu.wait_dma2 semaphore(%run_scoped3A : memref<!tpu.dma_semaphore, #tpu.memory_space<semaphore_mem>>) src(%arg15 : memref<64x128xf32, #tpu.memory_space<vmem>>) dst(%dma_wait3A_244 : memref<64x128xf32, #tpu.memory_space<vmem_shared>>)
      tpu.yield
    }) : () -> ()
    %mul3A_133 = arith.constant 320 : i32
    %mul3A_134 = arith.muli %arg1, %mul3A_133 : i32
    %add3A_135 = arith.constant 256 : i32
    %add3A_136 = arith.addi %mul3A_134, %add3A_135 : i32
    "tpu.region"() ({
      %run_scoped3A = tpu.sem_alloc : memref<!tpu.dma_semaphore, #tpu.memory_space<semaphore_mem>>
      %dma_start3A = arith.constant 0 : i32
      %dma_start3A_239 = tpu.memref_slice %arg20[%add3A_136, %dma_start3A] : memref<5128x128xf32, #tpu.memory_space<vmem_shared>> -> memref<64x128xf32, #tpu.memory_space<vmem_shared>>
      %dma_start3A_240 = arith.constant 0 : i32
      %dma_start3A_241 = tpu.memref_slice %arg20[%add3A_136, %dma_start3A_240] : memref<5128x128xf32, #tpu.memory_space<vmem_shared>> -> memref<64x128xf32, #tpu.memory_space<vmem_shared>>
      tpu.enqueue_dma source(%arg15 : memref<64x128xf32, #tpu.memory_space<vmem>>) target(%dma_start3A_241 : memref<64x128xf32, #tpu.memory_space<vmem_shared>>) target_semaphore(%run_scoped3A : memref<!tpu.dma_semaphore, #tpu.memory_space<semaphore_mem>>)
      %dma_wait3A = arith.constant 0 : i32
      %dma_wait3A_242 = tpu.memref_slice %arg20[%add3A_136, %dma_wait3A] : memref<5128x128xf32, #tpu.memory_space<vmem_shared>> -> memref<64x128xf32, #tpu.memory_space<vmem_shared>>
      %dma_wait3A_243 = arith.constant 0 : i32
      %dma_wait3A_244 = tpu.memref_slice %arg20[%add3A_136, %dma_wait3A_243] : memref<5128x128xf32, #tpu.memory_space<vmem_shared>> -> memref<64x128xf32, #tpu.memory_space<vmem_shared>>
      tpu.wait_dma2 semaphore(%run_scoped3A : memref<!tpu.dma_semaphore, #tpu.memory_space<semaphore_mem>>) src(%arg15 : memref<64x128xf32, #tpu.memory_space<vmem>>) dst(%dma_wait3A_244 : memref<64x128xf32, #tpu.memory_space<vmem_shared>>)
      tpu.yield
    }) : () -> ()
    %barrier3A_137 = arith.constant 0 : index
    tpu.barrier barrier_id(%barrier3A_137)
    %scan3A_138 = arith.constant 0 : i32
    %scan3A_139 = arith.constant 0 : i32
    %scan3A_140 = arith.constant 10 : i32
    %scan3A_141 = arith.addi %scan3A_139, %scan3A_140 : i32
    %scan3A_142 = arith.constant 1 : i32
    %scan3A_143 = scf.for %scan3A_239 = %scan3A_139 to %scan3A_141 step %scan3A_142 iter_args(%scan3A_240 = %scan3A_138) -> (i32)  : i32 {
      %mul3A_241 = arith.constant 20480 : i32
      %mul3A_242 = arith.muli %arg1, %mul3A_241 : i32
      %mul3A_243 = arith.constant 2048 : i32
      %mul3A_244 = arith.muli %scan3A_239, %mul3A_243 : i32
      %add3A_245 = arith.addi %mul3A_242, %mul3A_244 : i32
      "tpu.region"() ({
        %run_scoped3A = tpu.sem_alloc : memref<!tpu.dma_semaphore, #tpu.memory_space<semaphore_mem>>
        %dma_start3A = tpu.memref_slice %arg3[%add3A_245] : memref<327680xi32, #tpu.memory_space<hbm>> -> memref<2048xi32, #tpu.memory_space<hbm>>
        %dma_start3A_252 = tpu.memref_slice %arg3[%add3A_245] : memref<327680xi32, #tpu.memory_space<hbm>> -> memref<2048xi32, #tpu.memory_space<hbm>>
        tpu.enqueue_dma source(%dma_start3A_252 : memref<2048xi32, #tpu.memory_space<hbm>>) target(%arg18 : memref<2048xi32, #tpu.memory_space<vmem>>) target_semaphore(%run_scoped3A : memref<!tpu.dma_semaphore, #tpu.memory_space<semaphore_mem>>)
        %dma_wait3A = tpu.memref_slice %arg3[%add3A_245] : memref<327680xi32, #tpu.memory_space<hbm>> -> memref<2048xi32, #tpu.memory_space<hbm>>
        %dma_wait3A_253 = tpu.memref_slice %arg3[%add3A_245] : memref<327680xi32, #tpu.memory_space<hbm>> -> memref<2048xi32, #tpu.memory_space<hbm>>
        tpu.wait_dma2 semaphore(%run_scoped3A : memref<!tpu.dma_semaphore, #tpu.memory_space<semaphore_mem>>) src(%dma_wait3A_253 : memref<2048xi32, #tpu.memory_space<hbm>>) dst(%arg18 : memref<2048xi32, #tpu.memory_space<vmem>>)
        tpu.yield
      }) : () -> ()
      "tpu.region"() ({
        %run_scoped3A = tpu.sem_alloc : memref<!tpu.dma_semaphore, #tpu.memory_space<semaphore_mem>>
        %dma_start3A = tpu.memref_slice %arg4[%add3A_245] : memref<327680xi32, #tpu.memory_space<hbm>> -> memref<2048xi32, #tpu.memory_space<hbm>>
        %dma_start3A_252 = tpu.memref_slice %arg4[%add3A_245] : memref<327680xi32, #tpu.memory_space<hbm>> -> memref<2048xi32, #tpu.memory_space<hbm>>
        tpu.enqueue_dma source(%dma_start3A_252 : memref<2048xi32, #tpu.memory_space<hbm>>) target(%arg19 : memref<2048xi32, #tpu.memory_space<vmem>>) target_semaphore(%run_scoped3A : memref<!tpu.dma_semaphore, #tpu.memory_space<semaphore_mem>>)
        %dma_wait3A = tpu.memref_slice %arg4[%add3A_245] : memref<327680xi32, #tpu.memory_space<hbm>> -> memref<2048xi32, #tpu.memory_space<hbm>>
        %dma_wait3A_253 = tpu.memref_slice %arg4[%add3A_245] : memref<327680xi32, #tpu.memory_space<hbm>> -> memref<2048xi32, #tpu.memory_space<hbm>>
        tpu.wait_dma2 semaphore(%run_scoped3A : memref<!tpu.dma_semaphore, #tpu.memory_space<semaphore_mem>>) src(%dma_wait3A_253 : memref<2048xi32, #tpu.memory_space<hbm>>) dst(%arg19 : memref<2048xi32, #tpu.memory_space<vmem>>)
        tpu.yield
      }) : () -> ()
      %scan3A_246 = arith.constant 0 : i32
      %scan3A_247 = arith.constant 16 : i32
      %scan3A_248 = arith.addi %scan3A_246, %scan3A_247 : i32
      %scan3A_249 = arith.constant 1 : i32
      %scan3A_250 = scf.for %scan3A_252 = %scan3A_246 to %scan3A_248 step %scan3A_249 iter_args(%scan3A_253 = %scan3A_240) -> (i32)  : i32 {
        %mul3A_254 = arith.constant 128 : i32
        %mul3A_255 = arith.muli %scan3A_252, %mul3A_254 : i32
        %add3A_256 = arith.constant 0 : i32
        %add3A_257 = arith.addi %mul3A_255, %add3A_256 : i32
        %get3A = arith.index_cast %add3A_257 : i32 to index
        %get3A_258 = tpu.vector_load %arg18[%get3A] {strides = array<i32>} : memref<2048xi32, #tpu.memory_space<vmem>>, vector<16xi32>,
        %add3A_259 = vector.broadcast %mul3A_0 : i32 to vector<16xi32>
        %add3A_260 = arith.addi %get3A_258, %add3A_259 : vector<16xi32>
        %get3A_261 = arith.index_cast %add3A_257 : i32 to index
        %get3A_262 = tpu.vector_load %arg19[%get3A_261] {strides = array<i32>} : memref<2048xi32, #tpu.memory_space<vmem>>, vector<16xi32>,
        %sub3A = arith.constant 5120 : i32
        %sub3A_263 = vector.broadcast %sub3A : i32 to vector<16xi32>
        %sub3A_264 = arith.subi %get3A_262, %sub3A_263 : vector<16xi32>
        %ge3A = arith.constant 0 : i32
        %ge3A_265 = vector.broadcast %ge3A : i32 to vector<16xi32>
        %ge3A_266 = arith.cmpi sge, %sub3A_264, %ge3A_265 : vector<16xi32>
        %lt3A_267 = arith.constant 5120 : i32
        %lt3A_268 = vector.broadcast %lt3A_267 : i32 to vector<16xi32>
        %lt3A_269 = arith.cmpi slt, %sub3A_264, %lt3A_268 : vector<16xi32>
        %and3A = arith.andi %ge3A_266, %lt3A_269 : vector<16xi1>
        %jit3A = arith.constant 5120 : i32
        %broadcast_in_dim3A_270 = vector.broadcast %jit3A : i32 to vector<16xi32>
        %select_n3A = arith.select %and3A, %sub3A_264, %broadcast_in_dim3A_270 : vector<16xi1>, vector<16xi32>
        %mul3A_271 = arith.constant 8192 : i32
        %mul3A_272 = vector.broadcast %mul3A_271 : i32 to vector<16xi32>
        %mul3A_273 = arith.muli %add3A_260, %mul3A_272 : vector<16xi32>
        %add3A_274 = arith.addi %mul3A_273, %select_n3A : vector<16xi32>
        %convert_element_type3A_275 = arith.extui %and3A : vector<16xi1> to vector<16xi32>
        %masked_sort3A = arith.constant dense<true> : vector<16xi1>
        %masked_sort3A_276 = arith.constant -2147483648 : i32
        %masked_sort3A_277 = vector.broadcast %masked_sort3A_276 : i32 to vector<16xi32>
        %masked_sort3A_278 = arith.xori %convert_element_type3A_275, %masked_sort3A_277 : vector<16xi32>
        %masked_sort3A_279, %masked_sort3A_280, %masked_sort3A_281 = tpu.sort %masked_sort3A_278, %add3A_274 masked %masked_sort3A {descending = true} : (vector<16xi32>, vector<16xi32>, vector<16xi1>) -> (vector<16xi1>, vector<16xi32>, vector<16xi32>)
        %masked_sort3A_282 = arith.xori %masked_sort3A_280, %masked_sort3A_277 : vector<16xi32>
        %swap3A_283 = arith.index_cast %scan3A_253 : i32 to index
        %swap3A_284 = tpu.vector_load %arg16[%swap3A_283] {strides = array<i32>} : memref<20608xi32, #tpu.memory_space<vmem>>, vector<16xi32>,
        tpu.vector_store %arg16[%swap3A_283], %masked_sort3A_281 {strides = array<i32>} : memref<20608xi32, #tpu.memory_space<vmem>>, vector<16xi32>,
        %all_reduce_population_count3A = tpu.all_reduce %and3A {dim = 0 : i64, kind = #tpu.reduction_kind<sum>} : vector<16xi1> -> vector<16xi32>
        %slice3A = vector.extract_strided_slice %all_reduce_population_count3A {offsets = [0], sizes = [1], strides = [1]} : vector<16xi32> to vector<1xi32>
        %squeeze3A = vector.extract %slice3A[0] : i32 from vector<1xi32>
        %add3A_285 = arith.addi %scan3A_253, %squeeze3A : i32
        %mul3A_286 = arith.constant 128 : i32
        %mul3A_287 = arith.muli %scan3A_252, %mul3A_286 : i32
        %add3A_288 = arith.constant 16 : i32
        %add3A_289 = arith.addi %mul3A_287, %add3A_288 : i32
        %get3A_290 = arith.index_cast %add3A_289 : i32 to index
        %get3A_291 = tpu.vector_load %arg18[%get3A_290] {strides = array<i32>} : memref<2048xi32, #tpu.memory_space<vmem>>, vector<16xi32>,
        %add3A_292 = vector.broadcast %mul3A_0 : i32 to vector<16xi32>
        %add3A_293 = arith.addi %get3A_291, %add3A_292 : vector<16xi32>
        %get3A_294 = arith.index_cast %add3A_289 : i32 to index
        %get3A_295 = tpu.vector_load %arg19[%get3A_294] {strides = array<i32>} : memref<2048xi32, #tpu.memory_space<vmem>>, vector<16xi32>,
        %sub3A_296 = arith.constant 5120 : i32
        %sub3A_297 = vector.broadcast %sub3A_296 : i32 to vector<16xi32>
        %sub3A_298 = arith.subi %get3A_295, %sub3A_297 : vector<16xi32>
        %ge3A_299 = arith.constant 0 : i32
        %ge3A_300 = vector.broadcast %ge3A_299 : i32 to vector<16xi32>
        %ge3A_301 = arith.cmpi sge, %sub3A_298, %ge3A_300 : vector<16xi32>
        %lt3A_302 = arith.constant 5120 : i32
        %lt3A_303 = vector.broadcast %lt3A_302 : i32 to vector<16xi32>
        %lt3A_304 = arith.cmpi slt, %sub3A_298, %lt3A_303 : vector<16xi32>
        %and3A_305 = arith.andi %ge3A_301, %lt3A_304 : vector<16xi1>
        %jit3A_306 = arith.constant 5120 : i32
        %broadcast_in_dim3A_307 = vector.broadcast %jit3A_306 : i32 to vector<16xi32>
        %select_n3A_308 = arith.select %and3A_305, %sub3A_298, %broadcast_in_dim3A_307 : vector<16xi1>, vector<16xi32>
        %mul3A_309 = arith.constant 8192 : i32
        %mul3A_310 = vector.broadcast %mul3A_309 : i32 to vector<16xi32>
        %mul3A_311 = arith.muli %add3A_293, %mul3A_310 : vector<16xi32>
        %add3A_312 = arith.addi %mul3A_311, %select_n3A_308 : vector<16xi32>
        %convert_element_type3A_313 = arith.extui %and3A_305 : vector<16xi1> to vector<16xi32>
        %masked_sort3A_314 = arith.constant dense<true> : vector<16xi1>
        %masked_sort3A_315 = arith.constant -2147483648 : i32
        %masked_sort3A_316 = vector.broadcast %masked_sort3A_315 : i32 to vector<16xi32>
        %masked_sort3A_317 = arith.xori %convert_element_type3A_313, %masked_sort3A_316 : vector<16xi32>
        %masked_sort3A_318, %masked_sort3A_319, %masked_sort3A_320 = tpu.sort %masked_sort3A_317, %add3A_312 masked %masked_sort3A_314 {descending = true} : (vector<16xi32>, vector<16xi32>, vector<16xi1>) -> (vector<16xi1>, vector<16xi32>, vector<16xi32>)
        %masked_sort3A_321 = arith.xori %masked_sort3A_319, %masked_sort3A_316 : vector<16xi32>
        %swap3A_322 = arith.index_cast %add3A_285 : i32 to index
        %swap3A_323 = tpu.vector_load %arg16[%swap3A_322] {strides = array<i32>} : memref<20608xi32, #tpu.memory_space<vmem>>, vector<16xi32>,
        tpu.vector_store %arg16[%swap3A_322], %masked_sort3A_320 {strides = array<i32>} : memref<20608xi32, #tpu.memory_space<vmem>>, vector<16xi32>,
        %all_reduce_population_count3A_324 = tpu.all_reduce %and3A_305 {dim = 0 : i64, kind = #tpu.reduction_kind<sum>} : vector<16xi1> -> vector<16xi32>
        %slice3A_325 = vector.extract_strided_slice %all_reduce_population_count3A_324 {offsets = [0], sizes = [1], strides = [1]} : vector<16xi32> to vector<1xi32>
        %squeeze3A_326 = vector.extract %slice3A_325[0] : i32 from vector<1xi32>
        %add3A_327 = arith.addi %add3A_285, %squeeze3A_326 : i32
        %mul3A_328 = arith.constant 128 : i32
        %mul3A_329 = arith.muli %scan3A_252, %mul3A_328 : i32
        %add3A_330 = arith.constant 32 : i32
        %add3A_331 = arith.addi %mul3A_329, %add3A_330 : i32
        %get3A_332 = arith.index_cast %add3A_331 : i32 to index
        %get3A_333 = tpu.vector_load %arg18[%get3A_332] {strides = array<i32>} : memref<2048xi32, #tpu.memory_space<vmem>>, vector<16xi32>,
        %add3A_334 = vector.broadcast %mul3A_0 : i32 to vector<16xi32>
        %add3A_335 = arith.addi %get3A_333, %add3A_334 : vector<16xi32>
        %get3A_336 = arith.index_cast %add3A_331 : i32 to index
        %get3A_337 = tpu.vector_load %arg19[%get3A_336] {strides = array<i32>} : memref<2048xi32, #tpu.memory_space<vmem>>, vector<16xi32>,
        %sub3A_338 = arith.constant 5120 : i32
        %sub3A_339 = vector.broadcast %sub3A_338 : i32 to vector<16xi32>
        %sub3A_340 = arith.subi %get3A_337, %sub3A_339 : vector<16xi32>
        %ge3A_341 = arith.constant 0 : i32
        %ge3A_342 = vector.broadcast %ge3A_341 : i32 to vector<16xi32>
        %ge3A_343 = arith.cmpi sge, %sub3A_340, %ge3A_342 : vector<16xi32>
        %lt3A_344 = arith.constant 5120 : i32
        %lt3A_345 = vector.broadcast %lt3A_344 : i32 to vector<16xi32>
        %lt3A_346 = arith.cmpi slt, %sub3A_340, %lt3A_345 : vector<16xi32>
        %and3A_347 = arith.andi %ge3A_343, %lt3A_346 : vector<16xi1>
        %jit3A_348 = arith.constant 5120 : i32
        %broadcast_in_dim3A_349 = vector.broadcast %jit3A_348 : i32 to vector<16xi32>
        %select_n3A_350 = arith.select %and3A_347, %sub3A_340, %broadcast_in_dim3A_349 : vector<16xi1>, vector<16xi32>
        %mul3A_351 = arith.constant 8192 : i32
        %mul3A_352 = vector.broadcast %mul3A_351 : i32 to vector<16xi32>
        %mul3A_353 = arith.muli %add3A_335, %mul3A_352 : vector<16xi32>
        %add3A_354 = arith.addi %mul3A_353, %select_n3A_350 : vector<16xi32>
        %convert_element_type3A_355 = arith.extui %and3A_347 : vector<16xi1> to vector<16xi32>
        %masked_sort3A_356 = arith.constant dense<true> : vector<16xi1>
        %masked_sort3A_357 = arith.constant -2147483648 : i32
        %masked_sort3A_358 = vector.broadcast %masked_sort3A_357 : i32 to vector<16xi32>
        %masked_sort3A_359 = arith.xori %convert_element_type3A_355, %masked_sort3A_358 : vector<16xi32>
        %masked_sort3A_360, %masked_sort3A_361, %masked_sort3A_362 = tpu.sort %masked_sort3A_359, %add3A_354 masked %masked_sort3A_356 {descending = true} : (vector<16xi32>, vector<16xi32>, vector<16xi1>) -> (vector<16xi1>, vector<16xi32>, vector<16xi32>)
        %masked_sort3A_363 = arith.xori %masked_sort3A_361, %masked_sort3A_358 : vector<16xi32>
        %swap3A_364 = arith.index_cast %add3A_327 : i32 to index
        %swap3A_365 = tpu.vector_load %arg16[%swap3A_364] {strides = array<i32>} : memref<20608xi32, #tpu.memory_space<vmem>>, vector<16xi32>,
        tpu.vector_store %arg16[%swap3A_364], %masked_sort3A_362 {strides = array<i32>} : memref<20608xi32, #tpu.memory_space<vmem>>, vector<16xi32>,
        %all_reduce_population_count3A_366 = tpu.all_reduce %and3A_347 {dim = 0 : i64, kind = #tpu.reduction_kind<sum>} : vector<16xi1> -> vector<16xi32>
        %slice3A_367 = vector.extract_strided_slice %all_reduce_population_count3A_366 {offsets = [0], sizes = [1], strides = [1]} : vector<16xi32> to vector<1xi32>
        %squeeze3A_368 = vector.extract %slice3A_367[0] : i32 from vector<1xi32>
        %add3A_369 = arith.addi %add3A_327, %squeeze3A_368 : i32
        %mul3A_370 = arith.constant 128 : i32
        %mul3A_371 = arith.muli %scan3A_252, %mul3A_370 : i32
        %add3A_372 = arith.constant 48 : i32
        %add3A_373 = arith.addi %mul3A_371, %add3A_372 : i32
        %get3A_374 = arith.index_cast %add3A_373 : i32 to index
        %get3A_375 = tpu.vector_load %arg18[%get3A_374] {strides = array<i32>} : memref<2048xi32, #tpu.memory_space<vmem>>, vector<16xi32>,
        %add3A_376 = vector.broadcast %mul3A_0 : i32 to vector<16xi32>
        %add3A_377 = arith.addi %get3A_375, %add3A_376 : vector<16xi32>
        %get3A_378 = arith.index_cast %add3A_373 : i32 to index
        %get3A_379 = tpu.vector_load %arg19[%get3A_378] {strides = array<i32>} : memref<2048xi32, #tpu.memory_space<vmem>>, vector<16xi32>,
        %sub3A_380 = arith.constant 5120 : i32
        %sub3A_381 = vector.broadcast %sub3A_380 : i32 to vector<16xi32>
        %sub3A_382 = arith.subi %get3A_379, %sub3A_381 : vector<16xi32>
        %ge3A_383 = arith.constant 0 : i32
        %ge3A_384 = vector.broadcast %ge3A_383 : i32 to vector<16xi32>
        %ge3A_385 = arith.cmpi sge, %sub3A_382, %ge3A_384 : vector<16xi32>
        %lt3A_386 = arith.constant 5120 : i32
        %lt3A_387 = vector.broadcast %lt3A_386 : i32 to vector<16xi32>
        %lt3A_388 = arith.cmpi slt, %sub3A_382, %lt3A_387 : vector<16xi32>
        %and3A_389 = arith.andi %ge3A_385, %lt3A_388 : vector<16xi1>
        %jit3A_390 = arith.constant 5120 : i32
        %broadcast_in_dim3A_391 = vector.broadcast %jit3A_390 : i32 to vector<16xi32>
        %select_n3A_392 = arith.select %and3A_389, %sub3A_382, %broadcast_in_dim3A_391 : vector<16xi1>, vector<16xi32>
        %mul3A_393 = arith.constant 8192 : i32
        %mul3A_394 = vector.broadcast %mul3A_393 : i32 to vector<16xi32>
        %mul3A_395 = arith.muli %add3A_377, %mul3A_394 : vector<16xi32>
        %add3A_396 = arith.addi %mul3A_395, %select_n3A_392 : vector<16xi32>
        %convert_element_type3A_397 = arith.extui %and3A_389 : vector<16xi1> to vector<16xi32>
        %masked_sort3A_398 = arith.constant dense<true> : vector<16xi1>
        %masked_sort3A_399 = arith.constant -2147483648 : i32
        %masked_sort3A_400 = vector.broadcast %masked_sort3A_399 : i32 to vector<16xi32>
        %masked_sort3A_401 = arith.xori %convert_element_type3A_397, %masked_sort3A_400 : vector<16xi32>
        %masked_sort3A_402, %masked_sort3A_403, %masked_sort3A_404 = tpu.sort %masked_sort3A_401, %add3A_396 masked %masked_sort3A_398 {descending = true} : (vector<16xi32>, vector<16xi32>, vector<16xi1>) -> (vector<16xi1>, vector<16xi32>, vector<16xi32>)
        %masked_sort3A_405 = arith.xori %masked_sort3A_403, %masked_sort3A_400 : vector<16xi32>
        %swap3A_406 = arith.index_cast %add3A_369 : i32 to index
        %swap3A_407 = tpu.vector_load %arg16[%swap3A_406] {strides = array<i32>} : memref<20608xi32, #tpu.memory_space<vmem>>, vector<16xi32>,
        tpu.vector_store %arg16[%swap3A_406], %masked_sort3A_404 {strides = array<i32>} : memref<20608xi32, #tpu.memory_space<vmem>>, vector<16xi32>,
        %all_reduce_population_count3A_408 = tpu.all_reduce %and3A_389 {dim = 0 : i64, kind = #tpu.reduction_kind<sum>} : vector<16xi1> -> vector<16xi32>
        %slice3A_409 = vector.extract_strided_slice %all_reduce_population_count3A_408 {offsets = [0], sizes = [1], strides = [1]} : vector<16xi32> to vector<1xi32>
        %squeeze3A_410 = vector.extract %slice3A_409[0] : i32 from vector<1xi32>
        %add3A_411 = arith.addi %add3A_369, %squeeze3A_410 : i32
        %mul3A_412 = arith.constant 128 : i32
        %mul3A_413 = arith.muli %scan3A_252, %mul3A_412 : i32
        %add3A_414 = arith.constant 64 : i32
        %add3A_415 = arith.addi %mul3A_413, %add3A_414 : i32
        %get3A_416 = arith.index_cast %add3A_415 : i32 to index
        %get3A_417 = tpu.vector_load %arg18[%get3A_416] {strides = array<i32>} : memref<2048xi32, #tpu.memory_space<vmem>>, vector<16xi32>,
        %add3A_418 = vector.broadcast %mul3A_0 : i32 to vector<16xi32>
        %add3A_419 = arith.addi %get3A_417, %add3A_418 : vector<16xi32>
        %get3A_420 = arith.index_cast %add3A_415 : i32 to index
        %get3A_421 = tpu.vector_load %arg19[%get3A_420] {strides = array<i32>} : memref<2048xi32, #tpu.memory_space<vmem>>, vector<16xi32>,
        %sub3A_422 = arith.constant 5120 : i32
        %sub3A_423 = vector.broadcast %sub3A_422 : i32 to vector<16xi32>
        %sub3A_424 = arith.subi %get3A_421, %sub3A_423 : vector<16xi32>
        %ge3A_425 = arith.constant 0 : i32
        %ge3A_426 = vector.broadcast %ge3A_425 : i32 to vector<16xi32>
        %ge3A_427 = arith.cmpi sge, %sub3A_424, %ge3A_426 : vector<16xi32>
        %lt3A_428 = arith.constant 5120 : i32
        %lt3A_429 = vector.broadcast %lt3A_428 : i32 to vector<16xi32>
        %lt3A_430 = arith.cmpi slt, %sub3A_424, %lt3A_429 : vector<16xi32>
        %and3A_431 = arith.andi %ge3A_427, %lt3A_430 : vector<16xi1>
        %jit3A_432 = arith.constant 5120 : i32
        %broadcast_in_dim3A_433 = vector.broadcast %jit3A_432 : i32 to vector<16xi32>
        %select_n3A_434 = arith.select %and3A_431, %sub3A_424, %broadcast_in_dim3A_433 : vector<16xi1>, vector<16xi32>
        %mul3A_435 = arith.constant 8192 : i32
        %mul3A_436 = vector.broadcast %mul3A_435 : i32 to vector<16xi32>
        %mul3A_437 = arith.muli %add3A_419, %mul3A_436 : vector<16xi32>
        %add3A_438 = arith.addi %mul3A_437, %select_n3A_434 : vector<16xi32>
        %convert_element_type3A_439 = arith.extui %and3A_431 : vector<16xi1> to vector<16xi32>
        %masked_sort3A_440 = arith.constant dense<true> : vector<16xi1>
        %masked_sort3A_441 = arith.constant -2147483648 : i32
        %masked_sort3A_442 = vector.broadcast %masked_sort3A_441 : i32 to vector<16xi32>
        %masked_sort3A_443 = arith.xori %convert_element_type3A_439, %masked_sort3A_442 : vector<16xi32>
        %masked_sort3A_444, %masked_sort3A_445, %masked_sort3A_446 = tpu.sort %masked_sort3A_443, %add3A_438 masked %masked_sort3A_440 {descending = true} : (vector<16xi32>, vector<16xi32>, vector<16xi1>) -> (vector<16xi1>, vector<16xi32>, vector<16xi32>)
        %masked_sort3A_447 = arith.xori %masked_sort3A_445, %masked_sort3A_442 : vector<16xi32>
        %swap3A_448 = arith.index_cast %add3A_411 : i32 to index
        %swap3A_449 = tpu.vector_load %arg16[%swap3A_448] {strides = array<i32>} : memref<20608xi32, #tpu.memory_space<vmem>>, vector<16xi32>,
        tpu.vector_store %arg16[%swap3A_448], %masked_sort3A_446 {strides = array<i32>} : memref<20608xi32, #tpu.memory_space<vmem>>, vector<16xi32>,
        %all_reduce_population_count3A_450 = tpu.all_reduce %and3A_431 {dim = 0 : i64, kind = #tpu.reduction_kind<sum>} : vector<16xi1> -> vector<16xi32>
        %slice3A_451 = vector.extract_strided_slice %all_reduce_population_count3A_450 {offsets = [0], sizes = [1], strides = [1]} : vector<16xi32> to vector<1xi32>
        %squeeze3A_452 = vector.extract %slice3A_451[0] : i32 from vector<1xi32>
        %add3A_453 = arith.addi %add3A_411, %squeeze3A_452 : i32
        %mul3A_454 = arith.constant 128 : i32
        %mul3A_455 = arith.muli %scan3A_252, %mul3A_454 : i32
        %add3A_456 = arith.constant 80 : i32
        %add3A_457 = arith.addi %mul3A_455, %add3A_456 : i32
        %get3A_458 = arith.index_cast %add3A_457 : i32 to index
        %get3A_459 = tpu.vector_load %arg18[%get3A_458] {strides = array<i32>} : memref<2048xi32, #tpu.memory_space<vmem>>, vector<16xi32>,
        %add3A_460 = vector.broadcast %mul3A_0 : i32 to vector<16xi32>
        %add3A_461 = arith.addi %get3A_459, %add3A_460 : vector<16xi32>
        %get3A_462 = arith.index_cast %add3A_457 : i32 to index
        %get3A_463 = tpu.vector_load %arg19[%get3A_462] {strides = array<i32>} : memref<2048xi32, #tpu.memory_space<vmem>>, vector<16xi32>,
        %sub3A_464 = arith.constant 5120 : i32
        %sub3A_465 = vector.broadcast %sub3A_464 : i32 to vector<16xi32>
        %sub3A_466 = arith.subi %get3A_463, %sub3A_465 : vector<16xi32>
        %ge3A_467 = arith.constant 0 : i32
        %ge3A_468 = vector.broadcast %ge3A_467 : i32 to vector<16xi32>
        %ge3A_469 = arith.cmpi sge, %sub3A_466, %ge3A_468 : vector<16xi32>
        %lt3A_470 = arith.constant 5120 : i32
        %lt3A_471 = vector.broadcast %lt3A_470 : i32 to vector<16xi32>
        %lt3A_472 = arith.cmpi slt, %sub3A_466, %lt3A_471 : vector<16xi32>
        %and3A_473 = arith.andi %ge3A_469, %lt3A_472 : vector<16xi1>
        %jit3A_474 = arith.constant 5120 : i32
        %broadcast_in_dim3A_475 = vector.broadcast %jit3A_474 : i32 to vector<16xi32>
        %select_n3A_476 = arith.select %and3A_473, %sub3A_466, %broadcast_in_dim3A_475 : vector<16xi1>, vector<16xi32>
        %mul3A_477 = arith.constant 8192 : i32
        %mul3A_478 = vector.broadcast %mul3A_477 : i32 to vector<16xi32>
        %mul3A_479 = arith.muli %add3A_461, %mul3A_478 : vector<16xi32>
        %add3A_480 = arith.addi %mul3A_479, %select_n3A_476 : vector<16xi32>
        %convert_element_type3A_481 = arith.extui %and3A_473 : vector<16xi1> to vector<16xi32>
        %masked_sort3A_482 = arith.constant dense<true> : vector<16xi1>
        %masked_sort3A_483 = arith.constant -2147483648 : i32
        %masked_sort3A_484 = vector.broadcast %masked_sort3A_483 : i32 to vector<16xi32>
        %masked_sort3A_485 = arith.xori %convert_element_type3A_481, %masked_sort3A_484 : vector<16xi32>
        %masked_sort3A_486, %masked_sort3A_487, %masked_sort3A_488 = tpu.sort %masked_sort3A_485, %add3A_480 masked %masked_sort3A_482 {descending = true} : (vector<16xi32>, vector<16xi32>, vector<16xi1>) -> (vector<16xi1>, vector<16xi32>, vector<16xi32>)
        %masked_sort3A_489 = arith.xori %masked_sort3A_487, %masked_sort3A_484 : vector<16xi32>
        %swap3A_490 = arith.index_cast %add3A_453 : i32 to index
        %swap3A_491 = tpu.vector_load %arg16[%swap3A_490] {strides = array<i32>} : memref<20608xi32, #tpu.memory_space<vmem>>, vector<16xi32>,
        tpu.vector_store %arg16[%swap3A_490], %masked_sort3A_488 {strides = array<i32>} : memref<20608xi32, #tpu.memory_space<vmem>>, vector<16xi32>,
        %all_reduce_population_count3A_492 = tpu.all_reduce %and3A_473 {dim = 0 : i64, kind = #tpu.reduction_kind<sum>} : vector<16xi1> -> vector<16xi32>
        %slice3A_493 = vector.extract_strided_slice %all_reduce_population_count3A_492 {offsets = [0], sizes = [1], strides = [1]} : vector<16xi32> to vector<1xi32>
        %squeeze3A_494 = vector.extract %slice3A_493[0] : i32 from vector<1xi32>
        %add3A_495 = arith.addi %add3A_453, %squeeze3A_494 : i32
        %mul3A_496 = arith.constant 128 : i32
        %mul3A_497 = arith.muli %scan3A_252, %mul3A_496 : i32
        %add3A_498 = arith.constant 96 : i32
        %add3A_499 = arith.addi %mul3A_497, %add3A_498 : i32
        %get3A_500 = arith.index_cast %add3A_499 : i32 to index
        %get3A_501 = tpu.vector_load %arg18[%get3A_500] {strides = array<i32>} : memref<2048xi32, #tpu.memory_space<vmem>>, vector<16xi32>,
        %add3A_502 = vector.broadcast %mul3A_0 : i32 to vector<16xi32>
        %add3A_503 = arith.addi %get3A_501, %add3A_502 : vector<16xi32>
        %get3A_504 = arith.index_cast %add3A_499 : i32 to index
        %get3A_505 = tpu.vector_load %arg19[%get3A_504] {strides = array<i32>} : memref<2048xi32, #tpu.memory_space<vmem>>, vector<16xi32>,
        %sub3A_506 = arith.constant 5120 : i32
        %sub3A_507 = vector.broadcast %sub3A_506 : i32 to vector<16xi32>
        %sub3A_508 = arith.subi %get3A_505, %sub3A_507 : vector<16xi32>
        %ge3A_509 = arith.constant 0 : i32
        %ge3A_510 = vector.broadcast %ge3A_509 : i32 to vector<16xi32>
        %ge3A_511 = arith.cmpi sge, %sub3A_508, %ge3A_510 : vector<16xi32>
        %lt3A_512 = arith.constant 5120 : i32
        %lt3A_513 = vector.broadcast %lt3A_512 : i32 to vector<16xi32>
        %lt3A_514 = arith.cmpi slt, %sub3A_508, %lt3A_513 : vector<16xi32>
        %and3A_515 = arith.andi %ge3A_511, %lt3A_514 : vector<16xi1>
        %jit3A_516 = arith.constant 5120 : i32
        %broadcast_in_dim3A_517 = vector.broadcast %jit3A_516 : i32 to vector<16xi32>
        %select_n3A_518 = arith.select %and3A_515, %sub3A_508, %broadcast_in_dim3A_517 : vector<16xi1>, vector<16xi32>
        %mul3A_519 = arith.constant 8192 : i32
        %mul3A_520 = vector.broadcast %mul3A_519 : i32 to vector<16xi32>
        %mul3A_521 = arith.muli %add3A_503, %mul3A_520 : vector<16xi32>
        %add3A_522 = arith.addi %mul3A_521, %select_n3A_518 : vector<16xi32>
        %convert_element_type3A_523 = arith.extui %and3A_515 : vector<16xi1> to vector<16xi32>
        %masked_sort3A_524 = arith.constant dense<true> : vector<16xi1>
        %masked_sort3A_525 = arith.constant -2147483648 : i32
        %masked_sort3A_526 = vector.broadcast %masked_sort3A_525 : i32 to vector<16xi32>
        %masked_sort3A_527 = arith.xori %convert_element_type3A_523, %masked_sort3A_526 : vector<16xi32>
        %masked_sort3A_528, %masked_sort3A_529, %masked_sort3A_530 = tpu.sort %masked_sort3A_527, %add3A_522 masked %masked_sort3A_524 {descending = true} : (vector<16xi32>, vector<16xi32>, vector<16xi1>) -> (vector<16xi1>, vector<16xi32>, vector<16xi32>)
        %masked_sort3A_531 = arith.xori %masked_sort3A_529, %masked_sort3A_526 : vector<16xi32>
        %swap3A_532 = arith.index_cast %add3A_495 : i32 to index
        %swap3A_533 = tpu.vector_load %arg16[%swap3A_532] {strides = array<i32>} : memref<20608xi32, #tpu.memory_space<vmem>>, vector<16xi32>,
        tpu.vector_store %arg16[%swap3A_532], %masked_sort3A_530 {strides = array<i32>} : memref<20608xi32, #tpu.memory_space<vmem>>, vector<16xi32>,
        %all_reduce_population_count3A_534 = tpu.all_reduce %and3A_515 {dim = 0 : i64, kind = #tpu.reduction_kind<sum>} : vector<16xi1> -> vector<16xi32>
        %slice3A_535 = vector.extract_strided_slice %all_reduce_population_count3A_534 {offsets = [0], sizes = [1], strides = [1]} : vector<16xi32> to vector<1xi32>
        %squeeze3A_536 = vector.extract %slice3A_535[0] : i32 from vector<1xi32>
        %add3A_537 = arith.addi %add3A_495, %squeeze3A_536 : i32
        %mul3A_538 = arith.constant 128 : i32
        %mul3A_539 = arith.muli %scan3A_252, %mul3A_538 : i32
        %add3A_540 = arith.constant 112 : i32
        %add3A_541 = arith.addi %mul3A_539, %add3A_540 : i32
        %get3A_542 = arith.index_cast %add3A_541 : i32 to index
        %get3A_543 = tpu.vector_load %arg18[%get3A_542] {strides = array<i32>} : memref<2048xi32, #tpu.memory_space<vmem>>, vector<16xi32>,
        %add3A_544 = vector.broadcast %mul3A_0 : i32 to vector<16xi32>
        %add3A_545 = arith.addi %get3A_543, %add3A_544 : vector<16xi32>
        %get3A_546 = arith.index_cast %add3A_541 : i32 to index
        %get3A_547 = tpu.vector_load %arg19[%get3A_546] {strides = array<i32>} : memref<2048xi32, #tpu.memory_space<vmem>>, vector<16xi32>,
        %sub3A_548 = arith.constant 5120 : i32
        %sub3A_549 = vector.broadcast %sub3A_548 : i32 to vector<16xi32>
        %sub3A_550 = arith.subi %get3A_547, %sub3A_549 : vector<16xi32>
        %ge3A_551 = arith.constant 0 : i32
        %ge3A_552 = vector.broadcast %ge3A_551 : i32 to vector<16xi32>
        %ge3A_553 = arith.cmpi sge, %sub3A_550, %ge3A_552 : vector<16xi32>
        %lt3A_554 = arith.constant 5120 : i32
        %lt3A_555 = vector.broadcast %lt3A_554 : i32 to vector<16xi32>
        %lt3A_556 = arith.cmpi slt, %sub3A_550, %lt3A_555 : vector<16xi32>
        %and3A_557 = arith.andi %ge3A_553, %lt3A_556 : vector<16xi1>
        %jit3A_558 = arith.constant 5120 : i32
        %broadcast_in_dim3A_559 = vector.broadcast %jit3A_558 : i32 to vector<16xi32>
        %select_n3A_560 = arith.select %and3A_557, %sub3A_550, %broadcast_in_dim3A_559 : vector<16xi1>, vector<16xi32>
        %mul3A_561 = arith.constant 8192 : i32
        %mul3A_562 = vector.broadcast %mul3A_561 : i32 to vector<16xi32>
        %mul3A_563 = arith.muli %add3A_545, %mul3A_562 : vector<16xi32>
        %add3A_564 = arith.addi %mul3A_563, %select_n3A_560 : vector<16xi32>
        %convert_element_type3A_565 = arith.extui %and3A_557 : vector<16xi1> to vector<16xi32>
        %masked_sort3A_566 = arith.constant dense<true> : vector<16xi1>
        %masked_sort3A_567 = arith.constant -2147483648 : i32
        %masked_sort3A_568 = vector.broadcast %masked_sort3A_567 : i32 to vector<16xi32>
        %masked_sort3A_569 = arith.xori %convert_element_type3A_565, %masked_sort3A_568 : vector<16xi32>
        %masked_sort3A_570, %masked_sort3A_571, %masked_sort3A_572 = tpu.sort %masked_sort3A_569, %add3A_564 masked %masked_sort3A_566 {descending = true} : (vector<16xi32>, vector<16xi32>, vector<16xi1>) -> (vector<16xi1>, vector<16xi32>, vector<16xi32>)
        %masked_sort3A_573 = arith.xori %masked_sort3A_571, %masked_sort3A_568 : vector<16xi32>
        %swap3A_574 = arith.index_cast %add3A_537 : i32 to index
        %swap3A_575 = tpu.vector_load %arg16[%swap3A_574] {strides = array<i32>} : memref<20608xi32, #tpu.memory_space<vmem>>, vector<16xi32>,
        tpu.vector_store %arg16[%swap3A_574], %masked_sort3A_572 {strides = array<i32>} : memref<20608xi32, #tpu.memory_space<vmem>>, vector<16xi32>,
        %all_reduce_population_count3A_576 = tpu.all_reduce %and3A_557 {dim = 0 : i64, kind = #tpu.reduction_kind<sum>} : vector<16xi1> -> vector<16xi32>
        %slice3A_577 = vector.extract_strided_slice %all_reduce_population_count3A_576 {offsets = [0], sizes = [1], strides = [1]} : vector<16xi32> to vector<1xi32>
        %squeeze3A_578 = vector.extract %slice3A_577[0] : i32 from vector<1xi32>
        %add3A_579 = arith.addi %add3A_537, %squeeze3A_578 : i32
        scf.yield %add3A_579 : i32
      }
      %scan3A_251 = arith.constant 16 : i32
      scf.yield %scan3A_250 : i32
    }
    %scan3A_144 = arith.constant 10 : i32
    %mul3A_145 = arith.constant 8192 : i32
    %mul3A_146 = arith.muli %mul3A_0, %mul3A_145 : i32
    %add3A_147 = arith.constant 5120 : i32
    %add3A_148 = arith.addi %mul3A_146, %add3A_147 : i32
    %broadcast_in_dim3A_149 = arith.constant 0 : i32
    %broadcast_in_dim3A_150 = vector.broadcast %broadcast_in_dim3A_149 : i32 to vector<16xi32>
    %add3A_151 = vector.broadcast %add3A_148 : i32 to vector<16xi32>
    %add3A_152 = arith.addi %broadcast_in_dim3A_150, %add3A_151 : vector<16xi32>
    %add3A_153 = arith.constant 0 : i32
    %add3A_154 = arith.addi %scan3A_143, %add3A_153 : i32
    %swap3A_155 = arith.index_cast %add3A_154 : i32 to index
    %swap3A_156 = tpu.vector_load %arg16[%swap3A_155] {strides = array<i32>} : memref<20608xi32, #tpu.memory_space<vmem>>, vector<16xi32>,
    tpu.vector_store %arg16[%swap3A_155], %add3A_152 {strides = array<i32>} : memref<20608xi32, #tpu.memory_space<vmem>>, vector<16xi32>,
    %broadcast_in_dim3A_157 = arith.constant 0 : i32
    %broadcast_in_dim3A_158 = vector.broadcast %broadcast_in_dim3A_157 : i32 to vector<16xi32>
    %add3A_159 = vector.broadcast %add3A_148 : i32 to vector<16xi32>
    %add3A_160 = arith.addi %broadcast_in_dim3A_158, %add3A_159 : vector<16xi32>
    %add3A_161 = arith.constant 16 : i32
    %add3A_162 = arith.addi %scan3A_143, %add3A_161 : i32
    %swap3A_163 = arith.index_cast %add3A_162 : i32 to index
    %swap3A_164 = tpu.vector_load %arg16[%swap3A_163] {strides = array<i32>} : memref<20608xi32, #tpu.memory_space<vmem>>, vector<16xi32>,
    tpu.vector_store %arg16[%swap3A_163], %add3A_160 {strides = array<i32>} : memref<20608xi32, #tpu.memory_space<vmem>>, vector<16xi32>,
    %broadcast_in_dim3A_165 = arith.constant 0 : i32
    %broadcast_in_dim3A_166 = vector.broadcast %broadcast_in_dim3A_165 : i32 to vector<16xi32>
    %add3A_167 = vector.broadcast %add3A_148 : i32 to vector<16xi32>
    %add3A_168 = arith.addi %broadcast_in_dim3A_166, %add3A_167 : vector<16xi32>
    %add3A_169 = arith.constant 32 : i32
    %add3A_170 = arith.addi %scan3A_143, %add3A_169 : i32
    %swap3A_171 = arith.index_cast %add3A_170 : i32 to index
    %swap3A_172 = tpu.vector_load %arg16[%swap3A_171] {strides = array<i32>} : memref<20608xi32, #tpu.memory_space<vmem>>, vector<16xi32>,
    tpu.vector_store %arg16[%swap3A_171], %add3A_168 {strides = array<i32>} : memref<20608xi32, #tpu.memory_space<vmem>>, vector<16xi32>,
    %broadcast_in_dim3A_173 = arith.constant 0 : i32
    %broadcast_in_dim3A_174 = vector.broadcast %broadcast_in_dim3A_173 : i32 to vector<16xi32>
    %add3A_175 = vector.broadcast %add3A_148 : i32 to vector<16xi32>
    %add3A_176 = arith.addi %broadcast_in_dim3A_174, %add3A_175 : vector<16xi32>
    %add3A_177 = arith.constant 48 : i32
    %add3A_178 = arith.addi %scan3A_143, %add3A_177 : i32
    %swap3A_179 = arith.index_cast %add3A_178 : i32 to index
    %swap3A_180 = tpu.vector_load %arg16[%swap3A_179] {strides = array<i32>} : memref<20608xi32, #tpu.memory_space<vmem>>, vector<16xi32>,
    tpu.vector_store %arg16[%swap3A_179], %add3A_176 {strides = array<i32>} : memref<20608xi32, #tpu.memory_space<vmem>>, vector<16xi32>,
    %broadcast_in_dim3A_181 = arith.constant 0 : i32
    %broadcast_in_dim3A_182 = vector.broadcast %broadcast_in_dim3A_181 : i32 to vector<16xi32>
    %add3A_183 = vector.broadcast %add3A_148 : i32 to vector<16xi32>
    %add3A_184 = arith.addi %broadcast_in_dim3A_182, %add3A_183 : vector<16xi32>
    %add3A_185 = arith.constant 64 : i32
    %add3A_186 = arith.addi %scan3A_143, %add3A_185 : i32
    %swap3A_187 = arith.index_cast %add3A_186 : i32 to index
    %swap3A_188 = tpu.vector_load %arg16[%swap3A_187] {strides = array<i32>} : memref<20608xi32, #tpu.memory_space<vmem>>, vector<16xi32>,
    tpu.vector_store %arg16[%swap3A_187], %add3A_184 {strides = array<i32>} : memref<20608xi32, #tpu.memory_space<vmem>>, vector<16xi32>,
    %broadcast_in_dim3A_189 = arith.constant 0 : i32
    %broadcast_in_dim3A_190 = vector.broadcast %broadcast_in_dim3A_189 : i32 to vector<16xi32>
    %add3A_191 = vector.broadcast %add3A_148 : i32 to vector<16xi32>
    %add3A_192 = arith.addi %broadcast_in_dim3A_190, %add3A_191 : vector<16xi32>
    %add3A_193 = arith.constant 80 : i32
    %add3A_194 = arith.addi %scan3A_143, %add3A_193 : i32
    %swap3A_195 = arith.index_cast %add3A_194 : i32 to index
    %swap3A_196 = tpu.vector_load %arg16[%swap3A_195] {strides = array<i32>} : memref<20608xi32, #tpu.memory_space<vmem>>, vector<16xi32>,
    tpu.vector_store %arg16[%swap3A_195], %add3A_192 {strides = array<i32>} : memref<20608xi32, #tpu.memory_space<vmem>>, vector<16xi32>,
    %broadcast_in_dim3A_197 = arith.constant 0 : i32
    %broadcast_in_dim3A_198 = vector.broadcast %broadcast_in_dim3A_197 : i32 to vector<16xi32>
    %add3A_199 = vector.broadcast %add3A_148 : i32 to vector<16xi32>
    %add3A_200 = arith.addi %broadcast_in_dim3A_198, %add3A_199 : vector<16xi32>
    %add3A_201 = arith.constant 96 : i32
    %add3A_202 = arith.addi %scan3A_143, %add3A_201 : i32
    %swap3A_203 = arith.index_cast %add3A_202 : i32 to index
    %swap3A_204 = tpu.vector_load %arg16[%swap3A_203] {strides = array<i32>} : memref<20608xi32, #tpu.memory_space<vmem>>, vector<16xi32>,
    tpu.vector_store %arg16[%swap3A_203], %add3A_200 {strides = array<i32>} : memref<20608xi32, #tpu.memory_space<vmem>>, vector<16xi32>,
    %broadcast_in_dim3A_205 = arith.constant 0 : i32
    %broadcast_in_dim3A_206 = vector.broadcast %broadcast_in_dim3A_205 : i32 to vector<16xi32>
    %add3A_207 = vector.broadcast %add3A_148 : i32 to vector<16xi32>
    %add3A_208 = arith.addi %broadcast_in_dim3A_206, %add3A_207 : vector<16xi32>
    %add3A_209 = arith.constant 112 : i32
    %add3A_210 = arith.addi %scan3A_143, %add3A_209 : i32
    %swap3A_211 = arith.index_cast %add3A_210 : i32 to index
    %swap3A_212 = tpu.vector_load %arg16[%swap3A_211] {strides = array<i32>} : memref<20608xi32, #tpu.memory_space<vmem>>, vector<16xi32>,
    tpu.vector_store %arg16[%swap3A_211], %add3A_208 {strides = array<i32>} : memref<20608xi32, #tpu.memory_space<vmem>>, vector<16xi32>,
    %gt3A_213 = arith.constant 0 : i32
    %gt3A_214 = arith.cmpi sgt, %scan3A_143, %gt3A_213 : i32
    %convert_element_type3A_215 = arith.extui %gt3A_214 : i1 to i32
    %cond3A_216 = arith.constant 0 : i32
    %cond3A_217 = arith.cmpi ne, %convert_element_type3A_215, %cond3A_216 : i32
    scf.if %cond3A_217 {
      %get3A = arith.constant 0 : index
      %get3A_239 = tpu.vector_load %arg16[%get3A] {strides = array<i32>} : memref<20608xi32, #tpu.memory_space<vmem>>, vector<16xi32>,
      %shift_right_logical3A = arith.constant 13 : i32
      %shift_right_logical3A_240 = vector.broadcast %shift_right_logical3A : i32 to vector<16xi32>
      %shift_right_logical3A_241 = arith.shrui %get3A_239, %shift_right_logical3A_240 : vector<16xi32>
      %swap3A_242 = arith.constant 0 : index
      %swap3A_243 = tpu.vector_load %arg6[%swap3A_242] {strides = array<i32>} : memref<128xi32, #tpu.memory_space<vmem>>, vector<16xi32>,
      tpu.vector_store %arg6[%swap3A_242], %shift_right_logical3A_241 {strides = array<i32>} : memref<128xi32, #tpu.memory_space<vmem>>, vector<16xi32>,
      %and3A = arith.constant 8191 : i32
      %and3A_244 = vector.broadcast %and3A : i32 to vector<16xi32>
      %and3A_245 = arith.andi %get3A_239, %and3A_244 : vector<16xi32>
      %swap3A_246 = arith.constant 0 : index
      %swap3A_247 = tpu.vector_load %arg7[%swap3A_246] {strides = array<i32>} : memref<128xi32, #tpu.memory_space<vmem>>, vector<16xi32>,
      tpu.vector_store %arg7[%swap3A_246], %and3A_245 {strides = array<i32>} : memref<128xi32, #tpu.memory_space<vmem>>, vector<16xi32>,
      %get3A_248 = arith.constant 16 : index
      %get3A_249 = tpu.vector_load %arg16[%get3A_248] {strides = array<i32>} : memref<20608xi32, #tpu.memory_space<vmem>>, vector<16xi32>,
      %shift_right_logical3A_250 = arith.constant 13 : i32
      %shift_right_logical3A_251 = vector.broadcast %shift_right_logical3A_250 : i32 to vector<16xi32>
      %shift_right_logical3A_252 = arith.shrui %get3A_249, %shift_right_logical3A_251 : vector<16xi32>
      %swap3A_253 = arith.constant 16 : index
      %swap3A_254 = tpu.vector_load %arg6[%swap3A_253] {strides = array<i32>} : memref<128xi32, #tpu.memory_space<vmem>>, vector<16xi32>,
      tpu.vector_store %arg6[%swap3A_253], %shift_right_logical3A_252 {strides = array<i32>} : memref<128xi32, #tpu.memory_space<vmem>>, vector<16xi32>,
      %and3A_255 = arith.constant 8191 : i32
      %and3A_256 = vector.broadcast %and3A_255 : i32 to vector<16xi32>
      %and3A_257 = arith.andi %get3A_249, %and3A_256 : vector<16xi32>
      %swap3A_258 = arith.constant 16 : index
      %swap3A_259 = tpu.vector_load %arg7[%swap3A_258] {strides = array<i32>} : memref<128xi32, #tpu.memory_space<vmem>>, vector<16xi32>,
      tpu.vector_store %arg7[%swap3A_258], %and3A_257 {strides = array<i32>} : memref<128xi32, #tpu.memory_space<vmem>>, vector<16xi32>,
      %get3A_260 = arith.constant 32 : index
      %get3A_261 = tpu.vector_load %arg16[%get3A_260] {strides = array<i32>} : memref<20608xi32, #tpu.memory_space<vmem>>, vector<16xi32>,
      %shift_right_logical3A_262 = arith.constant 13 : i32
      %shift_right_logical3A_263 = vector.broadcast %shift_right_logical3A_262 : i32 to vector<16xi32>
      %shift_right_logical3A_264 = arith.shrui %get3A_261, %shift_right_logical3A_263 : vector<16xi32>
      %swap3A_265 = arith.constant 32 : index
      %swap3A_266 = tpu.vector_load %arg6[%swap3A_265] {strides = array<i32>} : memref<128xi32, #tpu.memory_space<vmem>>, vector<16xi32>,
      tpu.vector_store %arg6[%swap3A_265], %shift_right_logical3A_264 {strides = array<i32>} : memref<128xi32, #tpu.memory_space<vmem>>, vector<16xi32>,
      %and3A_267 = arith.constant 8191 : i32
      %and3A_268 = vector.broadcast %and3A_267 : i32 to vector<16xi32>
      %and3A_269 = arith.andi %get3A_261, %and3A_268 : vector<16xi32>
      %swap3A_270 = arith.constant 32 : index
      %swap3A_271 = tpu.vector_load %arg7[%swap3A_270] {strides = array<i32>} : memref<128xi32, #tpu.memory_space<vmem>>, vector<16xi32>,
      tpu.vector_store %arg7[%swap3A_270], %and3A_269 {strides = array<i32>} : memref<128xi32, #tpu.memory_space<vmem>>, vector<16xi32>,
      %get3A_272 = arith.constant 48 : index
      %get3A_273 = tpu.vector_load %arg16[%get3A_272] {strides = array<i32>} : memref<20608xi32, #tpu.memory_space<vmem>>, vector<16xi32>,
      %shift_right_logical3A_274 = arith.constant 13 : i32
      %shift_right_logical3A_275 = vector.broadcast %shift_right_logical3A_274 : i32 to vector<16xi32>
      %shift_right_logical3A_276 = arith.shrui %get3A_273, %shift_right_logical3A_275 : vector<16xi32>
      %swap3A_277 = arith.constant 48 : index
      %swap3A_278 = tpu.vector_load %arg6[%swap3A_277] {strides = array<i32>} : memref<128xi32, #tpu.memory_space<vmem>>, vector<16xi32>,
      tpu.vector_store %arg6[%swap3A_277], %shift_right_logical3A_276 {strides = array<i32>} : memref<128xi32, #tpu.memory_space<vmem>>, vector<16xi32>,
      %and3A_279 = arith.constant 8191 : i32
      %and3A_280 = vector.broadcast %and3A_279 : i32 to vector<16xi32>
      %and3A_281 = arith.andi %get3A_273, %and3A_280 : vector<16xi32>
      %swap3A_282 = arith.constant 48 : index
      %swap3A_283 = tpu.vector_load %arg7[%swap3A_282] {strides = array<i32>} : memref<128xi32, #tpu.memory_space<vmem>>, vector<16xi32>,
      tpu.vector_store %arg7[%swap3A_282], %and3A_281 {strides = array<i32>} : memref<128xi32, #tpu.memory_space<vmem>>, vector<16xi32>,
      %get3A_284 = arith.constant 64 : index
      %get3A_285 = tpu.vector_load %arg16[%get3A_284] {strides = array<i32>} : memref<20608xi32, #tpu.memory_space<vmem>>, vector<16xi32>,
      %shift_right_logical3A_286 = arith.constant 13 : i32
      %shift_right_logical3A_287 = vector.broadcast %shift_right_logical3A_286 : i32 to vector<16xi32>
      %shift_right_logical3A_288 = arith.shrui %get3A_285, %shift_right_logical3A_287 : vector<16xi32>
      %swap3A_289 = arith.constant 64 : index
      %swap3A_290 = tpu.vector_load %arg6[%swap3A_289] {strides = array<i32>} : memref<128xi32, #tpu.memory_space<vmem>>, vector<16xi32>,
      tpu.vector_store %arg6[%swap3A_289], %shift_right_logical3A_288 {strides = array<i32>} : memref<128xi32, #tpu.memory_space<vmem>>, vector<16xi32>,
      %and3A_291 = arith.constant 8191 : i32
      %and3A_292 = vector.broadcast %and3A_291 : i32 to vector<16xi32>
      %and3A_293 = arith.andi %get3A_285, %and3A_292 : vector<16xi32>
      %swap3A_294 = arith.constant 64 : index
      %swap3A_295 = tpu.vector_load %arg7[%swap3A_294] {strides = array<i32>} : memref<128xi32, #tpu.memory_space<vmem>>, vector<16xi32>,
      tpu.vector_store %arg7[%swap3A_294], %and3A_293 {strides = array<i32>} : memref<128xi32, #tpu.memory_space<vmem>>, vector<16xi32>,
      %get3A_296 = arith.constant 80 : index
      %get3A_297 = tpu.vector_load %arg16[%get3A_296] {strides = array<i32>} : memref<20608xi32, #tpu.memory_space<vmem>>, vector<16xi32>,
      %shift_right_logical3A_298 = arith.constant 13 : i32
      %shift_right_logical3A_299 = vector.broadcast %shift_right_logical3A_298 : i32 to vector<16xi32>
      %shift_right_logical3A_300 = arith.shrui %get3A_297, %shift_right_logical3A_299 : vector<16xi32>
      %swap3A_301 = arith.constant 80 : index
      %swap3A_302 = tpu.vector_load %arg6[%swap3A_301] {strides = array<i32>} : memref<128xi32, #tpu.memory_space<vmem>>, vector<16xi32>,
      tpu.vector_store %arg6[%swap3A_301], %shift_right_logical3A_300 {strides = array<i32>} : memref<128xi32, #tpu.memory_space<vmem>>, vector<16xi32>,
      %and3A_303 = arith.constant 8191 : i32
      %and3A_304 = vector.broadcast %and3A_303 : i32 to vector<16xi32>
      %and3A_305 = arith.andi %get3A_297, %and3A_304 : vector<16xi32>
      %swap3A_306 = arith.constant 80 : index
      %swap3A_307 = tpu.vector_load %arg7[%swap3A_306] {strides = array<i32>} : memref<128xi32, #tpu.memory_space<vmem>>, vector<16xi32>,
      tpu.vector_store %arg7[%swap3A_306], %and3A_305 {strides = array<i32>} : memref<128xi32, #tpu.memory_space<vmem>>, vector<16xi32>,
      %get3A_308 = arith.constant 96 : index
      %get3A_309 = tpu.vector_load %arg16[%get3A_308] {strides = array<i32>} : memref<20608xi32, #tpu.memory_space<vmem>>, vector<16xi32>,
      %shift_right_logical3A_310 = arith.constant 13 : i32
      %shift_right_logical3A_311 = vector.broadcast %shift_right_logical3A_310 : i32 to vector<16xi32>
      %shift_right_logical3A_312 = arith.shrui %get3A_309, %shift_right_logical3A_311 : vector<16xi32>
      %swap3A_313 = arith.constant 96 : index
      %swap3A_314 = tpu.vector_load %arg6[%swap3A_313] {strides = array<i32>} : memref<128xi32, #tpu.memory_space<vmem>>, vector<16xi32>,
      tpu.vector_store %arg6[%swap3A_313], %shift_right_logical3A_312 {strides = array<i32>} : memref<128xi32, #tpu.memory_space<vmem>>, vector<16xi32>,
      %and3A_315 = arith.constant 8191 : i32
      %and3A_316 = vector.broadcast %and3A_315 : i32 to vector<16xi32>
      %and3A_317 = arith.andi %get3A_309, %and3A_316 : vector<16xi32>
      %swap3A_318 = arith.constant 96 : index
      %swap3A_319 = tpu.vector_load %arg7[%swap3A_318] {strides = array<i32>} : memref<128xi32, #tpu.memory_space<vmem>>, vector<16xi32>,
      tpu.vector_store %arg7[%swap3A_318], %and3A_317 {strides = array<i32>} : memref<128xi32, #tpu.memory_space<vmem>>, vector<16xi32>,
      %get3A_320 = arith.constant 112 : index
      %get3A_321 = tpu.vector_load %arg16[%get3A_320] {strides = array<i32>} : memref<20608xi32, #tpu.memory_space<vmem>>, vector<16xi32>,
      %shift_right_logical3A_322 = arith.constant 13 : i32
      %shift_right_logical3A_323 = vector.broadcast %shift_right_logical3A_322 : i32 to vector<16xi32>
      %shift_right_logical3A_324 = arith.shrui %get3A_321, %shift_right_logical3A_323 : vector<16xi32>
      %swap3A_325 = arith.constant 112 : index
      %swap3A_326 = tpu.vector_load %arg6[%swap3A_325] {strides = array<i32>} : memref<128xi32, #tpu.memory_space<vmem>>, vector<16xi32>,
      tpu.vector_store %arg6[%swap3A_325], %shift_right_logical3A_324 {strides = array<i32>} : memref<128xi32, #tpu.memory_space<vmem>>, vector<16xi32>,
      %and3A_327 = arith.constant 8191 : i32
      %and3A_328 = vector.broadcast %and3A_327 : i32 to vector<16xi32>
      %and3A_329 = arith.andi %get3A_321, %and3A_328 : vector<16xi32>
      %swap3A_330 = arith.constant 112 : index
      %swap3A_331 = tpu.vector_load %arg7[%swap3A_330] {strides = array<i32>} : memref<128xi32, #tpu.memory_space<vmem>>, vector<16xi32>,
      tpu.vector_store %arg7[%swap3A_330], %and3A_329 {strides = array<i32>} : memref<128xi32, #tpu.memory_space<vmem>>, vector<16xi32>,
      %dma_start3A = arith.constant 0 : i32
      %dma_start3A_332 = arith.constant 0 : i32
      %dma_start3A_333 = tpu.memref_slice %arg2[%dma_start3A, %dma_start3A_332] : memref<20000x128xf32, #tpu.memory_space<hbm>> -> memref<20000x128xf32, #tpu.memory_space<hbm>>
      tpu.enqueue_indirect_dma source(%dma_start3A_333 : memref<20000x128xf32, #tpu.memory_space<hbm>>) target(%arg12 : memref<128x128xf32, #tpu.memory_space<vmem>>) offsets(%arg6 : memref<128xi32, #tpu.memory_space<vmem>>) semaphore(%arg21 : memref<!tpu.dma_semaphore, #tpu.memory_space<semaphore_mem>>)
    } else {
    }
    %gt3A_218 = arith.constant 128 : i32
    %gt3A_219 = arith.cmpi sgt, %scan3A_143, %gt3A_218 : i32
    %convert_element_type3A_220 = arith.extui %gt3A_219 : i1 to i32
    %cond3A_221 = arith.constant 0 : i32
    %cond3A_222 = arith.cmpi ne, %convert_element_type3A_220, %cond3A_221 : i32
    scf.if %cond3A_222 {
      %get3A = arith.constant 128 : index
      %get3A_239 = tpu.vector_load %arg16[%get3A] {strides = array<i32>} : memref<20608xi32, #tpu.memory_space<vmem>>, vector<16xi32>,
      %shift_right_logical3A = arith.constant 13 : i32
      %shift_right_logical3A_240 = vector.broadcast %shift_right_logical3A : i32 to vector<16xi32>
      %shift_right_logical3A_241 = arith.shrui %get3A_239, %shift_right_logical3A_240 : vector<16xi32>
      %swap3A_242 = arith.constant 0 : index
      %swap3A_243 = tpu.vector_load %arg8[%swap3A_242] {strides = array<i32>} : memref<128xi32, #tpu.memory_space<vmem>>, vector<16xi32>,
      tpu.vector_store %arg8[%swap3A_242], %shift_right_logical3A_241 {strides = array<i32>} : memref<128xi32, #tpu.memory_space<vmem>>, vector<16xi32>,
      %and3A = arith.constant 8191 : i32
      %and3A_244 = vector.broadcast %and3A : i32 to vector<16xi32>
      %and3A_245 = arith.andi %get3A_239, %and3A_244 : vector<16xi32>
      %swap3A_246 = arith.constant 0 : index
      %swap3A_247 = tpu.vector_load %arg9[%swap3A_246] {strides = array<i32>} : memref<128xi32, #tpu.memory_space<vmem>>, vector<16xi32>,
      tpu.vector_store %arg9[%swap3A_246], %and3A_245 {strides = array<i32>} : memref<128xi32, #tpu.memory_space<vmem>>, vector<16xi32>,
      %get3A_248 = arith.constant 144 : index
      %get3A_249 = tpu.vector_load %arg16[%get3A_248] {strides = array<i32>} : memref<20608xi32, #tpu.memory_space<vmem>>, vector<16xi32>,
      %shift_right_logical3A_250 = arith.constant 13 : i32
      %shift_right_logical3A_251 = vector.broadcast %shift_right_logical3A_250 : i32 to vector<16xi32>
      %shift_right_logical3A_252 = arith.shrui %get3A_249, %shift_right_logical3A_251 : vector<16xi32>
      %swap3A_253 = arith.constant 16 : index
      %swap3A_254 = tpu.vector_load %arg8[%swap3A_253] {strides = array<i32>} : memref<128xi32, #tpu.memory_space<vmem>>, vector<16xi32>,
      tpu.vector_store %arg8[%swap3A_253], %shift_right_logical3A_252 {strides = array<i32>} : memref<128xi32, #tpu.memory_space<vmem>>, vector<16xi32>,
      %and3A_255 = arith.constant 8191 : i32
      %and3A_256 = vector.broadcast %and3A_255 : i32 to vector<16xi32>
      %and3A_257 = arith.andi %get3A_249, %and3A_256 : vector<16xi32>
      %swap3A_258 = arith.constant 16 : index
      %swap3A_259 = tpu.vector_load %arg9[%swap3A_258] {strides = array<i32>} : memref<128xi32, #tpu.memory_space<vmem>>, vector<16xi32>,
      tpu.vector_store %arg9[%swap3A_258], %and3A_257 {strides = array<i32>} : memref<128xi32, #tpu.memory_space<vmem>>, vector<16xi32>,
      %get3A_260 = arith.constant 160 : index
      %get3A_261 = tpu.vector_load %arg16[%get3A_260] {strides = array<i32>} : memref<20608xi32, #tpu.memory_space<vmem>>, vector<16xi32>,
      %shift_right_logical3A_262 = arith.constant 13 : i32
      %shift_right_logical3A_263 = vector.broadcast %shift_right_logical3A_262 : i32 to vector<16xi32>
      %shift_right_logical3A_264 = arith.shrui %get3A_261, %shift_right_logical3A_263 : vector<16xi32>
      %swap3A_265 = arith.constant 32 : index
      %swap3A_266 = tpu.vector_load %arg8[%swap3A_265] {strides = array<i32>} : memref<128xi32, #tpu.memory_space<vmem>>, vector<16xi32>,
      tpu.vector_store %arg8[%swap3A_265], %shift_right_logical3A_264 {strides = array<i32>} : memref<128xi32, #tpu.memory_space<vmem>>, vector<16xi32>,
      %and3A_267 = arith.constant 8191 : i32
      %and3A_268 = vector.broadcast %and3A_267 : i32 to vector<16xi32>
      %and3A_269 = arith.andi %get3A_261, %and3A_268 : vector<16xi32>
      %swap3A_270 = arith.constant 32 : index
      %swap3A_271 = tpu.vector_load %arg9[%swap3A_270] {strides = array<i32>} : memref<128xi32, #tpu.memory_space<vmem>>, vector<16xi32>,
      tpu.vector_store %arg9[%swap3A_270], %and3A_269 {strides = array<i32>} : memref<128xi32, #tpu.memory_space<vmem>>, vector<16xi32>,
      %get3A_272 = arith.constant 176 : index
      %get3A_273 = tpu.vector_load %arg16[%get3A_272] {strides = array<i32>} : memref<20608xi32, #tpu.memory_space<vmem>>, vector<16xi32>,
      %shift_right_logical3A_274 = arith.constant 13 : i32
      %shift_right_logical3A_275 = vector.broadcast %shift_right_logical3A_274 : i32 to vector<16xi32>
      %shift_right_logical3A_276 = arith.shrui %get3A_273, %shift_right_logical3A_275 : vector<16xi32>
      %swap3A_277 = arith.constant 48 : index
      %swap3A_278 = tpu.vector_load %arg8[%swap3A_277] {strides = array<i32>} : memref<128xi32, #tpu.memory_space<vmem>>, vector<16xi32>,
      tpu.vector_store %arg8[%swap3A_277], %shift_right_logical3A_276 {strides = array<i32>} : memref<128xi32, #tpu.memory_space<vmem>>, vector<16xi32>,
      %and3A_279 = arith.constant 8191 : i32
      %and3A_280 = vector.broadcast %and3A_279 : i32 to vector<16xi32>
      %and3A_281 = arith.andi %get3A_273, %and3A_280 : vector<16xi32>
      %swap3A_282 = arith.constant 48 : index
      %swap3A_283 = tpu.vector_load %arg9[%swap3A_282] {strides = array<i32>} : memref<128xi32, #tpu.memory_space<vmem>>, vector<16xi32>,
      tpu.vector_store %arg9[%swap3A_282], %and3A_281 {strides = array<i32>} : memref<128xi32, #tpu.memory_space<vmem>>, vector<16xi32>,
      %get3A_284 = arith.constant 192 : index
      %get3A_285 = tpu.vector_load %arg16[%get3A_284] {strides = array<i32>} : memref<20608xi32, #tpu.memory_space<vmem>>, vector<16xi32>,
      %shift_right_logical3A_286 = arith.constant 13 : i32
      %shift_right_logical3A_287 = vector.broadcast %shift_right_logical3A_286 : i32 to vector<16xi32>
      %shift_right_logical3A_288 = arith.shrui %get3A_285, %shift_right_logical3A_287 : vector<16xi32>
      %swap3A_289 = arith.constant 64 : index
      %swap3A_290 = tpu.vector_load %arg8[%swap3A_289] {strides = array<i32>} : memref<128xi32, #tpu.memory_space<vmem>>, vector<16xi32>,
      tpu.vector_store %arg8[%swap3A_289], %shift_right_logical3A_288 {strides = array<i32>} : memref<128xi32, #tpu.memory_space<vmem>>, vector<16xi32>,
      %and3A_291 = arith.constant 8191 : i32
      %and3A_292 = vector.broadcast %and3A_291 : i32 to vector<16xi32>
      %and3A_293 = arith.andi %get3A_285, %and3A_292 : vector<16xi32>
      %swap3A_294 = arith.constant 64 : index
      %swap3A_295 = tpu.vector_load %arg9[%swap3A_294] {strides = array<i32>} : memref<128xi32, #tpu.memory_space<vmem>>, vector<16xi32>,
      tpu.vector_store %arg9[%swap3A_294], %and3A_293 {strides = array<i32>} : memref<128xi32, #tpu.memory_space<vmem>>, vector<16xi32>,
      %get3A_296 = arith.constant 208 : index
      %get3A_297 = tpu.vector_load %arg16[%get3A_296] {strides = array<i32>} : memref<20608xi32, #tpu.memory_space<vmem>>, vector<16xi32>,
      %shift_right_logical3A_298 = arith.constant 13 : i32
      %shift_right_logical3A_299 = vector.broadcast %shift_right_logical3A_298 : i32 to vector<16xi32>
      %shift_right_logical3A_300 = arith.shrui %get3A_297, %shift_right_logical3A_299 : vector<16xi32>
      %swap3A_301 = arith.constant 80 : index
      %swap3A_302 = tpu.vector_load %arg8[%swap3A_301] {strides = array<i32>} : memref<128xi32, #tpu.memory_space<vmem>>, vector<16xi32>,
      tpu.vector_store %arg8[%swap3A_301], %shift_right_logical3A_300 {strides = array<i32>} : memref<128xi32, #tpu.memory_space<vmem>>, vector<16xi32>,
      %and3A_303 = arith.constant 8191 : i32
      %and3A_304 = vector.broadcast %and3A_303 : i32 to vector<16xi32>
      %and3A_305 = arith.andi %get3A_297, %and3A_304 : vector<16xi32>
      %swap3A_306 = arith.constant 80 : index
      %swap3A_307 = tpu.vector_load %arg9[%swap3A_306] {strides = array<i32>} : memref<128xi32, #tpu.memory_space<vmem>>, vector<16xi32>,
      tpu.vector_store %arg9[%swap3A_306], %and3A_305 {strides = array<i32>} : memref<128xi32, #tpu.memory_space<vmem>>, vector<16xi32>,
      %get3A_308 = arith.constant 224 : index
      %get3A_309 = tpu.vector_load %arg16[%get3A_308] {strides = array<i32>} : memref<20608xi32, #tpu.memory_space<vmem>>, vector<16xi32>,
      %shift_right_logical3A_310 = arith.constant 13 : i32
      %shift_right_logical3A_311 = vector.broadcast %shift_right_logical3A_310 : i32 to vector<16xi32>
      %shift_right_logical3A_312 = arith.shrui %get3A_309, %shift_right_logical3A_311 : vector<16xi32>
      %swap3A_313 = arith.constant 96 : index
      %swap3A_314 = tpu.vector_load %arg8[%swap3A_313] {strides = array<i32>} : memref<128xi32, #tpu.memory_space<vmem>>, vector<16xi32>,
      tpu.vector_store %arg8[%swap3A_313], %shift_right_logical3A_312 {strides = array<i32>} : memref<128xi32, #tpu.memory_space<vmem>>, vector<16xi32>,
      %and3A_315 = arith.constant 8191 : i32
      %and3A_316 = vector.broadcast %and3A_315 : i32 to vector<16xi32>
      %and3A_317 = arith.andi %get3A_309, %and3A_316 : vector<16xi32>
      %swap3A_318 = arith.constant 96 : index
      %swap3A_319 = tpu.vector_load %arg9[%swap3A_318] {strides = array<i32>} : memref<128xi32, #tpu.memory_space<vmem>>, vector<16xi32>,
      tpu.vector_store %arg9[%swap3A_318], %and3A_317 {strides = array<i32>} : memref<128xi32, #tpu.memory_space<vmem>>, vector<16xi32>,
      %get3A_320 = arith.constant 240 : index
      %get3A_321 = tpu.vector_load %arg16[%get3A_320] {strides = array<i32>} : memref<20608xi32, #tpu.memory_space<vmem>>, vector<16xi32>,
      %shift_right_logical3A_322 = arith.constant 13 : i32
      %shift_right_logical3A_323 = vector.broadcast %shift_right_logical3A_322 : i32 to vector<16xi32>
      %shift_right_logical3A_324 = arith.shrui %get3A_321, %shift_right_logical3A_323 : vector<16xi32>
      %swap3A_325 = arith.constant 112 : index
      %swap3A_326 = tpu.vector_load %arg8[%swap3A_325] {strides = array<i32>} : memref<128xi32, #tpu.memory_space<vmem>>, vector<16xi32>,
      tpu.vector_store %arg8[%swap3A_325], %shift_right_logical3A_324 {strides = array<i32>} : memref<128xi32, #tpu.memory_space<vmem>>, vector<16xi32>,
      %and3A_327 = arith.constant 8191 : i32
      %and3A_328 = vector.broadcast %and3A_327 : i32 to vector<16xi32>
      %and3A_329 = arith.andi %get3A_321, %and3A_328 : vector<16xi32>
      %swap3A_330 = arith.constant 112 : index
      %swap3A_331 = tpu.vector_load %arg9[%swap3A_330] {strides = array<i32>} : memref<128xi32, #tpu.memory_space<vmem>>, vector<16xi32>,
      tpu.vector_store %arg9[%swap3A_330], %and3A_329 {strides = array<i32>} : memref<128xi32, #tpu.memory_space<vmem>>, vector<16xi32>,
      %dma_start3A = arith.constant 0 : i32
      %dma_start3A_332 = arith.constant 0 : i32
      %dma_start3A_333 = tpu.memref_slice %arg2[%dma_start3A, %dma_start3A_332] : memref<20000x128xf32, #tpu.memory_space<hbm>> -> memref<20000x128xf32, #tpu.memory_space<hbm>>
      tpu.enqueue_indirect_dma source(%dma_start3A_333 : memref<20000x128xf32, #tpu.memory_space<hbm>>) target(%arg13 : memref<128x128xf32, #tpu.memory_space<vmem>>) offsets(%arg8 : memref<128xi32, #tpu.memory_space<vmem>>) semaphore(%arg22 : memref<!tpu.dma_semaphore, #tpu.memory_space<semaphore_mem>>)
    } else {
    }
    %scan3A_223 = arith.constant 0 : i32
    %scan3A_224 = arith.constant 0 : i32
    %scan3A_225 = arith.constant 55 : i32
    %scan3A_226 = arith.addi %scan3A_224, %scan3A_225 : i32
    %scan3A_227 = arith.constant 1 : i32
    scf.for %scan3A_239 = %scan3A_224 to %scan3A_226 step %scan3A_227  : i32 {
      %mul3A_240 = arith.constant 3 : i32
      %mul3A_241 = arith.muli %scan3A_239, %mul3A_240 : i32
      %add3A_242 = arith.constant 0 : i32
      %add3A_243 = arith.addi %mul3A_241, %add3A_242 : i32
      %mul3A_244 = arith.constant 128 : i32
      %mul3A_245 = arith.muli %add3A_243, %mul3A_244 : i32
      %lt3A_246 = arith.cmpi slt, %mul3A_245, %scan3A_143 : i32
      %convert_element_type3A_247 = arith.extui %lt3A_246 : i1 to i32
      %cond3A_248 = arith.constant 0 : i32
      %cond3A_249 = arith.cmpi ne, %convert_element_type3A_247, %cond3A_248 : i32
      scf.if %cond3A_249 {
        %add3A_270 = arith.constant 2 : i32
        %add3A_271 = arith.addi %add3A_243, %add3A_270 : i32
        %mul3A_272 = arith.constant 128 : i32
        %mul3A_273 = arith.muli %add3A_271, %mul3A_272 : i32
        %lt3A_274 = arith.cmpi slt, %mul3A_273, %scan3A_143 : i32
        %convert_element_type3A_275 = arith.extui %lt3A_274 : i1 to i32
        %cond3A_276 = arith.constant 0 : i32
        %cond3A_277 = arith.cmpi ne, %convert_element_type3A_275, %cond3A_276 : i32
        scf.if %cond3A_277 {
          %add3A_280 = arith.constant 2 : i32
          %add3A_281 = arith.addi %add3A_243, %add3A_280 : i32
          %mul3A_282 = arith.constant 128 : i32
          %mul3A_283 = arith.muli %add3A_281, %mul3A_282 : i32
          %add3A_284 = arith.constant 0 : i32
          %add3A_285 = arith.addi %mul3A_283, %add3A_284 : i32
          %get3A = arith.index_cast %add3A_285 : i32 to index
          %get3A_286 = tpu.vector_load %arg16[%get3A] {strides = array<i32>} : memref<20608xi32, #tpu.memory_space<vmem>>, vector<16xi32>,
          %shift_right_logical3A = arith.constant 13 : i32
          %shift_right_logical3A_287 = vector.broadcast %shift_right_logical3A : i32 to vector<16xi32>
          %shift_right_logical3A_288 = arith.shrui %get3A_286, %shift_right_logical3A_287 : vector<16xi32>
          %swap3A_289 = arith.constant 0 : index
          %swap3A_290 = tpu.vector_load %arg10[%swap3A_289] {strides = array<i32>} : memref<128xi32, #tpu.memory_space<vmem>>, vector<16xi32>,
          tpu.vector_store %arg10[%swap3A_289], %shift_right_logical3A_288 {strides = array<i32>} : memref<128xi32, #tpu.memory_space<vmem>>, vector<16xi32>,
          %and3A = arith.constant 8191 : i32
          %and3A_291 = vector.broadcast %and3A : i32 to vector<16xi32>
          %and3A_292 = arith.andi %get3A_286, %and3A_291 : vector<16xi32>
          %swap3A_293 = arith.constant 0 : index
          %swap3A_294 = tpu.vector_load %arg11[%swap3A_293] {strides = array<i32>} : memref<128xi32, #tpu.memory_space<vmem>>, vector<16xi32>,
          tpu.vector_store %arg11[%swap3A_293], %and3A_292 {strides = array<i32>} : memref<128xi32, #tpu.memory_space<vmem>>, vector<16xi32>,
          %mul3A_295 = arith.constant 128 : i32
          %mul3A_296 = arith.muli %add3A_281, %mul3A_295 : i32
          %add3A_297 = arith.constant 16 : i32
          %add3A_298 = arith.addi %mul3A_296, %add3A_297 : i32
          %get3A_299 = arith.index_cast %add3A_298 : i32 to index
          %get3A_300 = tpu.vector_load %arg16[%get3A_299] {strides = array<i32>} : memref<20608xi32, #tpu.memory_space<vmem>>, vector<16xi32>,
          %shift_right_logical3A_301 = arith.constant 13 : i32
          %shift_right_logical3A_302 = vector.broadcast %shift_right_logical3A_301 : i32 to vector<16xi32>
          %shift_right_logical3A_303 = arith.shrui %get3A_300, %shift_right_logical3A_302 : vector<16xi32>
          %swap3A_304 = arith.constant 16 : index
          %swap3A_305 = tpu.vector_load %arg10[%swap3A_304] {strides = array<i32>} : memref<128xi32, #tpu.memory_space<vmem>>, vector<16xi32>,
          tpu.vector_store %arg10[%swap3A_304], %shift_right_logical3A_303 {strides = array<i32>} : memref<128xi32, #tpu.memory_space<vmem>>, vector<16xi32>,
          %and3A_306 = arith.constant 8191 : i32
          %and3A_307 = vector.broadcast %and3A_306 : i32 to vector<16xi32>
          %and3A_308 = arith.andi %get3A_300, %and3A_307 : vector<16xi32>
          %swap3A_309 = arith.constant 16 : index
          %swap3A_310 = tpu.vector_load %arg11[%swap3A_309] {strides = array<i32>} : memref<128xi32, #tpu.memory_space<vmem>>, vector<16xi32>,
          tpu.vector_store %arg11[%swap3A_309], %and3A_308 {strides = array<i32>} : memref<128xi32, #tpu.memory_space<vmem>>, vector<16xi32>,
          %mul3A_311 = arith.constant 128 : i32
          %mul3A_312 = arith.muli %add3A_281, %mul3A_311 : i32
          %add3A_313 = arith.constant 32 : i32
          %add3A_314 = arith.addi %mul3A_312, %add3A_313 : i32
          %get3A_315 = arith.index_cast %add3A_314 : i32 to index
          %get3A_316 = tpu.vector_load %arg16[%get3A_315] {strides = array<i32>} : memref<20608xi32, #tpu.memory_space<vmem>>, vector<16xi32>,
          %shift_right_logical3A_317 = arith.constant 13 : i32
          %shift_right_logical3A_318 = vector.broadcast %shift_right_logical3A_317 : i32 to vector<16xi32>
          %shift_right_logical3A_319 = arith.shrui %get3A_316, %shift_right_logical3A_318 : vector<16xi32>
          %swap3A_320 = arith.constant 32 : index
          %swap3A_321 = tpu.vector_load %arg10[%swap3A_320] {strides = array<i32>} : memref<128xi32, #tpu.memory_space<vmem>>, vector<16xi32>,
          tpu.vector_store %arg10[%swap3A_320], %shift_right_logical3A_319 {strides = array<i32>} : memref<128xi32, #tpu.memory_space<vmem>>, vector<16xi32>,
          %and3A_322 = arith.constant 8191 : i32
          %and3A_323 = vector.broadcast %and3A_322 : i32 to vector<16xi32>
          %and3A_324 = arith.andi %get3A_316, %and3A_323 : vector<16xi32>
          %swap3A_325 = arith.constant 32 : index
          %swap3A_326 = tpu.vector_load %arg11[%swap3A_325] {strides = array<i32>} : memref<128xi32, #tpu.memory_space<vmem>>, vector<16xi32>,
          tpu.vector_store %arg11[%swap3A_325], %and3A_324 {strides = array<i32>} : memref<128xi32, #tpu.memory_space<vmem>>, vector<16xi32>,
          %mul3A_327 = arith.constant 128 : i32
          %mul3A_328 = arith.muli %add3A_281, %mul3A_327 : i32
          %add3A_329 = arith.constant 48 : i32
          %add3A_330 = arith.addi %mul3A_328, %add3A_329 : i32
          %get3A_331 = arith.index_cast %add3A_330 : i32 to index
          %get3A_332 = tpu.vector_load %arg16[%get3A_331] {strides = array<i32>} : memref<20608xi32, #tpu.memory_space<vmem>>, vector<16xi32>,
          %shift_right_logical3A_333 = arith.constant 13 : i32
          %shift_right_logical3A_334 = vector.broadcast %shift_right_logical3A_333 : i32 to vector<16xi32>
          %shift_right_logical3A_335 = arith.shrui %get3A_332, %shift_right_logical3A_334 : vector<16xi32>
          %swap3A_336 = arith.constant 48 : index
          %swap3A_337 = tpu.vector_load %arg10[%swap3A_336] {strides = array<i32>} : memref<128xi32, #tpu.memory_space<vmem>>, vector<16xi32>,
          tpu.vector_store %arg10[%swap3A_336], %shift_right_logical3A_335 {strides = array<i32>} : memref<128xi32, #tpu.memory_space<vmem>>, vector<16xi32>,
          %and3A_338 = arith.constant 8191 : i32
          %and3A_339 = vector.broadcast %and3A_338 : i32 to vector<16xi32>
          %and3A_340 = arith.andi %get3A_332, %and3A_339 : vector<16xi32>
          %swap3A_341 = arith.constant 48 : index
          %swap3A_342 = tpu.vector_load %arg11[%swap3A_341] {strides = array<i32>} : memref<128xi32, #tpu.memory_space<vmem>>, vector<16xi32>,
          tpu.vector_store %arg11[%swap3A_341], %and3A_340 {strides = array<i32>} : memref<128xi32, #tpu.memory_space<vmem>>, vector<16xi32>,
          %mul3A_343 = arith.constant 128 : i32
          %mul3A_344 = arith.muli %add3A_281, %mul3A_343 : i32
          %add3A_345 = arith.constant 64 : i32
          %add3A_346 = arith.addi %mul3A_344, %add3A_345 : i32
          %get3A_347 = arith.index_cast %add3A_346 : i32 to index
          %get3A_348 = tpu.vector_load %arg16[%get3A_347] {strides = array<i32>} : memref<20608xi32, #tpu.memory_space<vmem>>, vector<16xi32>,
          %shift_right_logical3A_349 = arith.constant 13 : i32
          %shift_right_logical3A_350 = vector.broadcast %shift_right_logical3A_349 : i32 to vector<16xi32>
          %shift_right_logical3A_351 = arith.shrui %get3A_348, %shift_right_logical3A_350 : vector<16xi32>
          %swap3A_352 = arith.constant 64 : index
          %swap3A_353 = tpu.vector_load %arg10[%swap3A_352] {strides = array<i32>} : memref<128xi32, #tpu.memory_space<vmem>>, vector<16xi32>,
          tpu.vector_store %arg10[%swap3A_352], %shift_right_logical3A_351 {strides = array<i32>} : memref<128xi32, #tpu.memory_space<vmem>>, vector<16xi32>,
          %and3A_354 = arith.constant 8191 : i32
          %and3A_355 = vector.broadcast %and3A_354 : i32 to vector<16xi32>
          %and3A_356 = arith.andi %get3A_348, %and3A_355 : vector<16xi32>
          %swap3A_357 = arith.constant 64 : index
          %swap3A_358 = tpu.vector_load %arg11[%swap3A_357] {strides = array<i32>} : memref<128xi32, #tpu.memory_space<vmem>>, vector<16xi32>,
          tpu.vector_store %arg11[%swap3A_357], %and3A_356 {strides = array<i32>} : memref<128xi32, #tpu.memory_space<vmem>>, vector<16xi32>,
          %mul3A_359 = arith.constant 128 : i32
          %mul3A_360 = arith.muli %add3A_281, %mul3A_359 : i32
          %add3A_361 = arith.constant 80 : i32
          %add3A_362 = arith.addi %mul3A_360, %add3A_361 : i32
          %get3A_363 = arith.index_cast %add3A_362 : i32 to index
          %get3A_364 = tpu.vector_load %arg16[%get3A_363] {strides = array<i32>} : memref<20608xi32, #tpu.memory_space<vmem>>, vector<16xi32>,
          %shift_right_logical3A_365 = arith.constant 13 : i32
          %shift_right_logical3A_366 = vector.broadcast %shift_right_logical3A_365 : i32 to vector<16xi32>
          %shift_right_logical3A_367 = arith.shrui %get3A_364, %shift_right_logical3A_366 : vector<16xi32>
          %swap3A_368 = arith.constant 80 : index
          %swap3A_369 = tpu.vector_load %arg10[%swap3A_368] {strides = array<i32>} : memref<128xi32, #tpu.memory_space<vmem>>, vector<16xi32>,
          tpu.vector_store %arg10[%swap3A_368], %shift_right_logical3A_367 {strides = array<i32>} : memref<128xi32, #tpu.memory_space<vmem>>, vector<16xi32>,
          %and3A_370 = arith.constant 8191 : i32
          %and3A_371 = vector.broadcast %and3A_370 : i32 to vector<16xi32>
          %and3A_372 = arith.andi %get3A_364, %and3A_371 : vector<16xi32>
          %swap3A_373 = arith.constant 80 : index
          %swap3A_374 = tpu.vector_load %arg11[%swap3A_373] {strides = array<i32>} : memref<128xi32, #tpu.memory_space<vmem>>, vector<16xi32>,
          tpu.vector_store %arg11[%swap3A_373], %and3A_372 {strides = array<i32>} : memref<128xi32, #tpu.memory_space<vmem>>, vector<16xi32>,
          %mul3A_375 = arith.constant 128 : i32
          %mul3A_376 = arith.muli %add3A_281, %mul3A_375 : i32
          %add3A_377 = arith.constant 96 : i32
          %add3A_378 = arith.addi %mul3A_376, %add3A_377 : i32
          %get3A_379 = arith.index_cast %add3A_378 : i32 to index
          %get3A_380 = tpu.vector_load %arg16[%get3A_379] {strides = array<i32>} : memref<20608xi32, #tpu.memory_space<vmem>>, vector<16xi32>,
          %shift_right_logical3A_381 = arith.constant 13 : i32
          %shift_right_logical3A_382 = vector.broadcast %shift_right_logical3A_381 : i32 to vector<16xi32>
          %shift_right_logical3A_383 = arith.shrui %get3A_380, %shift_right_logical3A_382 : vector<16xi32>
          %swap3A_384 = arith.constant 96 : index
          %swap3A_385 = tpu.vector_load %arg10[%swap3A_384] {strides = array<i32>} : memref<128xi32, #tpu.memory_space<vmem>>, vector<16xi32>,
          tpu.vector_store %arg10[%swap3A_384], %shift_right_logical3A_383 {strides = array<i32>} : memref<128xi32, #tpu.memory_space<vmem>>, vector<16xi32>,
          %and3A_386 = arith.constant 8191 : i32
          %and3A_387 = vector.broadcast %and3A_386 : i32 to vector<16xi32>
          %and3A_388 = arith.andi %get3A_380, %and3A_387 : vector<16xi32>
          %swap3A_389 = arith.constant 96 : index
          %swap3A_390 = tpu.vector_load %arg11[%swap3A_389] {strides = array<i32>} : memref<128xi32, #tpu.memory_space<vmem>>, vector<16xi32>,
          tpu.vector_store %arg11[%swap3A_389], %and3A_388 {strides = array<i32>} : memref<128xi32, #tpu.memory_space<vmem>>, vector<16xi32>,
          %mul3A_391 = arith.constant 128 : i32
          %mul3A_392 = arith.muli %add3A_281, %mul3A_391 : i32
          %add3A_393 = arith.constant 112 : i32
          %add3A_394 = arith.addi %mul3A_392, %add3A_393 : i32
          %get3A_395 = arith.index_cast %add3A_394 : i32 to index
          %get3A_396 = tpu.vector_load %arg16[%get3A_395] {strides = array<i32>} : memref<20608xi32, #tpu.memory_space<vmem>>, vector<16xi32>,
          %shift_right_logical3A_397 = arith.constant 13 : i32
          %shift_right_logical3A_398 = vector.broadcast %shift_right_logical3A_397 : i32 to vector<16xi32>
          %shift_right_logical3A_399 = arith.shrui %get3A_396, %shift_right_logical3A_398 : vector<16xi32>
          %swap3A_400 = arith.constant 112 : index
          %swap3A_401 = tpu.vector_load %arg10[%swap3A_400] {strides = array<i32>} : memref<128xi32, #tpu.memory_space<vmem>>, vector<16xi32>,
          tpu.vector_store %arg10[%swap3A_400], %shift_right_logical3A_399 {strides = array<i32>} : memref<128xi32, #tpu.memory_space<vmem>>, vector<16xi32>,
          %and3A_402 = arith.constant 8191 : i32
          %and3A_403 = vector.broadcast %and3A_402 : i32 to vector<16xi32>
          %and3A_404 = arith.andi %get3A_396, %and3A_403 : vector<16xi32>
          %swap3A_405 = arith.constant 112 : index
          %swap3A_406 = tpu.vector_load %arg11[%swap3A_405] {strides = array<i32>} : memref<128xi32, #tpu.memory_space<vmem>>, vector<16xi32>,
          tpu.vector_store %arg11[%swap3A_405], %and3A_404 {strides = array<i32>} : memref<128xi32, #tpu.memory_space<vmem>>, vector<16xi32>,
          %dma_start3A = arith.constant 0 : i32
          %dma_start3A_407 = arith.constant 0 : i32
          %dma_start3A_408 = tpu.memref_slice %arg2[%dma_start3A, %dma_start3A_407] : memref<20000x128xf32, #tpu.memory_space<hbm>> -> memref<20000x128xf32, #tpu.memory_space<hbm>>
          tpu.enqueue_indirect_dma source(%dma_start3A_408 : memref<20000x128xf32, #tpu.memory_space<hbm>>) target(%arg14 : memref<128x128xf32, #tpu.memory_space<vmem>>) offsets(%arg10 : memref<128xi32, #tpu.memory_space<vmem>>) semaphore(%arg23 : memref<!tpu.dma_semaphore, #tpu.memory_space<semaphore_mem>>)
        } else {
        }
        %dma_wait3A = arith.constant 0 : i32
        %dma_wait3A_278 = arith.constant 0 : i32
        %dma_wait3A_279 = tpu.memref_slice %arg2[%dma_wait3A, %dma_wait3A_278] : memref<20000x128xf32, #tpu.memory_space<hbm>> -> memref<20000x128xf32, #tpu.memory_space<hbm>>
        tpu.wait_indirect_dma semaphore(%arg21 : memref<!tpu.dma_semaphore, #tpu.memory_space<semaphore_mem>>) src(%dma_wait3A_279 : memref<20000x128xf32, #tpu.memory_space<hbm>>) dst(%arg12 : memref<128x128xf32, #tpu.memory_space<vmem>>)
        "tpu.region"() ({
          %run_scoped3A = tpu.sem_alloc : memref<!tpu.dma_semaphore, #tpu.memory_space<semaphore_mem>>
          %dma_start3A = arith.constant 0 : i32
          %dma_start3A_280 = arith.constant 0 : i32
          %dma_start3A_281 = tpu.memref_slice %arg20[%dma_start3A, %dma_start3A_280] : memref<5128x128xf32, #tpu.memory_space<vmem_shared>> -> memref<5128x128xf32, #tpu.memory_space<vmem_shared>>
          tpu.enqueue_indirect_dma source(%arg12 : memref<128x128xf32, #tpu.memory_space<vmem>>) target(%dma_start3A_281 : memref<5128x128xf32, #tpu.memory_space<vmem_shared>>) offsets(%arg7 : memref<128xi32, #tpu.memory_space<vmem>>) semaphore(%run_scoped3A : memref<!tpu.dma_semaphore, #tpu.memory_space<semaphore_mem>>) {add = true}
          %dma_wait3A_282 = arith.constant 0 : i32
          %dma_wait3A_283 = arith.constant 0 : i32
          %dma_wait3A_284 = tpu.memref_slice %arg20[%dma_wait3A_282, %dma_wait3A_283] : memref<5128x128xf32, #tpu.memory_space<vmem_shared>> -> memref<5128x128xf32, #tpu.memory_space<vmem_shared>>
          tpu.wait_indirect_dma semaphore(%run_scoped3A : memref<!tpu.dma_semaphore, #tpu.memory_space<semaphore_mem>>) src(%arg12 : memref<128x128xf32, #tpu.memory_space<vmem>>) dst(%dma_wait3A_284 : memref<5128x128xf32, #tpu.memory_space<vmem_shared>>)
          tpu.yield
        }) : () -> ()
      } else {
      }
      %mul3A_250 = arith.constant 3 : i32
      %mul3A_251 = arith.muli %scan3A_239, %mul3A_250 : i32
      %add3A_252 = arith.constant 1 : i32
      %add3A_253 = arith.addi %mul3A_251, %add3A_252 : i32
      %mul3A_254 = arith.constant 128 : i32
      %mul3A_255 = arith.muli %add3A_253, %mul3A_254 : i32
      %lt3A_256 = arith.cmpi slt, %mul3A_255, %scan3A_143 : i32
      %convert_element_type3A_257 = arith.extui %lt3A_256 : i1 to i32
      %cond3A_258 = arith.constant 0 : i32
      %cond3A_259 = arith.cmpi ne, %convert_element_type3A_257, %cond3A_258 : i32
      scf.if %cond3A_259 {
        %add3A_270 = arith.constant 2 : i32
        %add3A_271 = arith.addi %add3A_253, %add3A_270 : i32
        %mul3A_272 = arith.constant 128 : i32
        %mul3A_273 = arith.muli %add3A_271, %mul3A_272 : i32
        %lt3A_274 = arith.cmpi slt, %mul3A_273, %scan3A_143 : i32
        %convert_element_type3A_275 = arith.extui %lt3A_274 : i1 to i32
        %cond3A_276 = arith.constant 0 : i32
        %cond3A_277 = arith.cmpi ne, %convert_element_type3A_275, %cond3A_276 : i32
        scf.if %cond3A_277 {
          %add3A_280 = arith.constant 2 : i32
          %add3A_281 = arith.addi %add3A_253, %add3A_280 : i32
          %mul3A_282 = arith.constant 128 : i32
          %mul3A_283 = arith.muli %add3A_281, %mul3A_282 : i32
          %add3A_284 = arith.constant 0 : i32
          %add3A_285 = arith.addi %mul3A_283, %add3A_284 : i32
          %get3A = arith.index_cast %add3A_285 : i32 to index
          %get3A_286 = tpu.vector_load %arg16[%get3A] {strides = array<i32>} : memref<20608xi32, #tpu.memory_space<vmem>>, vector<16xi32>,
          %shift_right_logical3A = arith.constant 13 : i32
          %shift_right_logical3A_287 = vector.broadcast %shift_right_logical3A : i32 to vector<16xi32>
          %shift_right_logical3A_288 = arith.shrui %get3A_286, %shift_right_logical3A_287 : vector<16xi32>
          %swap3A_289 = arith.constant 0 : index
          %swap3A_290 = tpu.vector_load %arg6[%swap3A_289] {strides = array<i32>} : memref<128xi32, #tpu.memory_space<vmem>>, vector<16xi32>,
          tpu.vector_store %arg6[%swap3A_289], %shift_right_logical3A_288 {strides = array<i32>} : memref<128xi32, #tpu.memory_space<vmem>>, vector<16xi32>,
          %and3A = arith.constant 8191 : i32
          %and3A_291 = vector.broadcast %and3A : i32 to vector<16xi32>
          %and3A_292 = arith.andi %get3A_286, %and3A_291 : vector<16xi32>
          %swap3A_293 = arith.constant 0 : index
          %swap3A_294 = tpu.vector_load %arg7[%swap3A_293] {strides = array<i32>} : memref<128xi32, #tpu.memory_space<vmem>>, vector<16xi32>,
          tpu.vector_store %arg7[%swap3A_293], %and3A_292 {strides = array<i32>} : memref<128xi32, #tpu.memory_space<vmem>>, vector<16xi32>,
          %mul3A_295 = arith.constant 128 : i32
          %mul3A_296 = arith.muli %add3A_281, %mul3A_295 : i32
          %add3A_297 = arith.constant 16 : i32
          %add3A_298 = arith.addi %mul3A_296, %add3A_297 : i32
          %get3A_299 = arith.index_cast %add3A_298 : i32 to index
          %get3A_300 = tpu.vector_load %arg16[%get3A_299] {strides = array<i32>} : memref<20608xi32, #tpu.memory_space<vmem>>, vector<16xi32>,
          %shift_right_logical3A_301 = arith.constant 13 : i32
          %shift_right_logical3A_302 = vector.broadcast %shift_right_logical3A_301 : i32 to vector<16xi32>
          %shift_right_logical3A_303 = arith.shrui %get3A_300, %shift_right_logical3A_302 : vector<16xi32>
          %swap3A_304 = arith.constant 16 : index
          %swap3A_305 = tpu.vector_load %arg6[%swap3A_304] {strides = array<i32>} : memref<128xi32, #tpu.memory_space<vmem>>, vector<16xi32>,
          tpu.vector_store %arg6[%swap3A_304], %shift_right_logical3A_303 {strides = array<i32>} : memref<128xi32, #tpu.memory_space<vmem>>, vector<16xi32>,
          %and3A_306 = arith.constant 8191 : i32
          %and3A_307 = vector.broadcast %and3A_306 : i32 to vector<16xi32>
          %and3A_308 = arith.andi %get3A_300, %and3A_307 : vector<16xi32>
          %swap3A_309 = arith.constant 16 : index
          %swap3A_310 = tpu.vector_load %arg7[%swap3A_309] {strides = array<i32>} : memref<128xi32, #tpu.memory_space<vmem>>, vector<16xi32>,
          tpu.vector_store %arg7[%swap3A_309], %and3A_308 {strides = array<i32>} : memref<128xi32, #tpu.memory_space<vmem>>, vector<16xi32>,
          %mul3A_311 = arith.constant 128 : i32
          %mul3A_312 = arith.muli %add3A_281, %mul3A_311 : i32
          %add3A_313 = arith.constant 32 : i32
          %add3A_314 = arith.addi %mul3A_312, %add3A_313 : i32
          %get3A_315 = arith.index_cast %add3A_314 : i32 to index
          %get3A_316 = tpu.vector_load %arg16[%get3A_315] {strides = array<i32>} : memref<20608xi32, #tpu.memory_space<vmem>>, vector<16xi32>,
          %shift_right_logical3A_317 = arith.constant 13 : i32
          %shift_right_logical3A_318 = vector.broadcast %shift_right_logical3A_317 : i32 to vector<16xi32>
          %shift_right_logical3A_319 = arith.shrui %get3A_316, %shift_right_logical3A_318 : vector<16xi32>
          %swap3A_320 = arith.constant 32 : index
          %swap3A_321 = tpu.vector_load %arg6[%swap3A_320] {strides = array<i32>} : memref<128xi32, #tpu.memory_space<vmem>>, vector<16xi32>,
          tpu.vector_store %arg6[%swap3A_320], %shift_right_logical3A_319 {strides = array<i32>} : memref<128xi32, #tpu.memory_space<vmem>>, vector<16xi32>,
          %and3A_322 = arith.constant 8191 : i32
          %and3A_323 = vector.broadcast %and3A_322 : i32 to vector<16xi32>
          %and3A_324 = arith.andi %get3A_316, %and3A_323 : vector<16xi32>
          %swap3A_325 = arith.constant 32 : index
          %swap3A_326 = tpu.vector_load %arg7[%swap3A_325] {strides = array<i32>} : memref<128xi32, #tpu.memory_space<vmem>>, vector<16xi32>,
          tpu.vector_store %arg7[%swap3A_325], %and3A_324 {strides = array<i32>} : memref<128xi32, #tpu.memory_space<vmem>>, vector<16xi32>,
          %mul3A_327 = arith.constant 128 : i32
          %mul3A_328 = arith.muli %add3A_281, %mul3A_327 : i32
          %add3A_329 = arith.constant 48 : i32
          %add3A_330 = arith.addi %mul3A_328, %add3A_329 : i32
          %get3A_331 = arith.index_cast %add3A_330 : i32 to index
          %get3A_332 = tpu.vector_load %arg16[%get3A_331] {strides = array<i32>} : memref<20608xi32, #tpu.memory_space<vmem>>, vector<16xi32>,
          %shift_right_logical3A_333 = arith.constant 13 : i32
          %shift_right_logical3A_334 = vector.broadcast %shift_right_logical3A_333 : i32 to vector<16xi32>
          %shift_right_logical3A_335 = arith.shrui %get3A_332, %shift_right_logical3A_334 : vector<16xi32>
          %swap3A_336 = arith.constant 48 : index
          %swap3A_337 = tpu.vector_load %arg6[%swap3A_336] {strides = array<i32>} : memref<128xi32, #tpu.memory_space<vmem>>, vector<16xi32>,
          tpu.vector_store %arg6[%swap3A_336], %shift_right_logical3A_335 {strides = array<i32>} : memref<128xi32, #tpu.memory_space<vmem>>, vector<16xi32>,
          %and3A_338 = arith.constant 8191 : i32
          %and3A_339 = vector.broadcast %and3A_338 : i32 to vector<16xi32>
          %and3A_340 = arith.andi %get3A_332, %and3A_339 : vector<16xi32>
          %swap3A_341 = arith.constant 48 : index
          %swap3A_342 = tpu.vector_load %arg7[%swap3A_341] {strides = array<i32>} : memref<128xi32, #tpu.memory_space<vmem>>, vector<16xi32>,
          tpu.vector_store %arg7[%swap3A_341], %and3A_340 {strides = array<i32>} : memref<128xi32, #tpu.memory_space<vmem>>, vector<16xi32>,
          %mul3A_343 = arith.constant 128 : i32
          %mul3A_344 = arith.muli %add3A_281, %mul3A_343 : i32
          %add3A_345 = arith.constant 64 : i32
          %add3A_346 = arith.addi %mul3A_344, %add3A_345 : i32
          %get3A_347 = arith.index_cast %add3A_346 : i32 to index
          %get3A_348 = tpu.vector_load %arg16[%get3A_347] {strides = array<i32>} : memref<20608xi32, #tpu.memory_space<vmem>>, vector<16xi32>,
          %shift_right_logical3A_349 = arith.constant 13 : i32
          %shift_right_logical3A_350 = vector.broadcast %shift_right_logical3A_349 : i32 to vector<16xi32>
          %shift_right_logical3A_351 = arith.shrui %get3A_348, %shift_right_logical3A_350 : vector<16xi32>
          %swap3A_352 = arith.constant 64 : index
          %swap3A_353 = tpu.vector_load %arg6[%swap3A_352] {strides = array<i32>} : memref<128xi32, #tpu.memory_space<vmem>>, vector<16xi32>,
          tpu.vector_store %arg6[%swap3A_352], %shift_right_logical3A_351 {strides = array<i32>} : memref<128xi32, #tpu.memory_space<vmem>>, vector<16xi32>,
          %and3A_354 = arith.constant 8191 : i32
          %and3A_355 = vector.broadcast %and3A_354 : i32 to vector<16xi32>
          %and3A_356 = arith.andi %get3A_348, %and3A_355 : vector<16xi32>
          %swap3A_357 = arith.constant 64 : index
          %swap3A_358 = tpu.vector_load %arg7[%swap3A_357] {strides = array<i32>} : memref<128xi32, #tpu.memory_space<vmem>>, vector<16xi32>,
          tpu.vector_store %arg7[%swap3A_357], %and3A_356 {strides = array<i32>} : memref<128xi32, #tpu.memory_space<vmem>>, vector<16xi32>,
          %mul3A_359 = arith.constant 128 : i32
          %mul3A_360 = arith.muli %add3A_281, %mul3A_359 : i32
          %add3A_361 = arith.constant 80 : i32
          %add3A_362 = arith.addi %mul3A_360, %add3A_361 : i32
          %get3A_363 = arith.index_cast %add3A_362 : i32 to index
          %get3A_364 = tpu.vector_load %arg16[%get3A_363] {strides = array<i32>} : memref<20608xi32, #tpu.memory_space<vmem>>, vector<16xi32>,
          %shift_right_logical3A_365 = arith.constant 13 : i32
          %shift_right_logical3A_366 = vector.broadcast %shift_right_logical3A_365 : i32 to vector<16xi32>
          %shift_right_logical3A_367 = arith.shrui %get3A_364, %shift_right_logical3A_366 : vector<16xi32>
          %swap3A_368 = arith.constant 80 : index
          %swap3A_369 = tpu.vector_load %arg6[%swap3A_368] {strides = array<i32>} : memref<128xi32, #tpu.memory_space<vmem>>, vector<16xi32>,
          tpu.vector_store %arg6[%swap3A_368], %shift_right_logical3A_367 {strides = array<i32>} : memref<128xi32, #tpu.memory_space<vmem>>, vector<16xi32>,
          %and3A_370 = arith.constant 8191 : i32
          %and3A_371 = vector.broadcast %and3A_370 : i32 to vector<16xi32>
          %and3A_372 = arith.andi %get3A_364, %and3A_371 : vector<16xi32>
          %swap3A_373 = arith.constant 80 : index
          %swap3A_374 = tpu.vector_load %arg7[%swap3A_373] {strides = array<i32>} : memref<128xi32, #tpu.memory_space<vmem>>, vector<16xi32>,
          tpu.vector_store %arg7[%swap3A_373], %and3A_372 {strides = array<i32>} : memref<128xi32, #tpu.memory_space<vmem>>, vector<16xi32>,
          %mul3A_375 = arith.constant 128 : i32
          %mul3A_376 = arith.muli %add3A_281, %mul3A_375 : i32
          %add3A_377 = arith.constant 96 : i32
          %add3A_378 = arith.addi %mul3A_376, %add3A_377 : i32
          %get3A_379 = arith.index_cast %add3A_378 : i32 to index
          %get3A_380 = tpu.vector_load %arg16[%get3A_379] {strides = array<i32>} : memref<20608xi32, #tpu.memory_space<vmem>>, vector<16xi32>,
          %shift_right_logical3A_381 = arith.constant 13 : i32
          %shift_right_logical3A_382 = vector.broadcast %shift_right_logical3A_381 : i32 to vector<16xi32>
          %shift_right_logical3A_383 = arith.shrui %get3A_380, %shift_right_logical3A_382 : vector<16xi32>
          %swap3A_384 = arith.constant 96 : index
          %swap3A_385 = tpu.vector_load %arg6[%swap3A_384] {strides = array<i32>} : memref<128xi32, #tpu.memory_space<vmem>>, vector<16xi32>,
          tpu.vector_store %arg6[%swap3A_384], %shift_right_logical3A_383 {strides = array<i32>} : memref<128xi32, #tpu.memory_space<vmem>>, vector<16xi32>,
          %and3A_386 = arith.constant 8191 : i32
          %and3A_387 = vector.broadcast %and3A_386 : i32 to vector<16xi32>
          %and3A_388 = arith.andi %get3A_380, %and3A_387 : vector<16xi32>
          %swap3A_389 = arith.constant 96 : index
          %swap3A_390 = tpu.vector_load %arg7[%swap3A_389] {strides = array<i32>} : memref<128xi32, #tpu.memory_space<vmem>>, vector<16xi32>,
          tpu.vector_store %arg7[%swap3A_389], %and3A_388 {strides = array<i32>} : memref<128xi32, #tpu.memory_space<vmem>>, vector<16xi32>,
          %mul3A_391 = arith.constant 128 : i32
          %mul3A_392 = arith.muli %add3A_281, %mul3A_391 : i32
          %add3A_393 = arith.constant 112 : i32
          %add3A_394 = arith.addi %mul3A_392, %add3A_393 : i32
          %get3A_395 = arith.index_cast %add3A_394 : i32 to index
          %get3A_396 = tpu.vector_load %arg16[%get3A_395] {strides = array<i32>} : memref<20608xi32, #tpu.memory_space<vmem>>, vector<16xi32>,
          %shift_right_logical3A_397 = arith.constant 13 : i32
          %shift_right_logical3A_398 = vector.broadcast %shift_right_logical3A_397 : i32 to vector<16xi32>
          %shift_right_logical3A_399 = arith.shrui %get3A_396, %shift_right_logical3A_398 : vector<16xi32>
          %swap3A_400 = arith.constant 112 : index
          %swap3A_401 = tpu.vector_load %arg6[%swap3A_400] {strides = array<i32>} : memref<128xi32, #tpu.memory_space<vmem>>, vector<16xi32>,
          tpu.vector_store %arg6[%swap3A_400], %shift_right_logical3A_399 {strides = array<i32>} : memref<128xi32, #tpu.memory_space<vmem>>, vector<16xi32>,
          %and3A_402 = arith.constant 8191 : i32
          %and3A_403 = vector.broadcast %and3A_402 : i32 to vector<16xi32>
          %and3A_404 = arith.andi %get3A_396, %and3A_403 : vector<16xi32>
          %swap3A_405 = arith.constant 112 : index
          %swap3A_406 = tpu.vector_load %arg7[%swap3A_405] {strides = array<i32>} : memref<128xi32, #tpu.memory_space<vmem>>, vector<16xi32>,
          tpu.vector_store %arg7[%swap3A_405], %and3A_404 {strides = array<i32>} : memref<128xi32, #tpu.memory_space<vmem>>, vector<16xi32>,
          %dma_start3A = arith.constant 0 : i32
          %dma_start3A_407 = arith.constant 0 : i32
          %dma_start3A_408 = tpu.memref_slice %arg2[%dma_start3A, %dma_start3A_407] : memref<20000x128xf32, #tpu.memory_space<hbm>> -> memref<20000x128xf32, #tpu.memory_space<hbm>>
          tpu.enqueue_indirect_dma source(%dma_start3A_408 : memref<20000x128xf32, #tpu.memory_space<hbm>>) target(%arg12 : memref<128x128xf32, #tpu.memory_space<vmem>>) offsets(%arg6 : memref<128xi32, #tpu.memory_space<vmem>>) semaphore(%arg21 : memref<!tpu.dma_semaphore, #tpu.memory_space<semaphore_mem>>)
        } else {
        }
        %dma_wait3A = arith.constant 0 : i32
        %dma_wait3A_278 = arith.constant 0 : i32
        %dma_wait3A_279 = tpu.memref_slice %arg2[%dma_wait3A, %dma_wait3A_278] : memref<20000x128xf32, #tpu.memory_space<hbm>> -> memref<20000x128xf32, #tpu.memory_space<hbm>>
        tpu.wait_indirect_dma semaphore(%arg22 : memref<!tpu.dma_semaphore, #tpu.memory_space<semaphore_mem>>) src(%dma_wait3A_279 : memref<20000x128xf32, #tpu.memory_space<hbm>>) dst(%arg13 : memref<128x128xf32, #tpu.memory_space<vmem>>)
        "tpu.region"() ({
          %run_scoped3A = tpu.sem_alloc : memref<!tpu.dma_semaphore, #tpu.memory_space<semaphore_mem>>
          %dma_start3A = arith.constant 0 : i32
          %dma_start3A_280 = arith.constant 0 : i32
          %dma_start3A_281 = tpu.memref_slice %arg20[%dma_start3A, %dma_start3A_280] : memref<5128x128xf32, #tpu.memory_space<vmem_shared>> -> memref<5128x128xf32, #tpu.memory_space<vmem_shared>>
          tpu.enqueue_indirect_dma source(%arg13 : memref<128x128xf32, #tpu.memory_space<vmem>>) target(%dma_start3A_281 : memref<5128x128xf32, #tpu.memory_space<vmem_shared>>) offsets(%arg9 : memref<128xi32, #tpu.memory_space<vmem>>) semaphore(%run_scoped3A : memref<!tpu.dma_semaphore, #tpu.memory_space<semaphore_mem>>) {add = true}
          %dma_wait3A_282 = arith.constant 0 : i32
          %dma_wait3A_283 = arith.constant 0 : i32
          %dma_wait3A_284 = tpu.memref_slice %arg20[%dma_wait3A_282, %dma_wait3A_283] : memref<5128x128xf32, #tpu.memory_space<vmem_shared>> -> memref<5128x128xf32, #tpu.memory_space<vmem_shared>>
          tpu.wait_indirect_dma semaphore(%run_scoped3A : memref<!tpu.dma_semaphore, #tpu.memory_space<semaphore_mem>>) src(%arg13 : memref<128x128xf32, #tpu.memory_space<vmem>>) dst(%dma_wait3A_284 : memref<5128x128xf32, #tpu.memory_space<vmem_shared>>)
          tpu.yield
        }) : () -> ()
      } else {
      }
      %mul3A_260 = arith.constant 3 : i32
      %mul3A_261 = arith.muli %scan3A_239, %mul3A_260 : i32
      %add3A_262 = arith.constant 2 : i32
      %add3A_263 = arith.addi %mul3A_261, %add3A_262 : i32
      %mul3A_264 = arith.constant 128 : i32
      %mul3A_265 = arith.muli %add3A_263, %mul3A_264 : i32
      %lt3A_266 = arith.cmpi slt, %mul3A_265, %scan3A_143 : i32
      %convert_element_type3A_267 = arith.extui %lt3A_266 : i1 to i32
      %cond3A_268 = arith.constant 0 : i32
      %cond3A_269 = arith.cmpi ne, %convert_element_type3A_267, %cond3A_268 : i32
      scf.if %cond3A_269 {
        %add3A_270 = arith.constant 2 : i32
        %add3A_271 = arith.addi %add3A_263, %add3A_270 : i32
        %mul3A_272 = arith.constant 128 : i32
        %mul3A_273 = arith.muli %add3A_271, %mul3A_272 : i32
        %lt3A_274 = arith.cmpi slt, %mul3A_273, %scan3A_143 : i32
        %convert_element_type3A_275 = arith.extui %lt3A_274 : i1 to i32
        %cond3A_276 = arith.constant 0 : i32
        %cond3A_277 = arith.cmpi ne, %convert_element_type3A_275, %cond3A_276 : i32
        scf.if %cond3A_277 {
          %add3A_280 = arith.constant 2 : i32
          %add3A_281 = arith.addi %add3A_263, %add3A_280 : i32
          %mul3A_282 = arith.constant 128 : i32
          %mul3A_283 = arith.muli %add3A_281, %mul3A_282 : i32
          %add3A_284 = arith.constant 0 : i32
          %add3A_285 = arith.addi %mul3A_283, %add3A_284 : i32
          %get3A = arith.index_cast %add3A_285 : i32 to index
          %get3A_286 = tpu.vector_load %arg16[%get3A] {strides = array<i32>} : memref<20608xi32, #tpu.memory_space<vmem>>, vector<16xi32>,
          %shift_right_logical3A = arith.constant 13 : i32
          %shift_right_logical3A_287 = vector.broadcast %shift_right_logical3A : i32 to vector<16xi32>
          %shift_right_logical3A_288 = arith.shrui %get3A_286, %shift_right_logical3A_287 : vector<16xi32>
          %swap3A_289 = arith.constant 0 : index
          %swap3A_290 = tpu.vector_load %arg8[%swap3A_289] {strides = array<i32>} : memref<128xi32, #tpu.memory_space<vmem>>, vector<16xi32>,
          tpu.vector_store %arg8[%swap3A_289], %shift_right_logical3A_288 {strides = array<i32>} : memref<128xi32, #tpu.memory_space<vmem>>, vector<16xi32>,
          %and3A = arith.constant 8191 : i32
          %and3A_291 = vector.broadcast %and3A : i32 to vector<16xi32>
          %and3A_292 = arith.andi %get3A_286, %and3A_291 : vector<16xi32>
          %swap3A_293 = arith.constant 0 : index
          %swap3A_294 = tpu.vector_load %arg9[%swap3A_293] {strides = array<i32>} : memref<128xi32, #tpu.memory_space<vmem>>, vector<16xi32>,
          tpu.vector_store %arg9[%swap3A_293], %and3A_292 {strides = array<i32>} : memref<128xi32, #tpu.memory_space<vmem>>, vector<16xi32>,
          %mul3A_295 = arith.constant 128 : i32
          %mul3A_296 = arith.muli %add3A_281, %mul3A_295 : i32
          %add3A_297 = arith.constant 16 : i32
          %add3A_298 = arith.addi %mul3A_296, %add3A_297 : i32
          %get3A_299 = arith.index_cast %add3A_298 : i32 to index
          %get3A_300 = tpu.vector_load %arg16[%get3A_299] {strides = array<i32>} : memref<20608xi32, #tpu.memory_space<vmem>>, vector<16xi32>,
          %shift_right_logical3A_301 = arith.constant 13 : i32
          %shift_right_logical3A_302 = vector.broadcast %shift_right_logical3A_301 : i32 to vector<16xi32>
          %shift_right_logical3A_303 = arith.shrui %get3A_300, %shift_right_logical3A_302 : vector<16xi32>
          %swap3A_304 = arith.constant 16 : index
          %swap3A_305 = tpu.vector_load %arg8[%swap3A_304] {strides = array<i32>} : memref<128xi32, #tpu.memory_space<vmem>>, vector<16xi32>,
          tpu.vector_store %arg8[%swap3A_304], %shift_right_logical3A_303 {strides = array<i32>} : memref<128xi32, #tpu.memory_space<vmem>>, vector<16xi32>,
          %and3A_306 = arith.constant 8191 : i32
          %and3A_307 = vector.broadcast %and3A_306 : i32 to vector<16xi32>
          %and3A_308 = arith.andi %get3A_300, %and3A_307 : vector<16xi32>
          %swap3A_309 = arith.constant 16 : index
          %swap3A_310 = tpu.vector_load %arg9[%swap3A_309] {strides = array<i32>} : memref<128xi32, #tpu.memory_space<vmem>>, vector<16xi32>,
          tpu.vector_store %arg9[%swap3A_309], %and3A_308 {strides = array<i32>} : memref<128xi32, #tpu.memory_space<vmem>>, vector<16xi32>,
          %mul3A_311 = arith.constant 128 : i32
          %mul3A_312 = arith.muli %add3A_281, %mul3A_311 : i32
          %add3A_313 = arith.constant 32 : i32
          %add3A_314 = arith.addi %mul3A_312, %add3A_313 : i32
          %get3A_315 = arith.index_cast %add3A_314 : i32 to index
          %get3A_316 = tpu.vector_load %arg16[%get3A_315] {strides = array<i32>} : memref<20608xi32, #tpu.memory_space<vmem>>, vector<16xi32>,
          %shift_right_logical3A_317 = arith.constant 13 : i32
          %shift_right_logical3A_318 = vector.broadcast %shift_right_logical3A_317 : i32 to vector<16xi32>
          %shift_right_logical3A_319 = arith.shrui %get3A_316, %shift_right_logical3A_318 : vector<16xi32>
          %swap3A_320 = arith.constant 32 : index
          %swap3A_321 = tpu.vector_load %arg8[%swap3A_320] {strides = array<i32>} : memref<128xi32, #tpu.memory_space<vmem>>, vector<16xi32>,
          tpu.vector_store %arg8[%swap3A_320], %shift_right_logical3A_319 {strides = array<i32>} : memref<128xi32, #tpu.memory_space<vmem>>, vector<16xi32>,
          %and3A_322 = arith.constant 8191 : i32
          %and3A_323 = vector.broadcast %and3A_322 : i32 to vector<16xi32>
          %and3A_324 = arith.andi %get3A_316, %and3A_323 : vector<16xi32>
          %swap3A_325 = arith.constant 32 : index
          %swap3A_326 = tpu.vector_load %arg9[%swap3A_325] {strides = array<i32>} : memref<128xi32, #tpu.memory_space<vmem>>, vector<16xi32>,
          tpu.vector_store %arg9[%swap3A_325], %and3A_324 {strides = array<i32>} : memref<128xi32, #tpu.memory_space<vmem>>, vector<16xi32>,
          %mul3A_327 = arith.constant 128 : i32
          %mul3A_328 = arith.muli %add3A_281, %mul3A_327 : i32
          %add3A_329 = arith.constant 48 : i32
          %add3A_330 = arith.addi %mul3A_328, %add3A_329 : i32
          %get3A_331 = arith.index_cast %add3A_330 : i32 to index
          %get3A_332 = tpu.vector_load %arg16[%get3A_331] {strides = array<i32>} : memref<20608xi32, #tpu.memory_space<vmem>>, vector<16xi32>,
          %shift_right_logical3A_333 = arith.constant 13 : i32
          %shift_right_logical3A_334 = vector.broadcast %shift_right_logical3A_333 : i32 to vector<16xi32>
          %shift_right_logical3A_335 = arith.shrui %get3A_332, %shift_right_logical3A_334 : vector<16xi32>
          %swap3A_336 = arith.constant 48 : index
          %swap3A_337 = tpu.vector_load %arg8[%swap3A_336] {strides = array<i32>} : memref<128xi32, #tpu.memory_space<vmem>>, vector<16xi32>,
          tpu.vector_store %arg8[%swap3A_336], %shift_right_logical3A_335 {strides = array<i32>} : memref<128xi32, #tpu.memory_space<vmem>>, vector<16xi32>,
          %and3A_338 = arith.constant 8191 : i32
          %and3A_339 = vector.broadcast %and3A_338 : i32 to vector<16xi32>
          %and3A_340 = arith.andi %get3A_332, %and3A_339 : vector<16xi32>
          %swap3A_341 = arith.constant 48 : index
          %swap3A_342 = tpu.vector_load %arg9[%swap3A_341] {strides = array<i32>} : memref<128xi32, #tpu.memory_space<vmem>>, vector<16xi32>,
          tpu.vector_store %arg9[%swap3A_341], %and3A_340 {strides = array<i32>} : memref<128xi32, #tpu.memory_space<vmem>>, vector<16xi32>,
          %mul3A_343 = arith.constant 128 : i32
          %mul3A_344 = arith.muli %add3A_281, %mul3A_343 : i32
          %add3A_345 = arith.constant 64 : i32
          %add3A_346 = arith.addi %mul3A_344, %add3A_345 : i32
          %get3A_347 = arith.index_cast %add3A_346 : i32 to index
          %get3A_348 = tpu.vector_load %arg16[%get3A_347] {strides = array<i32>} : memref<20608xi32, #tpu.memory_space<vmem>>, vector<16xi32>,
          %shift_right_logical3A_349 = arith.constant 13 : i32
          %shift_right_logical3A_350 = vector.broadcast %shift_right_logical3A_349 : i32 to vector<16xi32>
          %shift_right_logical3A_351 = arith.shrui %get3A_348, %shift_right_logical3A_350 : vector<16xi32>
          %swap3A_352 = arith.constant 64 : index
          %swap3A_353 = tpu.vector_load %arg8[%swap3A_352] {strides = array<i32>} : memref<128xi32, #tpu.memory_space<vmem>>, vector<16xi32>,
          tpu.vector_store %arg8[%swap3A_352], %shift_right_logical3A_351 {strides = array<i32>} : memref<128xi32, #tpu.memory_space<vmem>>, vector<16xi32>,
          %and3A_354 = arith.constant 8191 : i32
          %and3A_355 = vector.broadcast %and3A_354 : i32 to vector<16xi32>
          %and3A_356 = arith.andi %get3A_348, %and3A_355 : vector<16xi32>
          %swap3A_357 = arith.constant 64 : index
          %swap3A_358 = tpu.vector_load %arg9[%swap3A_357] {strides = array<i32>} : memref<128xi32, #tpu.memory_space<vmem>>, vector<16xi32>,
          tpu.vector_store %arg9[%swap3A_357], %and3A_356 {strides = array<i32>} : memref<128xi32, #tpu.memory_space<vmem>>, vector<16xi32>,
          %mul3A_359 = arith.constant 128 : i32
          %mul3A_360 = arith.muli %add3A_281, %mul3A_359 : i32
          %add3A_361 = arith.constant 80 : i32
          %add3A_362 = arith.addi %mul3A_360, %add3A_361 : i32
          %get3A_363 = arith.index_cast %add3A_362 : i32 to index
          %get3A_364 = tpu.vector_load %arg16[%get3A_363] {strides = array<i32>} : memref<20608xi32, #tpu.memory_space<vmem>>, vector<16xi32>,
          %shift_right_logical3A_365 = arith.constant 13 : i32
          %shift_right_logical3A_366 = vector.broadcast %shift_right_logical3A_365 : i32 to vector<16xi32>
          %shift_right_logical3A_367 = arith.shrui %get3A_364, %shift_right_logical3A_366 : vector<16xi32>
          %swap3A_368 = arith.constant 80 : index
          %swap3A_369 = tpu.vector_load %arg8[%swap3A_368] {strides = array<i32>} : memref<128xi32, #tpu.memory_space<vmem>>, vector<16xi32>,
          tpu.vector_store %arg8[%swap3A_368], %shift_right_logical3A_367 {strides = array<i32>} : memref<128xi32, #tpu.memory_space<vmem>>, vector<16xi32>,
          %and3A_370 = arith.constant 8191 : i32
          %and3A_371 = vector.broadcast %and3A_370 : i32 to vector<16xi32>
          %and3A_372 = arith.andi %get3A_364, %and3A_371 : vector<16xi32>
          %swap3A_373 = arith.constant 80 : index
          %swap3A_374 = tpu.vector_load %arg9[%swap3A_373] {strides = array<i32>} : memref<128xi32, #tpu.memory_space<vmem>>, vector<16xi32>,
          tpu.vector_store %arg9[%swap3A_373], %and3A_372 {strides = array<i32>} : memref<128xi32, #tpu.memory_space<vmem>>, vector<16xi32>,
          %mul3A_375 = arith.constant 128 : i32
          %mul3A_376 = arith.muli %add3A_281, %mul3A_375 : i32
          %add3A_377 = arith.constant 96 : i32
          %add3A_378 = arith.addi %mul3A_376, %add3A_377 : i32
          %get3A_379 = arith.index_cast %add3A_378 : i32 to index
          %get3A_380 = tpu.vector_load %arg16[%get3A_379] {strides = array<i32>} : memref<20608xi32, #tpu.memory_space<vmem>>, vector<16xi32>,
          %shift_right_logical3A_381 = arith.constant 13 : i32
          %shift_right_logical3A_382 = vector.broadcast %shift_right_logical3A_381 : i32 to vector<16xi32>
          %shift_right_logical3A_383 = arith.shrui %get3A_380, %shift_right_logical3A_382 : vector<16xi32>
          %swap3A_384 = arith.constant 96 : index
          %swap3A_385 = tpu.vector_load %arg8[%swap3A_384] {strides = array<i32>} : memref<128xi32, #tpu.memory_space<vmem>>, vector<16xi32>,
          tpu.vector_store %arg8[%swap3A_384], %shift_right_logical3A_383 {strides = array<i32>} : memref<128xi32, #tpu.memory_space<vmem>>, vector<16xi32>,
          %and3A_386 = arith.constant 8191 : i32
          %and3A_387 = vector.broadcast %and3A_386 : i32 to vector<16xi32>
          %and3A_388 = arith.andi %get3A_380, %and3A_387 : vector<16xi32>
          %swap3A_389 = arith.constant 96 : index
          %swap3A_390 = tpu.vector_load %arg9[%swap3A_389] {strides = array<i32>} : memref<128xi32, #tpu.memory_space<vmem>>, vector<16xi32>,
          tpu.vector_store %arg9[%swap3A_389], %and3A_388 {strides = array<i32>} : memref<128xi32, #tpu.memory_space<vmem>>, vector<16xi32>,
          %mul3A_391 = arith.constant 128 : i32
          %mul3A_392 = arith.muli %add3A_281, %mul3A_391 : i32
          %add3A_393 = arith.constant 112 : i32
          %add3A_394 = arith.addi %mul3A_392, %add3A_393 : i32
          %get3A_395 = arith.index_cast %add3A_394 : i32 to index
          %get3A_396 = tpu.vector_load %arg16[%get3A_395] {strides = array<i32>} : memref<20608xi32, #tpu.memory_space<vmem>>, vector<16xi32>,
          %shift_right_logical3A_397 = arith.constant 13 : i32
          %shift_right_logical3A_398 = vector.broadcast %shift_right_logical3A_397 : i32 to vector<16xi32>
          %shift_right_logical3A_399 = arith.shrui %get3A_396, %shift_right_logical3A_398 : vector<16xi32>
          %swap3A_400 = arith.constant 112 : index
          %swap3A_401 = tpu.vector_load %arg8[%swap3A_400] {strides = array<i32>} : memref<128xi32, #tpu.memory_space<vmem>>, vector<16xi32>,
          tpu.vector_store %arg8[%swap3A_400], %shift_right_logical3A_399 {strides = array<i32>} : memref<128xi32, #tpu.memory_space<vmem>>, vector<16xi32>,
          %and3A_402 = arith.constant 8191 : i32
          %and3A_403 = vector.broadcast %and3A_402 : i32 to vector<16xi32>
          %and3A_404 = arith.andi %get3A_396, %and3A_403 : vector<16xi32>
          %swap3A_405 = arith.constant 112 : index
          %swap3A_406 = tpu.vector_load %arg9[%swap3A_405] {strides = array<i32>} : memref<128xi32, #tpu.memory_space<vmem>>, vector<16xi32>,
          tpu.vector_store %arg9[%swap3A_405], %and3A_404 {strides = array<i32>} : memref<128xi32, #tpu.memory_space<vmem>>, vector<16xi32>,
          %dma_start3A = arith.constant 0 : i32
          %dma_start3A_407 = arith.constant 0 : i32
          %dma_start3A_408 = tpu.memref_slice %arg2[%dma_start3A, %dma_start3A_407] : memref<20000x128xf32, #tpu.memory_space<hbm>> -> memref<20000x128xf32, #tpu.memory_space<hbm>>
          tpu.enqueue_indirect_dma source(%dma_start3A_408 : memref<20000x128xf32, #tpu.memory_space<hbm>>) target(%arg13 : memref<128x128xf32, #tpu.memory_space<vmem>>) offsets(%arg8 : memref<128xi32, #tpu.memory_space<vmem>>) semaphore(%arg22 : memref<!tpu.dma_semaphore, #tpu.memory_space<semaphore_mem>>)
        } else {
        }
        %dma_wait3A = arith.constant 0 : i32
        %dma_wait3A_278 = arith.constant 0 : i32
        %dma_wait3A_279 = tpu.memref_slice %arg2[%dma_wait3A, %dma_wait3A_278] : memref<20000x128xf32, #tpu.memory_space<hbm>> -> memref<20000x128xf32, #tpu.memory_space<hbm>>
        tpu.wait_indirect_dma semaphore(%arg23 : memref<!tpu.dma_semaphore, #tpu.memory_space<semaphore_mem>>) src(%dma_wait3A_279 : memref<20000x128xf32, #tpu.memory_space<hbm>>) dst(%arg14 : memref<128x128xf32, #tpu.memory_space<vmem>>)
        "tpu.region"() ({
          %run_scoped3A = tpu.sem_alloc : memref<!tpu.dma_semaphore, #tpu.memory_space<semaphore_mem>>
          %dma_start3A = arith.constant 0 : i32
          %dma_start3A_280 = arith.constant 0 : i32
          %dma_start3A_281 = tpu.memref_slice %arg20[%dma_start3A, %dma_start3A_280] : memref<5128x128xf32, #tpu.memory_space<vmem_shared>> -> memref<5128x128xf32, #tpu.memory_space<vmem_shared>>
          tpu.enqueue_indirect_dma source(%arg14 : memref<128x128xf32, #tpu.memory_space<vmem>>) target(%dma_start3A_281 : memref<5128x128xf32, #tpu.memory_space<vmem_shared>>) offsets(%arg11 : memref<128xi32, #tpu.memory_space<vmem>>) semaphore(%run_scoped3A : memref<!tpu.dma_semaphore, #tpu.memory_space<semaphore_mem>>) {add = true}
          %dma_wait3A_282 = arith.constant 0 : i32
          %dma_wait3A_283 = arith.constant 0 : i32
          %dma_wait3A_284 = tpu.memref_slice %arg20[%dma_wait3A_282, %dma_wait3A_283] : memref<5128x128xf32, #tpu.memory_space<vmem_shared>> -> memref<5128x128xf32, #tpu.memory_space<vmem_shared>>
          tpu.wait_indirect_dma semaphore(%run_scoped3A : memref<!tpu.dma_semaphore, #tpu.memory_space<semaphore_mem>>) src(%arg14 : memref<128x128xf32, #tpu.memory_space<vmem>>) dst(%dma_wait3A_284 : memref<5128x128xf32, #tpu.memory_space<vmem_shared>>)
          tpu.yield
        }) : () -> ()
      } else {
      }
    }
    %scan3A_228 = arith.constant 55 : i32
    %barrier3A_229 = arith.constant 0 : index
    tpu.barrier barrier_id(%barrier3A_229)
    %lt3A = arith.constant 15 : i32
    %lt3A_230 = arith.cmpi slt, %arg1, %lt3A : i32
    %convert_element_type3A_231 = arith.extui %lt3A_230 : i1 to i32
    %cond3A_232 = arith.constant 0 : i32
    %cond3A_233 = arith.cmpi ne, %convert_element_type3A_231, %cond3A_232 : i32
    scf.if %cond3A_233 {
      %mul3A_239 = arith.constant 304 : i32
      %mul3A_240 = arith.muli %arg1, %mul3A_239 : i32
      %mul3A_241 = arith.constant 304 : i32
      %mul3A_242 = arith.muli %arg1, %mul3A_241 : i32
      %add3A_243 = arith.constant 5120 : i32
      %add3A_244 = arith.addi %add3A_243, %mul3A_242 : i32
      "tpu.region"() ({
        %run_scoped3A = tpu.sem_alloc : memref<!tpu.dma_semaphore, #tpu.memory_space<semaphore_mem>>
        %dma_start3A = arith.constant 0 : i32
        %dma_start3A_245 = tpu.memref_slice %arg5[%arg0, %add3A_244, %dma_start3A] : memref<2x10000x128xf32, #tpu.memory_space<hbm>> -> memref<1x304x128xf32, #tpu.memory_space<hbm>>
        %dma_start3A_246 = tpu.memref_squeeze %dma_start3A_245 : memref<1x304x128xf32, #tpu.memory_space<hbm>> -> memref<304x128xf32, #tpu.memory_space<hbm>>
        %dma_start3A_247 = arith.constant 0 : i32
        %dma_start3A_248 = tpu.memref_slice %arg20[%mul3A_240, %dma_start3A_247] : memref<5128x128xf32, #tpu.memory_space<vmem_shared>> -> memref<304x128xf32, #tpu.memory_space<vmem_shared>>
        tpu.enqueue_dma source(%dma_start3A_248 : memref<304x128xf32, #tpu.memory_space<vmem_shared>>) target(%dma_start3A_246 : memref<304x128xf32, #tpu.memory_space<hbm>>) target_semaphore(%run_scoped3A : memref<!tpu.dma_semaphore, #tpu.memory_space<semaphore_mem>>)
        %dma_wait3A = arith.constant 0 : i32
        %dma_wait3A_249 = tpu.memref_slice %arg5[%arg0, %add3A_244, %dma_wait3A] : memref<2x10000x128xf32, #tpu.memory_space<hbm>> -> memref<1x304x128xf32, #tpu.memory_space<hbm>>
        %dma_wait3A_250 = tpu.memref_squeeze %dma_wait3A_249 : memref<1x304x128xf32, #tpu.memory_space<hbm>> -> memref<304x128xf32, #tpu.memory_space<hbm>>
        %dma_wait3A_251 = arith.constant 0 : i32
        %dma_wait3A_252 = tpu.memref_slice %arg20[%mul3A_240, %dma_wait3A_251] : memref<5128x128xf32, #tpu.memory_space<vmem_shared>> -> memref<304x128xf32, #tpu.memory_space<vmem_shared>>
        tpu.wait_dma2 semaphore(%run_scoped3A : memref<!tpu.dma_semaphore, #tpu.memory_space<semaphore_mem>>) src(%dma_wait3A_252 : memref<304x128xf32, #tpu.memory_space<vmem_shared>>) dst(%dma_wait3A_250 : memref<304x128xf32, #tpu.memory_space<hbm>>)
        tpu.yield
      }) : () -> ()
    } else {
    }
    %eq3A = arith.constant 15 : i32
    %eq3A_234 = arith.cmpi eq, %arg1, %eq3A : i32
    %convert_element_type3A_235 = arith.extui %eq3A_234 : i1 to i32
    %cond3A_236 = arith.constant 0 : i32
    %cond3A_237 = arith.cmpi ne, %convert_element_type3A_235, %cond3A_236 : i32
    scf.if %cond3A_237 {
      "tpu.region"() ({
        %run_scoped3A = tpu.sem_alloc : memref<!tpu.dma_semaphore, #tpu.memory_space<semaphore_mem>>
        %dma_start3A = arith.constant 9680 : i32
        %dma_start3A_239 = arith.constant 0 : i32
        %dma_start3A_240 = tpu.memref_slice %arg5[%arg0, %dma_start3A, %dma_start3A_239] : memref<2x10000x128xf32, #tpu.memory_space<hbm>> -> memref<1x320x128xf32, #tpu.memory_space<hbm>>
        %dma_start3A_241 = tpu.memref_squeeze %dma_start3A_240 : memref<1x320x128xf32, #tpu.memory_space<hbm>> -> memref<320x128xf32, #tpu.memory_space<hbm>>
        %dma_start3A_242 = arith.constant 4560 : i32
        %dma_start3A_243 = arith.constant 0 : i32
        %dma_start3A_244 = tpu.memref_slice %arg20[%dma_start3A_242, %dma_start3A_243] : memref<5128x128xf32, #tpu.memory_space<vmem_shared>> -> memref<320x128xf32, #tpu.memory_space<vmem_shared>>
        tpu.enqueue_dma source(%dma_start3A_244 : memref<320x128xf32, #tpu.memory_space<vmem_shared>>) target(%dma_start3A_241 : memref<320x128xf32, #tpu.memory_space<hbm>>) target_semaphore(%run_scoped3A : memref<!tpu.dma_semaphore, #tpu.memory_space<semaphore_mem>>)
        %dma_wait3A = arith.constant 9680 : i32
        %dma_wait3A_245 = arith.constant 0 : i32
        %dma_wait3A_246 = tpu.memref_slice %arg5[%arg0, %dma_wait3A, %dma_wait3A_245] : memref<2x10000x128xf32, #tpu.memory_space<hbm>> -> memref<1x320x128xf32, #tpu.memory_space<hbm>>
        %dma_wait3A_247 = tpu.memref_squeeze %dma_wait3A_246 : memref<1x320x128xf32, #tpu.memory_space<hbm>> -> memref<320x128xf32, #tpu.memory_space<hbm>>
        %dma_wait3A_248 = arith.constant 4560 : i32
        %dma_wait3A_249 = arith.constant 0 : i32
        %dma_wait3A_250 = tpu.memref_slice %arg20[%dma_wait3A_248, %dma_wait3A_249] : memref<5128x128xf32, #tpu.memory_space<vmem_shared>> -> memref<320x128xf32, #tpu.memory_space<vmem_shared>>
        tpu.wait_dma2 semaphore(%run_scoped3A : memref<!tpu.dma_semaphore, #tpu.memory_space<semaphore_mem>>) src(%dma_wait3A_250 : memref<320x128xf32, #tpu.memory_space<vmem_shared>>) dst(%dma_wait3A_247 : memref<320x128xf32, #tpu.memory_space<hbm>>)
        tpu.yield
      }) : () -> ()
    } else {
    }
    %barrier3A_238 = arith.constant 0 : index
    tpu.barrier barrier_id(%barrier3A_238)
    return
  }
}

module attributes {stable_mosaic.version = 14 : i64} {
  func.func @_ffn2_body(%arg0: i32, %arg1: memref<2x1000x128xf32, #tpu.memory_space<vmem>>, %arg2: memref<1x128xf32, #tpu.memory_space<vmem>>, %arg3: memref<384x128xf32, #tpu.memory_space<vmem>>, %arg4: memref<128x384xf32, #tpu.memory_space<vmem>>, %arg5: memref<384x128xf32, #tpu.memory_space<vmem>>, %arg6: memref<1x128xf32, #tpu.memory_space<vmem>>, %arg7: memref<1x1xf32, #tpu.memory_space<vmem>>, %arg8: memref<1000x1xf32, #tpu.memory_space<vmem>>) attributes {dimension_semantics = [#tpu.dimension_semantics<arbitrary>], iteration_bounds = array<i64: 10>, scalar_prefetch = 0 : i64, scratch_operands = 0 : i64, tpu.core_type = #tpu.core_type<tc>, window_params = [{transform_indices = @transform_0, window_bounds = array<i64: 2, 1000, 128>}, {pipeline_mode = #tpu.pipeline_mode<synchronous>, transform_indices = @transform_1, window_bounds = array<i64: 1, 128>}, {pipeline_mode = #tpu.pipeline_mode<synchronous>, transform_indices = @transform_2, window_bounds = array<i64: 384, 128>}, {pipeline_mode = #tpu.pipeline_mode<synchronous>, transform_indices = @transform_3, window_bounds = array<i64: 128, 384>}, {pipeline_mode = #tpu.pipeline_mode<synchronous>, transform_indices = @transform_4, window_bounds = array<i64: 384, 128>}, {pipeline_mode = #tpu.pipeline_mode<synchronous>, transform_indices = @transform_5, window_bounds = array<i64: 1, 128>}, {pipeline_mode = #tpu.pipeline_mode<synchronous>, transform_indices = @transform_6, window_bounds = array<i64: 1, 1>}, {transform_indices = @transform_7, window_bounds = array<i64: 1000, 1>}]} {
    %get3A = arith.constant 0 : index
    %get3A_0 = arith.constant 0 : index
    %get3A_1 = arith.constant 0 : index
    %get3A_2 = vector.load %arg1[%get3A, %get3A_0, %get3A_1] : memref<2x1000x128xf32, #tpu.memory_space<vmem>>, vector<2x1000x128xf32>
    %slice3A = vector.extract_strided_slice %get3A_2 {offsets = [0, 0, 0], sizes = [1, 1000, 64], strides = [1, 1, 1]} : vector<2x1000x128xf32> to vector<1x1000x64xf32>
    %squeeze3A = vector.shape_cast %slice3A : vector<1x1000x64xf32> to vector<1000x64xf32>
    %slice3A_3 = vector.extract_strided_slice %get3A_2 {offsets = [1, 0, 0], sizes = [1, 1000, 64], strides = [1, 1, 1]} : vector<2x1000x128xf32> to vector<1x1000x64xf32>
    %squeeze3A_4 = vector.shape_cast %slice3A_3 : vector<1x1000x64xf32> to vector<1000x64xf32>
    %concatenate3A = tpu.concatenate %squeeze3A, %squeeze3A_4 in 1 : vector<1000x64xf32>, vector<1000x64xf32> -> vector<1000x128xf32>
    %slice3A_5 = vector.extract_strided_slice %get3A_2 {offsets = [0, 0, 64], sizes = [1, 1000, 64], strides = [1, 1, 1]} : vector<2x1000x128xf32> to vector<1x1000x64xf32>
    %squeeze3A_6 = vector.shape_cast %slice3A_5 : vector<1x1000x64xf32> to vector<1000x64xf32>
    %slice3A_7 = vector.extract_strided_slice %get3A_2 {offsets = [1, 0, 64], sizes = [1, 1000, 64], strides = [1, 1, 1]} : vector<2x1000x128xf32> to vector<1x1000x64xf32>
    %squeeze3A_8 = vector.shape_cast %slice3A_7 : vector<1x1000x64xf32> to vector<1000x64xf32>
    %concatenate3A_9 = tpu.concatenate %squeeze3A_6, %squeeze3A_8 in 1 : vector<1000x64xf32>, vector<1000x64xf32> -> vector<1000x128xf32>
    %mul3A = arith.constant 5.000000e-01 : f32
    %mul3A_10 = vector.broadcast %mul3A : f32 to vector<1000x128xf32>
    %mul3A_11 = arith.mulf %concatenate3A_9, %mul3A_10 : vector<1000x128xf32>
    %floor3A = math.floor %mul3A_11 : vector<1000x128xf32>
    %mul3A_12 = arith.constant 2.000000e+00 : f32
    %mul3A_13 = vector.broadcast %mul3A_12 : f32 to vector<1000x128xf32>
    %mul3A_14 = arith.mulf %mul3A_13, %floor3A : vector<1000x128xf32>
    %sub3A = arith.subf %concatenate3A_9, %mul3A_14 : vector<1000x128xf32>
    %mul3A_15 = arith.constant 2.000000e+00 : f32
    %mul3A_16 = vector.broadcast %mul3A_15 : f32 to vector<1000x128xf32>
    %mul3A_17 = arith.mulf %mul3A_16, %sub3A : vector<1000x128xf32>
    %sub3A_18 = arith.constant 1.000000e+00 : f32
    %sub3A_19 = vector.broadcast %sub3A_18 : f32 to vector<1000x128xf32>
    %sub3A_20 = arith.subf %sub3A_19, %mul3A_17 : vector<1000x128xf32>
    %exp3A = math.exp %concatenate3A : vector<1000x128xf32>
    %mul3A_21 = arith.mulf %sub3A_20, %exp3A : vector<1000x128xf32>
    %mul3A_22 = arith.mulf %mul3A_21, %mul3A_21 : vector<1000x128xf32>
    %reduce_sum3A = arith.constant dense<0.000000e+00> : vector<1000xf32>
    %reduce_sum3A_23 = vector.multi_reduction <add>, %mul3A_22, %reduce_sum3A [1] : vector<1000x128xf32> to vector<1000xf32>
    %broadcast_in_dim3A = vector.shape_cast %reduce_sum3A_23 : vector<1000xf32> to vector<1000x1xf32>
    %div3A = arith.constant 1.280000e+02 : f32
    %div3A_24 = vector.broadcast %div3A : f32 to vector<1000x1xf32>
    %div3A_25 = arith.divf %broadcast_in_dim3A, %div3A_24 : vector<1000x1xf32>
    %add3A = arith.constant 9.99999974E-6 : f32
    %add3A_26 = vector.broadcast %add3A : f32 to vector<1000x1xf32>
    %add3A_27 = arith.addf %div3A_25, %add3A_26 : vector<1000x1xf32>
    %rsqrt3A = math.rsqrt %add3A_27 : vector<1000x1xf32>
    %mul3A_28 = vector.broadcast %rsqrt3A : vector<1000x1xf32> to vector<1000x128xf32>
    %mul3A_29 = arith.mulf %mul3A_21, %mul3A_28 : vector<1000x128xf32>
    %get3A_30 = arith.constant 0 : index
    %get3A_31 = arith.constant 0 : index
    %get3A_32 = vector.load %arg2[%get3A_30, %get3A_31] : memref<1x128xf32, #tpu.memory_space<vmem>>, vector<1x128xf32>
    %mul3A_33 = vector.broadcast %get3A_32 : vector<1x128xf32> to vector<1000x128xf32>
    %mul3A_34 = arith.mulf %mul3A_29, %mul3A_33 : vector<1000x128xf32>
    %get3A_35 = arith.constant 0 : index
    %get3A_36 = arith.constant 0 : index
    %get3A_37 = vector.load %arg3[%get3A_35, %get3A_36] : memref<384x128xf32, #tpu.memory_space<vmem>>, vector<384x128xf32>
    %dot_general3A = arith.constant dense<0.000000e+00> : vector<1000x384xf32>
    %dot_general3A_38 = tpu.matmul %mul3A_34, %get3A_37, %dot_general3A {dimension_numbers = #tpu.dot_dimension_numbers<[1], [1], [0], [0], [0, 0, 1, 0], [], []>, transpose_lhs_hint = false} : vector<1000x128xf32>, vector<384x128xf32>, vector<1000x384xf32> -> vector<1000x384xf32>
    %get3A_39 = arith.constant 0 : index
    %get3A_40 = arith.constant 0 : index
    %get3A_41 = vector.load %arg5[%get3A_39, %get3A_40] : memref<384x128xf32, #tpu.memory_space<vmem>>, vector<384x128xf32>
    %dot_general3A_42 = arith.constant dense<0.000000e+00> : vector<1000x384xf32>
    %dot_general3A_43 = tpu.matmul %mul3A_34, %get3A_41, %dot_general3A_42 {dimension_numbers = #tpu.dot_dimension_numbers<[1], [1], [0], [0], [0, 0, 1, 0], [], []>, transpose_lhs_hint = false} : vector<1000x128xf32>, vector<384x128xf32>, vector<1000x384xf32> -> vector<1000x384xf32>
    %logistic3A = arith.negf %dot_general3A_38 : vector<1000x384xf32>
    %logistic3A_44 = math.exp %logistic3A : vector<1000x384xf32>
    %logistic3A_45 = arith.constant 1.000000e+00 : f32
    %logistic3A_46 = vector.broadcast %logistic3A_45 : f32 to vector<1000x384xf32>
    %logistic3A_47 = arith.addf %logistic3A_46, %logistic3A_44 : vector<1000x384xf32>
    %logistic3A_48 = arith.divf %logistic3A_46, %logistic3A_47 : vector<1000x384xf32>
    %mul3A_49 = arith.mulf %dot_general3A_38, %logistic3A_48 : vector<1000x384xf32>
    %mul3A_50 = arith.mulf %mul3A_49, %dot_general3A_43 : vector<1000x384xf32>
    %get3A_51 = arith.constant 0 : index
    %get3A_52 = arith.constant 0 : index
    %get3A_53 = vector.load %arg4[%get3A_51, %get3A_52] : memref<128x384xf32, #tpu.memory_space<vmem>>, vector<128x384xf32>
    %dot_general3A_54 = arith.constant dense<0.000000e+00> : vector<1000x128xf32>
    %dot_general3A_55 = tpu.matmul %mul3A_50, %get3A_53, %dot_general3A_54 {dimension_numbers = #tpu.dot_dimension_numbers<[1], [1], [0], [0], [0, 0, 1, 0], [], []>, transpose_lhs_hint = false} : vector<1000x384xf32>, vector<128x384xf32>, vector<1000x128xf32> -> vector<1000x128xf32>
    %add3A_56 = arith.addf %dot_general3A_55, %mul3A_21 : vector<1000x128xf32>
    %get3A_57 = arith.constant 0 : index
    %get3A_58 = arith.constant 0 : index
    %get3A_59 = vector.load %arg6[%get3A_57, %get3A_58] : memref<1x128xf32, #tpu.memory_space<vmem>>, vector<1x128xf32>
    %mul3A_60 = vector.broadcast %get3A_59 : vector<1x128xf32> to vector<1000x128xf32>
    %mul3A_61 = arith.mulf %add3A_56, %mul3A_60 : vector<1000x128xf32>
    %reduce_sum3A_62 = arith.constant dense<0.000000e+00> : vector<1000xf32>
    %reduce_sum3A_63 = vector.multi_reduction <add>, %mul3A_61, %reduce_sum3A_62 [1] : vector<1000x128xf32> to vector<1000xf32>
    %broadcast_in_dim3A_64 = vector.shape_cast %reduce_sum3A_63 : vector<1000xf32> to vector<1000x1xf32>
    %get3A_65 = arith.constant 0 : index
    %get3A_66 = arith.constant 0 : index
    %get3A_67 = vector.load %arg7[%get3A_65, %get3A_66] : memref<1x1xf32, #tpu.memory_space<vmem>>, vector<1x1xf32>
    %add3A_68 = vector.broadcast %get3A_67 : vector<1x1xf32> to vector<1000x1xf32>
    %add3A_69 = arith.addf %broadcast_in_dim3A_64, %add3A_68 : vector<1000x1xf32>
    %swap3A = arith.constant 0 : index
    %swap3A_70 = arith.constant 0 : index
    %swap3A_71 = vector.load %arg8[%swap3A, %swap3A_70] : memref<1000x1xf32, #tpu.memory_space<vmem>>, vector<1000x1xf32>
    tpu.vector_store %arg8[%swap3A, %swap3A_70], %add3A_69 {strides = array<i32>} : memref<1000x1xf32, #tpu.memory_space<vmem>>, vector<1000x1xf32>,
    return
  }
  func.func @transform_0(%arg0: i32) -> (i32, i32, i32) {
    %c0_i32 = arith.constant 0 : i32
    %c0_i32_0 = arith.constant 0 : i32
    %c0_i32_1 = arith.constant 0 : i32
    return %c0_i32, %arg0, %c0_i32_0 : i32, i32, i32
  }
  func.func @transform_1(%arg0: i32) -> (i32, i32) {
    %c0_i32 = arith.constant 0 : i32
    %c0_i32_0 = arith.constant 0 : i32
    %c0_i32_1 = arith.constant 0 : i32
    return %c0_i32, %c0_i32_0 : i32, i32
  }
  func.func @transform_2(%arg0: i32) -> (i32, i32) {
    %c0_i32 = arith.constant 0 : i32
    %c0_i32_0 = arith.constant 0 : i32
    %c0_i32_1 = arith.constant 0 : i32
    return %c0_i32, %c0_i32_0 : i32, i32
  }
  func.func @transform_3(%arg0: i32) -> (i32, i32) {
    %c0_i32 = arith.constant 0 : i32
    %c0_i32_0 = arith.constant 0 : i32
    %c0_i32_1 = arith.constant 0 : i32
    return %c0_i32, %c0_i32_0 : i32, i32
  }
  func.func @transform_4(%arg0: i32) -> (i32, i32) {
    %c0_i32 = arith.constant 0 : i32
    %c0_i32_0 = arith.constant 0 : i32
    %c0_i32_1 = arith.constant 0 : i32
    return %c0_i32, %c0_i32_0 : i32, i32
  }
  func.func @transform_5(%arg0: i32) -> (i32, i32) {
    %c0_i32 = arith.constant 0 : i32
    %c0_i32_0 = arith.constant 0 : i32
    %c0_i32_1 = arith.constant 0 : i32
    return %c0_i32, %c0_i32_0 : i32, i32
  }
  func.func @transform_6(%arg0: i32) -> (i32, i32) {
    %c0_i32 = arith.constant 0 : i32
    %c0_i32_0 = arith.constant 0 : i32
    %c0_i32_1 = arith.constant 0 : i32
    return %c0_i32, %c0_i32_0 : i32, i32
  }
  func.func @transform_7(%arg0: i32) -> (i32, i32) {
    %c0_i32 = arith.constant 0 : i32
    %c0_i32_0 = arith.constant 0 : i32
    return %arg0, %c0_i32 : i32, i32
  }
}

module attributes {stable_mosaic.version = 14 : i64} {
  func.func @_ffn1_body(%arg0: i32, %arg1: memref<1000x128xf32, #tpu.memory_space<vmem>>, %arg2: memref<1x128xf32, #tpu.memory_space<vmem>>, %arg3: memref<384x128xf32, #tpu.memory_space<vmem>>, %arg4: memref<128x384xf32, #tpu.memory_space<vmem>>, %arg5: memref<384x128xf32, #tpu.memory_space<vmem>>, %arg6: memref<2x1000x128xf32, #tpu.memory_space<vmem>>) attributes {dimension_semantics = [#tpu.dimension_semantics<arbitrary>], iteration_bounds = array<i64: 10>, scalar_prefetch = 0 : i64, scratch_operands = 0 : i64, tpu.core_type = #tpu.core_type<tc>, window_params = [{transform_indices = @transform_0, window_bounds = array<i64: 1000, 128>}, {pipeline_mode = #tpu.pipeline_mode<synchronous>, transform_indices = @transform_1, window_bounds = array<i64: 1, 128>}, {pipeline_mode = #tpu.pipeline_mode<synchronous>, transform_indices = @transform_2, window_bounds = array<i64: 384, 128>}, {pipeline_mode = #tpu.pipeline_mode<synchronous>, transform_indices = @transform_3, window_bounds = array<i64: 128, 384>}, {pipeline_mode = #tpu.pipeline_mode<synchronous>, transform_indices = @transform_4, window_bounds = array<i64: 384, 128>}, {transform_indices = @transform_5, window_bounds = array<i64: 2, 1000, 128>}]} {
    %get3A = arith.constant 0 : index
    %get3A_0 = arith.constant 0 : index
    %get3A_1 = vector.load %arg1[%get3A, %get3A_0] : memref<1000x128xf32, #tpu.memory_space<vmem>>, vector<1000x128xf32>
    %mul3A = arith.mulf %get3A_1, %get3A_1 : vector<1000x128xf32>
    %reduce_sum3A = arith.constant dense<0.000000e+00> : vector<1000xf32>
    %reduce_sum3A_2 = vector.multi_reduction <add>, %mul3A, %reduce_sum3A [1] : vector<1000x128xf32> to vector<1000xf32>
    %broadcast_in_dim3A = vector.shape_cast %reduce_sum3A_2 : vector<1000xf32> to vector<1000x1xf32>
    %div3A = arith.constant 1.280000e+02 : f32
    %div3A_3 = vector.broadcast %div3A : f32 to vector<1000x1xf32>
    %div3A_4 = arith.divf %broadcast_in_dim3A, %div3A_3 : vector<1000x1xf32>
    %add3A = arith.constant 9.99999974E-6 : f32
    %add3A_5 = vector.broadcast %add3A : f32 to vector<1000x1xf32>
    %add3A_6 = arith.addf %div3A_4, %add3A_5 : vector<1000x1xf32>
    %rsqrt3A = math.rsqrt %add3A_6 : vector<1000x1xf32>
    %mul3A_7 = vector.broadcast %rsqrt3A : vector<1000x1xf32> to vector<1000x128xf32>
    %mul3A_8 = arith.mulf %get3A_1, %mul3A_7 : vector<1000x128xf32>
    %get3A_9 = arith.constant 0 : index
    %get3A_10 = arith.constant 0 : index
    %get3A_11 = vector.load %arg2[%get3A_9, %get3A_10] : memref<1x128xf32, #tpu.memory_space<vmem>>, vector<1x128xf32>
    %mul3A_12 = vector.broadcast %get3A_11 : vector<1x128xf32> to vector<1000x128xf32>
    %mul3A_13 = arith.mulf %mul3A_8, %mul3A_12 : vector<1000x128xf32>
    %get3A_14 = arith.constant 0 : index
    %get3A_15 = arith.constant 0 : index
    %get3A_16 = vector.load %arg3[%get3A_14, %get3A_15] : memref<384x128xf32, #tpu.memory_space<vmem>>, vector<384x128xf32>
    %dot_general3A = arith.constant dense<0.000000e+00> : vector<1000x384xf32>
    %dot_general3A_17 = tpu.matmul %mul3A_13, %get3A_16, %dot_general3A {dimension_numbers = #tpu.dot_dimension_numbers<[1], [1], [0], [0], [0, 0, 1, 0], [], []>, transpose_lhs_hint = false} : vector<1000x128xf32>, vector<384x128xf32>, vector<1000x384xf32> -> vector<1000x384xf32>
    %get3A_18 = arith.constant 0 : index
    %get3A_19 = arith.constant 0 : index
    %get3A_20 = vector.load %arg5[%get3A_18, %get3A_19] : memref<384x128xf32, #tpu.memory_space<vmem>>, vector<384x128xf32>
    %dot_general3A_21 = arith.constant dense<0.000000e+00> : vector<1000x384xf32>
    %dot_general3A_22 = tpu.matmul %mul3A_13, %get3A_20, %dot_general3A_21 {dimension_numbers = #tpu.dot_dimension_numbers<[1], [1], [0], [0], [0, 0, 1, 0], [], []>, transpose_lhs_hint = false} : vector<1000x128xf32>, vector<384x128xf32>, vector<1000x384xf32> -> vector<1000x384xf32>
    %logistic3A = arith.negf %dot_general3A_17 : vector<1000x384xf32>
    %logistic3A_23 = math.exp %logistic3A : vector<1000x384xf32>
    %logistic3A_24 = arith.constant 1.000000e+00 : f32
    %logistic3A_25 = vector.broadcast %logistic3A_24 : f32 to vector<1000x384xf32>
    %logistic3A_26 = arith.addf %logistic3A_25, %logistic3A_23 : vector<1000x384xf32>
    %logistic3A_27 = arith.divf %logistic3A_25, %logistic3A_26 : vector<1000x384xf32>
    %mul3A_28 = arith.mulf %dot_general3A_17, %logistic3A_27 : vector<1000x384xf32>
    %mul3A_29 = arith.mulf %mul3A_28, %dot_general3A_22 : vector<1000x384xf32>
    %get3A_30 = arith.constant 0 : index
    %get3A_31 = arith.constant 0 : index
    %get3A_32 = vector.load %arg4[%get3A_30, %get3A_31] : memref<128x384xf32, #tpu.memory_space<vmem>>, vector<128x384xf32>
    %dot_general3A_33 = arith.constant dense<0.000000e+00> : vector<1000x128xf32>
    %dot_general3A_34 = tpu.matmul %mul3A_29, %get3A_32, %dot_general3A_33 {dimension_numbers = #tpu.dot_dimension_numbers<[1], [1], [0], [0], [0, 0, 1, 0], [], []>, transpose_lhs_hint = false} : vector<1000x384xf32>, vector<128x384xf32>, vector<1000x128xf32> -> vector<1000x128xf32>
    %add3A_35 = arith.addf %dot_general3A_34, %get3A_1 : vector<1000x128xf32>
    %tanh3A = math.tanh %add3A_35 : vector<1000x128xf32>
    %abs3A = math.absf %tanh3A : vector<1000x128xf32>
    %log3A = math.log %abs3A : vector<1000x128xf32>
    %lt3A = arith.constant 0.000000e+00 : f32
    %lt3A_36 = vector.broadcast %lt3A : f32 to vector<1000x128xf32>
    %lt3A_37 = arith.cmpf olt, %tanh3A, %lt3A_36 : vector<1000x128xf32>
    %convert_element_type3A = arith.extui %lt3A_37 : vector<1000x128xi1> to vector<1000x128xi32>
    %convert_element_type3A_38 = arith.sitofp %convert_element_type3A : vector<1000x128xi32> to vector<1000x128xf32>
    %slice3A = vector.extract_strided_slice %log3A {offsets = [0, 0], sizes = [1000, 64], strides = [1, 1]} : vector<1000x128xf32> to vector<1000x64xf32>
    %slice3A_39 = vector.extract_strided_slice %convert_element_type3A_38 {offsets = [0, 0], sizes = [1000, 64], strides = [1, 1]} : vector<1000x128xf32> to vector<1000x64xf32>
    %concatenate3A = tpu.concatenate %slice3A, %slice3A_39 in 1 : vector<1000x64xf32>, vector<1000x64xf32> -> vector<1000x128xf32>
    %swap3A = arith.constant 0 : index
    %swap3A_40 = arith.constant 0 : index
    %swap3A_41 = arith.constant 0 : index
    %swap3A_42 = vector.load %arg6[%swap3A, %swap3A_40, %swap3A_41] : memref<2x1000x128xf32, #tpu.memory_space<vmem>>, vector<1x1000x128xf32>
    %swap3A_43 = vector.shape_cast %swap3A_42 : vector<1x1000x128xf32> to vector<1000x128xf32>
    %swap3A_44 = vector.shape_cast %concatenate3A : vector<1000x128xf32> to vector<1x1000x128xf32>
    tpu.vector_store %arg6[%swap3A, %swap3A_40, %swap3A_41], %swap3A_44 {strides = array<i32>} : memref<2x1000x128xf32, #tpu.memory_space<vmem>>, vector<1x1000x128xf32>,
    %slice3A_45 = vector.extract_strided_slice %log3A {offsets = [0, 64], sizes = [1000, 64], strides = [1, 1]} : vector<1000x128xf32> to vector<1000x64xf32>
    %slice3A_46 = vector.extract_strided_slice %convert_element_type3A_38 {offsets = [0, 64], sizes = [1000, 64], strides = [1, 1]} : vector<1000x128xf32> to vector<1000x64xf32>
    %concatenate3A_47 = tpu.concatenate %slice3A_45, %slice3A_46 in 1 : vector<1000x64xf32>, vector<1000x64xf32> -> vector<1000x128xf32>
    %swap3A_48 = arith.constant 1 : index
    %swap3A_49 = arith.constant 0 : index
    %swap3A_50 = arith.constant 0 : index
    %swap3A_51 = vector.load %arg6[%swap3A_48, %swap3A_49, %swap3A_50] : memref<2x1000x128xf32, #tpu.memory_space<vmem>>, vector<1x1000x128xf32>
    %swap3A_52 = vector.shape_cast %swap3A_51 : vector<1x1000x128xf32> to vector<1000x128xf32>
    %swap3A_53 = vector.shape_cast %concatenate3A_47 : vector<1000x128xf32> to vector<1x1000x128xf32>
    tpu.vector_store %arg6[%swap3A_48, %swap3A_49, %swap3A_50], %swap3A_53 {strides = array<i32>} : memref<2x1000x128xf32, #tpu.memory_space<vmem>>, vector<1x1000x128xf32>,
    return
  }
  func.func @transform_0(%arg0: i32) -> (i32, i32) {
    %c0_i32 = arith.constant 0 : i32
    %c0_i32_0 = arith.constant 0 : i32
    return %arg0, %c0_i32 : i32, i32
  }
  func.func @transform_1(%arg0: i32) -> (i32, i32) {
    %c0_i32 = arith.constant 0 : i32
    %c0_i32_0 = arith.constant 0 : i32
    %c0_i32_1 = arith.constant 0 : i32
    return %c0_i32, %c0_i32_0 : i32, i32
  }
  func.func @transform_2(%arg0: i32) -> (i32, i32) {
    %c0_i32 = arith.constant 0 : i32
    %c0_i32_0 = arith.constant 0 : i32
    %c0_i32_1 = arith.constant 0 : i32
    return %c0_i32, %c0_i32_0 : i32, i32
  }
  func.func @transform_3(%arg0: i32) -> (i32, i32) {
    %c0_i32 = arith.constant 0 : i32
    %c0_i32_0 = arith.constant 0 : i32
    %c0_i32_1 = arith.constant 0 : i32
    return %c0_i32, %c0_i32_0 : i32, i32
  }
  func.func @transform_4(%arg0: i32) -> (i32, i32) {
    %c0_i32 = arith.constant 0 : i32
    %c0_i32_0 = arith.constant 0 : i32
    %c0_i32_1 = arith.constant 0 : i32
    return %c0_i32, %c0_i32_0 : i32, i32
  }
  func.func @transform_5(%arg0: i32) -> (i32, i32, i32) {
    %c0_i32 = arith.constant 0 : i32
    %c0_i32_0 = arith.constant 0 : i32
    %c0_i32_1 = arith.constant 0 : i32
    return %c0_i32, %arg0, %c0_i32_0 : i32, i32, i32
  }
}

</mosaic_0001>

<sc_bundles>
// kernel: kernel.5.cloned.1.call-start
scs
__scs_entry_jumppad:
0x0: {  	(pc) =	sbr.rel $0x88, $3  }
0x1: {  	(tag) =	ssettag $0x0;
	lr =	simm.s32 $0x1  }
0x2: {  	[smem:$0x3F95] =	sst lr;
	_ =	strace $0xD0000000  }
0x3: {  	_ = 	snop  }
0x4: {  	_ = 	snop  }
0x5: {  	_ = 	snop  }
0x6: {  	_ = 	snop  }
0x7: {  	_ = 	snop  }
__scs_overlays_trampoline_lowered:
0x8: {  	[smem:$0x3FA4] =	sst s0  }
0x9: {  	[smem:$0x3FA5] =	sst s1  }
0xa: {  	[smem:$0x3FA6] =	sst s2  }
0xb: {  	[smem:$0x3FA7] =	sst s3  }
0xc: {  	[smem:$0x3FA8] =	sst s4  }
0xd: {  	[smem:$0x3FA9] =	sst s5  }
0xe: {  	[smem:$0x3FAA] =	sst s6  }
0xf: {  	[smem:$0x3FAB] =	sst s7  }
0x10: {  	[smem:$0x3FAC] =	sst s8  }
0x11: {  	[smem:$0x3FAD] =	sst s9;
	s0 =	simm.s32 @!p0 $0x0  }
0x12: {  	s1 =	sld [smem:$0x3F93];
	s0 =	simm.s32 @p0 $0x1  }
0x13: {  	[smem:$0x3FAE] =	sst s0;
	s0 =	simm.s32 @!p1 $0x0  }
0x14: {  	s2 =	sld [smem:$0x3F92];
	s0 =	simm.s32 @p1 $0x1  }
0x15: {  	[smem:$0x3FAF] =	sst s0;
	s0 =	simm.s32 @!p2 $0x0  }
0x16: {  	s3 =	sld [smem:$0x3FDB];
	s0 =	simm.s32 @p2 $0x1  }
0x17: {  	s4 =	simm.s32 $0x1BF5;
	[smem:$0x3FB1] =	sst s0  }
0x18: {  	s0 =	sld [smem:$0x3F94];
	_ =	swait.ge [sflag:s4], $0x0  }
0x19: {  	s7 =	sld [smem:$0x3F95]  }
0x1a: {  	s8 =	sadd.s32 $0xFFFFE003, lr  }
0x1b: {  	s9 =	sadd.s32 $0xFFFFFEF7, lr;
	s5 =	simm.s32 $0xFFFFFFFF;
	p2 =	slt.u32 s8, $0xFFFFF086  }
0x1c: {  	p1 =	slt.u32 s9, $0xF7A;
	s5 =	simm.s32 @!p2 $0x0  }
0x1d: {  	s5 =	simm.s32 @p1 $0x1;
	p0 =	seq.s32 s7, s2  }
0x1e: {  	s7 =	smul.u32 @!p0 $0xF7A, s2;
	p2 =	seq.s32 @!p0 s5, $0x0  }
0x1f: {  	s9 =	smul.u32 $0xF7A, s1;
	s8 =	simm.s32 @!p0 $0x1BF5;
	p2 =	por !p2, p0  }
0x20: {  	[sflag:s8] =	ssyncset.s32 @!p0 $0xFFFFF086;
	s6 =	sadd.s32 @!p0 s3, s7;
	s7 =	simm.s32 @!p0 $0x108  }
0x21: {  	s3 =	sadd.s32 s3, s9;
	s6 =	sadd.s32 @!p0 $0x88, s6;
	s7 =	simm.s32 @p2 $0x1082  }
0x22: {  	[simem:s7], [sflag:s8] =	dma.local @!p0 [hbm:s6], $0xF7A  }
0x23: {  	s9 =	sor.u32 $0xD0000000, s2;
	s6 =	simm.s32 $0x108;
	_ =	swait.ge @!p0 [sflag:s8], $0x0  }
0x24: {  	s3 =	sadd.s32 $0x88, s3;
	s6 =	simm.s32 @!p1 $0x1082;
	[sflag:s4] =	ssyncset.s32 $0xFFFFF086  }
0x25: {  	[simem:s6], [sflag:s4] =	dma.local [hbm:s3], $0xF7A  }
0x26: {  	[smem:$0x3F95] =	sst s1;
	(tag) =	ssettag s2;
	_ =	strace s9  }
0x27: {  	s1 =	sld [smem:$0x3FA5]  }
0x28: {  	s2 =	sld [smem:$0x3FA6]  }
0x29: {  	s4 =	sld [smem:$0x3FA8]  }
0x2a: {  	p0 =	seq.s32 s5, $0x0;
	s5 =	sld [smem:$0x3FA9]  }
0x2b: {  	s6 =	sld [smem:$0x3FAA]  }
0x2c: {  	s7 =	sld [smem:$0x3FAB]  }
0x2d: {  	s3 =	simm.s32 $0x108;
	s8 =	sld [smem:$0x3FAC]  }
0x2e: {  	s3 =	simm.s32 @!p0 $0x1082;
	s9 =	sld [smem:$0x3FAD]  }
0x2f: {  	lr =	sadd.s32 s0, s3;
	s0 =	sld [smem:$0x3FA4]  }
0x30: {  	s3 =	sld [smem:$0x3FA7]  }
0x31: {  	[smem:$0x3FB0] =	sst s10  }
0x32: {  	s10 =	sld [smem:$0x3FAE];
	_ =	sdelay $0x3  }
0x33: {  	p0 =	seq.s32 s10, $0x1;
	s10 =	sld [smem:$0x3FB0];
	_ =	sdelay $0x3  }
0x34: {  	[smem:$0x3FB0] =	sst s10  }
0x35: {  	s10 =	sld [smem:$0x3FAF];
	_ =	sdelay $0x3  }
0x36: {  	p1 =	seq.s32 s10, $0x1;
	s10 =	sld [smem:$0x3FB0];
	_ =	sdelay $0x3  }
0x37: {  	[smem:$0x3FB0] =	sst s10  }
0x38: {  	s10 =	sld [smem:$0x3FB1]  }
0x39: {  	_ = 	snop;
	(pc) =	sbr.ind lr, $3  }
0x3a: {  	_ = 	snop  }
0x3b: {  	_ = 	snop  }
0x3c: {  	p2 =	seq.s32 s10, $0x1;
	s10 =	sld [smem:$0x3FB0]  }
0x3d: {  	_ =	shalt  }
0x3e: {  	_ =	shalt  }
0x3f: {  	_ =	shalt  }
0x40: {  	_ =	shalt  }
0x41: {  	_ =	shalt  }
0x42: {  	_ =	shalt  }
0x43: {  	_ =	shalt  }
0x44: {  	_ =	shalt  }
0x45: {  	_ =	shalt  }
0x46: {  	_ =	shalt  }
0x47: {  	_ =	shalt  }
0x48: {  	_ =	shalt  }
0x49: {  	_ =	shalt  }
0x4a: {  	_ =	shalt  }
0x4b: {  	_ =	shalt  }
0x4c: {  	_ =	shalt  }
0x4d: {  	_ =	shalt  }
0x4e: {  	_ =	shalt  }
0x4f: {  	_ =	shalt  }
0x50: {  	_ =	shalt  }
0x51: {  	_ =	shalt  }
0x52: {  	_ =	shalt  }
0x53: {  	_ =	shalt  }
0x54: {  	_ =	shalt  }
0x55: {  	_ =	shalt  }
0x56: {  	_ =	shalt  }
0x57: {  	_ =	shalt  }
0x58: {  	_ =	shalt  }
0x59: {  	_ =	shalt  }
0x5a: {  	_ =	shalt  }
0x5b: {  	_ =	shalt  }
0x5c: {  	_ =	shalt  }
0x5d: {  	_ =	shalt  }
0x5e: {  	_ =	shalt  }
0x5f: {  	_ =	shalt  }
0x60: {  	_ =	shalt  }
0x61: {  	_ =	shalt  }
0x62: {  	_ =	shalt  }
0x63: {  	_ =	shalt  }
0x64: {  	_ =	shalt  }
0x65: {  	_ =	shalt  }
0x66: {  	_ =	shalt  }
0x67: {  	_ =	shalt  }
0x68: {  	_ =	shalt  }
0x69: {  	_ =	shalt  }
0x6a: {  	_ =	shalt  }
0x6b: {  	_ =	shalt  }
0x6c: {  	_ =	shalt  }
0x6d: {  	_ =	shalt  }
0x6e: {  	_ =	shalt  }
0x6f: {  	_ =	shalt  }
0x70: {  	_ =	shalt  }
0x71: {  	_ =	shalt  }
0x72: {  	_ =	shalt  }
0x73: {  	_ =	shalt  }
0x74: {  	_ =	shalt  }
0x75: {  	_ =	shalt  }
0x76: {  	_ =	shalt  }
0x77: {  	_ =	shalt  }
0x78: {  	_ =	shalt  }
0x79: {  	_ =	shalt  }
0x7a: {  	_ =	shalt  }
0x7b: {  	_ =	shalt  }
0x7c: {  	_ =	shalt  }
0x7d: {  	_ =	shalt  }
0x7e: {  	_ =	shalt  }
0x7f: {  	_ =	shalt  }
0x80: {  	_ =	shalt  }
0x81: {  	_ =	shalt  }
0x82: {  	_ =	shalt  }
0x83: {  	_ =	shalt  }
0x84: {  	_ =	shalt  }
0x85: {  	_ =	shalt  }
0x86: {  	_ =	shalt  }
0x87: {  	_ =	shalt  }
.Lfunc_end0:
.L_simem_size_0:
called_computation_lowered:
.L_overlay_start_0:
0x88: {  	s2 =	sld [smem:$0x3FD9]  }
0x89: {  	s3 =	sld [smem:$0x3FFE];
	_ =	sdelay $0x1  }
0x8a: {  	s1 =	srdreg.scid  }
0x8b: {  	s0 =	sand.u32 $0x1, s1  }
0x8c: {  	s16 =	sshll.u32 s0, $0xA;
	s2 =	sadd.s32 s3, s2  }
0x8d: {  	s2 =	sadd.s32 s2, s16  }
0x8e: {  	[smem:$0x3FBC] =	sst s2  }
0x8f: {  	_ = 	snop  }
0x90: {  	(tm) =	ssettm $0x1  }
0x91: {  	s17 =	sld [smem:$0x3FFB];
	_ =	sdelay $0x3  }
0x92: {  	_ =	strace s17  }
0x93: {  	s2 =	sld [smem:$0x3FFC];
	_ =	sdelay $0x3  }
0x94: {  	_ =	strace s2  }
0x95: {  	s2 =	sld [smem:$0x3FFD];
	_ =	sdelay $0x3  }
0x96: {  	_ =	strace s2  }
0x97: {  	_ =	strace $0x8FFFFFFF  }
0x98: {  	s18 =	sld [smem:$0x3FDB];
	_ =	sdelay $0x1  }
0x99: {  	s19 =	simm.s32 $_scs_section_size  }
0x9a: {  	s4 =	simm.s32 $_size__tile_overlayer_lowered;
	s5 =	simm.s32 $_tile_overlayer_lowered  }
0x9b: {  	s22 =	simm.s32 $0x1BFF;
	s21 =	sshll.u32 s5, $0x1;
	s2 =	sadd.s32 s19, s18  }
0x9c: {  	s6 =	simm.s32 $0x0;
	s20 =	sshll.u32 s4, $0x1;
	s4 =	sadd.s32 s21, s2  }
0x9d: {  	[timem:s6], [sflag:s22] =	dma.local [hbm:s4], s20  }
0x9e: {  	_ =	swait.ge [sflag:s22], s20  }
0x9f: {  	s3 =	ssub.s32 $0x0, s20;
	[sflag:s22] =	ssyncset.done $0x0  }
0xa0: {  	[sflag:s22] =	ssyncadd.s32 s3;
	_ =	sdelay $0x1  }
0xa1: {  	s23 =	simm.s32 $0x1B8B  }
0xa2: {  	_ =	swait.ge [sflag:s23], $0x1  }
0xa3: {  	[sflag:s23] =	ssyncset.done $0x0  }
0xa4: {  	s25 =	simm.s32 $0x1B8E;
	s24 =	sld [smem:$0x3FFE];
	[sflag:s23] =	ssyncadd.s32 $0xFFFFFFFF  }
0xa5: {  	s26 =	simm.s32 $execute0_lowered;
	[smem:$0x3FD2] =	sst s25  }
0xa6: {  	s4 =	sshll.u32 s26, $0x1;
	_ =	strace $0x80000046;
	[dreg:$0x1] =	wrdreg $0xFFFFFFFF  }
0xa7: {  	s28 =	simm.s32 $_size_execute0_lowered;
	s2 =	sadd.s32 s2, s4;
	[dreg:$0x0] =	wrdreg $0x0  }
0xa8: {  	s4 =	sshll.u32 s28, $0x1;
	[dreg:$0x2] =	wrdreg s2  }
0xa9: {  	[dreg:$0x3] =	wrdreg s4  }
0xaa: {  	[dreg:$0x4] =	wrdreg $0xC0  }
0xab: {  	_ =	task [dreg:s6], $0x5FFFF  }
0xac: {  	[dreg:$0x1] =	wrdreg $0xFFFFFFFF  }
0xad: {  	[dreg:$0x0] =	wrdreg $0x60  }
0xae: {  	[dreg:$0x2] =	wrdreg s24  }
0xaf: {  	[dreg:$0x3] =	wrdreg $0x143800  }
0xb0: {  	[dreg:$0x4] =	wrdreg $0x9  }
0xb1: {  	_ =	task.clear_ibuf [dreg:s6], $0x5FFFF;
	_ =	strace $0x90000046  }
0xb2: {  	s29 =	simm.s32 $0x9;
	_ =	strace $0x80000048  }
0xb3: {  	_ =	swait.ge [sflag:s29], $0x1  }
0xb4: {  	[sflag:s29] =	ssyncadd.s32 $0xFFFFFFFF  }
0xb5: {  	_ =	strace $0x90000048  }
0xb6: {  	_ =	sfence  }
0xb7: {  	s30 =	sld [smem:$0x0];
	_ =	sdelay $0x2  }
0xb8: {  	s31 =	sshll.u32 s1, $0xD;
	s1 =	sshrl.u32 s1, $0x2  }
0xb9: {  	s3 =	sand.u32 $0x4000, s31;
	s1 =	sadd.s32 s1, s30  }
0xba: {  	s0 =	sor.u32 s3, s0;
	s1 =	sshll.u32 s1, $0x11  }
0xbb: {  	s0 =	sor.u32 s1, s0  }
0xbc: {  	s0 =	sadd.s32 $0x8F2B, s0  }
0xbd: {  	[sflag:s0] =	ssyncadd.remote.s32 $0x1  }
0xbe: {  	_ =	sfence.sel $0xFFFF  }
0xbf: {  	[dreg:$0x0] =	wrdreg $0xFFFFFFFF;
	(pc) =	sbr.abs _section_cstart, $3  }
0xc0: {  	[dreg:$0x1] =	wrdreg $0xFFFFFFFF  }
0xc1: {  	_ =	task.clear_ibuf [dreg:s6], $0x2FFFF;
	_ =	strace $0x9FFFFFFF  }
0xc2: {  	(tm) =	ssettm $0x7FFFFFFF  }
0xc3: {  	_ =	shalt  }
tec
execute0_lowered:
.L_overlay_start_1:
0x0: {  	(tag) =	ssettag $0x1  }
0x1: {  	s0 =	rddreg [dreg:$0x0]  }
0x2: {  	s1 =	rddreg [dreg:$0x1];
	s2 =	simm.s32 $0x0;
	s26 =	stileid.u32  }
0x3: {  	s3 =	srdreg.scid;
	s17 =	simm.s32 $0xC300;
	s7 =	smul.u32 $0x28000, s26  }
0x4: {  	s18 =	simm.s32 $0x4;
	s19 =	simm.s32 $0x13380;
	s14 =	smul.u32 $0xA000, s26  }
0x5: {  	s20 =	simm.s32 $0x13B80;
	s25 =	simm.s32 $0x0;
	s15 =	smul.u32 $0x9800, s26  }
0x6: {  	[smem:$0x7FF] =	sst s2;
	s4 =	sadd.s32 $0x14E00, s0;
	s12 =	smul.u32 $0x5000, s26  }
0x7: {  	s5 =	sadd.s32 $0xE00, s0;
	s3 =	sand.u32 $0x1, s3;
	s30 =	smul.u32 $0x26000, s26  }
0x8: {  	s6 =	sadd.s32 $0xAE00, s0;
	s0 =	sadd.s32 $0x63000, s0;
	s21 =	smul.u32 $0x2710, s3  }
0x9: {  	p0 =	seq.s32 s26, $0xF;
	s8 =	ssub.s32 $0x2, s3;
	s13 =	smul.u32 $0x4E20000, s3  }
0xa: {  	s3 =	smul.u32 $0x138800, s3;
	s9 =	sshrl.u32 s8, $0x1;
	s7 =	sshrl.u32 s7, $0x2  }
0xb: {  	_ =	strace $0x80000047;
	s16 =	ssub.s32 s8, s9;
	s7 =	sadd.s32 s7, s1  }
0xc: {  	s23 =	sor.u32 $0x1400, s13;
	s28 =	sadd.s32 s14, s3;
	s29 =	sadd.s32 s3, s15  }
0xd: {  	s3 =	sshrl.u32 s3, $0x3;
	s15 =	sshrl.u32 s30, $0x2;
	s8 =	sadd.s32 $0x2000, s7  }
0xe: {  	s9 =	sadd.s32 $0x4000, s7;
	s10 =	sadd.s32 $0x6000, s7;
	s11 =	sadd.s32 $0x8000, s7  }
0xf: {  	s13 =	sshrl.u32 s28, $0x3;
	s14 =	sshrl.u32 s29, $0x3;
	s16 =	smax.u32 s16, $0x1  }
0x10: {  	s13 =	sadd.s32 s0, s13;
	s14 =	sadd.s32 s0, s14;
	s0 =	sadd.s32 s0, s3  }
0x11: {  	s3 =	sadd.s32 s15, s1;
	[dreg:$0x3] =	wrdreg s13;
	s0 =	sadd.s32 $0x25D00, s0  }
0x12: {  	v2 =	vimm.f32 $0.0e+00;
	s31 =	sadd.s32 $0x14000, s14;
	[dreg:$0x5] =	wrdreg s0;
	s0 =	sadd.s32 $0x8E800, s1  }
0x13: {  	v3 =	vimm.s32 $0x0;
	v0 =	vmov s21;
	v1 =	vmov s23;
	s24 =	sshrl.u32 @!p0 s3, $0x3;
	[dreg:$0x4] =	wrdreg s31;
	s23 =	sshrl.u32 @p0 s0, $0x3  }
.LBB2_1:
0x14: {  	s0 =	simm.s32 $0x0;
	s3 =	simm.s32 $0x200  }
.LBB2_2:
0x15: {  	p1 =	sne.s32 s3, $0x7E00;
	[tilespmem:s0+$0xC370] =	vst v2  }
0x16: {  	[tilespmem:s0+$0xC300] =	vst v2  }
0x17: {  	[tilespmem:s0+$0xC310] =	vst v2  }
.Ltmp0:
0x18: {  	[tilespmem:s0+$0xC320] =	vst v2;
	(pc) =	sbr.rel @p1 .LBB2_2-.Ltmp0, $4  }
0x19: {  	[tilespmem:s0+$0xC330] =	vst v2  }
0x1a: {  	[tilespmem:s0+$0xC340] =	vst v2  }
0x1b: {  	[tilespmem:s0+$0xC350] =	vst v2  }
0x1c: {  	[tilespmem:s0+$0xC360] =	vst v2;
	s0 =	sshra.s32 s3, $0x2;
	s3 =	sadd.s32 $0x200, s3  }
0x1d: {  	[tilespmem:s0+$0xC370] =	vst v2  }
0x1e: {  	[tilespmem:s0+$0xC300] =	vst v2  }
0x1f: {  	[tilespmem:s0+$0xC310] =	vst v2  }
0x20: {  	[tilespmem:s0+$0xC320] =	vst v2  }
0x21: {  	[tilespmem:s0+$0xC330] =	vst v2  }
0x22: {  	[tilespmem:s0+$0xC340] =	vst v2  }
0x23: {  	[tilespmem:s0+$0xC350] =	vst v2  }
0x24: {  	[tilespmem:s0+$0xC360] =	vst v2  }
0x25: {  	[spmem:s7] =	stream.linear.scatter [tilespmem:s17], [sflag:$0x4], $0x2000, $0x38;
	[tilespmem:$0x1E3C0] =	vst v63  }
0x26: {  	_ =	swait.ge [sflag:s18], $0x2000  }
0x27: {  	[sflag:s18] =	ssyncset.done $0x0  }
0x28: {  	[sflag:s18] =	ssyncadd.s32 $0xFFFFE000  }
0x29: {  	[spmem:s8] =	stream.linear.scatter [tilespmem:s17], [sflag:$0x4], $0x2000, $0x38;
	[tilespmem:$0x1E3C0] =	vst v63  }
0x2a: {  	_ =	swait.ge [sflag:s18], $0x2000  }
0x2b: {  	[sflag:s18] =	ssyncset.done $0x0  }
0x2c: {  	[sflag:s18] =	ssyncadd.s32 $0xFFFFE000  }
0x2d: {  	[spmem:s9] =	stream.linear.scatter [tilespmem:s17], [sflag:$0x4], $0x2000, $0x38;
	[tilespmem:$0x1E3C0] =	vst v63  }
0x2e: {  	_ =	swait.ge [sflag:s18], $0x2000  }
0x2f: {  	[sflag:s18] =	ssyncset.done $0x0  }
0x30: {  	[sflag:s18] =	ssyncadd.s32 $0xFFFFE000  }
0x31: {  	[spmem:s10] =	stream.linear.scatter [tilespmem:s17], [sflag:$0x4], $0x2000, $0x38;
	[tilespmem:$0x1E3C0] =	vst v63  }
0x32: {  	_ =	swait.ge [sflag:s18], $0x2000  }
0x33: {  	[sflag:s18] =	ssyncset.done $0x0  }
0x34: {  	[sflag:s18] =	ssyncadd.s32 $0xFFFFE000  }
0x35: {  	[spmem:s11] =	stream.linear.scatter [tilespmem:s17], [sflag:$0x4], $0x2000, $0x38;
	[tilespmem:$0x1E3C0] =	vst v63  }
0x36: {  	_ =	swait.ge [sflag:s18], $0x2000  }
0x37: {  	[sflag:s18] =	ssyncset.done $0x0  }
0x38: {  	s28 =	simm.s32 $0x0;
	[sflag:s18] =	ssyncadd.s32 $0xFFFFE000  }
0x39: {  	s26 =	simm.s32 $0x0;
	s29 =	simm.s32 $0x0;
	[bflag:$0x0] =	sbarrier.arrive $0xFFFF  }
.LBB2_4:
0x3a: {  	s0 =	sshll.u32 s29, $0xB  }
0x3b: {  	s0 =	sadd.s32 s12, s0  }
0x3c: {  	s0 =	sshrl.u32 s0, $0x3  }
0x3d: {  	s3 =	sadd.s32 s5, s0  }
0x3e: {  	[tilespmem:s19], [sflag:$0x4] =	stream.linear.gather [hbm4b:s3+s28], $0x800, $0x38;
	[tilespmem:$0x1E3C0] =	vst v63  }
0x3f: {  	_ =	swait.ge [sflag:s18], $0x800  }
0x40: {  	[sflag:s18] =	ssyncset.done $0x0  }
0x41: {  	s0 =	sadd.s32 s6, s0;
	[sflag:s18] =	ssyncadd.s32 $0xFFFFF800  }
0x42: {  	[tilespmem:s20], [sflag:$0x4] =	stream.linear.gather [hbm4b:s0+s28], $0x800, $0x38;
	[tilespmem:$0x1E3C0] =	vst v63  }
0x43: {  	_ =	swait.ge [sflag:s18], $0x800  }
0x44: {  	[sflag:s18] =	ssyncset.done $0x0  }
0x45: {  	s2 =	simm.s32 $0x0;
	[sflag:s18] =	ssyncadd.s32 $0xFFFFF800  }
0x46: {  	v4 =	vld [tilespmem:s2+$0x13380]  }
0x47: {  	v5 =	vld [tilespmem:s2+$0x13B80];
	_ =	sdelay $0x4  }
0x48: {  	v4 =	vadd.s32 v0, v4;
	vm0 =	vlt.u32 v5, $0x1400  }
0x49: {  	v5 =	vmin.u32 v5, $0x1400;
	v4 =	vshll.u32 v4, $0xD;
	v6 =	vsel vm0, $0x1, v3  }
0x4a: {  	v4 =	vor.u32 v5, v4;
	v5 =	vor.u32 $0x80000000, v6  }
0x4b: {  	(xrf1) =	vsort.dscd.msk.u32 $0xffff, v5, v4;
	_ =	sdelay $0xd  }
0x4c: {  	_, v4, _ =	vpop (xrf1)  }
0x4d: {  	[tilespmem:s26+$0xE300] =	vst v4  }
0x4e: {  	v4 =	vld [tilespmem:s2+$0x13390]  }
0x4f: {  	v5 =	vld [tilespmem:s2+$0x13B90];
	_ =	sdelay $0x2  }
0x50: {  	v51 =	vmpcnt.ones.xlane vm0;
	_ =	sdelay $0x1  }
0x51: {  	(v2sf) =	vpush v51, $0x0;
	v4 =	vadd.s32 v0, v4;
	vm9 =	vlt.u32 v5, $0x1400  }
0x52: {  	v5 =	vmin.u32 v5, $0x1400;
	v4 =	vshll.u32 v4, $0xD;
	v52 =	vsel vm9, $0x1, v3  }
0x53: {  	v4 =	vor.u32 v5, v4;
	v5 =	vor.u32 $0x80000000, v52  }
0x54: {  	(xrf1) =	vsort.dscd.msk.u32 $0xffff, v5, v4;
	_ =	sdelay $0xc  }
0x55: {  	s13 =	spop (v2sf)  }
0x56: {  	s3 =	sadd.s32 s26, s13;
	_, v4, _ =	vpop (xrf1)  }
0x57: {  	[tilespmem:s3+$0xE300] =	vst v4  }
0x58: {  	v4 =	vld [tilespmem:s2+$0x133A0]  }
0x59: {  	v5 =	vld [tilespmem:s2+$0x13BA0];
	_ =	sdelay $0x2  }
0x5a: {  	v53 =	vmpcnt.ones.xlane vm9;
	_ =	sdelay $0x1  }
0x5b: {  	(v2sf) =	vpush v53, $0x0;
	v4 =	vadd.s32 v0, v4;
	vm10 =	vlt.u32 v5, $0x1400  }
0x5c: {  	v5 =	vmin.u32 v5, $0x1400;
	v4 =	vshll.u32 v4, $0xD;
	v54 =	vsel vm10, $0x1, v3  }
0x5d: {  	v4 =	vor.u32 v5, v4;
	v5 =	vor.u32 $0x80000000, v54  }
0x5e: {  	(xrf1) =	vsort.dscd.msk.u32 $0xffff, v5, v4;
	_ =	sdelay $0xc  }
0x5f: {  	s14 =	spop (v2sf)  }
0x60: {  	s3 =	sadd.s32 s3, s14;
	_, v4, _ =	vpop (xrf1)  }
0x61: {  	[tilespmem:s3+$0xE300] =	vst v4  }
0x62: {  	v4 =	vld [tilespmem:s2+$0x133B0]  }
0x63: {  	v5 =	vld [tilespmem:s2+$0x13BB0];
	_ =	sdelay $0x2  }
0x64: {  	v55 =	vmpcnt.ones.xlane vm10;
	_ =	sdelay $0x1  }
0x65: {  	(v2sf) =	vpush v55, $0x0;
	v4 =	vadd.s32 v0, v4;
	vm11 =	vlt.u32 v5, $0x1400  }
0x66: {  	v5 =	vmin.u32 v5, $0x1400;
	v4 =	vshll.u32 v4, $0xD;
	v56 =	vsel vm11, $0x1, v3  }
0x67: {  	v4 =	vor.u32 v5, v4;
	v5 =	vor.u32 $0x80000000, v56  }
0x68: {  	(xrf1) =	vsort.dscd.msk.u32 $0xffff, v5, v4;
	_ =	sdelay $0xc  }
0x69: {  	s15 =	spop (v2sf)  }
0x6a: {  	s3 =	sadd.s32 s3, s15;
	_, v4, _ =	vpop (xrf1)  }
0x6b: {  	[tilespmem:s3+$0xE300] =	vst v4  }
0x6c: {  	v4 =	vld [tilespmem:s2+$0x133C0]  }
0x6d: {  	v5 =	vld [tilespmem:s2+$0x13BC0];
	_ =	sdelay $0x2  }
0x6e: {  	v57 =	vmpcnt.ones.xlane vm11;
	_ =	sdelay $0x1  }
0x6f: {  	(v2sf) =	vpush v57, $0x0;
	v4 =	vadd.s32 v0, v4;
	vm12 =	vlt.u32 v5, $0x1400  }
0x70: {  	v5 =	vmin.u32 v5, $0x1400;
	v4 =	vshll.u32 v4, $0xD;
	v58 =	vsel vm12, $0x1, v3  }
0x71: {  	v4 =	vor.u32 v5, v4;
	v5 =	vor.u32 $0x80000000, v58  }
0x72: {  	(xrf1) =	vsort.dscd.msk.u32 $0xffff, v5, v4;
	_ =	sdelay $0xc  }
0x73: {  	s21 =	spop (v2sf)  }
0x74: {  	s3 =	sadd.s32 s3, s21;
	_, v4, _ =	vpop (xrf1)  }
0x75: {  	[tilespmem:s3+$0xE300] =	vst v4  }
0x76: {  	v4 =	vld [tilespmem:s2+$0x133D0]  }
0x77: {  	v5 =	vld [tilespmem:s2+$0x13BD0];
	_ =	sdelay $0x2  }
0x78: {  	v59 =	vmpcnt.ones.xlane vm12;
	_ =	sdelay $0x1  }
0x79: {  	(v2sf) =	vpush v59, $0x0;
	v4 =	vadd.s32 v0, v4;
	vm13 =	vlt.u32 v5, $0x1400  }
0x7a: {  	v5 =	vmin.u32 v5, $0x1400;
	v4 =	vshll.u32 v4, $0xD;
	v60 =	vsel vm13, $0x1, v3  }
0x7b: {  	v4 =	vor.u32 v5, v4;
	v5 =	vor.u32 $0x80000000, v60  }
0x7c: {  	(xrf1) =	vsort.dscd.msk.u32 $0xffff, v5, v4;
	_ =	sdelay $0xc  }
0x7d: {  	s22 =	spop (v2sf)  }
0x7e: {  	s3 =	sadd.s32 s3, s22;
	_, v4, _ =	vpop (xrf1)  }
0x7f: {  	[tilespmem:s3+$0xE300] =	vst v4  }
0x80: {  	v4 =	vld [tilespmem:s2+$0x133E0]  }
0x81: {  	v5 =	vld [tilespmem:s2+$0x13BE0];
	_ =	sdelay $0x2  }
0x82: {  	v61 =	vmpcnt.ones.xlane vm13;
	_ =	sdelay $0x1  }
0x83: {  	(v2sf) =	vpush v61, $0x0;
	v4 =	vadd.s32 v0, v4;
	vm14 =	vlt.u32 v5, $0x1400  }
0x84: {  	v5 =	vmin.u32 v5, $0x1400;
	v4 =	vshll.u32 v4, $0xD;
	v62 =	vsel vm14, $0x1, v3  }
0x85: {  	v4 =	vor.u32 v5, v4;
	v5 =	vor.u32 $0x80000000, v62  }
0x86: {  	(xrf1) =	vsort.dscd.msk.u32 $0xffff, v5, v4;
	_ =	sdelay $0x7  }
0x87: {  	v4 =	vmpcnt.ones.xlane vm14;
	_ =	sdelay $0x1  }
0x88: {  	(v2sf) =	vpush v4, $0x0;
	_ =	sdelay $0x2  }
0x89: {  	s31 =	spop (v2sf)  }
0x8a: {  	s3 =	sadd.s32 s3, s31;
	_, v4, _ =	vpop (xrf1)  }
0x8b: {  	[tilespmem:s3+$0xE300] =	vst v4  }
0x8c: {  	v4 =	vld [tilespmem:s2+$0x133F0]  }
0x8d: {  	v5 =	vld [tilespmem:s2+$0x13BF0];
	_ =	sdelay $0x4  }
0x8e: {  	v4 =	vadd.s32 v0, v4;
	vm15 =	vlt.u32 v5, $0x1400;
	v5 =	vmin.u32 v5, $0x1400  }
0x8f: {  	v4 =	vshll.u32 v4, $0xD;
	v63 =	vsel vm15, $0x1, v3;
	v7 =	vmpcnt.ones.xlane vm15  }
0x90: {  	v4 =	vor.u32 v5, v4;
	v5 =	vor.u32 $0x80000000, v63  }
0x91: {  	s0 =	simm.s32 $0x200;
	s30 =	spop (v2sf);
	(xrf1) =	vsort.dscd.msk.u32 $0xffff, v5, v4;
	(v2sf) =	vpush v7, $0x0  }
.LBB2_5:
0x92: {  	_ =	sdelay $0x6  }
0x93: {  	p1 =	sne.s32 s0, $0x1E00;
	s26 =	smov.u32 s0;
	s0 =	sadd.s32 $0x200, s0  }
0x94: {  	_ =	sdelay $0x4  }
0x95: {  	s3 =	sadd.s32 s3, s30;
	_, v4, _ =	vpop (xrf1)  }
0x96: {  	s26 =	sshra.s32 s26, $0x2;
	[tilespmem:s3+$0xE300] =	vst v4;
	s30 =	spop (v2sf)  }
0x97: {  	v4 =	vld [tilespmem:s26+$0x13380];
	s3 =	sadd.s32 s3, s30  }
0x98: {  	v5 =	vld [tilespmem:s26+$0x13B80];
	_ =	sdelay $0x3  }
0x99: {  	v4 =	vadd.s32 v0, v4  }
0x9a: {  	vm0 =	vlt.u32 v5, $0x1400;
	v5 =	vmin.u32 v5, $0x1400;
	v4 =	vshll.u32 v4, $0xD  }
0x9b: {  	v4 =	vor.u32 v5, v4;
	v5 =	vsel vm0, $0x1, v3;
	v6 =	vmpcnt.ones.xlane vm0  }
0x9c: {  	v5 =	vor.u32 $0x80000000, v5  }
0x9d: {  	(xrf1) =	vsort.dscd.msk.u32 $0xffff, v5, v4;
	(v2sf) =	vpush v6, $0x0;
	_ =	sdelay $0xd  }
0x9e: {  	_, v4, _ =	vpop (xrf1)  }
0x9f: {  	[tilespmem:s3+$0xE300] =	vst v4;
	s30 =	spop (v2sf)  }
0xa0: {  	v4 =	vld [tilespmem:s26+$0x13390]  }
0xa1: {  	v5 =	vld [tilespmem:s26+$0x13B90];
	_ =	sdelay $0x3  }
0xa2: {  	v4 =	vadd.s32 v0, v4  }
0xa3: {  	vm0 =	vlt.u32 v5, $0x1400;
	v5 =	vmin.u32 v5, $0x1400;
	v4 =	vshll.u32 v4, $0xD  }
0xa4: {  	v4 =	vor.u32 v5, v4;
	v5 =	vsel vm0, $0x1, v3;
	v6 =	vmpcnt.ones.xlane vm0  }
0xa5: {  	v5 =	vor.u32 $0x80000000, v5  }
0xa6: {  	(xrf1) =	vsort.dscd.msk.u32 $0xffff, v5, v4;
	(v2sf) =	vpush v6, $0x0;
	_ =	sdelay $0xd  }
0xa7: {  	s3 =	sadd.s32 s3, s30;
	_, v4, _ =	vpop (xrf1)  }
0xa8: {  	[tilespmem:s3+$0xE300] =	vst v4;
	s30 =	spop (v2sf)  }
0xa9: {  	s3 =	sadd.s32 s3, s30;
	v4 =	vld [tilespmem:s26+$0x133A0]  }
0xaa: {  	v5 =	vld [tilespmem:s26+$0x13BA0];
	_ =	sdelay $0x3  }
0xab: {  	v4 =	vadd.s32 v0, v4  }
0xac: {  	vm0 =	vlt.u32 v5, $0x1400;
	v5 =	vmin.u32 v5, $0x1400;
	v4 =	vshll.u32 v4, $0xD  }
0xad: {  	v4 =	vor.u32 v5, v4;
	v5 =	vsel vm0, $0x1, v3;
	v6 =	vmpcnt.ones.xlane vm0  }
0xae: {  	v5 =	vor.u32 $0x80000000, v5  }
0xaf: {  	(xrf1) =	vsort.dscd.msk.u32 $0xffff, v5, v4;
	(v2sf) =	vpush v6, $0x0;
	_ =	sdelay $0xd  }
0xb0: {  	_, v4, _ =	vpop (xrf1)  }
0xb1: {  	[tilespmem:s3+$0xE300] =	vst v4;
	s30 =	spop (v2sf)  }
0xb2: {  	s3 =	sadd.s32 s3, s30;
	v4 =	vld [tilespmem:s26+$0x133B0]  }
0xb3: {  	v5 =	vld [tilespmem:s26+$0x13BB0];
	_ =	sdelay $0x3  }
0xb4: {  	v4 =	vadd.s32 v0, v4  }
0xb5: {  	vm0 =	vlt.u32 v5, $0x1400;
	v5 =	vmin.u32 v5, $0x1400;
	v4 =	vshll.u32 v4, $0xD  }
0xb6: {  	v4 =	vor.u32 v5, v4;
	v5 =	vsel vm0, $0x1, v3;
	v6 =	vmpcnt.ones.xlane vm0  }
0xb7: {  	v5 =	vor.u32 $0x80000000, v5  }
0xb8: {  	(xrf1) =	vsort.dscd.msk.u32 $0xffff, v5, v4;
	(v2sf) =	vpush v6, $0x0;
	_ =	sdelay $0xd  }
0xb9: {  	_, v4, _ =	vpop (xrf1)  }
0xba: {  	[tilespmem:s3+$0xE300] =	vst v4;
	s30 =	spop (v2sf)  }
0xbb: {  	s3 =	sadd.s32 s3, s30;
	v4 =	vld [tilespmem:s26+$0x133C0]  }
0xbc: {  	v5 =	vld [tilespmem:s26+$0x13BC0];
	_ =	sdelay $0x3  }
0xbd: {  	v4 =	vadd.s32 v0, v4  }
0xbe: {  	vm0 =	vlt.u32 v5, $0x1400;
	v5 =	vmin.u32 v5, $0x1400;
	v4 =	vshll.u32 v4, $0xD  }
0xbf: {  	v4 =	vor.u32 v5, v4;
	v5 =	vsel vm0, $0x1, v3;
	v6 =	vmpcnt.ones.xlane vm0  }
0xc0: {  	v5 =	vor.u32 $0x80000000, v5  }
0xc1: {  	(xrf1) =	vsort.dscd.msk.u32 $0xffff, v5, v4;
	(v2sf) =	vpush v6, $0x0;
	_ =	sdelay $0xd  }
0xc2: {  	_, v4, _ =	vpop (xrf1)  }
0xc3: {  	[tilespmem:s3+$0xE300] =	vst v4;
	s30 =	spop (v2sf)  }
0xc4: {  	s3 =	sadd.s32 s3, s30;
	v4 =	vld [tilespmem:s26+$0x133D0]  }
0xc5: {  	v5 =	vld [tilespmem:s26+$0x13BD0];
	_ =	sdelay $0x3  }
0xc6: {  	v4 =	vadd.s32 v0, v4  }
0xc7: {  	vm0 =	vlt.u32 v5, $0x1400;
	v5 =	vmin.u32 v5, $0x1400;
	v4 =	vshll.u32 v4, $0xD  }
0xc8: {  	v4 =	vor.u32 v5, v4;
	v5 =	vsel vm0, $0x1, v3;
	v6 =	vmpcnt.ones.xlane vm0  }
0xc9: {  	v5 =	vor.u32 $0x80000000, v5  }
0xca: {  	(xrf1) =	vsort.dscd.msk.u32 $0xffff, v5, v4;
	(v2sf) =	vpush v6, $0x0;
	_ =	sdelay $0xd  }
0xcb: {  	_, v4, _ =	vpop (xrf1)  }
0xcc: {  	[tilespmem:s3+$0xE300] =	vst v4;
	s30 =	spop (v2sf)  }
0xcd: {  	s3 =	sadd.s32 s3, s30;
	v4 =	vld [tilespmem:s26+$0x133E0]  }
0xce: {  	v5 =	vld [tilespmem:s26+$0x13BE0];
	_ =	sdelay $0x3  }
0xcf: {  	v4 =	vadd.s32 v0, v4  }
0xd0: {  	vm0 =	vlt.u32 v5, $0x1400;
	v5 =	vmin.u32 v5, $0x1400;
	v4 =	vshll.u32 v4, $0xD  }
0xd1: {  	v4 =	vor.u32 v5, v4;
	v5 =	vsel vm0, $0x1, v3;
	v6 =	vmpcnt.ones.xlane vm0  }
0xd2: {  	v5 =	vor.u32 $0x80000000, v5  }
0xd3: {  	(xrf1) =	vsort.dscd.msk.u32 $0xffff, v5, v4;
	(v2sf) =	vpush v6, $0x0;
	_ =	sdelay $0xd  }
0xd4: {  	_, v4, _ =	vpop (xrf1)  }
0xd5: {  	[tilespmem:s3+$0xE300] =	vst v4;
	s30 =	spop (v2sf)  }
0xd6: {  	v4 =	vld [tilespmem:s26+$0x133F0]  }
0xd7: {  	v5 =	vld [tilespmem:s26+$0x13BF0];
	_ =	sdelay $0x3  }
.Ltmp1:
0xd8: {  	v4 =	vadd.s32 v0, v4;
	(pc) =	sbr.rel @p1 .LBB2_5-.Ltmp1, $4  }
0xd9: {  	vm0 =	vlt.u32 v5, $0x1400;
	v5 =	vmin.u32 v5, $0x1400;
	v4 =	vshll.u32 v4, $0xD  }
0xda: {  	v4 =	vor.u32 v5, v4;
	v5 =	vsel vm0, $0x1, v3;
	v6 =	vmpcnt.ones.xlane vm0  }
0xdb: {  	v5 =	vor.u32 $0x80000000, v5  }
0xdc: {  	(xrf1) =	vsort.dscd.msk.u32 $0xffff, v5, v4;
	(v2sf) =	vpush v6, $0x0  }
0xdd: {  	_ =	sdelay $0x8  }
0xde: {  	s29 =	sadd.s32 $0x1, s29  }
0xdf: {  	p1 =	sne.s32 s29, $0xA  }
.Ltmp2:
0xe0: {  	_ = 	snop;
	(pc) =	sbr.rel @p1 .LBB2_4-.Ltmp2, $3  }
0xe1: {  	_ =	sdelay $0x1  }
0xe2: {  	s0 =	sadd.s32 s3, s30;
	_, v4, _ =	vpop (xrf1);
	s31 =	spop (v2sf)  }
0xe3: {  	[tilespmem:s0+$0xE300] =	vst v4;
	s26 =	sadd.s32 s0, s31  }
0xe4: {  	[tilespmem:s26+$0xE300] =	vst v1  }
0xe5: {  	[tilespmem:s26+$0xE310] =	vst v1  }
0xe6: {  	[tilespmem:s26+$0xE320] =	vst v1;
	p1 =	slt.s32 s26, $0x1  }
.Ltmp3:
0xe7: {  	[tilespmem:s26+$0xE330] =	vst v1;
	(pc) =	sbr.rel @p1 .LBB2_9-.Ltmp3, $4  }
0xe8: {  	[tilespmem:s26+$0xE340] =	vst v1  }
0xe9: {  	[tilespmem:s26+$0xE350] =	vst v1  }
0xea: {  	[tilespmem:s26+$0xE360] =	vst v1  }
0xeb: {  	[tilespmem:s26+$0xE370] =	vst v1  }
0xec: {  	v4 =	vld [tilespmem:$0xE300];
	_ =	sdelay $0x1  }
0xed: {  	v5 =	vld [tilespmem:$0xE310];
	_ =	sdelay $0x1  }
0xee: {  	v6 =	vld [tilespmem:$0xE320]  }
0xef: {  	v7 =	vshrl.u32 v4, $0xD  }
0xf0: {  	v61 =	vld [tilespmem:$0xE330];
	v4 =	vand.u32 $0x1FFF, v4;
	[tilespmem:$0x0] =	vst v7  }
0xf1: {  	[tilespmem:$0x80] =	vst v4;
	v4 =	vshrl.u32 v5, $0xD  }
0xf2: {  	[tilespmem:$0x10] =	vst v4;
	v4 =	vand.u32 $0x1FFF, v5;
	v5 =	vld [tilespmem:$0xE340]  }
0xf3: {  	[tilespmem:$0x90] =	vst v4;
	v4 =	vshrl.u32 v6, $0xD  }
0xf4: {  	v62 =	vld [tilespmem:$0xE350];
	[tilespmem:$0x20] =	vst v4;
	v4 =	vand.u32 $0x1FFF, v6  }
0xf5: {  	[tilespmem:$0xA0] =	vst v4;
	v4 =	vshrl.u32 v61, $0xD  }
0xf6: {  	v63 =	vld [tilespmem:$0xE360];
	[tilespmem:$0x30] =	vst v4;
	v4 =	vand.u32 $0x1FFF, v61  }
0xf7: {  	[tilespmem:$0xB0] =	vst v4;
	v4 =	vshrl.u32 v5, $0xD  }
0xf8: {  	[tilespmem:$0x40] =	vst v4;
	v4 =	vand.u32 $0x1FFF, v5;
	v5 =	vld [tilespmem:$0xE370]  }
0xf9: {  	[tilespmem:$0xC0] =	vst v4;
	v4 =	vshrl.u32 v62, $0xD  }
0xfa: {  	[tilespmem:$0x50] =	vst v4;
	v4 =	vand.u32 $0x1FFF, v62  }
0xfb: {  	[tilespmem:$0xD0] =	vst v4;
	v4 =	vshrl.u32 v63, $0xD  }
0xfc: {  	[tilespmem:$0x60] =	vst v4;
	v4 =	vand.u32 $0x1FFF, v63  }
0xfd: {  	[tilespmem:$0xE0] =	vst v4;
	v4 =	vshrl.u32 v5, $0xD  }
0xfe: {  	s0 =	simm.s32 $0x0;
	[tilespmem:$0x70] =	vst v4;
	v4 =	vand.u32 $0x1FFF, v5  }
0xff: {  	s2 =	simm.s32 $0x80;
	s3 =	simm.s32 $0x300;
	p1 =	slt.u32 s26, $0x81;
	[tilespmem:$0xF0] =	vst v4  }
0x100: {  	[tilespmem:s3], [sflag:$0x1] =	stream.indirect.gather [hbm4b:s4+s2], $0x80, s0, s2, $0xb8;
	[tilespmem:$0x1E3C0] =	vst v63  }
0x101: {  	v4 =	vld @!p1 [tilespmem:$0xE380];
	_ =	sdelay $0x1  }
0x102: {  	v5 =	vld @!p1 [tilespmem:$0xE390];
	_ =	sdelay $0x1  }
0x103: {  	v6 =	vld @!p1 [tilespmem:$0xE3A0]  }
0x104: {  	v7 =	vshrl.u32 @!p1 v4, $0xD  }
0x105: {  	v4 =	vand.u32 @!p1 $0x1FFF, v4;
	[tilespmem:$0x100] =	vst @!p1 v7;
	v7 =	vld @!p1 [tilespmem:$0xE3B0]  }
0x106: {  	[tilespmem:$0x180] =	vst @!p1 v4;
	v4 =	vshrl.u32 @!p1 v5, $0xD  }
0x107: {  	[tilespmem:$0x110] =	vst @!p1 v4;
	v4 =	vand.u32 @!p1 $0x1FFF, v5;
	v5 =	vld @!p1 [tilespmem:$0xE3C0]  }
0x108: {  	[tilespmem:$0x190] =	vst @!p1 v4;
	v4 =	vshrl.u32 @!p1 v6, $0xD  }
0x109: {  	[tilespmem:$0x120] =	vst @!p1 v4;
	v4 =	vand.u32 @!p1 $0x1FFF, v6;
	v6 =	vld @!p1 [tilespmem:$0xE3D0]  }
0x10a: {  	[tilespmem:$0x1A0] =	vst @!p1 v4;
	v4 =	vshrl.u32 @!p1 v7, $0xD  }
0x10b: {  	[tilespmem:$0x130] =	vst @!p1 v4;
	v4 =	vand.u32 @!p1 $0x1FFF, v7;
	v7 =	vld @!p1 [tilespmem:$0xE3E0]  }
0x10c: {  	[tilespmem:$0x1B0] =	vst @!p1 v4;
	v4 =	vshrl.u32 @!p1 v5, $0xD  }
0x10d: {  	[tilespmem:$0x140] =	vst @!p1 v4;
	v4 =	vand.u32 @!p1 $0x1FFF, v5;
	v5 =	vld @!p1 [tilespmem:$0xE3F0]  }
0x10e: {  	[tilespmem:$0x1C0] =	vst @!p1 v4;
	v4 =	vshrl.u32 @!p1 v6, $0xD  }
0x10f: {  	[tilespmem:$0x150] =	vst @!p1 v4;
	v4 =	vand.u32 @!p1 $0x1FFF, v6  }
0x110: {  	[tilespmem:$0x1D0] =	vst @!p1 v4;
	v4 =	vshrl.u32 @!p1 v7, $0xD  }
0x111: {  	[tilespmem:$0x160] =	vst @!p1 v4;
	v4 =	vand.u32 @!p1 $0x1FFF, v7  }
0x112: {  	[tilespmem:$0x1E0] =	vst @!p1 v4;
	v4 =	vshrl.u32 @!p1 v5, $0xD  }
0x113: {  	[tilespmem:$0x170] =	vst @!p1 v4;
	v4 =	vand.u32 @!p1 $0x1FFF, v5  }
0x114: {  	s28 =	simm.s32 @!p1 $0x4300;
	s0 =	simm.s32 @!p1 $0x80;
	s3 =	simm.s32 @!p1 $0x100;
	[tilespmem:$0x1F0] =	vst @!p1 v4  }
0x115: {  	[tilespmem:s28], [sflag:$0x2] =	stream.indirect.gather @!p1 [hbm4b:s4+s0], $0x80, s3, s0, $0xb8;
	[tilespmem:$0x1E3C0] =	vst v63  }
.LBB2_9:
0x116: {  	p2 =	sle.s32 s26, $0x0  }
0x117: {  	p1 =	sle.u32 @!p2 s26, $0x100  }
0x118: {  	s28 =	simm.s32 $0xE440;
	p1 =	por p1, p2  }
0x119: {  	v4 =	vld @!p1 [tilespmem:s28+$0xFFFFFFC0];
	_ =	sdelay $0x4  }
0x11a: {  	v5 =	vshrl.u32 @!p1 v4, $0xD  }
0x11b: {  	v4 =	vand.u32 @!p1 $0x1FFF, v4;
	[tilespmem:$0x200] =	vst @!p1 v5  }
0x11c: {  	[tilespmem:$0x280] =	vst @!p1 v4  }
0x11d: {  	v4 =	vld @!p1 [tilespmem:s28+$0xFFFFFFD0];
	_ =	sdelay $0x4  }
0x11e: {  	v5 =	vshrl.u32 @!p1 v4, $0xD  }
0x11f: {  	v4 =	vand.u32 @!p1 $0x1FFF, v4;
	[tilespmem:$0x210] =	vst @!p1 v5  }
0x120: {  	[tilespmem:$0x290] =	vst @!p1 v4  }
0x121: {  	v4 =	vld @!p1 [tilespmem:s28+$0xFFFFFFE0];
	_ =	sdelay $0x4  }
0x122: {  	v5 =	vshrl.u32 @!p1 v4, $0xD  }
0x123: {  	v4 =	vand.u32 @!p1 $0x1FFF, v4;
	[tilespmem:$0x220] =	vst @!p1 v5  }
0x124: {  	[tilespmem:$0x2A0] =	vst @!p1 v4  }
0x125: {  	v4 =	vld @!p1 [tilespmem:s28+$0xFFFFFFF0];
	_ =	sdelay $0x4  }
0x126: {  	v5 =	vshrl.u32 @!p1 v4, $0xD  }
0x127: {  	v4 =	vand.u32 @!p1 $0x1FFF, v4;
	[tilespmem:$0x230] =	vst @!p1 v5  }
0x128: {  	[tilespmem:$0x2B0] =	vst @!p1 v4  }
0x129: {  	v4 =	vld @!p1 [tilespmem:s28+$0x0];
	_ =	sdelay $0x4  }
0x12a: {  	v5 =	vshrl.u32 @!p1 v4, $0xD  }
0x12b: {  	v4 =	vand.u32 @!p1 $0x1FFF, v4;
	[tilespmem:$0x240] =	vst @!p1 v5  }
0x12c: {  	[tilespmem:$0x2C0] =	vst @!p1 v4  }
0x12d: {  	v4 =	vld @!p1 [tilespmem:s28+$0x10];
	_ =	sdelay $0x4  }
0x12e: {  	v5 =	vshrl.u32 @!p1 v4, $0xD  }
0x12f: {  	v4 =	vand.u32 @!p1 $0x1FFF, v4;
	[tilespmem:$0x250] =	vst @!p1 v5  }
0x130: {  	[tilespmem:$0x2D0] =	vst @!p1 v4  }
0x131: {  	v4 =	vld @!p1 [tilespmem:s28+$0x20];
	_ =	sdelay $0x4  }
0x132: {  	v5 =	vshrl.u32 @!p1 v4, $0xD  }
0x133: {  	v4 =	vand.u32 @!p1 $0x1FFF, v4;
	[tilespmem:$0x260] =	vst @!p1 v5  }
0x134: {  	[tilespmem:$0x2E0] =	vst @!p1 v4  }
0x135: {  	v4 =	vld @!p1 [tilespmem:s28+$0x30];
	_ =	sdelay $0x4  }
0x136: {  	v5 =	vshrl.u32 @!p1 v4, $0xD  }
0x137: {  	s0 =	simm.s32 @!p2 $0x1;
	v4 =	vand.u32 @!p1 $0x1FFF, v4;
	[tilespmem:$0x270] =	vst @!p1 v5  }
0x138: {  	s3 =	simm.s32 @!p1 $0x80;
	s29 =	simm.s32 @!p1 $0x200;
	s30 =	simm.s32 @!p1 $0x8300;
	[tilespmem:$0x2F0] =	vst @!p1 v4  }
0x139: {  	[tilespmem:s30], [sflag:$0x3] =	stream.indirect.gather @!p1 [hbm4b:s4+s3], $0x80, s29, s3, $0xb8;
	[tilespmem:$0x1E3C0] =	vst v63  }
0x13a: {  	_ =	swait.ge @!p2 [sflag:s0], $0x4000  }
0x13b: {  	s3 =	simm.s32 @!p2 $0x300;
	[sflag:s0] =	ssyncset.done @!p2 $0x0  }
0x13c: {  	s29 =	simm.s32 @!p2 $0x5;
	[sflag:s0] =	ssyncadd.s32 @!p2 $0xFFFFC000;
	s0 =	simm.s32 @!p2 $0x80  }
0x13d: {  	[spmem:s1] =	stream.indirect.scatter.add.f32 @!p2 [tilespmem:s3], [sflag:$0x5], $0x80, s0, s0, $0xb8;
	[tilespmem:$0x1E3C0] =	vst v63  }
0x13e: {  	p1 =	sle.s32 s26, $0x80;
	_ =	swait.ge @!p2 [sflag:s29], $0x4000  }
0x13f: {  	p3 =	sle.u32 @!p1 s26, $0x180;
	[sflag:s29] =	ssyncset.done @!p2 $0x0  }
0x140: {  	[sflag:s29] =	ssyncadd.s32 @!p2 $0xFFFFC000;
	p2 =	por p3, p1  }
0x141: {  	v4 =	vld @!p2 [tilespmem:s28+$0x40];
	_ =	sdelay $0x4  }
0x142: {  	v5 =	vshrl.u32 @!p2 v4, $0xD  }
0x143: {  	v4 =	vand.u32 @!p2 $0x1FFF, v4;
	[tilespmem:$0x0] =	vst @!p2 v5  }
0x144: {  	[tilespmem:$0x80] =	vst @!p2 v4  }
0x145: {  	v4 =	vld @!p2 [tilespmem:s28+$0x50];
	_ =	sdelay $0x4  }
0x146: {  	v5 =	vshrl.u32 @!p2 v4, $0xD  }
0x147: {  	v4 =	vand.u32 @!p2 $0x1FFF, v4;
	[tilespmem:$0x10] =	vst @!p2 v5  }
0x148: {  	[tilespmem:$0x90] =	vst @!p2 v4  }
0x149: {  	v4 =	vld @!p2 [tilespmem:s28+$0x60];
	_ =	sdelay $0x4  }
0x14a: {  	v5 =	vshrl.u32 @!p2 v4, $0xD  }
0x14b: {  	v4 =	vand.u32 @!p2 $0x1FFF, v4;
	[tilespmem:$0x20] =	vst @!p2 v5  }
0x14c: {  	[tilespmem:$0xA0] =	vst @!p2 v4  }
0x14d: {  	v4 =	vld @!p2 [tilespmem:s28+$0x70];
	_ =	sdelay $0x4  }
0x14e: {  	v5 =	vshrl.u32 @!p2 v4, $0xD  }
0x14f: {  	v4 =	vand.u32 @!p2 $0x1FFF, v4;
	[tilespmem:$0x30] =	vst @!p2 v5  }
0x150: {  	[tilespmem:$0xB0] =	vst @!p2 v4  }
0x151: {  	v4 =	vld @!p2 [tilespmem:s28+$0x80];
	_ =	sdelay $0x4  }
0x152: {  	v5 =	vshrl.u32 @!p2 v4, $0xD  }
0x153: {  	v4 =	vand.u32 @!p2 $0x1FFF, v4;
	[tilespmem:$0x40] =	vst @!p2 v5  }
0x154: {  	[tilespmem:$0xC0] =	vst @!p2 v4  }
0x155: {  	v4 =	vld @!p2 [tilespmem:s28+$0x90];
	_ =	sdelay $0x4  }
0x156: {  	v5 =	vshrl.u32 @!p2 v4, $0xD  }
0x157: {  	v4 =	vand.u32 @!p2 $0x1FFF, v4;
	[tilespmem:$0x50] =	vst @!p2 v5  }
0x158: {  	[tilespmem:$0xD0] =	vst @!p2 v4  }
0x159: {  	v4 =	vld @!p2 [tilespmem:s28+$0xA0];
	_ =	sdelay $0x4  }
0x15a: {  	v5 =	vshrl.u32 @!p2 v4, $0xD  }
0x15b: {  	v4 =	vand.u32 @!p2 $0x1FFF, v4;
	[tilespmem:$0x60] =	vst @!p2 v5  }
0x15c: {  	[tilespmem:$0xE0] =	vst @!p2 v4  }
0x15d: {  	v4 =	vld @!p2 [tilespmem:s28+$0xB0];
	_ =	sdelay $0x4  }
0x15e: {  	v5 =	vshrl.u32 @!p2 v4, $0xD  }
0x15f: {  	s0 =	simm.s32 @!p1 $0x2;
	v4 =	vand.u32 @!p2 $0x1FFF, v4;
	[tilespmem:$0x70] =	vst @!p2 v5  }
0x160: {  	s3 =	simm.s32 @!p2 $0x80;
	s29 =	simm.s32 @!p2 $0x0;
	s30 =	simm.s32 @!p2 $0x300;
	[tilespmem:$0xF0] =	vst @!p2 v4  }
0x161: {  	[tilespmem:s30], [sflag:$0x1] =	stream.indirect.gather @!p2 [hbm4b:s4+s3], $0x80, s29, s3, $0xb8;
	[tilespmem:$0x1E3C0] =	vst v63  }
0x162: {  	_ =	swait.ge @!p1 [sflag:s0], $0x4000  }
0x163: {  	s3 =	simm.s32 @!p1 $0x4300;
	s29 =	simm.s32 @!p1 $0x5;
	[sflag:s0] =	ssyncset.done @!p1 $0x0  }
0x164: {  	s30 =	simm.s32 @!p1 $0x180;
	[sflag:s0] =	ssyncadd.s32 @!p1 $0xFFFFC000;
	s0 =	simm.s32 @!p1 $0x80  }
0x165: {  	[spmem:s1] =	stream.indirect.scatter.add.f32 @!p1 [tilespmem:s3], [sflag:$0x5], $0x80, s30, s0, $0xb8;
	[tilespmem:$0x1E3C0] =	vst v63  }
0x166: {  	p2 =	sle.s32 s26, $0x100;
	_ =	swait.ge @!p1 [sflag:s29], $0x4000  }
0x167: {  	p3 =	sle.u32 @!p2 s26, $0x200;
	[sflag:s29] =	ssyncset.done @!p1 $0x0  }
0x168: {  	p3 =	por p3, p2;
	[sflag:s29] =	ssyncadd.s32 @!p1 $0xFFFFC000  }
0x169: {  	v4 =	vld @!p3 [tilespmem:s28+$0xC0];
	_ =	sdelay $0x4  }
0x16a: {  	v5 =	vshrl.u32 @!p3 v4, $0xD  }
0x16b: {  	v4 =	vand.u32 @!p3 $0x1FFF, v4;
	[tilespmem:$0x100] =	vst @!p3 v5  }
0x16c: {  	[tilespmem:$0x180] =	vst @!p3 v4  }
0x16d: {  	v4 =	vld @!p3 [tilespmem:s28+$0xD0];
	_ =	sdelay $0x4  }
0x16e: {  	v5 =	vshrl.u32 @!p3 v4, $0xD  }
0x16f: {  	v4 =	vand.u32 @!p3 $0x1FFF, v4;
	[tilespmem:$0x110] =	vst @!p3 v5  }
0x170: {  	[tilespmem:$0x190] =	vst @!p3 v4  }
0x171: {  	v4 =	vld @!p3 [tilespmem:s28+$0xE0];
	_ =	sdelay $0x4  }
0x172: {  	v5 =	vshrl.u32 @!p3 v4, $0xD  }
0x173: {  	v4 =	vand.u32 @!p3 $0x1FFF, v4;
	[tilespmem:$0x120] =	vst @!p3 v5  }
0x174: {  	[tilespmem:$0x1A0] =	vst @!p3 v4  }
0x175: {  	v4 =	vld @!p3 [tilespmem:s28+$0xF0];
	_ =	sdelay $0x4  }
0x176: {  	v5 =	vshrl.u32 @!p3 v4, $0xD  }
0x177: {  	v4 =	vand.u32 @!p3 $0x1FFF, v4;
	[tilespmem:$0x130] =	vst @!p3 v5  }
0x178: {  	[tilespmem:$0x1B0] =	vst @!p3 v4  }
0x179: {  	v4 =	vld @!p3 [tilespmem:s28+$0x100];
	_ =	sdelay $0x4  }
0x17a: {  	v5 =	vshrl.u32 @!p3 v4, $0xD  }
0x17b: {  	v4 =	vand.u32 @!p3 $0x1FFF, v4;
	[tilespmem:$0x140] =	vst @!p3 v5  }
0x17c: {  	[tilespmem:$0x1C0] =	vst @!p3 v4  }
0x17d: {  	v4 =	vld @!p3 [tilespmem:s28+$0x110]  }
0x17e: {  	s31 =	simm.s32 @!p2 $0x4;
	s30 =	simm.s32 $0x380;
	s29 =	simm.s32 $0xE440  }
.LBB2_10:
0x17f: {  	_ =	sdelay $0x1  }
0x180: {  	s28 =	sadd.s32 $0x180, s28;
	s0 =	smov.u32 s30;
	s30 =	sadd.s32 $0x180, s30  }
0x181: {  	p1 =	sne.s32 s30, $0x5480;
	v5 =	vshrl.u32 @!p3 v4, $0xD;
	v4 =	vand.u32 @!p3 $0x1FFF, v4  }
0x182: {  	[tilespmem:$0x150] =	vst @!p3 v5  }
0x183: {  	[tilespmem:$0x1D0] =	vst @!p3 v4  }
0x184: {  	v4 =	vld @!p3 [tilespmem:s29+$0x120];
	_ =	sdelay $0x4  }
0x185: {  	v5 =	vshrl.u32 @!p3 v4, $0xD;
	v4 =	vand.u32 @!p3 $0x1FFF, v4  }
0x186: {  	[tilespmem:$0x160] =	vst @!p3 v5  }
0x187: {  	[tilespmem:$0x1E0] =	vst @!p3 v4  }
0x188: {  	v4 =	vld @!p3 [tilespmem:s29+$0x130];
	s29 =	smov.u32 s28;
	_ =	sdelay $0x4  }
0x189: {  	v5 =	vshrl.u32 @!p3 v4, $0xD;
	v4 =	vand.u32 @!p3 $0x1FFF, v4  }
0x18a: {  	s3 =	simm.s32 @!p3 $0x80;
	s21 =	simm.s32 @!p3 $0x100;
	s22 =	simm.s32 @!p3 $0x4300;
	[tilespmem:$0x170] =	vst @!p3 v5  }
0x18b: {  	s13 =	simm.s32 @!p2 $0x3;
	s14 =	simm.s32 @!p2 $0x8300;
	s2 =	sadd.s32 $0xFFFFFE00, s0;
	[tilespmem:$0x1F0] =	vst @!p3 v4  }
0x18c: {  	[tilespmem:s22], [sflag:$0x2] =	stream.indirect.gather @!p3 [hbm4b:s4+s3], $0x80, s21, s3, $0xb8;
	[tilespmem:$0x1E3C0] =	vst v63  }
0x18d: {  	p3 =	sge.s32 s2, s26;
	s2 =	simm.s32 @!p2 $0x280;
	_ =	swait.ge @!p2 [sflag:s13], $0x4000  }
0x18e: {  	s21 =	simm.s32 @!p2 $0x80;
	s3 =	sadd.s32 @!p3 $0xFFFFFF00, s0;
	[sflag:s13] =	ssyncset.done @!p2 $0x0  }
0x18f: {  	p4 =	sge.u32 @!p3 s3, s26;
	[sflag:s13] =	ssyncadd.s32 @!p2 $0xFFFFC000  }
0x190: {  	[spmem:s1] =	stream.indirect.scatter.add.f32 @!p2 [tilespmem:s14], [sflag:$0x4], $0x80, s2, s21, $0xb8;
	[tilespmem:$0x1E3C0] =	vst v63  }
0x191: {  	_ =	swait.ge @!p2 [sflag:s31], $0x4000  }
0x192: {  	[sflag:s31] =	ssyncset.done @!p2 $0x0  }
0x193: {  	p4 =	por p4, p3;
	[sflag:s31] =	ssyncadd.s32 @!p2 $0xFFFFC000  }
0x194: {  	v4 =	vld @!p4 [tilespmem:s28+$0xFFFFFFC0];
	_ =	sdelay $0x4  }
0x195: {  	v5 =	vshrl.u32 @!p4 v4, $0xD;
	v4 =	vand.u32 @!p4 $0x1FFF, v4  }
0x196: {  	[tilespmem:$0x200] =	vst @!p4 v5  }
0x197: {  	[tilespmem:$0x280] =	vst @!p4 v4  }
0x198: {  	v4 =	vld @!p4 [tilespmem:s28+$0xFFFFFFD0];
	_ =	sdelay $0x4  }
0x199: {  	v5 =	vshrl.u32 @!p4 v4, $0xD;
	v4 =	vand.u32 @!p4 $0x1FFF, v4  }
0x19a: {  	[tilespmem:$0x210] =	vst @!p4 v5  }
0x19b: {  	[tilespmem:$0x290] =	vst @!p4 v4  }
0x19c: {  	v4 =	vld @!p4 [tilespmem:s28+$0xFFFFFFE0];
	_ =	sdelay $0x4  }
0x19d: {  	v5 =	vshrl.u32 @!p4 v4, $0xD;
	v4 =	vand.u32 @!p4 $0x1FFF, v4  }
0x19e: {  	[tilespmem:$0x220] =	vst @!p4 v5  }
0x19f: {  	[tilespmem:$0x2A0] =	vst @!p4 v4  }
0x1a0: {  	v4 =	vld @!p4 [tilespmem:s28+$0xFFFFFFF0];
	_ =	sdelay $0x4  }
0x1a1: {  	v5 =	vshrl.u32 @!p4 v4, $0xD;
	v4 =	vand.u32 @!p4 $0x1FFF, v4  }
0x1a2: {  	[tilespmem:$0x230] =	vst @!p4 v5  }
0x1a3: {  	[tilespmem:$0x2B0] =	vst @!p4 v4  }
0x1a4: {  	v4 =	vld @!p4 [tilespmem:s28+$0x0];
	_ =	sdelay $0x4  }
0x1a5: {  	v5 =	vshrl.u32 @!p4 v4, $0xD;
	v4 =	vand.u32 @!p4 $0x1FFF, v4  }
0x1a6: {  	[tilespmem:$0x240] =	vst @!p4 v5  }
0x1a7: {  	[tilespmem:$0x2C0] =	vst @!p4 v4  }
0x1a8: {  	v4 =	vld @!p4 [tilespmem:s28+$0x10];
	_ =	sdelay $0x4  }
0x1a9: {  	v5 =	vshrl.u32 @!p4 v4, $0xD;
	v4 =	vand.u32 @!p4 $0x1FFF, v4  }
0x1aa: {  	[tilespmem:$0x250] =	vst @!p4 v5  }
0x1ab: {  	[tilespmem:$0x2D0] =	vst @!p4 v4  }
0x1ac: {  	v4 =	vld @!p4 [tilespmem:s28+$0x20];
	_ =	sdelay $0x4  }
0x1ad: {  	v5 =	vshrl.u32 @!p4 v4, $0xD;
	v4 =	vand.u32 @!p4 $0x1FFF, v4  }
0x1ae: {  	[tilespmem:$0x260] =	vst @!p4 v5  }
0x1af: {  	[tilespmem:$0x2E0] =	vst @!p4 v4  }
0x1b0: {  	v4 =	vld @!p4 [tilespmem:s28+$0x30];
	_ =	sdelay $0x4  }
0x1b1: {  	v5 =	vshrl.u32 @!p4 v4, $0xD;
	v4 =	vand.u32 @!p4 $0x1FFF, v4  }
0x1b2: {  	s2 =	simm.s32 @!p3 $0x1;
	[tilespmem:$0x270] =	vst @!p4 v5  }
0x1b3: {  	s3 =	simm.s32 @!p4 $0x80;
	s13 =	simm.s32 @!p4 $0x200;
	s14 =	simm.s32 @!p4 $0x8300;
	[tilespmem:$0x2F0] =	vst @!p4 v4  }
0x1b4: {  	[tilespmem:s14], [sflag:$0x3] =	stream.indirect.gather @!p4 [hbm4b:s4+s3], $0x80, s13, s3, $0xb8;
	[tilespmem:$0x1E3C0] =	vst v63  }
0x1b5: {  	s3 =	simm.s32 @!p3 $0x300;
	_ =	swait.ge @!p3 [sflag:s2], $0x4000  }
0x1b6: {  	s13 =	simm.s32 @!p3 $0x5;
	s14 =	sadd.s32 $0xFFFFFE80, s0;
	[sflag:s2] =	ssyncset.done @!p3 $0x0  }
0x1b7: {  	p4 =	sge.s32 s14, s26;
	[sflag:s2] =	ssyncadd.s32 @!p3 $0xFFFFC000;
	s2 =	simm.s32 @!p3 $0x80  }
0x1b8: {  	[spmem:s1] =	stream.indirect.scatter.add.f32 @!p3 [tilespmem:s3], [sflag:$0x5], $0x80, s2, s2, $0xb8;
	[tilespmem:$0x1E3C0] =	vst v63  }
0x1b9: {  	s2 =	sadd.s32 @!p4 $0xFFFFFF80, s0;
	_ =	swait.ge @!p3 [sflag:s13], $0x4000  }
0x1ba: {  	p2 =	sge.u32 @!p4 s2, s26;
	[sflag:s13] =	ssyncset.done @!p3 $0x0  }
0x1bb: {  	p2 =	por p2, p4;
	[sflag:s13] =	ssyncadd.s32 @!p3 $0xFFFFC000  }
0x1bc: {  	v4 =	vld @!p2 [tilespmem:s28+$0x40];
	_ =	sdelay $0x4  }
0x1bd: {  	v5 =	vshrl.u32 @!p2 v4, $0xD;
	v4 =	vand.u32 @!p2 $0x1FFF, v4  }
0x1be: {  	[tilespmem:$0x0] =	vst @!p2 v5  }
0x1bf: {  	[tilespmem:$0x80] =	vst @!p2 v4  }
0x1c0: {  	v4 =	vld @!p2 [tilespmem:s28+$0x50];
	_ =	sdelay $0x4  }
0x1c1: {  	v5 =	vshrl.u32 @!p2 v4, $0xD;
	v4 =	vand.u32 @!p2 $0x1FFF, v4  }
0x1c2: {  	[tilespmem:$0x10] =	vst @!p2 v5  }
0x1c3: {  	[tilespmem:$0x90] =	vst @!p2 v4  }
0x1c4: {  	v4 =	vld @!p2 [tilespmem:s28+$0x60];
	_ =	sdelay $0x4  }
0x1c5: {  	v5 =	vshrl.u32 @!p2 v4, $0xD;
	v4 =	vand.u32 @!p2 $0x1FFF, v4  }
0x1c6: {  	[tilespmem:$0x20] =	vst @!p2 v5  }
0x1c7: {  	[tilespmem:$0xA0] =	vst @!p2 v4  }
0x1c8: {  	v4 =	vld @!p2 [tilespmem:s28+$0x70];
	_ =	sdelay $0x4  }
0x1c9: {  	v5 =	vshrl.u32 @!p2 v4, $0xD;
	v4 =	vand.u32 @!p2 $0x1FFF, v4  }
0x1ca: {  	[tilespmem:$0x30] =	vst @!p2 v5  }
0x1cb: {  	[tilespmem:$0xB0] =	vst @!p2 v4  }
0x1cc: {  	v4 =	vld @!p2 [tilespmem:s28+$0x80];
	_ =	sdelay $0x4  }
0x1cd: {  	v5 =	vshrl.u32 @!p2 v4, $0xD;
	v4 =	vand.u32 @!p2 $0x1FFF, v4  }
0x1ce: {  	[tilespmem:$0x40] =	vst @!p2 v5  }
0x1cf: {  	[tilespmem:$0xC0] =	vst @!p2 v4  }
0x1d0: {  	v4 =	vld @!p2 [tilespmem:s28+$0x90];
	_ =	sdelay $0x4  }
0x1d1: {  	v5 =	vshrl.u32 @!p2 v4, $0xD;
	v4 =	vand.u32 @!p2 $0x1FFF, v4  }
0x1d2: {  	[tilespmem:$0x50] =	vst @!p2 v5  }
0x1d3: {  	[tilespmem:$0xD0] =	vst @!p2 v4  }
0x1d4: {  	v4 =	vld @!p2 [tilespmem:s28+$0xA0];
	_ =	sdelay $0x4  }
0x1d5: {  	v5 =	vshrl.u32 @!p2 v4, $0xD;
	v4 =	vand.u32 @!p2 $0x1FFF, v4  }
0x1d6: {  	[tilespmem:$0x60] =	vst @!p2 v5  }
0x1d7: {  	[tilespmem:$0xE0] =	vst @!p2 v4  }
0x1d8: {  	v4 =	vld @!p2 [tilespmem:s28+$0xB0];
	_ =	sdelay $0x4  }
0x1d9: {  	v5 =	vshrl.u32 @!p2 v4, $0xD;
	v4 =	vand.u32 @!p2 $0x1FFF, v4  }
0x1da: {  	s2 =	simm.s32 @!p4 $0x2;
	[tilespmem:$0x70] =	vst @!p2 v5  }
0x1db: {  	s3 =	simm.s32 @!p2 $0x80;
	s13 =	simm.s32 @!p2 $0x0;
	s14 =	simm.s32 @!p2 $0x300;
	[tilespmem:$0xF0] =	vst @!p2 v4  }
0x1dc: {  	[tilespmem:s14], [sflag:$0x1] =	stream.indirect.gather @!p2 [hbm4b:s4+s3], $0x80, s13, s3, $0xb8;
	[tilespmem:$0x1E3C0] =	vst v63  }
0x1dd: {  	s3 =	sadd.s32 $0xFFFFFF00, s0;
	_ =	swait.ge @!p4 [sflag:s2], $0x4000  }
0x1de: {  	s13 =	simm.s32 @!p4 $0x4300;
	s14 =	simm.s32 @!p4 $0x5;
	[sflag:s2] =	ssyncset.done @!p4 $0x0  }
0x1df: {  	s21 =	simm.s32 @!p4 $0x180;
	[sflag:s2] =	ssyncadd.s32 @!p4 $0xFFFFC000;
	s2 =	simm.s32 @!p4 $0x80  }
0x1e0: {  	[spmem:s1] =	stream.indirect.scatter.add.f32 @!p4 [tilespmem:s13], [sflag:$0x5], $0x80, s21, s2, $0xb8;
	[tilespmem:$0x1E3C0] =	vst v63  }
0x1e1: {  	p2 =	sge.s32 s3, s26;
	_ =	swait.ge @!p4 [sflag:s14], $0x4000  }
0x1e2: {  	p3 =	sge.u32 @!p2 s0, s26;
	[sflag:s14] =	ssyncset.done @!p4 $0x0  }
0x1e3: {  	p3 =	por p3, p2;
	[sflag:s14] =	ssyncadd.s32 @!p4 $0xFFFFC000  }
0x1e4: {  	v4 =	vld @!p3 [tilespmem:s28+$0xC0];
	_ =	sdelay $0x4  }
0x1e5: {  	v5 =	vshrl.u32 @!p3 v4, $0xD;
	v4 =	vand.u32 @!p3 $0x1FFF, v4  }
0x1e6: {  	[tilespmem:$0x100] =	vst @!p3 v5  }
0x1e7: {  	[tilespmem:$0x180] =	vst @!p3 v4  }
0x1e8: {  	v4 =	vld @!p3 [tilespmem:s28+$0xD0];
	_ =	sdelay $0x4  }
0x1e9: {  	v5 =	vshrl.u32 @!p3 v4, $0xD;
	v4 =	vand.u32 @!p3 $0x1FFF, v4  }
0x1ea: {  	[tilespmem:$0x110] =	vst @!p3 v5  }
0x1eb: {  	[tilespmem:$0x190] =	vst @!p3 v4  }
0x1ec: {  	v4 =	vld @!p3 [tilespmem:s28+$0xE0];
	_ =	sdelay $0x4  }
0x1ed: {  	v5 =	vshrl.u32 @!p3 v4, $0xD;
	v4 =	vand.u32 @!p3 $0x1FFF, v4  }
0x1ee: {  	[tilespmem:$0x120] =	vst @!p3 v5  }
0x1ef: {  	[tilespmem:$0x1A0] =	vst @!p3 v4  }
0x1f0: {  	v4 =	vld @!p3 [tilespmem:s28+$0xF0];
	_ =	sdelay $0x4  }
0x1f1: {  	v5 =	vshrl.u32 @!p3 v4, $0xD;
	v4 =	vand.u32 @!p3 $0x1FFF, v4  }
0x1f2: {  	[tilespmem:$0x130] =	vst @!p3 v5  }
0x1f3: {  	[tilespmem:$0x1B0] =	vst @!p3 v4  }
0x1f4: {  	v4 =	vld @!p3 [tilespmem:s28+$0x100];
	_ =	sdelay $0x4  }
.Ltmp4:
0x1f5: {  	v5 =	vshrl.u32 @!p3 v4, $0xD;
	v4 =	vand.u32 @!p3 $0x1FFF, v4;
	(pc) =	sbr.rel @p1 .LBB2_10-.Ltmp4, $4  }
0x1f6: {  	[tilespmem:$0x140] =	vst @!p3 v5  }
0x1f7: {  	[tilespmem:$0x1C0] =	vst @!p3 v4  }
0x1f8: {  	v4 =	vld @!p3 [tilespmem:s28+$0x110]  }
0x1f9: {  	s31 =	simm.s32 @!p2 $0x4  }
0x1fa: {  	_ =	sdelay $0x2  }
0x1fb: {  	v5 =	vshrl.u32 @!p3 v4, $0xD  }
0x1fc: {  	v4 =	vand.u32 @!p3 $0x1FFF, v4;
	[tilespmem:$0x150] =	vst @!p3 v5  }
0x1fd: {  	[tilespmem:$0x1D0] =	vst @!p3 v4  }
0x1fe: {  	v4 =	vld @!p3 [tilespmem:s29+$0x120];
	_ =	sdelay $0x4  }
0x1ff: {  	v5 =	vshrl.u32 @!p3 v4, $0xD  }
0x200: {  	v4 =	vand.u32 @!p3 $0x1FFF, v4;
	[tilespmem:$0x160] =	vst @!p3 v5  }
0x201: {  	[tilespmem:$0x1E0] =	vst @!p3 v4  }
0x202: {  	v4 =	vld @!p3 [tilespmem:s29+$0x130];
	_ =	sdelay $0x4  }
0x203: {  	v5 =	vshrl.u32 @!p3 v4, $0xD  }
0x204: {  	s0 =	simm.s32 @!p3 $0x80;
	v4 =	vand.u32 @!p3 $0x1FFF, v4;
	[tilespmem:$0x170] =	vst @!p3 v5  }
0x205: {  	s2 =	simm.s32 @!p3 $0x100;
	s3 =	simm.s32 @!p3 $0x4300;
	s13 =	simm.s32 @!p2 $0x3;
	[tilespmem:$0x1F0] =	vst @!p3 v4  }
0x206: {  	[tilespmem:s3], [sflag:$0x2] =	stream.indirect.gather @!p3 [hbm4b:s4+s0], $0x80, s2, s0, $0xb8;
	[tilespmem:$0x1E3C0] =	vst v63  }
0x207: {  	_ =	swait.ge @!p2 [sflag:s13], $0x4000  }
0x208: {  	s0 =	simm.s32 @!p2 $0x8300;
	[sflag:s13] =	ssyncset.done @!p2 $0x0  }
0x209: {  	s2 =	simm.s32 @!p2 $0x280;
	s3 =	simm.s32 @!p2 $0x80;
	[sflag:s13] =	ssyncadd.s32 @!p2 $0xFFFFC000  }
0x20a: {  	[spmem:s1] =	stream.indirect.scatter.add.f32 @!p2 [tilespmem:s0], [sflag:$0x4], $0x80, s2, s3, $0xb8;
	[tilespmem:$0x1E3C0] =	vst v63  }
0x20b: {  	_ =	swait.ge @!p2 [sflag:s31], $0x4000  }
0x20c: {  	[sflag:s31] =	ssyncset.done @!p2 $0x0  }
0x20d: {  	s21 =	stileid.u32;
	[sflag:s31] =	ssyncadd.s32 @!p2 $0xFFFFC000  }
0x20e: {  	s0 =	sshll.u32 s21, $0x6;
	[bflag:$0x0] =	sbarrier.arrive $0xFFFF  }
0x20f: {  	s22 =	sshrl.u32 s7, $0x3;
	s26 =	sor.u32 $0x1C04, s0;
	s31 =	rddreg [dreg:$0x3]  }
0x210: {  	[hbm:s31], [sflag:s26] =	dma.local [spmem:s22], $0x1400  }
0x211: {  	_ =	swait.ge [sflag:s18], $0x1400  }
0x212: {  	[sflag:s18] =	ssyncset.done $0x0  }
0x213: {  	[sflag:s18] =	ssyncadd.s32 $0xFFFFEC00  }
0x214: {  	[bflag:$0x0] =	sbarrier.arrive $0xFFFF  }
0x215: {  	[spmem:s7] =	stream.linear.scatter [tilespmem:s17], [sflag:$0x4], $0x2000, $0x38;
	[tilespmem:$0x1E3C0] =	vst v63  }
0x216: {  	_ =	swait.ge [sflag:s18], $0x2000  }
0x217: {  	[sflag:s18] =	ssyncset.done $0x0  }
0x218: {  	[sflag:s18] =	ssyncadd.s32 $0xFFFFE000  }
0x219: {  	[spmem:s8] =	stream.linear.scatter [tilespmem:s17], [sflag:$0x4], $0x2000, $0x38;
	[tilespmem:$0x1E3C0] =	vst v63  }
0x21a: {  	_ =	swait.ge [sflag:s18], $0x2000  }
0x21b: {  	[sflag:s18] =	ssyncset.done $0x0  }
0x21c: {  	[sflag:s18] =	ssyncadd.s32 $0xFFFFE000  }
0x21d: {  	[spmem:s9] =	stream.linear.scatter [tilespmem:s17], [sflag:$0x4], $0x2000, $0x38;
	[tilespmem:$0x1E3C0] =	vst v63  }
0x21e: {  	_ =	swait.ge [sflag:s18], $0x2000  }
0x21f: {  	[sflag:s18] =	ssyncset.done $0x0  }
0x220: {  	[sflag:s18] =	ssyncadd.s32 $0xFFFFE000  }
0x221: {  	[spmem:s10] =	stream.linear.scatter [tilespmem:s17], [sflag:$0x4], $0x2000, $0x38;
	[tilespmem:$0x1E3C0] =	vst v63  }
0x222: {  	_ =	swait.ge [sflag:s18], $0x2000  }
0x223: {  	[sflag:s18] =	ssyncset.done $0x0  }
0x224: {  	[sflag:s18] =	ssyncadd.s32 $0xFFFFE000  }
0x225: {  	[spmem:s11] =	stream.linear.scatter [tilespmem:s17], [sflag:$0x4], $0x2000, $0x38;
	[tilespmem:$0x1E3C0] =	vst v63  }
0x226: {  	_ =	swait.ge [sflag:s18], $0x2000  }
0x227: {  	[sflag:s18] =	ssyncset.done $0x0  }
0x228: {  	s28 =	simm.s32 $0x0;
	[sflag:s18] =	ssyncadd.s32 $0xFFFFE000  }
0x229: {  	s30 =	simm.s32 $0x0;
	s29 =	simm.s32 $0x0;
	[bflag:$0x0] =	sbarrier.arrive $0xFFFF  }
.LBB2_12:
0x22a: {  	s0 =	sshll.u32 s30, $0xB  }
0x22b: {  	s0 =	sadd.s32 s12, s0  }
0x22c: {  	s0 =	sshrl.u32 s0, $0x3  }
0x22d: {  	s2 =	sadd.s32 s5, s0  }
0x22e: {  	[tilespmem:s19], [sflag:$0x4] =	stream.linear.gather [hbm4b:s2+s29], $0x800, $0x38;
	[tilespmem:$0x1E3C0] =	vst v63  }
0x22f: {  	_ =	swait.ge [sflag:s18], $0x800  }
0x230: {  	[sflag:s18] =	ssyncset.done $0x0  }
0x231: {  	s0 =	sadd.s32 s6, s0;
	[sflag:s18] =	ssyncadd.s32 $0xFFFFF800  }
0x232: {  	[tilespmem:s20], [sflag:$0x4] =	stream.linear.gather [hbm4b:s0+s29], $0x800, $0x38;
	[tilespmem:$0x1E3C0] =	vst v63  }
0x233: {  	_ =	swait.ge [sflag:s18], $0x800  }
0x234: {  	[sflag:s18] =	ssyncset.done $0x0  }
0x235: {  	s22 =	simm.s32 $0x0;
	[sflag:s18] =	ssyncadd.s32 $0xFFFFF800  }
0x236: {  	v4 =	vld [tilespmem:s22+$0x13B80]  }
0x237: {  	v5 =	vld [tilespmem:s22+$0x13380];
	_ =	sdelay $0x3  }
0x238: {  	v4 =	vadd.s32 $0xFFFFEC00, v4  }
0x239: {  	v5 =	vadd.s32 v0, v5;
	vm0 =	vlt.u32 v4, $0x1400  }
0x23a: {  	v4 =	vmin.u32 v4, $0x1400;
	v5 =	vshll.u32 v5, $0xD;
	v6 =	vsel vm0, $0x1, v3  }
0x23b: {  	v4 =	vor.u32 v5, v4;
	v5 =	vor.u32 $0x80000000, v6  }
0x23c: {  	(xrf1) =	vsort.dscd.msk.u32 $0xffff, v5, v4;
	_ =	sdelay $0xd  }
0x23d: {  	_, v4, _ =	vpop (xrf1)  }
0x23e: {  	[tilespmem:s28+$0xE300] =	vst v4  }
0x23f: {  	v4 =	vld [tilespmem:s22+$0x13B90]  }
0x240: {  	v5 =	vld [tilespmem:s22+$0x13390];
	_ =	sdelay $0x2  }
0x241: {  	v50 =	vmpcnt.ones.xlane vm0  }
0x242: {  	v4 =	vadd.s32 $0xFFFFEC00, v4  }
0x243: {  	(v2sf) =	vpush v50, $0x0;
	v5 =	vadd.s32 v0, v5;
	vm9 =	vlt.u32 v4, $0x1400  }
0x244: {  	v4 =	vmin.u32 v4, $0x1400;
	v5 =	vshll.u32 v5, $0xD;
	v51 =	vsel vm9, $0x1, v3  }
0x245: {  	v4 =	vor.u32 v5, v4;
	v5 =	vor.u32 $0x80000000, v51  }
0x246: {  	(xrf1) =	vsort.dscd.msk.u32 $0xffff, v5, v4;
	_ =	sdelay $0xc  }
0x247: {  	s3 =	spop (v2sf)  }
0x248: {  	s2 =	sadd.s32 s28, s3;
	_, v4, _ =	vpop (xrf1)  }
0x249: {  	[tilespmem:s2+$0xE300] =	vst v4  }
0x24a: {  	v4 =	vld [tilespmem:s22+$0x13BA0]  }
0x24b: {  	v5 =	vld [tilespmem:s22+$0x133A0];
	_ =	sdelay $0x2  }
0x24c: {  	v52 =	vmpcnt.ones.xlane vm9  }
0x24d: {  	v4 =	vadd.s32 $0xFFFFEC00, v4  }
0x24e: {  	(v2sf) =	vpush v52, $0x0;
	v5 =	vadd.s32 v0, v5;
	vm10 =	vlt.u32 v4, $0x1400  }
0x24f: {  	v4 =	vmin.u32 v4, $0x1400;
	v5 =	vshll.u32 v5, $0xD;
	v53 =	vsel vm10, $0x1, v3  }
0x250: {  	v4 =	vor.u32 v5, v4;
	v5 =	vor.u32 $0x80000000, v53  }
0x251: {  	(xrf1) =	vsort.dscd.msk.u32 $0xffff, v5, v4;
	_ =	sdelay $0xc  }
0x252: {  	s3 =	spop (v2sf)  }
0x253: {  	s2 =	sadd.s32 s2, s3;
	_, v4, _ =	vpop (xrf1)  }
0x254: {  	[tilespmem:s2+$0xE300] =	vst v4  }
0x255: {  	v4 =	vld [tilespmem:s22+$0x13BB0]  }
0x256: {  	v5 =	vld [tilespmem:s22+$0x133B0];
	_ =	sdelay $0x2  }
0x257: {  	v54 =	vmpcnt.ones.xlane vm10  }
0x258: {  	v4 =	vadd.s32 $0xFFFFEC00, v4  }
0x259: {  	(v2sf) =	vpush v54, $0x0;
	v5 =	vadd.s32 v0, v5;
	vm11 =	vlt.u32 v4, $0x1400  }
0x25a: {  	v4 =	vmin.u32 v4, $0x1400;
	v5 =	vshll.u32 v5, $0xD;
	v55 =	vsel vm11, $0x1, v3  }
0x25b: {  	v4 =	vor.u32 v5, v4;
	v5 =	vor.u32 $0x80000000, v55  }
0x25c: {  	(xrf1) =	vsort.dscd.msk.u32 $0xffff, v5, v4;
	_ =	sdelay $0xc  }
0x25d: {  	s13 =	spop (v2sf)  }
0x25e: {  	s2 =	sadd.s32 s2, s13;
	_, v4, _ =	vpop (xrf1)  }
0x25f: {  	[tilespmem:s2+$0xE300] =	vst v4  }
0x260: {  	v4 =	vld [tilespmem:s22+$0x13BC0]  }
0x261: {  	v5 =	vld [tilespmem:s22+$0x133C0];
	_ =	sdelay $0x2  }
0x262: {  	v56 =	vmpcnt.ones.xlane vm11  }
0x263: {  	v4 =	vadd.s32 $0xFFFFEC00, v4  }
0x264: {  	(v2sf) =	vpush v56, $0x0;
	v5 =	vadd.s32 v0, v5;
	vm12 =	vlt.u32 v4, $0x1400  }
0x265: {  	v4 =	vmin.u32 v4, $0x1400;
	v5 =	vshll.u32 v5, $0xD;
	v57 =	vsel vm12, $0x1, v3  }
0x266: {  	v4 =	vor.u32 v5, v4;
	v5 =	vor.u32 $0x80000000, v57  }
0x267: {  	(xrf1) =	vsort.dscd.msk.u32 $0xffff, v5, v4;
	_ =	sdelay $0xc  }
0x268: {  	s14 =	spop (v2sf)  }
0x269: {  	s2 =	sadd.s32 s2, s14;
	_, v4, _ =	vpop (xrf1)  }
0x26a: {  	[tilespmem:s2+$0xE300] =	vst v4  }
0x26b: {  	v4 =	vld [tilespmem:s22+$0x13BD0]  }
0x26c: {  	v5 =	vld [tilespmem:s22+$0x133D0];
	_ =	sdelay $0x2  }
0x26d: {  	v58 =	vmpcnt.ones.xlane vm12  }
0x26e: {  	v4 =	vadd.s32 $0xFFFFEC00, v4  }
0x26f: {  	(v2sf) =	vpush v58, $0x0;
	v5 =	vadd.s32 v0, v5;
	vm13 =	vlt.u32 v4, $0x1400  }
0x270: {  	v4 =	vmin.u32 v4, $0x1400;
	v5 =	vshll.u32 v5, $0xD;
	v59 =	vsel vm13, $0x1, v3  }
0x271: {  	v4 =	vor.u32 v5, v4;
	v5 =	vor.u32 $0x80000000, v59  }
0x272: {  	(xrf1) =	vsort.dscd.msk.u32 $0xffff, v5, v4;
	_ =	sdelay $0xc  }
0x273: {  	s15 =	spop (v2sf)  }
0x274: {  	s2 =	sadd.s32 s2, s15;
	_, v4, _ =	vpop (xrf1)  }
0x275: {  	[tilespmem:s2+$0xE300] =	vst v4  }
0x276: {  	v4 =	vld [tilespmem:s22+$0x13BE0]  }
0x277: {  	v5 =	vld [tilespmem:s22+$0x133E0];
	_ =	sdelay $0x2  }
0x278: {  	v60 =	vmpcnt.ones.xlane vm13  }
0x279: {  	v4 =	vadd.s32 $0xFFFFEC00, v4  }
0x27a: {  	(v2sf) =	vpush v60, $0x0;
	v5 =	vadd.s32 v0, v5;
	vm14 =	vlt.u32 v4, $0x1400  }
0x27b: {  	v4 =	vmin.u32 v4, $0x1400;
	v5 =	vshll.u32 v5, $0xD;
	v61 =	vsel vm14, $0x1, v3  }
0x27c: {  	v4 =	vor.u32 v5, v4;
	v5 =	vor.u32 $0x80000000, v61  }
0x27d: {  	(xrf1) =	vsort.dscd.msk.u32 $0xffff, v5, v4;
	_ =	sdelay $0xc  }
0x27e: {  	s21 =	spop (v2sf)  }
0x27f: {  	s2 =	sadd.s32 s2, s21;
	_, v4, _ =	vpop (xrf1)  }
0x280: {  	[tilespmem:s2+$0xE300] =	vst v4  }
0x281: {  	v4 =	vld [tilespmem:s22+$0x13BF0]  }
0x282: {  	v5 =	vld [tilespmem:s22+$0x133F0];
	_ =	sdelay $0x1  }
0x283: {  	v62 =	vmpcnt.ones.xlane vm14;
	_ =	sdelay $0x1  }
0x284: {  	(v2sf) =	vpush v62, $0x0;
	v4 =	vadd.s32 $0xFFFFEC00, v4  }
0x285: {  	v5 =	vadd.s32 v0, v5;
	vm15 =	vlt.u32 v4, $0x1400;
	v4 =	vmin.u32 v4, $0x1400  }
0x286: {  	v5 =	vshll.u32 v5, $0xD;
	v63 =	vsel vm15, $0x1, v3;
	v7 =	vmpcnt.ones.xlane vm15  }
0x287: {  	v4 =	vor.u32 v5, v4;
	v5 =	vor.u32 $0x80000000, v63  }
0x288: {  	(xrf1) =	vsort.dscd.msk.u32 $0xffff, v5, v4;
	(v2sf) =	vpush v7, $0x0;
	_ =	sdelay $0xc  }
0x289: {  	s22 =	spop (v2sf)  }
0x28a: {  	s3 =	sadd.s32 s2, s22;
	_, v4, _ =	vpop (xrf1)  }
0x28b: {  	s31 =	simm.s32 $0x400;
	s28 =	simm.s32 $0x80;
	[tilespmem:s3+$0xE300] =	vst v4;
	s0 =	spop (v2sf)  }
.LBB2_13:
0x28c: {  	p1 =	sne.s32 s31, $0x1E00  }
0x28d: {  	v4 =	vld [tilespmem:s28+$0x13B80];
	s3 =	sadd.s32 s3, s0;
	s0 =	smov.u32 s31;
	s31 =	sadd.s32 $0x200, s31  }
0x28e: {  	v5 =	vld [tilespmem:s28+$0x13380];
	_ =	sdelay $0x3  }
0x28f: {  	v4 =	vadd.s32 $0xFFFFEC00, v4  }
0x290: {  	v5 =	vadd.s32 v0, v5;
	vm0 =	vlt.u32 v4, $0x1400;
	v4 =	vmin.u32 v4, $0x1400  }
0x291: {  	v5 =	vshll.u32 v5, $0xD;
	v6 =	vsel vm0, $0x1, v3;
	v7 =	vmpcnt.ones.xlane vm0  }
0x292: {  	v4 =	vor.u32 v5, v4;
	v5 =	vor.u32 $0x80000000, v6  }
0x293: {  	(xrf1) =	vsort.dscd.msk.u32 $0xffff, v5, v4;
	(v2sf) =	vpush v7, $0x0;
	_ =	sdelay $0xd  }
0x294: {  	_, v4, _ =	vpop (xrf1)  }
0x295: {  	[tilespmem:s3+$0xE300] =	vst v4;
	s2 =	spop (v2sf)  }
0x296: {  	v4 =	vld [tilespmem:s28+$0x13B90]  }
0x297: {  	v5 =	vld [tilespmem:s28+$0x13390];
	_ =	sdelay $0x3  }
0x298: {  	v4 =	vadd.s32 $0xFFFFEC00, v4  }
0x299: {  	v5 =	vadd.s32 v0, v5;
	vm0 =	vlt.u32 v4, $0x1400  }
0x29a: {  	v4 =	vmin.u32 v4, $0x1400;
	v5 =	vshll.u32 v5, $0xD;
	v6 =	vsel vm0, $0x1, v3  }
0x29b: {  	v4 =	vor.u32 v5, v4;
	v5 =	vor.u32 $0x80000000, v6;
	v6 =	vmpcnt.ones.xlane vm0  }
0x29c: {  	(xrf1) =	vsort.dscd.msk.u32 $0xffff, v5, v4  }
0x29d: {  	(v2sf) =	vpush v6, $0x0;
	_ =	sdelay $0xc  }
0x29e: {  	s2 =	sadd.s32 s3, s2;
	_, v4, _ =	vpop (xrf1)  }
0x29f: {  	[tilespmem:s2+$0xE300] =	vst v4  }
0x2a0: {  	v4 =	vld [tilespmem:s28+$0x13BA0];
	s3 =	spop (v2sf)  }
0x2a1: {  	s2 =	sadd.s32 s2, s3;
	v5 =	vld [tilespmem:s28+$0x133A0];
	_ =	sdelay $0x3  }
0x2a2: {  	v4 =	vadd.s32 $0xFFFFEC00, v4  }
0x2a3: {  	v5 =	vadd.s32 v0, v5;
	vm0 =	vlt.u32 v4, $0x1400;
	v4 =	vmin.u32 v4, $0x1400  }
0x2a4: {  	v5 =	vshll.u32 v5, $0xD;
	v6 =	vsel vm0, $0x1, v3;
	v7 =	vmpcnt.ones.xlane vm0  }
0x2a5: {  	v4 =	vor.u32 v5, v4;
	v5 =	vor.u32 $0x80000000, v6  }
0x2a6: {  	(xrf1) =	vsort.dscd.msk.u32 $0xffff, v5, v4;
	(v2sf) =	vpush v7, $0x0;
	_ =	sdelay $0xd  }
0x2a7: {  	_, v4, _ =	vpop (xrf1)  }
0x2a8: {  	[tilespmem:s2+$0xE300] =	vst v4;
	s3 =	spop (v2sf)  }
0x2a9: {  	s2 =	sadd.s32 s2, s3;
	v4 =	vld [tilespmem:s28+$0x13BB0]  }
0x2aa: {  	v5 =	vld [tilespmem:s28+$0x133B0];
	_ =	sdelay $0x3  }
0x2ab: {  	v4 =	vadd.s32 $0xFFFFEC00, v4  }
0x2ac: {  	v5 =	vadd.s32 v0, v5;
	vm0 =	vlt.u32 v4, $0x1400;
	v4 =	vmin.u32 v4, $0x1400  }
0x2ad: {  	v5 =	vshll.u32 v5, $0xD;
	v6 =	vsel vm0, $0x1, v3;
	v7 =	vmpcnt.ones.xlane vm0  }
0x2ae: {  	v4 =	vor.u32 v5, v4;
	v5 =	vor.u32 $0x80000000, v6  }
0x2af: {  	(xrf1) =	vsort.dscd.msk.u32 $0xffff, v5, v4;
	(v2sf) =	vpush v7, $0x0;
	_ =	sdelay $0xd  }
0x2b0: {  	_, v4, _ =	vpop (xrf1)  }
0x2b1: {  	[tilespmem:s2+$0xE300] =	vst v4;
	s3 =	spop (v2sf)  }
0x2b2: {  	s2 =	sadd.s32 s2, s3;
	v4 =	vld [tilespmem:s28+$0x13BC0]  }
0x2b3: {  	v5 =	vld [tilespmem:s28+$0x133C0];
	_ =	sdelay $0x3  }
0x2b4: {  	v4 =	vadd.s32 $0xFFFFEC00, v4  }
0x2b5: {  	v5 =	vadd.s32 v0, v5;
	vm0 =	vlt.u32 v4, $0x1400  }
0x2b6: {  	v4 =	vmin.u32 v4, $0x1400;
	v5 =	vshll.u32 v5, $0xD;
	v6 =	vsel vm0, $0x1, v3  }
0x2b7: {  	v4 =	vor.u32 v5, v4;
	v5 =	vor.u32 $0x80000000, v6;
	v6 =	vmpcnt.ones.xlane vm0  }
0x2b8: {  	(xrf1) =	vsort.dscd.msk.u32 $0xffff, v5, v4  }
0x2b9: {  	(v2sf) =	vpush v6, $0x0;
	_ =	sdelay $0xc  }
0x2ba: {  	_, v4, _ =	vpop (xrf1)  }
0x2bb: {  	[tilespmem:s2+$0xE300] =	vst v4  }
0x2bc: {  	v4 =	vld [tilespmem:s28+$0x13BD0];
	s3 =	spop (v2sf)  }
0x2bd: {  	s2 =	sadd.s32 s2, s3;
	v5 =	vld [tilespmem:s28+$0x133D0];
	_ =	sdelay $0x3  }
0x2be: {  	v4 =	vadd.s32 $0xFFFFEC00, v4  }
0x2bf: {  	v5 =	vadd.s32 v0, v5;
	vm0 =	vlt.u32 v4, $0x1400;
	v4 =	vmin.u32 v4, $0x1400  }
0x2c0: {  	v5 =	vshll.u32 v5, $0xD;
	v6 =	vsel vm0, $0x1, v3;
	v7 =	vmpcnt.ones.xlane vm0  }
0x2c1: {  	v4 =	vor.u32 v5, v4;
	v5 =	vor.u32 $0x80000000, v6  }
0x2c2: {  	(xrf1) =	vsort.dscd.msk.u32 $0xffff, v5, v4;
	(v2sf) =	vpush v7, $0x0;
	_ =	sdelay $0xd  }
0x2c3: {  	_, v4, _ =	vpop (xrf1)  }
0x2c4: {  	[tilespmem:s2+$0xE300] =	vst v4;
	s3 =	spop (v2sf)  }
0x2c5: {  	s3 =	sadd.s32 s2, s3;
	v4 =	vld [tilespmem:s28+$0x13BE0]  }
0x2c6: {  	v5 =	vld [tilespmem:s28+$0x133E0];
	_ =	sdelay $0x3  }
0x2c7: {  	v4 =	vadd.s32 $0xFFFFEC00, v4  }
0x2c8: {  	v5 =	vadd.s32 v0, v5;
	vm0 =	vlt.u32 v4, $0x1400;
	v4 =	vmin.u32 v4, $0x1400  }
0x2c9: {  	v5 =	vshll.u32 v5, $0xD;
	v6 =	vsel vm0, $0x1, v3;
	v7 =	vmpcnt.ones.xlane vm0  }
0x2ca: {  	v4 =	vor.u32 v5, v4;
	v5 =	vor.u32 $0x80000000, v6  }
0x2cb: {  	(xrf1) =	vsort.dscd.msk.u32 $0xffff, v5, v4;
	(v2sf) =	vpush v7, $0x0;
	_ =	sdelay $0xd  }
0x2cc: {  	_, v4, _ =	vpop (xrf1)  }
0x2cd: {  	[tilespmem:s3+$0xE300] =	vst v4;
	s2 =	spop (v2sf)  }
0x2ce: {  	v4 =	vld [tilespmem:s28+$0x13BF0]  }
0x2cf: {  	v5 =	vld [tilespmem:s28+$0x133F0];
	_ =	sdelay $0x3  }
0x2d0: {  	v4 =	vadd.s32 $0xFFFFEC00, v4  }
0x2d1: {  	v5 =	vadd.s32 v0, v5;
	vm0 =	vlt.u32 v4, $0x1400;
	v4 =	vmin.u32 v4, $0x1400  }
0x2d2: {  	v5 =	vshll.u32 v5, $0xD;
	v6 =	vsel vm0, $0x1, v3;
	v7 =	vmpcnt.ones.xlane vm0  }
0x2d3: {  	v4 =	vor.u32 v5, v4;
	v5 =	vor.u32 $0x80000000, v6  }
0x2d4: {  	(xrf1) =	vsort.dscd.msk.u32 $0xffff, v5, v4;
	(v2sf) =	vpush v7, $0x0;
	_ =	sdelay $0xa  }
.Ltmp5:
0x2d5: {  	(pc) =	sbr.rel @p1 .LBB2_13-.Ltmp5, $3  }
0x2d6: {  	_ =	sdelay $0x1  }
0x2d7: {  	s3 =	sadd.s32 s3, s2;
	_, v4, _ =	vpop (xrf1)  }
0x2d8: {  	s28 =	sshra.s32 s0, $0x2;
	[tilespmem:s3+$0xE300] =	vst v4;
	s0 =	spop (v2sf)  }
0x2d9: {  	v4 =	vld [tilespmem:s28+$0x13B80]  }
0x2da: {  	v5 =	vld [tilespmem:s28+$0x13380];
	_ =	sdelay $0x3  }
0x2db: {  	v4 =	vadd.s32 $0xFFFFEC00, v4  }
0x2dc: {  	v5 =	vadd.s32 v0, v5;
	vm0 =	vlt.u32 v4, $0x1400  }
0x2dd: {  	v4 =	vmin.u32 v4, $0x1400;
	v5 =	vshll.u32 v5, $0xD;
	v6 =	vsel vm0, $0x1, v3  }
0x2de: {  	v4 =	vor.u32 v5, v4;
	v5 =	vor.u32 $0x80000000, v6  }
0x2df: {  	(xrf1) =	vsort.dscd.msk.u32 $0xffff, v5, v4;
	_ =	sdelay $0xd  }
0x2e0: {  	s0 =	sadd.s32 s3, s0;
	_, v4, _ =	vpop (xrf1)  }
0x2e1: {  	[tilespmem:s0+$0xE300] =	vst v4  }
0x2e2: {  	v4 =	vld [tilespmem:s28+$0x13B90]  }
0x2e3: {  	v5 =	vld [tilespmem:s28+$0x13390];
	_ =	sdelay $0x2  }
0x2e4: {  	v50 =	vmpcnt.ones.xlane vm0  }
0x2e5: {  	v4 =	vadd.s32 $0xFFFFEC00, v4  }
0x2e6: {  	(v2sf) =	vpush v50, $0x0;
	v5 =	vadd.s32 v0, v5;
	vm9 =	vlt.u32 v4, $0x1400  }
0x2e7: {  	v4 =	vmin.u32 v4, $0x1400;
	v5 =	vshll.u32 v5, $0xD;
	v51 =	vsel vm9, $0x1, v3  }
0x2e8: {  	v4 =	vor.u32 v5, v4;
	v5 =	vor.u32 $0x80000000, v51  }
0x2e9: {  	(xrf1) =	vsort.dscd.msk.u32 $0xffff, v5, v4;
	_ =	sdelay $0xc  }
0x2ea: {  	s2 =	spop (v2sf)  }
0x2eb: {  	s0 =	sadd.s32 s0, s2;
	_, v4, _ =	vpop (xrf1)  }
0x2ec: {  	[tilespmem:s0+$0xE300] =	vst v4  }
0x2ed: {  	v4 =	vld [tilespmem:s28+$0x13BA0]  }
0x2ee: {  	v5 =	vld [tilespmem:s28+$0x133A0];
	_ =	sdelay $0x2  }
0x2ef: {  	v52 =	vmpcnt.ones.xlane vm9  }
0x2f0: {  	v4 =	vadd.s32 $0xFFFFEC00, v4  }
0x2f1: {  	(v2sf) =	vpush v52, $0x0;
	v5 =	vadd.s32 v0, v5;
	vm10 =	vlt.u32 v4, $0x1400  }
0x2f2: {  	v4 =	vmin.u32 v4, $0x1400;
	v5 =	vshll.u32 v5, $0xD;
	v53 =	vsel vm10, $0x1, v3  }
0x2f3: {  	v4 =	vor.u32 v5, v4;
	v5 =	vor.u32 $0x80000000, v53  }
0x2f4: {  	(xrf1) =	vsort.dscd.msk.u32 $0xffff, v5, v4;
	_ =	sdelay $0xc  }
0x2f5: {  	s3 =	spop (v2sf)  }
0x2f6: {  	s0 =	sadd.s32 s0, s3;
	_, v4, _ =	vpop (xrf1)  }
0x2f7: {  	[tilespmem:s0+$0xE300] =	vst v4  }
0x2f8: {  	v4 =	vld [tilespmem:s28+$0x13BB0]  }
0x2f9: {  	v5 =	vld [tilespmem:s28+$0x133B0];
	_ =	sdelay $0x2  }
0x2fa: {  	v54 =	vmpcnt.ones.xlane vm10  }
0x2fb: {  	v4 =	vadd.s32 $0xFFFFEC00, v4  }
0x2fc: {  	(v2sf) =	vpush v54, $0x0;
	v5 =	vadd.s32 v0, v5;
	vm11 =	vlt.u32 v4, $0x1400  }
0x2fd: {  	v4 =	vmin.u32 v4, $0x1400;
	v5 =	vshll.u32 v5, $0xD;
	v55 =	vsel vm11, $0x1, v3  }
0x2fe: {  	v4 =	vor.u32 v5, v4;
	v5 =	vor.u32 $0x80000000, v55  }
0x2ff: {  	(xrf1) =	vsort.dscd.msk.u32 $0xffff, v5, v4;
	_ =	sdelay $0xc  }
0x300: {  	s13 =	spop (v2sf)  }
0x301: {  	s0 =	sadd.s32 s0, s13;
	_, v4, _ =	vpop (xrf1)  }
0x302: {  	[tilespmem:s0+$0xE300] =	vst v4  }
0x303: {  	v4 =	vld [tilespmem:s28+$0x13BC0]  }
0x304: {  	v5 =	vld [tilespmem:s28+$0x133C0];
	_ =	sdelay $0x2  }
0x305: {  	v56 =	vmpcnt.ones.xlane vm11  }
0x306: {  	v4 =	vadd.s32 $0xFFFFEC00, v4  }
0x307: {  	(v2sf) =	vpush v56, $0x0;
	v5 =	vadd.s32 v0, v5;
	vm12 =	vlt.u32 v4, $0x1400  }
0x308: {  	v4 =	vmin.u32 v4, $0x1400;
	v5 =	vshll.u32 v5, $0xD;
	v57 =	vsel vm12, $0x1, v3  }
0x309: {  	v4 =	vor.u32 v5, v4;
	v5 =	vor.u32 $0x80000000, v57  }
0x30a: {  	(xrf1) =	vsort.dscd.msk.u32 $0xffff, v5, v4;
	_ =	sdelay $0xc  }
0x30b: {  	s14 =	spop (v2sf)  }
0x30c: {  	s0 =	sadd.s32 s0, s14;
	_, v4, _ =	vpop (xrf1)  }
0x30d: {  	[tilespmem:s0+$0xE300] =	vst v4  }
0x30e: {  	v4 =	vld [tilespmem:s28+$0x13BD0]  }
0x30f: {  	v5 =	vld [tilespmem:s28+$0x133D0];
	_ =	sdelay $0x2  }
0x310: {  	v58 =	vmpcnt.ones.xlane vm12  }
0x311: {  	v4 =	vadd.s32 $0xFFFFEC00, v4  }
0x312: {  	(v2sf) =	vpush v58, $0x0;
	v5 =	vadd.s32 v0, v5;
	vm13 =	vlt.u32 v4, $0x1400  }
0x313: {  	v4 =	vmin.u32 v4, $0x1400;
	v5 =	vshll.u32 v5, $0xD;
	v59 =	vsel vm13, $0x1, v3  }
0x314: {  	v4 =	vor.u32 v5, v4;
	v5 =	vor.u32 $0x80000000, v59  }
0x315: {  	(xrf1) =	vsort.dscd.msk.u32 $0xffff, v5, v4;
	_ =	sdelay $0xc  }
0x316: {  	s15 =	spop (v2sf)  }
0x317: {  	s0 =	sadd.s32 s0, s15;
	_, v4, _ =	vpop (xrf1)  }
0x318: {  	[tilespmem:s0+$0xE300] =	vst v4  }
0x319: {  	v4 =	vld [tilespmem:s28+$0x13BE0]  }
0x31a: {  	v5 =	vld [tilespmem:s28+$0x133E0];
	_ =	sdelay $0x2  }
0x31b: {  	v60 =	vmpcnt.ones.xlane vm13  }
0x31c: {  	v4 =	vadd.s32 $0xFFFFEC00, v4  }
0x31d: {  	(v2sf) =	vpush v60, $0x0;
	v5 =	vadd.s32 v0, v5;
	vm14 =	vlt.u32 v4, $0x1400  }
0x31e: {  	v4 =	vmin.u32 v4, $0x1400;
	v5 =	vshll.u32 v5, $0xD;
	v61 =	vsel vm14, $0x1, v3  }
0x31f: {  	v4 =	vor.u32 v5, v4;
	v5 =	vor.u32 $0x80000000, v61  }
0x320: {  	(xrf1) =	vsort.dscd.msk.u32 $0xffff, v5, v4;
	_ =	sdelay $0xc  }
0x321: {  	s21 =	spop (v2sf)  }
0x322: {  	s0 =	sadd.s32 s0, s21;
	_, v4, _ =	vpop (xrf1)  }
0x323: {  	[tilespmem:s0+$0xE300] =	vst v4  }
0x324: {  	v4 =	vld [tilespmem:s28+$0x13BF0];
	_ =	sdelay $0x1  }
0x325: {  	v5 =	vld [tilespmem:s28+$0x133F0];
	_ =	sdelay $0x2  }
0x326: {  	v62 =	vmpcnt.ones.xlane vm14;
	v4 =	vadd.s32 $0xFFFFEC00, v4  }
0x327: {  	vm15 =	vlt.u32 v4, $0x1400  }
0x328: {  	(v2sf) =	vpush v62, $0x0;
	v5 =	vadd.s32 v0, v5;
	v63 =	vmpcnt.ones.xlane vm15  }
0x329: {  	v4 =	vmin.u32 v4, $0x1400;
	v5 =	vshll.u32 v5, $0xD;
	v7 =	vsel vm15, $0x1, v3  }
0x32a: {  	v4 =	vor.u32 v5, v4;
	v5 =	vor.u32 $0x80000000, v7;
	(v2sf) =	vpush v63, $0x0  }
0x32b: {  	(xrf1) =	vsort.dscd.msk.u32 $0xffff, v5, v4;
	_ =	sdelay $0x8  }
0x32c: {  	s30 =	sadd.s32 $0x1, s30  }
0x32d: {  	p1 =	sne.s32 s30, $0xA  }
.Ltmp6:
0x32e: {  	_ = 	snop;
	(pc) =	sbr.rel @p1 .LBB2_12-.Ltmp6, $4  }
0x32f: {  	_ = 	snop  }
0x330: {  	s22 =	spop (v2sf)  }
0x331: {  	s0 =	sadd.s32 s0, s22;
	_, v4, _ =	vpop (xrf1);
	s31 =	spop (v2sf)  }
0x332: {  	[tilespmem:s0+$0xE300] =	vst v4;
	s28 =	sadd.s32 s0, s31  }
0x333: {  	[tilespmem:s28+$0xE300] =	vst v1  }
0x334: {  	[tilespmem:s28+$0xE310] =	vst v1  }
0x335: {  	[tilespmem:s28+$0xE320] =	vst v1;
	p1 =	slt.s32 s28, $0x1  }
.Ltmp7:
0x336: {  	[tilespmem:s28+$0xE330] =	vst v1;
	(pc) =	sbr.rel @p1 .LBB2_17-.Ltmp7, $4  }
0x337: {  	[tilespmem:s28+$0xE340] =	vst v1  }
0x338: {  	[tilespmem:s28+$0xE350] =	vst v1  }
0x339: {  	[tilespmem:s28+$0xE360] =	vst v1  }
0x33a: {  	[tilespmem:s28+$0xE370] =	vst v1  }
0x33b: {  	v4 =	vld [tilespmem:$0xE300];
	_ =	sdelay $0x1  }
0x33c: {  	v5 =	vld [tilespmem:$0xE310];
	_ =	sdelay $0x1  }
0x33d: {  	v6 =	vld [tilespmem:$0xE320]  }
0x33e: {  	v7 =	vshrl.u32 v4, $0xD  }
0x33f: {  	v61 =	vld [tilespmem:$0xE330];
	v4 =	vand.u32 $0x1FFF, v4;
	[tilespmem:$0x0] =	vst v7  }
0x340: {  	[tilespmem:$0x80] =	vst v4;
	v4 =	vshrl.u32 v5, $0xD  }
0x341: {  	[tilespmem:$0x10] =	vst v4;
	v4 =	vand.u32 $0x1FFF, v5;
	v5 =	vld [tilespmem:$0xE340]  }
0x342: {  	[tilespmem:$0x90] =	vst v4;
	v4 =	vshrl.u32 v6, $0xD  }
0x343: {  	v62 =	vld [tilespmem:$0xE350];
	[tilespmem:$0x20] =	vst v4;
	v4 =	vand.u32 $0x1FFF, v6  }
0x344: {  	[tilespmem:$0xA0] =	vst v4;
	v4 =	vshrl.u32 v61, $0xD  }
0x345: {  	v63 =	vld [tilespmem:$0xE360];
	[tilespmem:$0x30] =	vst v4;
	v4 =	vand.u32 $0x1FFF, v61  }
0x346: {  	[tilespmem:$0xB0] =	vst v4;
	v4 =	vshrl.u32 v5, $0xD  }
0x347: {  	[tilespmem:$0x40] =	vst v4;
	v4 =	vand.u32 $0x1FFF, v5;
	v5 =	vld [tilespmem:$0xE370]  }
0x348: {  	[tilespmem:$0xC0] =	vst v4;
	v4 =	vshrl.u32 v62, $0xD  }
0x349: {  	[tilespmem:$0x50] =	vst v4;
	v4 =	vand.u32 $0x1FFF, v62  }
0x34a: {  	[tilespmem:$0xD0] =	vst v4;
	v4 =	vshrl.u32 v63, $0xD  }
0x34b: {  	[tilespmem:$0x60] =	vst v4;
	v4 =	vand.u32 $0x1FFF, v63  }
0x34c: {  	[tilespmem:$0xE0] =	vst v4;
	v4 =	vshrl.u32 v5, $0xD  }
0x34d: {  	s0 =	simm.s32 $0x0;
	[tilespmem:$0x70] =	vst v4;
	v4 =	vand.u32 $0x1FFF, v5  }
0x34e: {  	s2 =	simm.s32 $0x80;
	s3 =	simm.s32 $0x300;
	p1 =	slt.u32 s28, $0x81;
	[tilespmem:$0xF0] =	vst v4  }
0x34f: {  	[tilespmem:s3], [sflag:$0x1] =	stream.indirect.gather [hbm4b:s4+s2], $0x80, s0, s2, $0xb8;
	[tilespmem:$0x1E3C0] =	vst v63  }
0x350: {  	v4 =	vld @!p1 [tilespmem:$0xE380];
	_ =	sdelay $0x1  }
0x351: {  	v5 =	vld @!p1 [tilespmem:$0xE390];
	_ =	sdelay $0x1  }
0x352: {  	v6 =	vld @!p1 [tilespmem:$0xE3A0]  }
0x353: {  	v7 =	vshrl.u32 @!p1 v4, $0xD  }
0x354: {  	v4 =	vand.u32 @!p1 $0x1FFF, v4;
	[tilespmem:$0x100] =	vst @!p1 v7;
	v7 =	vld @!p1 [tilespmem:$0xE3B0]  }
0x355: {  	[tilespmem:$0x180] =	vst @!p1 v4;
	v4 =	vshrl.u32 @!p1 v5, $0xD  }
0x356: {  	[tilespmem:$0x110] =	vst @!p1 v4;
	v4 =	vand.u32 @!p1 $0x1FFF, v5;
	v5 =	vld @!p1 [tilespmem:$0xE3C0]  }
0x357: {  	[tilespmem:$0x190] =	vst @!p1 v4;
	v4 =	vshrl.u32 @!p1 v6, $0xD  }
0x358: {  	[tilespmem:$0x120] =	vst @!p1 v4;
	v4 =	vand.u32 @!p1 $0x1FFF, v6;
	v6 =	vld @!p1 [tilespmem:$0xE3D0]  }
0x359: {  	[tilespmem:$0x1A0] =	vst @!p1 v4;
	v4 =	vshrl.u32 @!p1 v7, $0xD  }
0x35a: {  	[tilespmem:$0x130] =	vst @!p1 v4;
	v4 =	vand.u32 @!p1 $0x1FFF, v7;
	v7 =	vld @!p1 [tilespmem:$0xE3E0]  }
0x35b: {  	[tilespmem:$0x1B0] =	vst @!p1 v4;
	v4 =	vshrl.u32 @!p1 v5, $0xD  }
0x35c: {  	[tilespmem:$0x140] =	vst @!p1 v4;
	v4 =	vand.u32 @!p1 $0x1FFF, v5;
	v5 =	vld @!p1 [tilespmem:$0xE3F0]  }
0x35d: {  	[tilespmem:$0x1C0] =	vst @!p1 v4;
	v4 =	vshrl.u32 @!p1 v6, $0xD  }
0x35e: {  	[tilespmem:$0x150] =	vst @!p1 v4;
	v4 =	vand.u32 @!p1 $0x1FFF, v6  }
0x35f: {  	[tilespmem:$0x1D0] =	vst @!p1 v4;
	v4 =	vshrl.u32 @!p1 v7, $0xD  }
0x360: {  	[tilespmem:$0x160] =	vst @!p1 v4;
	v4 =	vand.u32 @!p1 $0x1FFF, v7  }
0x361: {  	[tilespmem:$0x1E0] =	vst @!p1 v4;
	v4 =	vshrl.u32 @!p1 v5, $0xD  }
0x362: {  	[tilespmem:$0x170] =	vst @!p1 v4;
	v4 =	vand.u32 @!p1 $0x1FFF, v5  }
0x363: {  	s0 =	simm.s32 @!p1 $0x80;
	s2 =	simm.s32 @!p1 $0x100;
	s3 =	simm.s32 @!p1 $0x4300;
	[tilespmem:$0x1F0] =	vst @!p1 v4  }
0x364: {  	[tilespmem:s3], [sflag:$0x2] =	stream.indirect.gather @!p1 [hbm4b:s4+s0], $0x80, s2, s0, $0xb8;
	[tilespmem:$0x1E3C0] =	vst v63  }
.LBB2_17:
0x365: {  	p2 =	sle.s32 s28, $0x0  }
0x366: {  	p1 =	sle.u32 @!p2 s28, $0x100  }
0x367: {  	s29 =	simm.s32 $0xE440;
	p1 =	por p1, p2  }
0x368: {  	v4 =	vld @!p1 [tilespmem:s29+$0xFFFFFFC0];
	_ =	sdelay $0x4  }
0x369: {  	v5 =	vshrl.u32 @!p1 v4, $0xD  }
0x36a: {  	v4 =	vand.u32 @!p1 $0x1FFF, v4;
	[tilespmem:$0x200] =	vst @!p1 v5  }
0x36b: {  	[tilespmem:$0x280] =	vst @!p1 v4  }
0x36c: {  	v4 =	vld @!p1 [tilespmem:s29+$0xFFFFFFD0];
	_ =	sdelay $0x4  }
0x36d: {  	v5 =	vshrl.u32 @!p1 v4, $0xD  }
0x36e: {  	v4 =	vand.u32 @!p1 $0x1FFF, v4;
	[tilespmem:$0x210] =	vst @!p1 v5  }
0x36f: {  	[tilespmem:$0x290] =	vst @!p1 v4  }
0x370: {  	v4 =	vld @!p1 [tilespmem:s29+$0xFFFFFFE0];
	_ =	sdelay $0x4  }
0x371: {  	v5 =	vshrl.u32 @!p1 v4, $0xD  }
0x372: {  	v4 =	vand.u32 @!p1 $0x1FFF, v4;
	[tilespmem:$0x220] =	vst @!p1 v5  }
0x373: {  	[tilespmem:$0x2A0] =	vst @!p1 v4  }
0x374: {  	v4 =	vld @!p1 [tilespmem:s29+$0xFFFFFFF0];
	_ =	sdelay $0x4  }
0x375: {  	v5 =	vshrl.u32 @!p1 v4, $0xD  }
0x376: {  	v4 =	vand.u32 @!p1 $0x1FFF, v4;
	[tilespmem:$0x230] =	vst @!p1 v5  }
0x377: {  	[tilespmem:$0x2B0] =	vst @!p1 v4  }
0x378: {  	v4 =	vld @!p1 [tilespmem:s29+$0x0];
	_ =	sdelay $0x4  }
0x379: {  	v5 =	vshrl.u32 @!p1 v4, $0xD  }
0x37a: {  	v4 =	vand.u32 @!p1 $0x1FFF, v4;
	[tilespmem:$0x240] =	vst @!p1 v5  }
0x37b: {  	[tilespmem:$0x2C0] =	vst @!p1 v4  }
0x37c: {  	v4 =	vld @!p1 [tilespmem:s29+$0x10];
	_ =	sdelay $0x4  }
0x37d: {  	v5 =	vshrl.u32 @!p1 v4, $0xD  }
0x37e: {  	v4 =	vand.u32 @!p1 $0x1FFF, v4;
	[tilespmem:$0x250] =	vst @!p1 v5  }
0x37f: {  	[tilespmem:$0x2D0] =	vst @!p1 v4  }
0x380: {  	v4 =	vld @!p1 [tilespmem:s29+$0x20];
	_ =	sdelay $0x4  }
0x381: {  	v5 =	vshrl.u32 @!p1 v4, $0xD  }
0x382: {  	v4 =	vand.u32 @!p1 $0x1FFF, v4;
	[tilespmem:$0x260] =	vst @!p1 v5  }
0x383: {  	[tilespmem:$0x2E0] =	vst @!p1 v4  }
0x384: {  	v4 =	vld @!p1 [tilespmem:s29+$0x30];
	_ =	sdelay $0x4  }
0x385: {  	v5 =	vshrl.u32 @!p1 v4, $0xD  }
0x386: {  	s0 =	simm.s32 @!p2 $0x1;
	v4 =	vand.u32 @!p1 $0x1FFF, v4;
	[tilespmem:$0x270] =	vst @!p1 v5  }
0x387: {  	s2 =	simm.s32 @!p1 $0x80;
	s3 =	simm.s32 @!p1 $0x200;
	s13 =	simm.s32 @!p1 $0x8300;
	[tilespmem:$0x2F0] =	vst @!p1 v4  }
0x388: {  	[tilespmem:s13], [sflag:$0x3] =	stream.indirect.gather @!p1 [hbm4b:s4+s2], $0x80, s3, s2, $0xb8;
	[tilespmem:$0x1E3C0] =	vst v63  }
0x389: {  	_ =	swait.ge @!p2 [sflag:s0], $0x4000  }
0x38a: {  	s2 =	simm.s32 @!p2 $0x300;
	[sflag:s0] =	ssyncset.done @!p2 $0x0  }
0x38b: {  	s3 =	simm.s32 @!p2 $0x5;
	[sflag:s0] =	ssyncadd.s32 @!p2 $0xFFFFC000;
	s0 =	simm.s32 @!p2 $0x80  }
0x38c: {  	[spmem:s1] =	stream.indirect.scatter.add.f32 @!p2 [tilespmem:s2], [sflag:$0x5], $0x80, s0, s0, $0xb8;
	[tilespmem:$0x1E3C0] =	vst v63  }
0x38d: {  	p1 =	sle.s32 s28, $0x80;
	_ =	swait.ge @!p2 [sflag:s3], $0x4000  }
0x38e: {  	p3 =	sle.u32 @!p1 s28, $0x180;
	[sflag:s3] =	ssyncset.done @!p2 $0x0  }
0x38f: {  	[sflag:s3] =	ssyncadd.s32 @!p2 $0xFFFFC000;
	p2 =	por p3, p1  }
0x390: {  	v4 =	vld @!p2 [tilespmem:s29+$0x40];
	_ =	sdelay $0x4  }
0x391: {  	v5 =	vshrl.u32 @!p2 v4, $0xD  }
0x392: {  	v4 =	vand.u32 @!p2 $0x1FFF, v4;
	[tilespmem:$0x0] =	vst @!p2 v5  }
0x393: {  	[tilespmem:$0x80] =	vst @!p2 v4  }
0x394: {  	v4 =	vld @!p2 [tilespmem:s29+$0x50];
	_ =	sdelay $0x4  }
0x395: {  	v5 =	vshrl.u32 @!p2 v4, $0xD  }
0x396: {  	v4 =	vand.u32 @!p2 $0x1FFF, v4;
	[tilespmem:$0x10] =	vst @!p2 v5  }
0x397: {  	[tilespmem:$0x90] =	vst @!p2 v4  }
0x398: {  	v4 =	vld @!p2 [tilespmem:s29+$0x60];
	_ =	sdelay $0x4  }
0x399: {  	v5 =	vshrl.u32 @!p2 v4, $0xD  }
0x39a: {  	v4 =	vand.u32 @!p2 $0x1FFF, v4;
	[tilespmem:$0x20] =	vst @!p2 v5  }
0x39b: {  	[tilespmem:$0xA0] =	vst @!p2 v4  }
0x39c: {  	v4 =	vld @!p2 [tilespmem:s29+$0x70];
	_ =	sdelay $0x4  }
0x39d: {  	v5 =	vshrl.u32 @!p2 v4, $0xD  }
0x39e: {  	v4 =	vand.u32 @!p2 $0x1FFF, v4;
	[tilespmem:$0x30] =	vst @!p2 v5  }
0x39f: {  	[tilespmem:$0xB0] =	vst @!p2 v4  }
0x3a0: {  	v4 =	vld @!p2 [tilespmem:s29+$0x80];
	_ =	sdelay $0x4  }
0x3a1: {  	v5 =	vshrl.u32 @!p2 v4, $0xD  }
0x3a2: {  	v4 =	vand.u32 @!p2 $0x1FFF, v4;
	[tilespmem:$0x40] =	vst @!p2 v5  }
0x3a3: {  	[tilespmem:$0xC0] =	vst @!p2 v4  }
0x3a4: {  	v4 =	vld @!p2 [tilespmem:s29+$0x90];
	_ =	sdelay $0x4  }
0x3a5: {  	v5 =	vshrl.u32 @!p2 v4, $0xD  }
0x3a6: {  	v4 =	vand.u32 @!p2 $0x1FFF, v4;
	[tilespmem:$0x50] =	vst @!p2 v5  }
0x3a7: {  	[tilespmem:$0xD0] =	vst @!p2 v4  }
0x3a8: {  	v4 =	vld @!p2 [tilespmem:s29+$0xA0];
	_ =	sdelay $0x4  }
0x3a9: {  	v5 =	vshrl.u32 @!p2 v4, $0xD  }
0x3aa: {  	v4 =	vand.u32 @!p2 $0x1FFF, v4;
	[tilespmem:$0x60] =	vst @!p2 v5  }
0x3ab: {  	[tilespmem:$0xE0] =	vst @!p2 v4  }
0x3ac: {  	v4 =	vld @!p2 [tilespmem:s29+$0xB0];
	_ =	sdelay $0x4  }
0x3ad: {  	v5 =	vshrl.u32 @!p2 v4, $0xD  }
0x3ae: {  	s0 =	simm.s32 @!p1 $0x2;
	v4 =	vand.u32 @!p2 $0x1FFF, v4;
	[tilespmem:$0x70] =	vst @!p2 v5  }
0x3af: {  	s2 =	simm.s32 @!p2 $0x80;
	s3 =	simm.s32 @!p2 $0x0;
	s13 =	simm.s32 @!p2 $0x300;
	[tilespmem:$0xF0] =	vst @!p2 v4  }
0x3b0: {  	[tilespmem:s13], [sflag:$0x1] =	stream.indirect.gather @!p2 [hbm4b:s4+s2], $0x80, s3, s2, $0xb8;
	[tilespmem:$0x1E3C0] =	vst v63  }
0x3b1: {  	_ =	swait.ge @!p1 [sflag:s0], $0x4000  }
0x3b2: {  	s2 =	simm.s32 @!p1 $0x4300;
	s3 =	simm.s32 @!p1 $0x5;
	[sflag:s0] =	ssyncset.done @!p1 $0x0  }
0x3b3: {  	s13 =	simm.s32 @!p1 $0x180;
	[sflag:s0] =	ssyncadd.s32 @!p1 $0xFFFFC000;
	s0 =	simm.s32 @!p1 $0x80  }
0x3b4: {  	[spmem:s1] =	stream.indirect.scatter.add.f32 @!p1 [tilespmem:s2], [sflag:$0x5], $0x80, s13, s0, $0xb8;
	[tilespmem:$0x1E3C0] =	vst v63  }
0x3b5: {  	p2 =	sle.s32 s28, $0x100;
	_ =	swait.ge @!p1 [sflag:s3], $0x4000  }
0x3b6: {  	p3 =	sle.u32 @!p2 s28, $0x200;
	[sflag:s3] =	ssyncset.done @!p1 $0x0  }
0x3b7: {  	p3 =	por p3, p2;
	[sflag:s3] =	ssyncadd.s32 @!p1 $0xFFFFC000  }
0x3b8: {  	v4 =	vld @!p3 [tilespmem:s29+$0xC0];
	_ =	sdelay $0x4  }
0x3b9: {  	v5 =	vshrl.u32 @!p3 v4, $0xD  }
0x3ba: {  	v4 =	vand.u32 @!p3 $0x1FFF, v4;
	[tilespmem:$0x100] =	vst @!p3 v5  }
0x3bb: {  	[tilespmem:$0x180] =	vst @!p3 v4  }
0x3bc: {  	v4 =	vld @!p3 [tilespmem:s29+$0xD0];
	_ =	sdelay $0x4  }
0x3bd: {  	v5 =	vshrl.u32 @!p3 v4, $0xD  }
0x3be: {  	v4 =	vand.u32 @!p3 $0x1FFF, v4;
	[tilespmem:$0x110] =	vst @!p3 v5  }
0x3bf: {  	[tilespmem:$0x190] =	vst @!p3 v4  }
0x3c0: {  	v4 =	vld @!p3 [tilespmem:s29+$0xE0];
	_ =	sdelay $0x4  }
0x3c1: {  	v5 =	vshrl.u32 @!p3 v4, $0xD  }
0x3c2: {  	v4 =	vand.u32 @!p3 $0x1FFF, v4;
	[tilespmem:$0x120] =	vst @!p3 v5  }
0x3c3: {  	[tilespmem:$0x1A0] =	vst @!p3 v4  }
0x3c4: {  	v4 =	vld @!p3 [tilespmem:s29+$0xF0];
	_ =	sdelay $0x4  }
0x3c5: {  	v5 =	vshrl.u32 @!p3 v4, $0xD  }
0x3c6: {  	v4 =	vand.u32 @!p3 $0x1FFF, v4;
	[tilespmem:$0x130] =	vst @!p3 v5  }
0x3c7: {  	[tilespmem:$0x1B0] =	vst @!p3 v4  }
0x3c8: {  	v4 =	vld @!p3 [tilespmem:s29+$0x100];
	_ =	sdelay $0x4  }
0x3c9: {  	v5 =	vshrl.u32 @!p3 v4, $0xD  }
0x3ca: {  	v4 =	vand.u32 @!p3 $0x1FFF, v4;
	[tilespmem:$0x140] =	vst @!p3 v5  }
0x3cb: {  	[tilespmem:$0x1C0] =	vst @!p3 v4  }
0x3cc: {  	v4 =	vld @!p3 [tilespmem:s29+$0x110]  }
0x3cd: {  	s31 =	simm.s32 $0x380;
	s30 =	simm.s32 $0xE440;
	s3 =	simm.s32 @!p2 $0x4  }
.LBB2_18:
0x3ce: {  	_ =	sdelay $0x1  }
0x3cf: {  	s29 =	sadd.s32 $0x180, s29;
	s0 =	smov.u32 s31;
	s31 =	sadd.s32 $0x180, s31  }
0x3d0: {  	p1 =	sne.s32 s31, $0x5480;
	v5 =	vshrl.u32 @!p3 v4, $0xD;
	v4 =	vand.u32 @!p3 $0x1FFF, v4  }
0x3d1: {  	[tilespmem:$0x150] =	vst @!p3 v5  }
0x3d2: {  	[tilespmem:$0x1D0] =	vst @!p3 v4  }
0x3d3: {  	v4 =	vld @!p3 [tilespmem:s30+$0x120];
	_ =	sdelay $0x4  }
0x3d4: {  	v5 =	vshrl.u32 @!p3 v4, $0xD;
	v4 =	vand.u32 @!p3 $0x1FFF, v4  }
0x3d5: {  	[tilespmem:$0x160] =	vst @!p3 v5  }
0x3d6: {  	[tilespmem:$0x1E0] =	vst @!p3 v4  }
0x3d7: {  	v4 =	vld @!p3 [tilespmem:s30+$0x130];
	s30 =	smov.u32 s29;
	_ =	sdelay $0x4  }
0x3d8: {  	v5 =	vshrl.u32 @!p3 v4, $0xD;
	v4 =	vand.u32 @!p3 $0x1FFF, v4  }
0x3d9: {  	s2 =	simm.s32 @!p3 $0x80;
	s13 =	simm.s32 @!p3 $0x100;
	s14 =	simm.s32 @!p3 $0x4300;
	[tilespmem:$0x170] =	vst @!p3 v5  }
0x3da: {  	s22 =	simm.s32 @!p2 $0x3;
	s15 =	simm.s32 @!p2 $0x8300;
	s21 =	sadd.s32 $0xFFFFFE00, s0;
	[tilespmem:$0x1F0] =	vst @!p3 v4  }
0x3db: {  	[tilespmem:s14], [sflag:$0x2] =	stream.indirect.gather @!p3 [hbm4b:s4+s2], $0x80, s13, s2, $0xb8;
	[tilespmem:$0x1E3C0] =	vst v63  }
0x3dc: {  	p3 =	sge.s32 s21, s28;
	s2 =	simm.s32 @!p2 $0x280;
	_ =	swait.ge @!p2 [sflag:s22], $0x4000  }
0x3dd: {  	s14 =	simm.s32 @!p2 $0x80;
	s13 =	sadd.s32 @!p3 $0xFFFFFF00, s0;
	[sflag:s22] =	ssyncset.done @!p2 $0x0  }
0x3de: {  	p4 =	sge.u32 @!p3 s13, s28;
	[sflag:s22] =	ssyncadd.s32 @!p2 $0xFFFFC000  }
0x3df: {  	[spmem:s1] =	stream.indirect.scatter.add.f32 @!p2 [tilespmem:s15], [sflag:$0x4], $0x80, s2, s14, $0xb8;
	[tilespmem:$0x1E3C0] =	vst v63  }
0x3e0: {  	_ =	swait.ge @!p2 [sflag:s3], $0x4000  }
0x3e1: {  	[sflag:s3] =	ssyncset.done @!p2 $0x0  }
0x3e2: {  	p4 =	por p4, p3;
	[sflag:s3] =	ssyncadd.s32 @!p2 $0xFFFFC000  }
0x3e3: {  	v4 =	vld @!p4 [tilespmem:s29+$0xFFFFFFC0];
	_ =	sdelay $0x4  }
0x3e4: {  	v5 =	vshrl.u32 @!p4 v4, $0xD;
	v4 =	vand.u32 @!p4 $0x1FFF, v4  }
0x3e5: {  	[tilespmem:$0x200] =	vst @!p4 v5  }
0x3e6: {  	[tilespmem:$0x280] =	vst @!p4 v4  }
0x3e7: {  	v4 =	vld @!p4 [tilespmem:s29+$0xFFFFFFD0];
	_ =	sdelay $0x4  }
0x3e8: {  	v5 =	vshrl.u32 @!p4 v4, $0xD;
	v4 =	vand.u32 @!p4 $0x1FFF, v4  }
0x3e9: {  	[tilespmem:$0x210] =	vst @!p4 v5  }
0x3ea: {  	[tilespmem:$0x290] =	vst @!p4 v4  }
0x3eb: {  	v4 =	vld @!p4 [tilespmem:s29+$0xFFFFFFE0];
	_ =	sdelay $0x4  }
0x3ec: {  	v5 =	vshrl.u32 @!p4 v4, $0xD;
	v4 =	vand.u32 @!p4 $0x1FFF, v4  }
0x3ed: {  	[tilespmem:$0x220] =	vst @!p4 v5  }
0x3ee: {  	[tilespmem:$0x2A0] =	vst @!p4 v4  }
0x3ef: {  	v4 =	vld @!p4 [tilespmem:s29+$0xFFFFFFF0];
	_ =	sdelay $0x4  }
0x3f0: {  	v5 =	vshrl.u32 @!p4 v4, $0xD;
	v4 =	vand.u32 @!p4 $0x1FFF, v4  }
0x3f1: {  	[tilespmem:$0x230] =	vst @!p4 v5  }
0x3f2: {  	[tilespmem:$0x2B0] =	vst @!p4 v4  }
0x3f3: {  	v4 =	vld @!p4 [tilespmem:s29+$0x0];
	_ =	sdelay $0x4  }
0x3f4: {  	v5 =	vshrl.u32 @!p4 v4, $0xD;
	v4 =	vand.u32 @!p4 $0x1FFF, v4  }
0x3f5: {  	[tilespmem:$0x240] =	vst @!p4 v5  }
0x3f6: {  	[tilespmem:$0x2C0] =	vst @!p4 v4  }
0x3f7: {  	v4 =	vld @!p4 [tilespmem:s29+$0x10];
	_ =	sdelay $0x4  }
0x3f8: {  	v5 =	vshrl.u32 @!p4 v4, $0xD;
	v4 =	vand.u32 @!p4 $0x1FFF, v4  }
0x3f9: {  	[tilespmem:$0x250] =	vst @!p4 v5  }
0x3fa: {  	[tilespmem:$0x2D0] =	vst @!p4 v4  }
0x3fb: {  	v4 =	vld @!p4 [tilespmem:s29+$0x20];
	_ =	sdelay $0x4  }
0x3fc: {  	v5 =	vshrl.u32 @!p4 v4, $0xD;
	v4 =	vand.u32 @!p4 $0x1FFF, v4  }
0x3fd: {  	[tilespmem:$0x260] =	vst @!p4 v5  }
0x3fe: {  	[tilespmem:$0x2E0] =	vst @!p4 v4  }
0x3ff: {  	v4 =	vld @!p4 [tilespmem:s29+$0x30];
	_ =	sdelay $0x4  }
0x400: {  	v5 =	vshrl.u32 @!p4 v4, $0xD;
	v4 =	vand.u32 @!p4 $0x1FFF, v4  }
0x401: {  	s2 =	simm.s32 @!p3 $0x1;
	[tilespmem:$0x270] =	vst @!p4 v5  }
0x402: {  	s13 =	simm.s32 @!p4 $0x200;
	s14 =	simm.s32 @!p4 $0x8300;
	s3 =	simm.s32 @!p4 $0x80;
	[tilespmem:$0x2F0] =	vst @!p4 v4  }
0x403: {  	[tilespmem:s14], [sflag:$0x3] =	stream.indirect.gather @!p4 [hbm4b:s4+s3], $0x80, s13, s3, $0xb8;
	[tilespmem:$0x1E3C0] =	vst v63  }
0x404: {  	s3 =	simm.s32 @!p3 $0x300;
	_ =	swait.ge @!p3 [sflag:s2], $0x4000  }
0x405: {  	s13 =	simm.s32 @!p3 $0x5;
	s14 =	sadd.s32 $0xFFFFFE80, s0;
	[sflag:s2] =	ssyncset.done @!p3 $0x0  }
0x406: {  	p4 =	sge.s32 s14, s28;
	[sflag:s2] =	ssyncadd.s32 @!p3 $0xFFFFC000;
	s2 =	simm.s32 @!p3 $0x80  }
0x407: {  	[spmem:s1] =	stream.indirect.scatter.add.f32 @!p3 [tilespmem:s3], [sflag:$0x5], $0x80, s2, s2, $0xb8;
	[tilespmem:$0x1E3C0] =	vst v63  }
0x408: {  	s2 =	sadd.s32 @!p4 $0xFFFFFF80, s0;
	_ =	swait.ge @!p3 [sflag:s13], $0x4000  }
0x409: {  	p2 =	sge.u32 @!p4 s2, s28;
	[sflag:s13] =	ssyncset.done @!p3 $0x0  }
0x40a: {  	p2 =	por p2, p4;
	[sflag:s13] =	ssyncadd.s32 @!p3 $0xFFFFC000  }
0x40b: {  	v4 =	vld @!p2 [tilespmem:s29+$0x40];
	_ =	sdelay $0x4  }
0x40c: {  	v5 =	vshrl.u32 @!p2 v4, $0xD;
	v4 =	vand.u32 @!p2 $0x1FFF, v4  }
0x40d: {  	[tilespmem:$0x0] =	vst @!p2 v5  }
0x40e: {  	[tilespmem:$0x80] =	vst @!p2 v4  }
0x40f: {  	v4 =	vld @!p2 [tilespmem:s29+$0x50];
	_ =	sdelay $0x4  }
0x410: {  	v5 =	vshrl.u32 @!p2 v4, $0xD;
	v4 =	vand.u32 @!p2 $0x1FFF, v4  }
0x411: {  	[tilespmem:$0x10] =	vst @!p2 v5  }
0x412: {  	[tilespmem:$0x90] =	vst @!p2 v4  }
0x413: {  	v4 =	vld @!p2 [tilespmem:s29+$0x60];
	_ =	sdelay $0x4  }
0x414: {  	v5 =	vshrl.u32 @!p2 v4, $0xD;
	v4 =	vand.u32 @!p2 $0x1FFF, v4  }
0x415: {  	[tilespmem:$0x20] =	vst @!p2 v5  }
0x416: {  	[tilespmem:$0xA0] =	vst @!p2 v4  }
0x417: {  	v4 =	vld @!p2 [tilespmem:s29+$0x70];
	_ =	sdelay $0x4  }
0x418: {  	v5 =	vshrl.u32 @!p2 v4, $0xD;
	v4 =	vand.u32 @!p2 $0x1FFF, v4  }
0x419: {  	[tilespmem:$0x30] =	vst @!p2 v5  }
0x41a: {  	[tilespmem:$0xB0] =	vst @!p2 v4  }
0x41b: {  	v4 =	vld @!p2 [tilespmem:s29+$0x80];
	_ =	sdelay $0x4  }
0x41c: {  	v5 =	vshrl.u32 @!p2 v4, $0xD;
	v4 =	vand.u32 @!p2 $0x1FFF, v4  }
0x41d: {  	[tilespmem:$0x40] =	vst @!p2 v5  }
0x41e: {  	[tilespmem:$0xC0] =	vst @!p2 v4  }
0x41f: {  	v4 =	vld @!p2 [tilespmem:s29+$0x90];
	_ =	sdelay $0x4  }
0x420: {  	v5 =	vshrl.u32 @!p2 v4, $0xD;
	v4 =	vand.u32 @!p2 $0x1FFF, v4  }
0x421: {  	[tilespmem:$0x50] =	vst @!p2 v5  }
0x422: {  	[tilespmem:$0xD0] =	vst @!p2 v4  }
0x423: {  	v4 =	vld @!p2 [tilespmem:s29+$0xA0];
	_ =	sdelay $0x4  }
0x424: {  	v5 =	vshrl.u32 @!p2 v4, $0xD;
	v4 =	vand.u32 @!p2 $0x1FFF, v4  }
0x425: {  	[tilespmem:$0x60] =	vst @!p2 v5  }
0x426: {  	[tilespmem:$0xE0] =	vst @!p2 v4  }
0x427: {  	v4 =	vld @!p2 [tilespmem:s29+$0xB0];
	_ =	sdelay $0x4  }
0x428: {  	v5 =	vshrl.u32 @!p2 v4, $0xD;
	v4 =	vand.u32 @!p2 $0x1FFF, v4  }
0x429: {  	s2 =	simm.s32 @!p4 $0x2;
	[tilespmem:$0x70] =	vst @!p2 v5  }
0x42a: {  	s3 =	simm.s32 @!p2 $0x80;
	s13 =	simm.s32 @!p2 $0x0;
	s14 =	simm.s32 @!p2 $0x300;
	[tilespmem:$0xF0] =	vst @!p2 v4  }
0x42b: {  	[tilespmem:s14], [sflag:$0x1] =	stream.indirect.gather @!p2 [hbm4b:s4+s3], $0x80, s13, s3, $0xb8;
	[tilespmem:$0x1E3C0] =	vst v63  }
0x42c: {  	s3 =	sadd.s32 $0xFFFFFF00, s0;
	_ =	swait.ge @!p4 [sflag:s2], $0x4000  }
0x42d: {  	s13 =	simm.s32 @!p4 $0x4300;
	s14 =	simm.s32 @!p4 $0x5;
	[sflag:s2] =	ssyncset.done @!p4 $0x0  }
0x42e: {  	s15 =	simm.s32 @!p4 $0x180;
	[sflag:s2] =	ssyncadd.s32 @!p4 $0xFFFFC000;
	s2 =	simm.s32 @!p4 $0x80  }
0x42f: {  	[spmem:s1] =	stream.indirect.scatter.add.f32 @!p4 [tilespmem:s13], [sflag:$0x5], $0x80, s15, s2, $0xb8;
	[tilespmem:$0x1E3C0] =	vst v63  }
0x430: {  	p2 =	sge.s32 s3, s28;
	_ =	swait.ge @!p4 [sflag:s14], $0x4000  }
0x431: {  	p3 =	sge.u32 @!p2 s0, s28;
	[sflag:s14] =	ssyncset.done @!p4 $0x0  }
0x432: {  	p3 =	por p3, p2;
	[sflag:s14] =	ssyncadd.s32 @!p4 $0xFFFFC000  }
0x433: {  	v4 =	vld @!p3 [tilespmem:s29+$0xC0];
	_ =	sdelay $0x4  }
0x434: {  	v5 =	vshrl.u32 @!p3 v4, $0xD;
	v4 =	vand.u32 @!p3 $0x1FFF, v4  }
0x435: {  	[tilespmem:$0x100] =	vst @!p3 v5  }
0x436: {  	[tilespmem:$0x180] =	vst @!p3 v4  }
0x437: {  	v4 =	vld @!p3 [tilespmem:s29+$0xD0];
	_ =	sdelay $0x4  }
0x438: {  	v5 =	vshrl.u32 @!p3 v4, $0xD;
	v4 =	vand.u32 @!p3 $0x1FFF, v4  }
0x439: {  	[tilespmem:$0x110] =	vst @!p3 v5  }
0x43a: {  	[tilespmem:$0x190] =	vst @!p3 v4  }
0x43b: {  	v4 =	vld @!p3 [tilespmem:s29+$0xE0];
	_ =	sdelay $0x4  }
0x43c: {  	v5 =	vshrl.u32 @!p3 v4, $0xD;
	v4 =	vand.u32 @!p3 $0x1FFF, v4  }
0x43d: {  	[tilespmem:$0x120] =	vst @!p3 v5  }
0x43e: {  	[tilespmem:$0x1A0] =	vst @!p3 v4  }
0x43f: {  	v4 =	vld @!p3 [tilespmem:s29+$0xF0];
	_ =	sdelay $0x4  }
0x440: {  	v5 =	vshrl.u32 @!p3 v4, $0xD;
	v4 =	vand.u32 @!p3 $0x1FFF, v4  }
0x441: {  	[tilespmem:$0x130] =	vst @!p3 v5  }
0x442: {  	[tilespmem:$0x1B0] =	vst @!p3 v4  }
0x443: {  	v4 =	vld @!p3 [tilespmem:s29+$0x100];
	_ =	sdelay $0x4  }
.Ltmp8:
0x444: {  	v5 =	vshrl.u32 @!p3 v4, $0xD;
	v4 =	vand.u32 @!p3 $0x1FFF, v4;
	(pc) =	sbr.rel @p1 .LBB2_18-.Ltmp8, $4  }
0x445: {  	[tilespmem:$0x140] =	vst @!p3 v5  }
0x446: {  	[tilespmem:$0x1C0] =	vst @!p3 v4  }
0x447: {  	v4 =	vld @!p3 [tilespmem:s29+$0x110]  }
0x448: {  	s3 =	simm.s32 @!p2 $0x4  }
0x449: {  	_ =	sdelay $0x2  }
0x44a: {  	v5 =	vshrl.u32 @!p3 v4, $0xD  }
0x44b: {  	v4 =	vand.u32 @!p3 $0x1FFF, v4;
	[tilespmem:$0x150] =	vst @!p3 v5  }
0x44c: {  	[tilespmem:$0x1D0] =	vst @!p3 v4  }
0x44d: {  	v4 =	vld @!p3 [tilespmem:s30+$0x120];
	_ =	sdelay $0x4  }
0x44e: {  	v5 =	vshrl.u32 @!p3 v4, $0xD  }
0x44f: {  	v4 =	vand.u32 @!p3 $0x1FFF, v4;
	[tilespmem:$0x160] =	vst @!p3 v5  }
0x450: {  	[tilespmem:$0x1E0] =	vst @!p3 v4  }
0x451: {  	v4 =	vld @!p3 [tilespmem:s30+$0x130];
	_ =	sdelay $0x4  }
0x452: {  	v5 =	vshrl.u32 @!p3 v4, $0xD  }
0x453: {  	s0 =	simm.s32 @!p3 $0x80;
	v4 =	vand.u32 @!p3 $0x1FFF, v4;
	[tilespmem:$0x170] =	vst @!p3 v5  }
0x454: {  	s2 =	simm.s32 @!p3 $0x100;
	s13 =	simm.s32 @!p3 $0x4300;
	s14 =	simm.s32 @!p2 $0x3;
	[tilespmem:$0x1F0] =	vst @!p3 v4  }
0x455: {  	[tilespmem:s13], [sflag:$0x2] =	stream.indirect.gather @!p3 [hbm4b:s4+s0], $0x80, s2, s0, $0xb8;
	[tilespmem:$0x1E3C0] =	vst v63  }
0x456: {  	_ =	swait.ge @!p2 [sflag:s14], $0x4000  }
0x457: {  	s0 =	simm.s32 @!p2 $0x8300;
	[sflag:s14] =	ssyncset.done @!p2 $0x0  }
0x458: {  	s2 =	simm.s32 @!p2 $0x280;
	s13 =	simm.s32 @!p2 $0x80;
	[sflag:s14] =	ssyncadd.s32 @!p2 $0xFFFFC000  }
0x459: {  	[spmem:s1] =	stream.indirect.scatter.add.f32 @!p2 [tilespmem:s0], [sflag:$0x4], $0x80, s2, s13, $0xb8;
	[tilespmem:$0x1E3C0] =	vst v63  }
0x45a: {  	_ =	swait.ge @!p2 [sflag:s3], $0x4000  }
0x45b: {  	[sflag:s3] =	ssyncset.done @!p2 $0x0  }
0x45c: {  	[sflag:s3] =	ssyncadd.s32 @!p2 $0xFFFFC000  }
0x45d: {  	[bflag:$0x0] =	sbarrier.arrive $0xFFFF  }
0x45e: {  	s0 =	rddreg [dreg:$0x5]  }
0x45f: {  	[hbm:s0], [sflag:s26] =	dma.local @p0 [spmem:s23], $0x1400  }
0x460: {  	s0 =	simm.s32 @p0 $0x4  }
0x461: {  	_ =	swait.ge @p0 [sflag:s0], $0x1400  }
0x462: {  	[sflag:s0] =	ssyncset.done @p0 $0x0  }
0x463: {  	s25 =	sadd.s32 $0x1, s25;
	[sflag:s0] =	ssyncadd.s32 @p0 $0xFFFFEC00;
	s0 =	rddreg [dreg:$0x4]  }
0x464: {  	[hbm:s0], [sflag:s26] =	dma.local @!p0 [spmem:s24], $0x1300  }
0x465: {  	p1 =	sne.s32 s25, s16;
	s0 =	simm.s32 @!p0 $0x4  }
.Ltmp9:
0x466: {  	_ =	swait.ge @!p0 [sflag:s0], $0x1300;
	(pc) =	sbr.rel @p1 .LBB2_1-.Ltmp9, $3  }
0x467: {  	[sflag:s0] =	ssyncset.done @!p0 $0x0  }
0x468: {  	[sflag:s0] =	ssyncadd.s32 @!p0 $0xFFFFED00  }
0x469: {  	[bflag:$0x0] =	sbarrier.arrive $0xFFFF;
	_ =	sdelay $0x1  }
0x46a: {  	_ =	sfence.sel $0x180000  }
0x46b: {  	[bflag:$0x0] =	sbarrier.arrive $0xFFFF  }
0x46c: {  	_ =	strace $0x90000047  }
0x46d: {  	s0 =	stileid.u32;
	[bflag:$0x2] =	sbarrier.arrive $0xFFFF  }
0x46e: {  	p0 =	sne.s32 s0, $0x0;
	s0 =	rddreg [dreg:$0x2]  }
0x46f: {  	s0 =	sadd.s32 @!p0 $0x100000, s0  }
0x470: {  	[sflag:s0] =	ssyncadd.tile.s32 @!p0 $0x1;
	_ =	shalt  }
.Lfunc_end2:
_tile_overlayer_lowered:
.L_overlay_start_2:
0x471: {  	(tag) =	ssettag $0x2  }
0x472: {  	s0 =	rddreg [dreg:$0x0];
	s2 =	stileid.u32  }
0x473: {  	s1 =	rddreg [dreg:$0x1];
	p0 =	sne.s32 s2, $0x0  }
0x474: {  	s3 =	rddreg [dreg:$0x2];
	[bflag:$0x3] =	sbarrier.arrive $0xFFFF;
	s2 =	simm.s32 @!p0 $0x1C04  }
0x475: {  	[timem:s3], [sflag:s2] =	dma.local @!p0 [hbm:s0], s1  }
0x476: {  	s0 =	simm.s32 @!p0 $0x4  }
0x477: {  	_ =	swait.ge @!p0 [sflag:s0], s1  }
0x478: {  	s1 =	ssub.s32 @!p0 $0x0, s1;
	[sflag:s0] =	ssyncset.done @!p0 $0x0  }
0x479: {  	[sflag:s0] =	ssyncadd.s32 @!p0 s1  }
0x47a: {  	[bflag:$0x3] =	sbarrier.arrive $0xFFFF  }
0x47b: {  	_ =	shalt  }

</sc_bundles>
